<compile_context>
chip_gen: v7x
topology: tpu7x:2x2x1
jax: 0.10.2.dev20260603
libtpu: 0.0.44.dev20260713+nightly
codegen_flags: <defaults>
</compile_context>

<pallas_src>
import jax
import jax.numpy as jnp
from jax import lax
from jax.experimental import pallas as pl
from jax.experimental.pallas import tpu as pltpu
from jax.experimental.pallas import tpu_sc as plsc

N = 10000
NPAD = 10240
E = 320000
EPAD = 327680
CHUNK = 128
NSUB = 16
BLK = 40
BN = 256
NB = NPAD // BN


def _mesh():
    return plsc.VectorSubcoreMesh(core_axis_name="c", subcore_axis_name="s")


def _fill_rows(ref, nrows, ncols, value):
    vals = jnp.full((16,), value, dtype=ref.dtype)

    def body(i, _):
        for j in range(ncols // 16):
            ref[i, pl.ds(j * 16, 16)] = vals
        return 0

    lax.fori_loop(0, nrows, body, 0)


def _zero_acc(stage_v, acc, row0, rows_per_tile):
    stage_rows = rows_per_tile // 16
    _fill_rows(stage_v, stage_rows, 128, 0.0)
    for k in range(16):
        pltpu.sync_copy(stage_v, acc.at[pl.ds(row0 + k * stage_rows, stage_rows)])


def _copy_out(stage_v, acc, out_hbm, row0, out_row0, rows_per_tile):
    stage_rows = rows_per_tile // 16

    def body(k, _):
        pltpu.sync_copy(acc.at[pl.ds(row0 + k * stage_rows, stage_rows)], stage_v)
        pltpu.sync_copy(stage_v, out_hbm.at[pl.ds(out_row0 + k * stage_rows,
                                                  stage_rows)])
        return 0

    lax.fori_loop(0, 16, body, 0)


def _hist_body(dst_hbm, out_hbm, dstb, ones_v, stage_v, acc, s0, s1):
    c = lax.axis_index("c")
    s = lax.axis_index("s")
    rows_per_tile = NPAD // NSUB
    row0 = s * rows_per_tile

    _zero_acc(stage_v, acc, row0, rows_per_tile)
    _fill_rows(ones_v, CHUNK, 128, 1.0)
    plsc.subcore_barrier()

    nblk = EPAD // 2 // NSUB // CHUNK // BLK
    tile = c * NSUB + s
    dummy = out_hbm.at[pl.ds(0, CHUNK)]

    def blk_body(blk, _):
        pltpu.sync_copy(dst_hbm.at[tile, pl.ds(blk * BLK, BLK)], dstb)
        pltpu.async_copy(ones_v, acc.at[dstb.at[0]], s0, add=True)
        pltpu.async_copy(ones_v, acc.at[dstb.at[1]], s1, add=True)

        def inner(m, _):
            pltpu.make_async_copy(dummy, ones_v, s0).wait()
            pltpu.async_copy(ones_v, acc.at[dstb.at[2 * m + 2]], s0, add=True)
            pltpu.make_async_copy(dummy, ones_v, s1).wait()
            pltpu.async_copy(ones_v, acc.at[dstb.at[2 * m + 3]], s1, add=True)
            return 0

        lax.fori_loop(0, BLK // 2 - 1, inner, 0)
        pltpu.make_async_copy(dummy, ones_v, s0).wait()
        pltpu.make_async_copy(dummy, ones_v, s1).wait()
        return 0

    lax.fori_loop(0, nblk, blk_body, 0)
    plsc.subcore_barrier()
    _copy_out(stage_v, acc, out_hbm, row0, c * NPAD + row0, rows_per_tile)


def _make_hist():
    return pl.kernel(
        _hist_body,
        out_type=jax.ShapeDtypeStruct((2 * NPAD, 128), jnp.float32),
        mesh=_mesh(),
        scratch_types=[
            pltpu.VMEM((BLK, CHUNK), jnp.int32),
            pltpu.VMEM((CHUNK, 128), jnp.float32),
            pltpu.VMEM((NPAD // NSUB // 16, 128), jnp.float32),
            pltpu.VMEM_SHARED((NPAD, 128), jnp.float32),
            pltpu.SemaphoreType.DMA,
            pltpu.SemaphoreType.DMA,
        ],
    )


def _agg_body(g_hbm, src_hbm, dst_hbm, out_hbm,
              srcb, dstb, b0, b1, stage_v, acc, g0, g1, s0, s1):
    c = lax.axis_index("c")
    s = lax.axis_index("s")
    rows_per_tile = NPAD // NSUB
    row0 = s * rows_per_tile
    tile = c * NSUB + s
    nblk = src_hbm.shape[1] // BLK

    _zero_acc(stage_v, acc, row0, rows_per_tile)
    plsc.subcore_barrier()

    dummy = g_hbm.at[pl.ds(0, CHUNK)]

    def blk_body(blk, _):
        pltpu.sync_copy(src_hbm.at[tile, pl.ds(blk * BLK, BLK)], srcb)
        pltpu.sync_copy(dst_hbm.at[tile, pl.ds(blk * BLK, BLK)], dstb)

        pltpu.async_copy(g_hbm.at[srcb.at[0]], b0, g0)
        pltpu.async_copy(g_hbm.at[srcb.at[1]], b1, g1)

        def inner(m, _):
            pltpu.make_async_copy(dummy, b0, g0).wait()
            pltpu.async_copy(b0, acc.at[dstb.at[2 * m]], s0, add=True)

            @pl.when(2 * m + 2 < BLK)
            def _():
                pltpu.make_async_copy(dummy, b0, s0).wait()
                pltpu.async_copy(g_hbm.at[srcb.at[2 * m + 2]], b0, g0)

            pltpu.make_async_copy(dummy, b1, g1).wait()
            pltpu.async_copy(b1, acc.at[dstb.at[2 * m + 1]], s1, add=True)

            @pl.when(2 * m + 3 < BLK)
            def _():
                pltpu.make_async_copy(dummy, b1, s1).wait()
                pltpu.async_copy(g_hbm.at[srcb.at[2 * m + 3]], b1, g1)
            return 0

        lax.fori_loop(0, BLK // 2, inner, 0)
        pltpu.make_async_copy(dummy, b0, s0).wait()
        pltpu.make_async_copy(dummy, b1, s1).wait()
        return 0

    lax.fori_loop(0, nblk, blk_body, 0)
    plsc.subcore_barrier()
    _copy_out(stage_v, acc, out_hbm, row0, c * NPAD + row0, rows_per_tile)


def _make_agg(nch):
    return pl.kernel(
        _agg_body,
        out_type=jax.ShapeDtypeStruct((2 * NPAD, 128), jnp.float32),
        mesh=_mesh(),
        scratch_types=[
            pltpu.VMEM((BLK, CHUNK), jnp.int32),
            pltpu.VMEM((BLK, CHUNK), jnp.int32),
            pltpu.VMEM((CHUNK, 128), jnp.float32),
            pltpu.VMEM((CHUNK, 128), jnp.float32),
            pltpu.VMEM((NPAD // NSUB // 16, 128), jnp.float32),
            pltpu.VMEM_SHARED((NPAD, 128), jnp.float32),
            pltpu.SemaphoreType.DMA,
            pltpu.SemaphoreType.DMA,
            pltpu.SemaphoreType.DMA,
            pltpu.SemaphoreType.DMA,
        ],
    )


def _tc_l1_body(x_ref, w_ref, ca_ref, cb_ref, g_ref, d_ref):
    d = lax.rsqrt(ca_ref[...] + cb_ref[...] + 1.0)
    h = jnp.dot(x_ref[...], w_ref[...], preferred_element_type=jnp.float32)
    g_ref[...] = h * d
    d_ref[...] = d


def _tc_mid_body(sa_ref, sb_ref, ga_ref, gb_ref, d_ref, b_ref, w_ref,
                 out_ref):
    d = d_ref[...]
    b = b_ref[...]
    xa = jnp.maximum(d * (sa_ref[...] + ga_ref[...]) + b[:, :128], 0.0)
    xb = jnp.maximum(d * (sb_ref[...] + gb_ref[...]) + b[:, 128:], 0.0)
    x = jnp.concatenate([xa, xb], axis=1)
    h = jnp.dot(x, w_ref[...], preferred_element_type=jnp.float32)
    out_ref[...] = h * d


def _tc_out_body(sa_ref, sb_ref, g_ref, d_ref, b_ref, out_ref):
    out_ref[...] = d_ref[...] * (sa_ref[...] + sb_ref[...] + g_ref[...]) + b_ref[...]


@jax.jit
def _run(x, src, dst, W1, b1, W2, b2, W3, b3):
    srcp = jnp.concatenate([src, jnp.zeros((EPAD - E,), jnp.int32)])
    dstp = jnp.concatenate([dst, jnp.full((EPAD - E,), N, jnp.int32)])
    nch_a = EPAD // NSUB // CHUNK
    nch_b = EPAD // 2 // NSUB // CHUNK
    srcp3a = srcp.reshape(NSUB, nch_a, CHUNK)
    dstp3a = dstp.reshape(NSUB, nch_a, CHUNK)
    srcp3b = srcp.reshape(2 * NSUB, nch_b, CHUNK)
    dstp3b = dstp.reshape(2 * NSUB, nch_b, CHUNK)
    srcA = jnp.concatenate([srcp3a, srcp3a + NPAD], axis=0)
    dstA = jnp.concatenate([dstp3a, dstp3a], axis=0)
    srcB = jnp.concatenate([srcp3b[:NSUB], srcp3b[NSUB:] + NPAD], axis=0)
    dstB = dstp3b
    xp = jnp.pad(x, ((0, NPAD - N), (0, 0)))
    W3p = jnp.pad(W3, ((0, 0), (0, 128 - 40)))
    b1r = b1.reshape(1, 256)
    b2r = b2.reshape(1, 256)
    b3r = jnp.pad(b3, (0, 128 - 40)).reshape(1, 128)

    cnt = _make_hist()(dstp3b)
    cA = cnt[:NPAD]
    cB = cnt[NPAD:]

    rowA = pl.BlockSpec((BN, 128), lambda j, i: (i, 0))
    rowB = pl.BlockSpec((BN, 128), lambda j, i: (NB + i, 0))
    out_split = pl.BlockSpec((BN, 128), lambda j, i: (j * NB + i, 0))

    g1, dinv = pl.pallas_call(
        _tc_l1_body,
        grid=(2, NB),
        in_specs=[
            pl.BlockSpec((BN, 128), lambda j, i: (i, 0)),
            pl.BlockSpec((128, 128), lambda j, i: (0, j)),
            rowA,
            rowA,
        ],
        out_specs=[out_split, rowA],
        out_shape=[jax.ShapeDtypeStruct((2 * NPAD, 128), jnp.float32),
                   jax.ShapeDtypeStruct((NPAD, 128), jnp.float32)],
    )(xp, W1, cA, cB)

    s1 = _make_agg(nch_a)(g1, srcA, dstA)

    g2 = pl.pallas_call(
        _tc_mid_body,
        grid=(2, NB),
        in_specs=[
            rowA, rowB, rowA, rowB, rowA,
            pl.BlockSpec((1, 256), lambda j, i: (0, 0)),
            pl.BlockSpec((256, 128), lambda j, i: (0, j)),
        ],
        out_specs=out_split,
        out_shape=jax.ShapeDtypeStruct((2 * NPAD, 128), jnp.float32),
    )(s1, s1, g1, g1, dinv, b1r, W2)

    s2 = _make_agg(nch_a)(g2, srcA, dstA)

    rowA1 = pl.BlockSpec((BN, 128), lambda i: (i, 0))
    rowB1 = pl.BlockSpec((BN, 128), lambda i: (NB + i, 0))

    g3 = pl.pallas_call(
        _tc_mid_body,
        grid=(2, NB),
        in_specs=[
            rowA, rowB, rowA, rowB, rowA,
            pl.BlockSpec((1, 256), lambda j, i: (0, 0)),
            pl.BlockSpec((256, 128), lambda j, i: (0, 0)),
        ],
        out_specs=out_split,
        out_shape=jax.ShapeDtypeStruct((2 * NPAD, 128), jnp.float32),
    )(s2, s2, g2, g2, dinv, b2r, W3p)

    s3 = _make_agg(nch_b)(g3, srcB, dstB)

    out = pl.pallas_call(
        _tc_out_body,
        grid=(NB,),
        in_specs=[
            rowA1, rowB1, rowA1, rowA1,
            pl.BlockSpec((1, 128), lambda i: (0, 0)),
        ],
        out_specs=pl.BlockSpec((BN, 128), lambda i: (i, 0)),
        out_shape=jax.ShapeDtypeStruct((NPAD, 128), jnp.float32),
    )(s3, s3, g3[:NPAD], dinv, b3r)

    return out[:N, :40]


def kernel(x, edge_index, edge_weight, W1, b1, W2, b2, W3, b3):
    del edge_weight
    return _run(x, edge_index[0], edge_index[1], W1, b1, W2, b2, W3, b3)

# --- scband reference (transcript-rebuilt; emitter-appended) ---
"""Pipeline reference for scband-gcn-9483287789789 (READ-ONLY COPY).

The authoritative reference and input builder live on the scoring server;
editing this copy changes nothing except your own understanding.
"""

import jax, jax.numpy as jnp
import numpy as np

N = 10000
E = 320000
D_IN = 128
D_H = 256
D_OUT = 40


def setup_inputs(seed: int = 0) -> dict:
    key = jax.random.key(seed)
    ks = jax.random.split(key, 10)
    x = jax.random.normal(ks[0], (N, D_IN), dtype=jnp.float32)
    edge_index = jax.random.randint(ks[1], (2, E), 0, N, dtype=jnp.int32)
    edge_weight = jax.random.uniform(ks[2], (E,), dtype=jnp.float32)
    W1 = jax.random.normal(ks[3], (D_IN, D_H), dtype=jnp.float32) * (1.0 / np.sqrt(D_IN))
    b1 = jnp.zeros((D_H,), dtype=jnp.float32)
    W2 = jax.random.normal(ks[4], (D_H, D_H), dtype=jnp.float32) * (1.0 / np.sqrt(D_H))
    b2 = jnp.zeros((D_H,), dtype=jnp.float32)
    W3 = jax.random.normal(ks[5], (D_H, D_OUT), dtype=jnp.float32) * (1.0 / np.sqrt(D_H))
    b3 = jnp.zeros((D_OUT,), dtype=jnp.float32)
    return {"x": x, "edge_index": edge_index, "edge_weight": edge_weight,
            "W1": W1, "b1": b1, "W2": W2, "b2": b2, "W3": W3, "b3": b3}


def _gcn_conv(x, src, dst, W, b):
    # GCNConv with normalize=True and add_self_loops=True (PyG semantics).
    n = x.shape[0]
    loop = jnp.arange(n, dtype=src.dtype)
    src_sl = jnp.concatenate([src, loop])
    dst_sl = jnp.concatenate([dst, loop])
    ew = jnp.ones(src_sl.shape[0], dtype=x.dtype)
    deg = jnp.zeros((n,), dtype=x.dtype).at[dst_sl].add(ew)
    deg_inv_sqrt = jnp.where(deg > 0, deg ** -0.5, 0.0)
    norm = deg_inv_sqrt[src_sl] * deg_inv_sqrt[dst_sl]
    h = x @ W
    msg = h[src_sl] * norm[:, None]
    out = jnp.zeros((n, W.shape[1]), dtype=x.dtype).at[dst_sl].add(msg)
    return out + b


def reference(x, edge_index, edge_weight, W1, b1, W2, b2, W3, b3):
    # eval-mode forward (dropout is identity); norm=None -> Identity norms.
    # edge_weight is unpacked from data but never passed to the convs in the
    # original module, so it is unused here as well.
    src = edge_index[0]
    dst = edge_index[1]
    h = _gcn_conv(x, src, dst, W1, b1)
    h = jax.nn.relu(h)
    h = _gcn_conv(h, src, dst, W2, b2)
    h = jax.nn.relu(h)
    out = _gcn_conv(h, src, dst, W3, b3)
    return out

if __name__ == "__main__":
    import jax
    _d = setup_inputs()
    print(jax.jit(kernel)(*tuple(_d.values())))

</pallas_src>

<mosaic_0001>
#map = affine_map<(d0, d1) -> (0, 0)>
#map1 = affine_map<(d0, d1) -> (0, 0, 0)>
module attributes {stable_mosaic.version = 14 : i64} {
  func.func @_agg_body(%arg0: i32, %arg1: i32, %arg2: memref<20480x128xf32, #tpu.memory_space<hbm>>, %arg3: memref<32x80x128xi32, #tpu.memory_space<hbm>>, %arg4: memref<32x80x128xi32, #tpu.memory_space<hbm>>, %arg5: memref<20480x128xf32, #tpu.memory_space<hbm>>, %arg6: memref<40x128xi32, #tpu.memory_space<vmem>>, %arg7: memref<40x128xi32, #tpu.memory_space<vmem>>, %arg8: memref<128x128xf32, #tpu.memory_space<vmem>>, %arg9: memref<128x128xf32, #tpu.memory_space<vmem>>, %arg10: memref<40x128xf32, #tpu.memory_space<vmem>>, %arg11: memref<10240x128xf32, #tpu.memory_space<vmem_shared>>, %arg12: memref<!tpu.dma_semaphore, #tpu.memory_space<semaphore_mem>>, %arg13: memref<!tpu.dma_semaphore, #tpu.memory_space<semaphore_mem>>, %arg14: memref<!tpu.dma_semaphore, #tpu.memory_space<semaphore_mem>>, %arg15: memref<!tpu.dma_semaphore, #tpu.memory_space<semaphore_mem>>) attributes {dimension_semantics = [#tpu.dimension_semantics<core_parallel>, #tpu.dimension_semantics<subcore_parallel>], iteration_bounds = array<i64: 2, 16>, scalar_prefetch = 0 : i64, scratch_operands = 10 : i64, tpu.core_type = #tpu.core_type<sc_vector_subcore>, window_params = [{transform_indices = #map}, {transform_indices = #map1}, {transform_indices = #map1}, {transform_indices = #map}]} {
    %mul3A = arith.constant 640 : i32
    %mul3A_0 = arith.muli %arg1, %mul3A : i32
    %mul3A_1 = arith.constant 16 : i32
    %mul3A_2 = arith.muli %arg0, %mul3A_1 : i32
    %add3A = arith.addi %mul3A_2, %arg1 : i32
    %broadcast_in_dim3A = arith.constant 0.000000e+00 : f32
    %broadcast_in_dim3A_3 = vector.broadcast %broadcast_in_dim3A : f32 to vector<16xf32>
    %scan3A = arith.constant 0 : i32
    %scan3A_4 = arith.constant 0 : i32
    %scan3A_5 = arith.constant 40 : i32
    %scan3A_6 = arith.addi %scan3A_4, %scan3A_5 : i32
    %scan3A_7 = arith.constant 1 : i32
    %scan3A_8 = scf.for %scan3A_60 = %scan3A_4 to %scan3A_6 step %scan3A_7 iter_args(%scan3A_61 = %scan3A) -> (i32)  : i32 {
      %swap3A = arith.index_cast %scan3A_60 : i32 to index
      %swap3A_62 = arith.constant 0 : index
      %swap3A_63 = tpu.vector_load %arg10[%swap3A, %swap3A_62] {strides = array<i32>} : memref<40x128xf32, #tpu.memory_space<vmem>>, vector<1x16xf32>,
      %swap3A_64 = vector.shape_cast %swap3A_63 : vector<1x16xf32> to vector<16xf32>
      %swap3A_65 = vector.shape_cast %broadcast_in_dim3A_3 : vector<16xf32> to vector<1x16xf32>
      tpu.vector_store %arg10[%swap3A, %swap3A_62], %swap3A_65 {strides = array<i32>} : memref<40x128xf32, #tpu.memory_space<vmem>>, vector<1x16xf32>,
      %swap3A_66 = arith.index_cast %scan3A_60 : i32 to index
      %swap3A_67 = arith.constant 16 : index
      %swap3A_68 = tpu.vector_load %arg10[%swap3A_66, %swap3A_67] {strides = array<i32>} : memref<40x128xf32, #tpu.memory_space<vmem>>, vector<1x16xf32>,
      %swap3A_69 = vector.shape_cast %swap3A_68 : vector<1x16xf32> to vector<16xf32>
      %swap3A_70 = vector.shape_cast %broadcast_in_dim3A_3 : vector<16xf32> to vector<1x16xf32>
      tpu.vector_store %arg10[%swap3A_66, %swap3A_67], %swap3A_70 {strides = array<i32>} : memref<40x128xf32, #tpu.memory_space<vmem>>, vector<1x16xf32>,
      %swap3A_71 = arith.index_cast %scan3A_60 : i32 to index
      %swap3A_72 = arith.constant 32 : index
      %swap3A_73 = tpu.vector_load %arg10[%swap3A_71, %swap3A_72] {strides = array<i32>} : memref<40x128xf32, #tpu.memory_space<vmem>>, vector<1x16xf32>,
      %swap3A_74 = vector.shape_cast %swap3A_73 : vector<1x16xf32> to vector<16xf32>
      %swap3A_75 = vector.shape_cast %broadcast_in_dim3A_3 : vector<16xf32> to vector<1x16xf32>
      tpu.vector_store %arg10[%swap3A_71, %swap3A_72], %swap3A_75 {strides = array<i32>} : memref<40x128xf32, #tpu.memory_space<vmem>>, vector<1x16xf32>,
      %swap3A_76 = arith.index_cast %scan3A_60 : i32 to index
      %swap3A_77 = arith.constant 48 : index
      %swap3A_78 = tpu.vector_load %arg10[%swap3A_76, %swap3A_77] {strides = array<i32>} : memref<40x128xf32, #tpu.memory_space<vmem>>, vector<1x16xf32>,
      %swap3A_79 = vector.shape_cast %swap3A_78 : vector<1x16xf32> to vector<16xf32>
      %swap3A_80 = vector.shape_cast %broadcast_in_dim3A_3 : vector<16xf32> to vector<1x16xf32>
      tpu.vector_store %arg10[%swap3A_76, %swap3A_77], %swap3A_80 {strides = array<i32>} : memref<40x128xf32, #tpu.memory_space<vmem>>, vector<1x16xf32>,
      %swap3A_81 = arith.index_cast %scan3A_60 : i32 to index
      %swap3A_82 = arith.constant 64 : index
      %swap3A_83 = tpu.vector_load %arg10[%swap3A_81, %swap3A_82] {strides = array<i32>} : memref<40x128xf32, #tpu.memory_space<vmem>>, vector<1x16xf32>,
      %swap3A_84 = vector.shape_cast %swap3A_83 : vector<1x16xf32> to vector<16xf32>
      %swap3A_85 = vector.shape_cast %broadcast_in_dim3A_3 : vector<16xf32> to vector<1x16xf32>
      tpu.vector_store %arg10[%swap3A_81, %swap3A_82], %swap3A_85 {strides = array<i32>} : memref<40x128xf32, #tpu.memory_space<vmem>>, vector<1x16xf32>,
      %swap3A_86 = arith.index_cast %scan3A_60 : i32 to index
      %swap3A_87 = arith.constant 80 : index
      %swap3A_88 = tpu.vector_load %arg10[%swap3A_86, %swap3A_87] {strides = array<i32>} : memref<40x128xf32, #tpu.memory_space<vmem>>, vector<1x16xf32>,
      %swap3A_89 = vector.shape_cast %swap3A_88 : vector<1x16xf32> to vector<16xf32>
      %swap3A_90 = vector.shape_cast %broadcast_in_dim3A_3 : vector<16xf32> to vector<1x16xf32>
      tpu.vector_store %arg10[%swap3A_86, %swap3A_87], %swap3A_90 {strides = array<i32>} : memref<40x128xf32, #tpu.memory_space<vmem>>, vector<1x16xf32>,
      %swap3A_91 = arith.index_cast %scan3A_60 : i32 to index
      %swap3A_92 = arith.constant 96 : index
      %swap3A_93 = tpu.vector_load %arg10[%swap3A_91, %swap3A_92] {strides = array<i32>} : memref<40x128xf32, #tpu.memory_space<vmem>>, vector<1x16xf32>,
      %swap3A_94 = vector.shape_cast %swap3A_93 : vector<1x16xf32> to vector<16xf32>
      %swap3A_95 = vector.shape_cast %broadcast_in_dim3A_3 : vector<16xf32> to vector<1x16xf32>
      tpu.vector_store %arg10[%swap3A_91, %swap3A_92], %swap3A_95 {strides = array<i32>} : memref<40x128xf32, #tpu.memory_space<vmem>>, vector<1x16xf32>,
      %swap3A_96 = arith.index_cast %scan3A_60 : i32 to index
      %swap3A_97 = arith.constant 112 : index
      %swap3A_98 = tpu.vector_load %arg10[%swap3A_96, %swap3A_97] {strides = array<i32>} : memref<40x128xf32, #tpu.memory_space<vmem>>, vector<1x16xf32>,
      %swap3A_99 = vector.shape_cast %swap3A_98 : vector<1x16xf32> to vector<16xf32>
      %swap3A_100 = vector.shape_cast %broadcast_in_dim3A_3 : vector<16xf32> to vector<1x16xf32>
      tpu.vector_store %arg10[%swap3A_96, %swap3A_97], %swap3A_100 {strides = array<i32>} : memref<40x128xf32, #tpu.memory_space<vmem>>, vector<1x16xf32>,
      %scan3A_101 = arith.constant 0 : i32
      scf.yield %scan3A_101 : i32
    }
    %scan3A_9 = arith.constant 40 : i32
    %add3A_10 = arith.constant 0 : i32
    %add3A_11 = arith.addi %mul3A_0, %add3A_10 : i32
    "tpu.region"() ({
      %run_scoped3A = tpu.sem_alloc : memref<!tpu.dma_semaphore, #tpu.memory_space<semaphore_mem>>
      %dma_start3A = arith.constant 0 : i32
      %dma_start3A_60 = tpu.memref_slice %arg11[%add3A_11, %dma_start3A] : memref<10240x128xf32, #tpu.memory_space<vmem_shared>> -> memref<40x128xf32, #tpu.memory_space<vmem_shared>>
      %dma_start3A_61 = arith.constant 0 : i32
      %dma_start3A_62 = tpu.memref_slice %arg11[%add3A_11, %dma_start3A_61] : memref<10240x128xf32, #tpu.memory_space<vmem_shared>> -> memref<40x128xf32, #tpu.memory_space<vmem_shared>>
      tpu.enqueue_dma source(%arg10 : memref<40x128xf32, #tpu.memory_space<vmem>>) target(%dma_start3A_62 : memref<40x128xf32, #tpu.memory_space<vmem_shared>>) target_semaphore(%run_scoped3A : memref<!tpu.dma_semaphore, #tpu.memory_space<semaphore_mem>>)
      %dma_wait3A = arith.constant 0 : i32
      %dma_wait3A_63 = tpu.memref_slice %arg11[%add3A_11, %dma_wait3A] : memref<10240x128xf32, #tpu.memory_space<vmem_shared>> -> memref<40x128xf32, #tpu.memory_space<vmem_shared>>
      %dma_wait3A_64 = arith.constant 0 : i32
      %dma_wait3A_65 = tpu.memref_slice %arg11[%add3A_11, %dma_wait3A_64] : memref<10240x128xf32, #tpu.memory_space<vmem_shared>> -> memref<40x128xf32, #tpu.memory_space<vmem_shared>>
      tpu.wait_dma2 semaphore(%run_scoped3A : memref<!tpu.dma_semaphore, #tpu.memory_space<semaphore_mem>>) src(%arg10 : memref<40x128xf32, #tpu.memory_space<vmem>>) dst(%dma_wait3A_65 : memref<40x128xf32, #tpu.memory_space<vmem_shared>>)
      tpu.yield
    }) : () -> ()
    %add3A_12 = arith.constant 40 : i32
    %add3A_13 = arith.addi %mul3A_0, %add3A_12 : i32
    "tpu.region"() ({
      %run_scoped3A = tpu.sem_alloc : memref<!tpu.dma_semaphore, #tpu.memory_space<semaphore_mem>>
      %dma_start3A = arith.constant 0 : i32
      %dma_start3A_60 = tpu.memref_slice %arg11[%add3A_13, %dma_start3A] : memref<10240x128xf32, #tpu.memory_space<vmem_shared>> -> memref<40x128xf32, #tpu.memory_space<vmem_shared>>
      %dma_start3A_61 = arith.constant 0 : i32
      %dma_start3A_62 = tpu.memref_slice %arg11[%add3A_13, %dma_start3A_61] : memref<10240x128xf32, #tpu.memory_space<vmem_shared>> -> memref<40x128xf32, #tpu.memory_space<vmem_shared>>
      tpu.enqueue_dma source(%arg10 : memref<40x128xf32, #tpu.memory_space<vmem>>) target(%dma_start3A_62 : memref<40x128xf32, #tpu.memory_space<vmem_shared>>) target_semaphore(%run_scoped3A : memref<!tpu.dma_semaphore, #tpu.memory_space<semaphore_mem>>)
      %dma_wait3A = arith.constant 0 : i32
      %dma_wait3A_63 = tpu.memref_slice %arg11[%add3A_13, %dma_wait3A] : memref<10240x128xf32, #tpu.memory_space<vmem_shared>> -> memref<40x128xf32, #tpu.memory_space<vmem_shared>>
      %dma_wait3A_64 = arith.constant 0 : i32
      %dma_wait3A_65 = tpu.memref_slice %arg11[%add3A_13, %dma_wait3A_64] : memref<10240x128xf32, #tpu.memory_space<vmem_shared>> -> memref<40x128xf32, #tpu.memory_space<vmem_shared>>
      tpu.wait_dma2 semaphore(%run_scoped3A : memref<!tpu.dma_semaphore, #tpu.memory_space<semaphore_mem>>) src(%arg10 : memref<40x128xf32, #tpu.memory_space<vmem>>) dst(%dma_wait3A_65 : memref<40x128xf32, #tpu.memory_space<vmem_shared>>)
      tpu.yield
    }) : () -> ()
    %add3A_14 = arith.constant 80 : i32
    %add3A_15 = arith.addi %mul3A_0, %add3A_14 : i32
    "tpu.region"() ({
      %run_scoped3A = tpu.sem_alloc : memref<!tpu.dma_semaphore, #tpu.memory_space<semaphore_mem>>
      %dma_start3A = arith.constant 0 : i32
      %dma_start3A_60 = tpu.memref_slice %arg11[%add3A_15, %dma_start3A] : memref<10240x128xf32, #tpu.memory_space<vmem_shared>> -> memref<40x128xf32, #tpu.memory_space<vmem_shared>>
      %dma_start3A_61 = arith.constant 0 : i32
      %dma_start3A_62 = tpu.memref_slice %arg11[%add3A_15, %dma_start3A_61] : memref<10240x128xf32, #tpu.memory_space<vmem_shared>> -> memref<40x128xf32, #tpu.memory_space<vmem_shared>>
      tpu.enqueue_dma source(%arg10 : memref<40x128xf32, #tpu.memory_space<vmem>>) target(%dma_start3A_62 : memref<40x128xf32, #tpu.memory_space<vmem_shared>>) target_semaphore(%run_scoped3A : memref<!tpu.dma_semaphore, #tpu.memory_space<semaphore_mem>>)
      %dma_wait3A = arith.constant 0 : i32
      %dma_wait3A_63 = tpu.memref_slice %arg11[%add3A_15, %dma_wait3A] : memref<10240x128xf32, #tpu.memory_space<vmem_shared>> -> memref<40x128xf32, #tpu.memory_space<vmem_shared>>
      %dma_wait3A_64 = arith.constant 0 : i32
      %dma_wait3A_65 = tpu.memref_slice %arg11[%add3A_15, %dma_wait3A_64] : memref<10240x128xf32, #tpu.memory_space<vmem_shared>> -> memref<40x128xf32, #tpu.memory_space<vmem_shared>>
      tpu.wait_dma2 semaphore(%run_scoped3A : memref<!tpu.dma_semaphore, #tpu.memory_space<semaphore_mem>>) src(%arg10 : memref<40x128xf32, #tpu.memory_space<vmem>>) dst(%dma_wait3A_65 : memref<40x128xf32, #tpu.memory_space<vmem_shared>>)
      tpu.yield
    }) : () -> ()
    %add3A_16 = arith.constant 120 : i32
    %add3A_17 = arith.addi %mul3A_0, %add3A_16 : i32
    "tpu.region"() ({
      %run_scoped3A = tpu.sem_alloc : memref<!tpu.dma_semaphore, #tpu.memory_space<semaphore_mem>>
      %dma_start3A = arith.constant 0 : i32
      %dma_start3A_60 = tpu.memref_slice %arg11[%add3A_17, %dma_start3A] : memref<10240x128xf32, #tpu.memory_space<vmem_shared>> -> memref<40x128xf32, #tpu.memory_space<vmem_shared>>
      %dma_start3A_61 = arith.constant 0 : i32
      %dma_start3A_62 = tpu.memref_slice %arg11[%add3A_17, %dma_start3A_61] : memref<10240x128xf32, #tpu.memory_space<vmem_shared>> -> memref<40x128xf32, #tpu.memory_space<vmem_shared>>
      tpu.enqueue_dma source(%arg10 : memref<40x128xf32, #tpu.memory_space<vmem>>) target(%dma_start3A_62 : memref<40x128xf32, #tpu.memory_space<vmem_shared>>) target_semaphore(%run_scoped3A : memref<!tpu.dma_semaphore, #tpu.memory_space<semaphore_mem>>)
      %dma_wait3A = arith.constant 0 : i32
      %dma_wait3A_63 = tpu.memref_slice %arg11[%add3A_17, %dma_wait3A] : memref<10240x128xf32, #tpu.memory_space<vmem_shared>> -> memref<40x128xf32, #tpu.memory_space<vmem_shared>>
      %dma_wait3A_64 = arith.constant 0 : i32
      %dma_wait3A_65 = tpu.memref_slice %arg11[%add3A_17, %dma_wait3A_64] : memref<10240x128xf32, #tpu.memory_space<vmem_shared>> -> memref<40x128xf32, #tpu.memory_space<vmem_shared>>
      tpu.wait_dma2 semaphore(%run_scoped3A : memref<!tpu.dma_semaphore, #tpu.memory_space<semaphore_mem>>) src(%arg10 : memref<40x128xf32, #tpu.memory_space<vmem>>) dst(%dma_wait3A_65 : memref<40x128xf32, #tpu.memory_space<vmem_shared>>)
      tpu.yield
    }) : () -> ()
    %add3A_18 = arith.constant 160 : i32
    %add3A_19 = arith.addi %mul3A_0, %add3A_18 : i32
    "tpu.region"() ({
      %run_scoped3A = tpu.sem_alloc : memref<!tpu.dma_semaphore, #tpu.memory_space<semaphore_mem>>
      %dma_start3A = arith.constant 0 : i32
      %dma_start3A_60 = tpu.memref_slice %arg11[%add3A_19, %dma_start3A] : memref<10240x128xf32, #tpu.memory_space<vmem_shared>> -> memref<40x128xf32, #tpu.memory_space<vmem_shared>>
      %dma_start3A_61 = arith.constant 0 : i32
      %dma_start3A_62 = tpu.memref_slice %arg11[%add3A_19, %dma_start3A_61] : memref<10240x128xf32, #tpu.memory_space<vmem_shared>> -> memref<40x128xf32, #tpu.memory_space<vmem_shared>>
      tpu.enqueue_dma source(%arg10 : memref<40x128xf32, #tpu.memory_space<vmem>>) target(%dma_start3A_62 : memref<40x128xf32, #tpu.memory_space<vmem_shared>>) target_semaphore(%run_scoped3A : memref<!tpu.dma_semaphore, #tpu.memory_space<semaphore_mem>>)
      %dma_wait3A = arith.constant 0 : i32
      %dma_wait3A_63 = tpu.memref_slice %arg11[%add3A_19, %dma_wait3A] : memref<10240x128xf32, #tpu.memory_space<vmem_shared>> -> memref<40x128xf32, #tpu.memory_space<vmem_shared>>
      %dma_wait3A_64 = arith.constant 0 : i32
      %dma_wait3A_65 = tpu.memref_slice %arg11[%add3A_19, %dma_wait3A_64] : memref<10240x128xf32, #tpu.memory_space<vmem_shared>> -> memref<40x128xf32, #tpu.memory_space<vmem_shared>>
      tpu.wait_dma2 semaphore(%run_scoped3A : memref<!tpu.dma_semaphore, #tpu.memory_space<semaphore_mem>>) src(%arg10 : memref<40x128xf32, #tpu.memory_space<vmem>>) dst(%dma_wait3A_65 : memref<40x128xf32, #tpu.memory_space<vmem_shared>>)
      tpu.yield
    }) : () -> ()
    %add3A_20 = arith.constant 200 : i32
    %add3A_21 = arith.addi %mul3A_0, %add3A_20 : i32
    "tpu.region"() ({
      %run_scoped3A = tpu.sem_alloc : memref<!tpu.dma_semaphore, #tpu.memory_space<semaphore_mem>>
      %dma_start3A = arith.constant 0 : i32
      %dma_start3A_60 = tpu.memref_slice %arg11[%add3A_21, %dma_start3A] : memref<10240x128xf32, #tpu.memory_space<vmem_shared>> -> memref<40x128xf32, #tpu.memory_space<vmem_shared>>
      %dma_start3A_61 = arith.constant 0 : i32
      %dma_start3A_62 = tpu.memref_slice %arg11[%add3A_21, %dma_start3A_61] : memref<10240x128xf32, #tpu.memory_space<vmem_shared>> -> memref<40x128xf32, #tpu.memory_space<vmem_shared>>
      tpu.enqueue_dma source(%arg10 : memref<40x128xf32, #tpu.memory_space<vmem>>) target(%dma_start3A_62 : memref<40x128xf32, #tpu.memory_space<vmem_shared>>) target_semaphore(%run_scoped3A : memref<!tpu.dma_semaphore, #tpu.memory_space<semaphore_mem>>)
      %dma_wait3A = arith.constant 0 : i32
      %dma_wait3A_63 = tpu.memref_slice %arg11[%add3A_21, %dma_wait3A] : memref<10240x128xf32, #tpu.memory_space<vmem_shared>> -> memref<40x128xf32, #tpu.memory_space<vmem_shared>>
      %dma_wait3A_64 = arith.constant 0 : i32
      %dma_wait3A_65 = tpu.memref_slice %arg11[%add3A_21, %dma_wait3A_64] : memref<10240x128xf32, #tpu.memory_space<vmem_shared>> -> memref<40x128xf32, #tpu.memory_space<vmem_shared>>
      tpu.wait_dma2 semaphore(%run_scoped3A : memref<!tpu.dma_semaphore, #tpu.memory_space<semaphore_mem>>) src(%arg10 : memref<40x128xf32, #tpu.memory_space<vmem>>) dst(%dma_wait3A_65 : memref<40x128xf32, #tpu.memory_space<vmem_shared>>)
      tpu.yield
    }) : () -> ()
    %add3A_22 = arith.constant 240 : i32
    %add3A_23 = arith.addi %mul3A_0, %add3A_22 : i32
    "tpu.region"() ({
      %run_scoped3A = tpu.sem_alloc : memref<!tpu.dma_semaphore, #tpu.memory_space<semaphore_mem>>
      %dma_start3A = arith.constant 0 : i32
      %dma_start3A_60 = tpu.memref_slice %arg11[%add3A_23, %dma_start3A] : memref<10240x128xf32, #tpu.memory_space<vmem_shared>> -> memref<40x128xf32, #tpu.memory_space<vmem_shared>>
      %dma_start3A_61 = arith.constant 0 : i32
      %dma_start3A_62 = tpu.memref_slice %arg11[%add3A_23, %dma_start3A_61] : memref<10240x128xf32, #tpu.memory_space<vmem_shared>> -> memref<40x128xf32, #tpu.memory_space<vmem_shared>>
      tpu.enqueue_dma source(%arg10 : memref<40x128xf32, #tpu.memory_space<vmem>>) target(%dma_start3A_62 : memref<40x128xf32, #tpu.memory_space<vmem_shared>>) target_semaphore(%run_scoped3A : memref<!tpu.dma_semaphore, #tpu.memory_space<semaphore_mem>>)
      %dma_wait3A = arith.constant 0 : i32
      %dma_wait3A_63 = tpu.memref_slice %arg11[%add3A_23, %dma_wait3A] : memref<10240x128xf32, #tpu.memory_space<vmem_shared>> -> memref<40x128xf32, #tpu.memory_space<vmem_shared>>
      %dma_wait3A_64 = arith.constant 0 : i32
      %dma_wait3A_65 = tpu.memref_slice %arg11[%add3A_23, %dma_wait3A_64] : memref<10240x128xf32, #tpu.memory_space<vmem_shared>> -> memref<40x128xf32, #tpu.memory_space<vmem_shared>>
      tpu.wait_dma2 semaphore(%run_scoped3A : memref<!tpu.dma_semaphore, #tpu.memory_space<semaphore_mem>>) src(%arg10 : memref<40x128xf32, #tpu.memory_space<vmem>>) dst(%dma_wait3A_65 : memref<40x128xf32, #tpu.memory_space<vmem_shared>>)
      tpu.yield
    }) : () -> ()
    %add3A_24 = arith.constant 280 : i32
    %add3A_25 = arith.addi %mul3A_0, %add3A_24 : i32
    "tpu.region"() ({
      %run_scoped3A = tpu.sem_alloc : memref<!tpu.dma_semaphore, #tpu.memory_space<semaphore_mem>>
      %dma_start3A = arith.constant 0 : i32
      %dma_start3A_60 = tpu.memref_slice %arg11[%add3A_25, %dma_start3A] : memref<10240x128xf32, #tpu.memory_space<vmem_shared>> -> memref<40x128xf32, #tpu.memory_space<vmem_shared>>
      %dma_start3A_61 = arith.constant 0 : i32
      %dma_start3A_62 = tpu.memref_slice %arg11[%add3A_25, %dma_start3A_61] : memref<10240x128xf32, #tpu.memory_space<vmem_shared>> -> memref<40x128xf32, #tpu.memory_space<vmem_shared>>
      tpu.enqueue_dma source(%arg10 : memref<40x128xf32, #tpu.memory_space<vmem>>) target(%dma_start3A_62 : memref<40x128xf32, #tpu.memory_space<vmem_shared>>) target_semaphore(%run_scoped3A : memref<!tpu.dma_semaphore, #tpu.memory_space<semaphore_mem>>)
      %dma_wait3A = arith.constant 0 : i32
      %dma_wait3A_63 = tpu.memref_slice %arg11[%add3A_25, %dma_wait3A] : memref<10240x128xf32, #tpu.memory_space<vmem_shared>> -> memref<40x128xf32, #tpu.memory_space<vmem_shared>>
      %dma_wait3A_64 = arith.constant 0 : i32
      %dma_wait3A_65 = tpu.memref_slice %arg11[%add3A_25, %dma_wait3A_64] : memref<10240x128xf32, #tpu.memory_space<vmem_shared>> -> memref<40x128xf32, #tpu.memory_space<vmem_shared>>
      tpu.wait_dma2 semaphore(%run_scoped3A : memref<!tpu.dma_semaphore, #tpu.memory_space<semaphore_mem>>) src(%arg10 : memref<40x128xf32, #tpu.memory_space<vmem>>) dst(%dma_wait3A_65 : memref<40x128xf32, #tpu.memory_space<vmem_shared>>)
      tpu.yield
    }) : () -> ()
    %add3A_26 = arith.constant 320 : i32
    %add3A_27 = arith.addi %mul3A_0, %add3A_26 : i32
    "tpu.region"() ({
      %run_scoped3A = tpu.sem_alloc : memref<!tpu.dma_semaphore, #tpu.memory_space<semaphore_mem>>
      %dma_start3A = arith.constant 0 : i32
      %dma_start3A_60 = tpu.memref_slice %arg11[%add3A_27, %dma_start3A] : memref<10240x128xf32, #tpu.memory_space<vmem_shared>> -> memref<40x128xf32, #tpu.memory_space<vmem_shared>>
      %dma_start3A_61 = arith.constant 0 : i32
      %dma_start3A_62 = tpu.memref_slice %arg11[%add3A_27, %dma_start3A_61] : memref<10240x128xf32, #tpu.memory_space<vmem_shared>> -> memref<40x128xf32, #tpu.memory_space<vmem_shared>>
      tpu.enqueue_dma source(%arg10 : memref<40x128xf32, #tpu.memory_space<vmem>>) target(%dma_start3A_62 : memref<40x128xf32, #tpu.memory_space<vmem_shared>>) target_semaphore(%run_scoped3A : memref<!tpu.dma_semaphore, #tpu.memory_space<semaphore_mem>>)
      %dma_wait3A = arith.constant 0 : i32
      %dma_wait3A_63 = tpu.memref_slice %arg11[%add3A_27, %dma_wait3A] : memref<10240x128xf32, #tpu.memory_space<vmem_shared>> -> memref<40x128xf32, #tpu.memory_space<vmem_shared>>
      %dma_wait3A_64 = arith.constant 0 : i32
      %dma_wait3A_65 = tpu.memref_slice %arg11[%add3A_27, %dma_wait3A_64] : memref<10240x128xf32, #tpu.memory_space<vmem_shared>> -> memref<40x128xf32, #tpu.memory_space<vmem_shared>>
      tpu.wait_dma2 semaphore(%run_scoped3A : memref<!tpu.dma_semaphore, #tpu.memory_space<semaphore_mem>>) src(%arg10 : memref<40x128xf32, #tpu.memory_space<vmem>>) dst(%dma_wait3A_65 : memref<40x128xf32, #tpu.memory_space<vmem_shared>>)
      tpu.yield
    }) : () -> ()
    %add3A_28 = arith.constant 360 : i32
    %add3A_29 = arith.addi %mul3A_0, %add3A_28 : i32
    "tpu.region"() ({
      %run_scoped3A = tpu.sem_alloc : memref<!tpu.dma_semaphore, #tpu.memory_space<semaphore_mem>>
      %dma_start3A = arith.constant 0 : i32
      %dma_start3A_60 = tpu.memref_slice %arg11[%add3A_29, %dma_start3A] : memref<10240x128xf32, #tpu.memory_space<vmem_shared>> -> memref<40x128xf32, #tpu.memory_space<vmem_shared>>
      %dma_start3A_61 = arith.constant 0 : i32
      %dma_start3A_62 = tpu.memref_slice %arg11[%add3A_29, %dma_start3A_61] : memref<10240x128xf32, #tpu.memory_space<vmem_shared>> -> memref<40x128xf32, #tpu.memory_space<vmem_shared>>
      tpu.enqueue_dma source(%arg10 : memref<40x128xf32, #tpu.memory_space<vmem>>) target(%dma_start3A_62 : memref<40x128xf32, #tpu.memory_space<vmem_shared>>) target_semaphore(%run_scoped3A : memref<!tpu.dma_semaphore, #tpu.memory_space<semaphore_mem>>)
      %dma_wait3A = arith.constant 0 : i32
      %dma_wait3A_63 = tpu.memref_slice %arg11[%add3A_29, %dma_wait3A] : memref<10240x128xf32, #tpu.memory_space<vmem_shared>> -> memref<40x128xf32, #tpu.memory_space<vmem_shared>>
      %dma_wait3A_64 = arith.constant 0 : i32
      %dma_wait3A_65 = tpu.memref_slice %arg11[%add3A_29, %dma_wait3A_64] : memref<10240x128xf32, #tpu.memory_space<vmem_shared>> -> memref<40x128xf32, #tpu.memory_space<vmem_shared>>
      tpu.wait_dma2 semaphore(%run_scoped3A : memref<!tpu.dma_semaphore, #tpu.memory_space<semaphore_mem>>) src(%arg10 : memref<40x128xf32, #tpu.memory_space<vmem>>) dst(%dma_wait3A_65 : memref<40x128xf32, #tpu.memory_space<vmem_shared>>)
      tpu.yield
    }) : () -> ()
    %add3A_30 = arith.constant 400 : i32
    %add3A_31 = arith.addi %mul3A_0, %add3A_30 : i32
    "tpu.region"() ({
      %run_scoped3A = tpu.sem_alloc : memref<!tpu.dma_semaphore, #tpu.memory_space<semaphore_mem>>
      %dma_start3A = arith.constant 0 : i32
      %dma_start3A_60 = tpu.memref_slice %arg11[%add3A_31, %dma_start3A] : memref<10240x128xf32, #tpu.memory_space<vmem_shared>> -> memref<40x128xf32, #tpu.memory_space<vmem_shared>>
      %dma_start3A_61 = arith.constant 0 : i32
      %dma_start3A_62 = tpu.memref_slice %arg11[%add3A_31, %dma_start3A_61] : memref<10240x128xf32, #tpu.memory_space<vmem_shared>> -> memref<40x128xf32, #tpu.memory_space<vmem_shared>>
      tpu.enqueue_dma source(%arg10 : memref<40x128xf32, #tpu.memory_space<vmem>>) target(%dma_start3A_62 : memref<40x128xf32, #tpu.memory_space<vmem_shared>>) target_semaphore(%run_scoped3A : memref<!tpu.dma_semaphore, #tpu.memory_space<semaphore_mem>>)
      %dma_wait3A = arith.constant 0 : i32
      %dma_wait3A_63 = tpu.memref_slice %arg11[%add3A_31, %dma_wait3A] : memref<10240x128xf32, #tpu.memory_space<vmem_shared>> -> memref<40x128xf32, #tpu.memory_space<vmem_shared>>
      %dma_wait3A_64 = arith.constant 0 : i32
      %dma_wait3A_65 = tpu.memref_slice %arg11[%add3A_31, %dma_wait3A_64] : memref<10240x128xf32, #tpu.memory_space<vmem_shared>> -> memref<40x128xf32, #tpu.memory_space<vmem_shared>>
      tpu.wait_dma2 semaphore(%run_scoped3A : memref<!tpu.dma_semaphore, #tpu.memory_space<semaphore_mem>>) src(%arg10 : memref<40x128xf32, #tpu.memory_space<vmem>>) dst(%dma_wait3A_65 : memref<40x128xf32, #tpu.memory_space<vmem_shared>>)
      tpu.yield
    }) : () -> ()
    %add3A_32 = arith.constant 440 : i32
    %add3A_33 = arith.addi %mul3A_0, %add3A_32 : i32
    "tpu.region"() ({
      %run_scoped3A = tpu.sem_alloc : memref<!tpu.dma_semaphore, #tpu.memory_space<semaphore_mem>>
      %dma_start3A = arith.constant 0 : i32
      %dma_start3A_60 = tpu.memref_slice %arg11[%add3A_33, %dma_start3A] : memref<10240x128xf32, #tpu.memory_space<vmem_shared>> -> memref<40x128xf32, #tpu.memory_space<vmem_shared>>
      %dma_start3A_61 = arith.constant 0 : i32
      %dma_start3A_62 = tpu.memref_slice %arg11[%add3A_33, %dma_start3A_61] : memref<10240x128xf32, #tpu.memory_space<vmem_shared>> -> memref<40x128xf32, #tpu.memory_space<vmem_shared>>
      tpu.enqueue_dma source(%arg10 : memref<40x128xf32, #tpu.memory_space<vmem>>) target(%dma_start3A_62 : memref<40x128xf32, #tpu.memory_space<vmem_shared>>) target_semaphore(%run_scoped3A : memref<!tpu.dma_semaphore, #tpu.memory_space<semaphore_mem>>)
      %dma_wait3A = arith.constant 0 : i32
      %dma_wait3A_63 = tpu.memref_slice %arg11[%add3A_33, %dma_wait3A] : memref<10240x128xf32, #tpu.memory_space<vmem_shared>> -> memref<40x128xf32, #tpu.memory_space<vmem_shared>>
      %dma_wait3A_64 = arith.constant 0 : i32
      %dma_wait3A_65 = tpu.memref_slice %arg11[%add3A_33, %dma_wait3A_64] : memref<10240x128xf32, #tpu.memory_space<vmem_shared>> -> memref<40x128xf32, #tpu.memory_space<vmem_shared>>
      tpu.wait_dma2 semaphore(%run_scoped3A : memref<!tpu.dma_semaphore, #tpu.memory_space<semaphore_mem>>) src(%arg10 : memref<40x128xf32, #tpu.memory_space<vmem>>) dst(%dma_wait3A_65 : memref<40x128xf32, #tpu.memory_space<vmem_shared>>)
      tpu.yield
    }) : () -> ()
    %add3A_34 = arith.constant 480 : i32
    %add3A_35 = arith.addi %mul3A_0, %add3A_34 : i32
    "tpu.region"() ({
      %run_scoped3A = tpu.sem_alloc : memref<!tpu.dma_semaphore, #tpu.memory_space<semaphore_mem>>
      %dma_start3A = arith.constant 0 : i32
      %dma_start3A_60 = tpu.memref_slice %arg11[%add3A_35, %dma_start3A] : memref<10240x128xf32, #tpu.memory_space<vmem_shared>> -> memref<40x128xf32, #tpu.memory_space<vmem_shared>>
      %dma_start3A_61 = arith.constant 0 : i32
      %dma_start3A_62 = tpu.memref_slice %arg11[%add3A_35, %dma_start3A_61] : memref<10240x128xf32, #tpu.memory_space<vmem_shared>> -> memref<40x128xf32, #tpu.memory_space<vmem_shared>>
      tpu.enqueue_dma source(%arg10 : memref<40x128xf32, #tpu.memory_space<vmem>>) target(%dma_start3A_62 : memref<40x128xf32, #tpu.memory_space<vmem_shared>>) target_semaphore(%run_scoped3A : memref<!tpu.dma_semaphore, #tpu.memory_space<semaphore_mem>>)
      %dma_wait3A = arith.constant 0 : i32
      %dma_wait3A_63 = tpu.memref_slice %arg11[%add3A_35, %dma_wait3A] : memref<10240x128xf32, #tpu.memory_space<vmem_shared>> -> memref<40x128xf32, #tpu.memory_space<vmem_shared>>
      %dma_wait3A_64 = arith.constant 0 : i32
      %dma_wait3A_65 = tpu.memref_slice %arg11[%add3A_35, %dma_wait3A_64] : memref<10240x128xf32, #tpu.memory_space<vmem_shared>> -> memref<40x128xf32, #tpu.memory_space<vmem_shared>>
      tpu.wait_dma2 semaphore(%run_scoped3A : memref<!tpu.dma_semaphore, #tpu.memory_space<semaphore_mem>>) src(%arg10 : memref<40x128xf32, #tpu.memory_space<vmem>>) dst(%dma_wait3A_65 : memref<40x128xf32, #tpu.memory_space<vmem_shared>>)
      tpu.yield
    }) : () -> ()
    %add3A_36 = arith.constant 520 : i32
    %add3A_37 = arith.addi %mul3A_0, %add3A_36 : i32
    "tpu.region"() ({
      %run_scoped3A = tpu.sem_alloc : memref<!tpu.dma_semaphore, #tpu.memory_space<semaphore_mem>>
      %dma_start3A = arith.constant 0 : i32
      %dma_start3A_60 = tpu.memref_slice %arg11[%add3A_37, %dma_start3A] : memref<10240x128xf32, #tpu.memory_space<vmem_shared>> -> memref<40x128xf32, #tpu.memory_space<vmem_shared>>
      %dma_start3A_61 = arith.constant 0 : i32
      %dma_start3A_62 = tpu.memref_slice %arg11[%add3A_37, %dma_start3A_61] : memref<10240x128xf32, #tpu.memory_space<vmem_shared>> -> memref<40x128xf32, #tpu.memory_space<vmem_shared>>
      tpu.enqueue_dma source(%arg10 : memref<40x128xf32, #tpu.memory_space<vmem>>) target(%dma_start3A_62 : memref<40x128xf32, #tpu.memory_space<vmem_shared>>) target_semaphore(%run_scoped3A : memref<!tpu.dma_semaphore, #tpu.memory_space<semaphore_mem>>)
      %dma_wait3A = arith.constant 0 : i32
      %dma_wait3A_63 = tpu.memref_slice %arg11[%add3A_37, %dma_wait3A] : memref<10240x128xf32, #tpu.memory_space<vmem_shared>> -> memref<40x128xf32, #tpu.memory_space<vmem_shared>>
      %dma_wait3A_64 = arith.constant 0 : i32
      %dma_wait3A_65 = tpu.memref_slice %arg11[%add3A_37, %dma_wait3A_64] : memref<10240x128xf32, #tpu.memory_space<vmem_shared>> -> memref<40x128xf32, #tpu.memory_space<vmem_shared>>
      tpu.wait_dma2 semaphore(%run_scoped3A : memref<!tpu.dma_semaphore, #tpu.memory_space<semaphore_mem>>) src(%arg10 : memref<40x128xf32, #tpu.memory_space<vmem>>) dst(%dma_wait3A_65 : memref<40x128xf32, #tpu.memory_space<vmem_shared>>)
      tpu.yield
    }) : () -> ()
    %add3A_38 = arith.constant 560 : i32
    %add3A_39 = arith.addi %mul3A_0, %add3A_38 : i32
    "tpu.region"() ({
      %run_scoped3A = tpu.sem_alloc : memref<!tpu.dma_semaphore, #tpu.memory_space<semaphore_mem>>
      %dma_start3A = arith.constant 0 : i32
      %dma_start3A_60 = tpu.memref_slice %arg11[%add3A_39, %dma_start3A] : memref<10240x128xf32, #tpu.memory_space<vmem_shared>> -> memref<40x128xf32, #tpu.memory_space<vmem_shared>>
      %dma_start3A_61 = arith.constant 0 : i32
      %dma_start3A_62 = tpu.memref_slice %arg11[%add3A_39, %dma_start3A_61] : memref<10240x128xf32, #tpu.memory_space<vmem_shared>> -> memref<40x128xf32, #tpu.memory_space<vmem_shared>>
      tpu.enqueue_dma source(%arg10 : memref<40x128xf32, #tpu.memory_space<vmem>>) target(%dma_start3A_62 : memref<40x128xf32, #tpu.memory_space<vmem_shared>>) target_semaphore(%run_scoped3A : memref<!tpu.dma_semaphore, #tpu.memory_space<semaphore_mem>>)
      %dma_wait3A = arith.constant 0 : i32
      %dma_wait3A_63 = tpu.memref_slice %arg11[%add3A_39, %dma_wait3A] : memref<10240x128xf32, #tpu.memory_space<vmem_shared>> -> memref<40x128xf32, #tpu.memory_space<vmem_shared>>
      %dma_wait3A_64 = arith.constant 0 : i32
      %dma_wait3A_65 = tpu.memref_slice %arg11[%add3A_39, %dma_wait3A_64] : memref<10240x128xf32, #tpu.memory_space<vmem_shared>> -> memref<40x128xf32, #tpu.memory_space<vmem_shared>>
      tpu.wait_dma2 semaphore(%run_scoped3A : memref<!tpu.dma_semaphore, #tpu.memory_space<semaphore_mem>>) src(%arg10 : memref<40x128xf32, #tpu.memory_space<vmem>>) dst(%dma_wait3A_65 : memref<40x128xf32, #tpu.memory_space<vmem_shared>>)
      tpu.yield
    }) : () -> ()
    %add3A_40 = arith.constant 600 : i32
    %add3A_41 = arith.addi %mul3A_0, %add3A_40 : i32
    "tpu.region"() ({
      %run_scoped3A = tpu.sem_alloc : memref<!tpu.dma_semaphore, #tpu.memory_space<semaphore_mem>>
      %dma_start3A = arith.constant 0 : i32
      %dma_start3A_60 = tpu.memref_slice %arg11[%add3A_41, %dma_start3A] : memref<10240x128xf32, #tpu.memory_space<vmem_shared>> -> memref<40x128xf32, #tpu.memory_space<vmem_shared>>
      %dma_start3A_61 = arith.constant 0 : i32
      %dma_start3A_62 = tpu.memref_slice %arg11[%add3A_41, %dma_start3A_61] : memref<10240x128xf32, #tpu.memory_space<vmem_shared>> -> memref<40x128xf32, #tpu.memory_space<vmem_shared>>
      tpu.enqueue_dma source(%arg10 : memref<40x128xf32, #tpu.memory_space<vmem>>) target(%dma_start3A_62 : memref<40x128xf32, #tpu.memory_space<vmem_shared>>) target_semaphore(%run_scoped3A : memref<!tpu.dma_semaphore, #tpu.memory_space<semaphore_mem>>)
      %dma_wait3A = arith.constant 0 : i32
      %dma_wait3A_63 = tpu.memref_slice %arg11[%add3A_41, %dma_wait3A] : memref<10240x128xf32, #tpu.memory_space<vmem_shared>> -> memref<40x128xf32, #tpu.memory_space<vmem_shared>>
      %dma_wait3A_64 = arith.constant 0 : i32
      %dma_wait3A_65 = tpu.memref_slice %arg11[%add3A_41, %dma_wait3A_64] : memref<10240x128xf32, #tpu.memory_space<vmem_shared>> -> memref<40x128xf32, #tpu.memory_space<vmem_shared>>
      tpu.wait_dma2 semaphore(%run_scoped3A : memref<!tpu.dma_semaphore, #tpu.memory_space<semaphore_mem>>) src(%arg10 : memref<40x128xf32, #tpu.memory_space<vmem>>) dst(%dma_wait3A_65 : memref<40x128xf32, #tpu.memory_space<vmem_shared>>)
      tpu.yield
    }) : () -> ()
    %barrier3A = arith.constant 0 : index
    tpu.barrier barrier_id(%barrier3A)
    %scan3A_42 = arith.constant 0 : i32
    %scan3A_43 = arith.constant 0 : i32
    %scan3A_44 = arith.constant 2 : i32
    %scan3A_45 = arith.addi %scan3A_43, %scan3A_44 : i32
    %scan3A_46 = arith.constant 1 : i32
    %scan3A_47 = scf.for %scan3A_60 = %scan3A_43 to %scan3A_45 step %scan3A_46 iter_args(%scan3A_61 = %scan3A_42) -> (i32)  : i32 {
      %mul3A_62 = arith.constant 40 : i32
      %mul3A_63 = arith.muli %scan3A_60, %mul3A_62 : i32
      "tpu.region"() ({
        %run_scoped3A = tpu.sem_alloc : memref<!tpu.dma_semaphore, #tpu.memory_space<semaphore_mem>>
        %dma_start3A_98 = arith.constant 0 : i32
        %dma_start3A_99 = tpu.memref_slice %arg3[%add3A, %mul3A_63, %dma_start3A_98] : memref<32x80x128xi32, #tpu.memory_space<hbm>> -> memref<1x40x128xi32, #tpu.memory_space<hbm>>
        %dma_start3A_100 = tpu.memref_squeeze %dma_start3A_99 : memref<1x40x128xi32, #tpu.memory_space<hbm>> -> memref<40x128xi32, #tpu.memory_space<hbm>>
        %dma_start3A_101 = arith.constant 0 : i32
        %dma_start3A_102 = tpu.memref_slice %arg3[%add3A, %mul3A_63, %dma_start3A_101] : memref<32x80x128xi32, #tpu.memory_space<hbm>> -> memref<1x40x128xi32, #tpu.memory_space<hbm>>
        %dma_start3A_103 = tpu.memref_squeeze %dma_start3A_102 : memref<1x40x128xi32, #tpu.memory_space<hbm>> -> memref<40x128xi32, #tpu.memory_space<hbm>>
        tpu.enqueue_dma source(%dma_start3A_103 : memref<40x128xi32, #tpu.memory_space<hbm>>) target(%arg6 : memref<40x128xi32, #tpu.memory_space<vmem>>) target_semaphore(%run_scoped3A : memref<!tpu.dma_semaphore, #tpu.memory_space<semaphore_mem>>)
        %dma_wait3A_104 = arith.constant 0 : i32
        %dma_wait3A_105 = tpu.memref_slice %arg3[%add3A, %mul3A_63, %dma_wait3A_104] : memref<32x80x128xi32, #tpu.memory_space<hbm>> -> memref<1x40x128xi32, #tpu.memory_space<hbm>>
        %dma_wait3A_106 = tpu.memref_squeeze %dma_wait3A_105 : memref<1x40x128xi32, #tpu.memory_space<hbm>> -> memref<40x128xi32, #tpu.memory_space<hbm>>
        %dma_wait3A_107 = arith.constant 0 : i32
        %dma_wait3A_108 = tpu.memref_slice %arg3[%add3A, %mul3A_63, %dma_wait3A_107] : memref<32x80x128xi32, #tpu.memory_space<hbm>> -> memref<1x40x128xi32, #tpu.memory_space<hbm>>
        %dma_wait3A_109 = tpu.memref_squeeze %dma_wait3A_108 : memref<1x40x128xi32, #tpu.memory_space<hbm>> -> memref<40x128xi32, #tpu.memory_space<hbm>>
        tpu.wait_dma2 semaphore(%run_scoped3A : memref<!tpu.dma_semaphore, #tpu.memory_space<semaphore_mem>>) src(%dma_wait3A_109 : memref<40x128xi32, #tpu.memory_space<hbm>>) dst(%arg6 : memref<40x128xi32, #tpu.memory_space<vmem>>)
        tpu.yield
      }) : () -> ()
      %mul3A_64 = arith.constant 40 : i32
      %mul3A_65 = arith.muli %scan3A_60, %mul3A_64 : i32
      "tpu.region"() ({
        %run_scoped3A = tpu.sem_alloc : memref<!tpu.dma_semaphore, #tpu.memory_space<semaphore_mem>>
        %dma_start3A_98 = arith.constant 0 : i32
        %dma_start3A_99 = tpu.memref_slice %arg4[%add3A, %mul3A_65, %dma_start3A_98] : memref<32x80x128xi32, #tpu.memory_space<hbm>> -> memref<1x40x128xi32, #tpu.memory_space<hbm>>
        %dma_start3A_100 = tpu.memref_squeeze %dma_start3A_99 : memref<1x40x128xi32, #tpu.memory_space<hbm>> -> memref<40x128xi32, #tpu.memory_space<hbm>>
        %dma_start3A_101 = arith.constant 0 : i32
        %dma_start3A_102 = tpu.memref_slice %arg4[%add3A, %mul3A_65, %dma_start3A_101] : memref<32x80x128xi32, #tpu.memory_space<hbm>> -> memref<1x40x128xi32, #tpu.memory_space<hbm>>
        %dma_start3A_103 = tpu.memref_squeeze %dma_start3A_102 : memref<1x40x128xi32, #tpu.memory_space<hbm>> -> memref<40x128xi32, #tpu.memory_space<hbm>>
        tpu.enqueue_dma source(%dma_start3A_103 : memref<40x128xi32, #tpu.memory_space<hbm>>) target(%arg7 : memref<40x128xi32, #tpu.memory_space<vmem>>) target_semaphore(%run_scoped3A : memref<!tpu.dma_semaphore, #tpu.memory_space<semaphore_mem>>)
        %dma_wait3A_104 = arith.constant 0 : i32
        %dma_wait3A_105 = tpu.memref_slice %arg4[%add3A, %mul3A_65, %dma_wait3A_104] : memref<32x80x128xi32, #tpu.memory_space<hbm>> -> memref<1x40x128xi32, #tpu.memory_space<hbm>>
        %dma_wait3A_106 = tpu.memref_squeeze %dma_wait3A_105 : memref<1x40x128xi32, #tpu.memory_space<hbm>> -> memref<40x128xi32, #tpu.memory_space<hbm>>
        %dma_wait3A_107 = arith.constant 0 : i32
        %dma_wait3A_108 = tpu.memref_slice %arg4[%add3A, %mul3A_65, %dma_wait3A_107] : memref<32x80x128xi32, #tpu.memory_space<hbm>> -> memref<1x40x128xi32, #tpu.memory_space<hbm>>
        %dma_wait3A_109 = tpu.memref_squeeze %dma_wait3A_108 : memref<1x40x128xi32, #tpu.memory_space<hbm>> -> memref<40x128xi32, #tpu.memory_space<hbm>>
        tpu.wait_dma2 semaphore(%run_scoped3A : memref<!tpu.dma_semaphore, #tpu.memory_space<semaphore_mem>>) src(%dma_wait3A_109 : memref<40x128xi32, #tpu.memory_space<hbm>>) dst(%arg7 : memref<40x128xi32, #tpu.memory_space<vmem>>)
        tpu.yield
      }) : () -> ()
      %dma_start3A = arith.constant 0 : i32
      %dma_start3A_66 = arith.constant 0 : i32
      %dma_start3A_67 = tpu.memref_slice %arg6[%dma_start3A, %dma_start3A_66] : memref<40x128xi32, #tpu.memory_space<vmem>> -> memref<1x128xi32, #tpu.memory_space<vmem>>
      %dma_start3A_68 = tpu.memref_squeeze %dma_start3A_67 : memref<1x128xi32, #tpu.memory_space<vmem>> -> memref<128xi32, #tpu.memory_space<vmem>>
      %dma_start3A_69 = arith.constant 0 : i32
      %dma_start3A_70 = arith.constant 0 : i32
      %dma_start3A_71 = tpu.memref_slice %arg2[%dma_start3A_69, %dma_start3A_70] : memref<20480x128xf32, #tpu.memory_space<hbm>> -> memref<20480x128xf32, #tpu.memory_space<hbm>>
      tpu.enqueue_indirect_dma source(%dma_start3A_71 : memref<20480x128xf32, #tpu.memory_space<hbm>>) target(%arg8 : memref<128x128xf32, #tpu.memory_space<vmem>>) offsets(%dma_start3A_68 : memref<128xi32, #tpu.memory_space<vmem>>) semaphore(%arg12 : memref<!tpu.dma_semaphore, #tpu.memory_space<semaphore_mem>>)
      %dma_start3A_72 = arith.constant 1 : i32
      %dma_start3A_73 = arith.constant 0 : i32
      %dma_start3A_74 = tpu.memref_slice %arg6[%dma_start3A_72, %dma_start3A_73] : memref<40x128xi32, #tpu.memory_space<vmem>> -> memref<1x128xi32, #tpu.memory_space<vmem>>
      %dma_start3A_75 = tpu.memref_squeeze %dma_start3A_74 : memref<1x128xi32, #tpu.memory_space<vmem>> -> memref<128xi32, #tpu.memory_space<vmem>>
      %dma_start3A_76 = arith.constant 0 : i32
      %dma_start3A_77 = arith.constant 0 : i32
      %dma_start3A_78 = tpu.memref_slice %arg2[%dma_start3A_76, %dma_start3A_77] : memref<20480x128xf32, #tpu.memory_space<hbm>> -> memref<20480x128xf32, #tpu.memory_space<hbm>>
      tpu.enqueue_indirect_dma source(%dma_start3A_78 : memref<20480x128xf32, #tpu.memory_space<hbm>>) target(%arg9 : memref<128x128xf32, #tpu.memory_space<vmem>>) offsets(%dma_start3A_75 : memref<128xi32, #tpu.memory_space<vmem>>) semaphore(%arg13 : memref<!tpu.dma_semaphore, #tpu.memory_space<semaphore_mem>>)
      %scan3A_79 = arith.constant 0 : i32
      %scan3A_80 = arith.constant 0 : i32
      %scan3A_81 = arith.constant 20 : i32
      %scan3A_82 = arith.addi %scan3A_80, %scan3A_81 : i32
      %scan3A_83 = arith.constant 1 : i32
      %scan3A_84 = scf.for %scan3A_98 = %scan3A_80 to %scan3A_82 step %scan3A_83 iter_args(%scan3A_99 = %scan3A_79) -> (i32)  : i32 {
        %dma_wait3A_100 = arith.constant 0 : i32
        %dma_wait3A_101 = arith.constant 0 : i32
        %dma_wait3A_102 = tpu.memref_slice %arg2[%dma_wait3A_100, %dma_wait3A_101] : memref<20480x128xf32, #tpu.memory_space<hbm>> -> memref<128x128xf32, #tpu.memory_space<hbm>>
        %dma_wait3A_103 = arith.constant 0 : i32
        %dma_wait3A_104 = arith.constant 0 : i32
        %dma_wait3A_105 = tpu.memref_slice %arg2[%dma_wait3A_103, %dma_wait3A_104] : memref<20480x128xf32, #tpu.memory_space<hbm>> -> memref<128x128xf32, #tpu.memory_space<hbm>>
        tpu.wait_dma2 semaphore(%arg12 : memref<!tpu.dma_semaphore, #tpu.memory_space<semaphore_mem>>) src(%dma_wait3A_105 : memref<128x128xf32, #tpu.memory_space<hbm>>) dst(%arg8 : memref<128x128xf32, #tpu.memory_space<vmem>>)
        %mul3A_106 = arith.constant 2 : i32
        %mul3A_107 = arith.muli %mul3A_106, %scan3A_98 : i32
        %dma_start3A_108 = arith.constant 0 : i32
        %dma_start3A_109 = tpu.memref_slice %arg7[%mul3A_107, %dma_start3A_108] : memref<40x128xi32, #tpu.memory_space<vmem>> -> memref<1x128xi32, #tpu.memory_space<vmem>>
        %dma_start3A_110 = tpu.memref_squeeze %dma_start3A_109 : memref<1x128xi32, #tpu.memory_space<vmem>> -> memref<128xi32, #tpu.memory_space<vmem>>
        %dma_start3A_111 = arith.constant 0 : i32
        %dma_start3A_112 = arith.constant 0 : i32
        %dma_start3A_113 = tpu.memref_slice %arg11[%dma_start3A_111, %dma_start3A_112] : memref<10240x128xf32, #tpu.memory_space<vmem_shared>> -> memref<10240x128xf32, #tpu.memory_space<vmem_shared>>
        tpu.enqueue_indirect_dma source(%arg8 : memref<128x128xf32, #tpu.memory_space<vmem>>) target(%dma_start3A_113 : memref<10240x128xf32, #tpu.memory_space<vmem_shared>>) offsets(%dma_start3A_110 : memref<128xi32, #tpu.memory_space<vmem>>) semaphore(%arg14 : memref<!tpu.dma_semaphore, #tpu.memory_space<semaphore_mem>>) {add = true}
        %mul3A_114 = arith.constant 2 : i32
        %mul3A_115 = arith.muli %mul3A_114, %scan3A_98 : i32
        %add3A_116 = arith.constant 2 : i32
        %add3A_117 = arith.addi %mul3A_115, %add3A_116 : i32
        %lt3A = arith.constant 40 : i32
        %lt3A_118 = arith.cmpi slt, %add3A_117, %lt3A : i32
        %convert_element_type3A = arith.extui %lt3A_118 : i1 to i32
        %cond3A = arith.constant 0 : i32
        %cond3A_119 = arith.cmpi ne, %convert_element_type3A, %cond3A : i32
        scf.if %cond3A_119 {
          %dma_wait3A_146 = arith.constant 0 : i32
          %dma_wait3A_147 = arith.constant 0 : i32
          %dma_wait3A_148 = tpu.memref_slice %arg2[%dma_wait3A_146, %dma_wait3A_147] : memref<20480x128xf32, #tpu.memory_space<hbm>> -> memref<128x128xf32, #tpu.memory_space<hbm>>
          %dma_wait3A_149 = arith.constant 0 : i32
          %dma_wait3A_150 = arith.constant 0 : i32
          %dma_wait3A_151 = tpu.memref_slice %arg2[%dma_wait3A_149, %dma_wait3A_150] : memref<20480x128xf32, #tpu.memory_space<hbm>> -> memref<128x128xf32, #tpu.memory_space<hbm>>
          tpu.wait_dma2 semaphore(%arg14 : memref<!tpu.dma_semaphore, #tpu.memory_space<semaphore_mem>>) src(%dma_wait3A_151 : memref<128x128xf32, #tpu.memory_space<hbm>>) dst(%arg8 : memref<128x128xf32, #tpu.memory_space<vmem>>)
          %mul3A_152 = arith.constant 2 : i32
          %mul3A_153 = arith.muli %mul3A_152, %scan3A_98 : i32
          %add3A_154 = arith.constant 2 : i32
          %add3A_155 = arith.addi %mul3A_153, %add3A_154 : i32
          %dma_start3A_156 = arith.constant 0 : i32
          %dma_start3A_157 = tpu.memref_slice %arg6[%add3A_155, %dma_start3A_156] : memref<40x128xi32, #tpu.memory_space<vmem>> -> memref<1x128xi32, #tpu.memory_space<vmem>>
          %dma_start3A_158 = tpu.memref_squeeze %dma_start3A_157 : memref<1x128xi32, #tpu.memory_space<vmem>> -> memref<128xi32, #tpu.memory_space<vmem>>
          %dma_start3A_159 = arith.constant 0 : i32
          %dma_start3A_160 = arith.constant 0 : i32
          %dma_start3A_161 = tpu.memref_slice %arg2[%dma_start3A_159, %dma_start3A_160] : memref<20480x128xf32, #tpu.memory_space<hbm>> -> memref<20480x128xf32, #tpu.memory_space<hbm>>
          tpu.enqueue_indirect_dma source(%dma_start3A_161 : memref<20480x128xf32, #tpu.memory_space<hbm>>) target(%arg8 : memref<128x128xf32, #tpu.memory_space<vmem>>) offsets(%dma_start3A_158 : memref<128xi32, #tpu.memory_space<vmem>>) semaphore(%arg12 : memref<!tpu.dma_semaphore, #tpu.memory_space<semaphore_mem>>)
        } else {
        }
        %dma_wait3A_120 = arith.constant 0 : i32
        %dma_wait3A_121 = arith.constant 0 : i32
        %dma_wait3A_122 = tpu.memref_slice %arg2[%dma_wait3A_120, %dma_wait3A_121] : memref<20480x128xf32, #tpu.memory_space<hbm>> -> memref<128x128xf32, #tpu.memory_space<hbm>>
        %dma_wait3A_123 = arith.constant 0 : i32
        %dma_wait3A_124 = arith.constant 0 : i32
        %dma_wait3A_125 = tpu.memref_slice %arg2[%dma_wait3A_123, %dma_wait3A_124] : memref<20480x128xf32, #tpu.memory_space<hbm>> -> memref<128x128xf32, #tpu.memory_space<hbm>>
        tpu.wait_dma2 semaphore(%arg13 : memref<!tpu.dma_semaphore, #tpu.memory_space<semaphore_mem>>) src(%dma_wait3A_125 : memref<128x128xf32, #tpu.memory_space<hbm>>) dst(%arg9 : memref<128x128xf32, #tpu.memory_space<vmem>>)
        %mul3A_126 = arith.constant 2 : i32
        %mul3A_127 = arith.muli %mul3A_126, %scan3A_98 : i32
        %add3A_128 = arith.constant 1 : i32
        %add3A_129 = arith.addi %mul3A_127, %add3A_128 : i32
        %dma_start3A_130 = arith.constant 0 : i32
        %dma_start3A_131 = tpu.memref_slice %arg7[%add3A_129, %dma_start3A_130] : memref<40x128xi32, #tpu.memory_space<vmem>> -> memref<1x128xi32, #tpu.memory_space<vmem>>
        %dma_start3A_132 = tpu.memref_squeeze %dma_start3A_131 : memref<1x128xi32, #tpu.memory_space<vmem>> -> memref<128xi32, #tpu.memory_space<vmem>>
        %dma_start3A_133 = arith.constant 0 : i32
        %dma_start3A_134 = arith.constant 0 : i32
        %dma_start3A_135 = tpu.memref_slice %arg11[%dma_start3A_133, %dma_start3A_134] : memref<10240x128xf32, #tpu.memory_space<vmem_shared>> -> memref<10240x128xf32, #tpu.memory_space<vmem_shared>>
        tpu.enqueue_indirect_dma source(%arg9 : memref<128x128xf32, #tpu.memory_space<vmem>>) target(%dma_start3A_135 : memref<10240x128xf32, #tpu.memory_space<vmem_shared>>) offsets(%dma_start3A_132 : memref<128xi32, #tpu.memory_space<vmem>>) semaphore(%arg15 : memref<!tpu.dma_semaphore, #tpu.memory_space<semaphore_mem>>) {add = true}
        %mul3A_136 = arith.constant 2 : i32
        %mul3A_137 = arith.muli %mul3A_136, %scan3A_98 : i32
        %add3A_138 = arith.constant 3 : i32
        %add3A_139 = arith.addi %mul3A_137, %add3A_138 : i32
        %lt3A_140 = arith.constant 40 : i32
        %lt3A_141 = arith.cmpi slt, %add3A_139, %lt3A_140 : i32
        %convert_element_type3A_142 = arith.extui %lt3A_141 : i1 to i32
        %cond3A_143 = arith.constant 0 : i32
        %cond3A_144 = arith.cmpi ne, %convert_element_type3A_142, %cond3A_143 : i32
        scf.if %cond3A_144 {
          %dma_wait3A_146 = arith.constant 0 : i32
          %dma_wait3A_147 = arith.constant 0 : i32
          %dma_wait3A_148 = tpu.memref_slice %arg2[%dma_wait3A_146, %dma_wait3A_147] : memref<20480x128xf32, #tpu.memory_space<hbm>> -> memref<128x128xf32, #tpu.memory_space<hbm>>
          %dma_wait3A_149 = arith.constant 0 : i32
          %dma_wait3A_150 = arith.constant 0 : i32
          %dma_wait3A_151 = tpu.memref_slice %arg2[%dma_wait3A_149, %dma_wait3A_150] : memref<20480x128xf32, #tpu.memory_space<hbm>> -> memref<128x128xf32, #tpu.memory_space<hbm>>
          tpu.wait_dma2 semaphore(%arg15 : memref<!tpu.dma_semaphore, #tpu.memory_space<semaphore_mem>>) src(%dma_wait3A_151 : memref<128x128xf32, #tpu.memory_space<hbm>>) dst(%arg9 : memref<128x128xf32, #tpu.memory_space<vmem>>)
          %mul3A_152 = arith.constant 2 : i32
          %mul3A_153 = arith.muli %mul3A_152, %scan3A_98 : i32
          %add3A_154 = arith.constant 3 : i32
          %add3A_155 = arith.addi %mul3A_153, %add3A_154 : i32
          %dma_start3A_156 = arith.constant 0 : i32
          %dma_start3A_157 = tpu.memref_slice %arg6[%add3A_155, %dma_start3A_156] : memref<40x128xi32, #tpu.memory_space<vmem>> -> memref<1x128xi32, #tpu.memory_space<vmem>>
          %dma_start3A_158 = tpu.memref_squeeze %dma_start3A_157 : memref<1x128xi32, #tpu.memory_space<vmem>> -> memref<128xi32, #tpu.memory_space<vmem>>
          %dma_start3A_159 = arith.constant 0 : i32
          %dma_start3A_160 = arith.constant 0 : i32
          %dma_start3A_161 = tpu.memref_slice %arg2[%dma_start3A_159, %dma_start3A_160] : memref<20480x128xf32, #tpu.memory_space<hbm>> -> memref<20480x128xf32, #tpu.memory_space<hbm>>
          tpu.enqueue_indirect_dma source(%dma_start3A_161 : memref<20480x128xf32, #tpu.memory_space<hbm>>) target(%arg9 : memref<128x128xf32, #tpu.memory_space<vmem>>) offsets(%dma_start3A_158 : memref<128xi32, #tpu.memory_space<vmem>>) semaphore(%arg13 : memref<!tpu.dma_semaphore, #tpu.memory_space<semaphore_mem>>)
        } else {
        }
        %scan3A_145 = arith.constant 0 : i32
        scf.yield %scan3A_145 : i32
      }
      %scan3A_85 = arith.constant 20 : i32
      %dma_wait3A = arith.constant 0 : i32
      %dma_wait3A_86 = arith.constant 0 : i32
      %dma_wait3A_87 = tpu.memref_slice %arg2[%dma_wait3A, %dma_wait3A_86] : memref<20480x128xf32, #tpu.memory_space<hbm>> -> memref<128x128xf32, #tpu.memory_space<hbm>>
      %dma_wait3A_88 = arith.constant 0 : i32
      %dma_wait3A_89 = arith.constant 0 : i32
      %dma_wait3A_90 = tpu.memref_slice %arg2[%dma_wait3A_88, %dma_wait3A_89] : memref<20480x128xf32, #tpu.memory_space<hbm>> -> memref<128x128xf32, #tpu.memory_space<hbm>>
      tpu.wait_dma2 semaphore(%arg14 : memref<!tpu.dma_semaphore, #tpu.memory_space<semaphore_mem>>) src(%dma_wait3A_90 : memref<128x128xf32, #tpu.memory_space<hbm>>) dst(%arg8 : memref<128x128xf32, #tpu.memory_space<vmem>>)
      %dma_wait3A_91 = arith.constant 0 : i32
      %dma_wait3A_92 = arith.constant 0 : i32
      %dma_wait3A_93 = tpu.memref_slice %arg2[%dma_wait3A_91, %dma_wait3A_92] : memref<20480x128xf32, #tpu.memory_space<hbm>> -> memref<128x128xf32, #tpu.memory_space<hbm>>
      %dma_wait3A_94 = arith.constant 0 : i32
      %dma_wait3A_95 = arith.constant 0 : i32
      %dma_wait3A_96 = tpu.memref_slice %arg2[%dma_wait3A_94, %dma_wait3A_95] : memref<20480x128xf32, #tpu.memory_space<hbm>> -> memref<128x128xf32, #tpu.memory_space<hbm>>
      tpu.wait_dma2 semaphore(%arg15 : memref<!tpu.dma_semaphore, #tpu.memory_space<semaphore_mem>>) src(%dma_wait3A_96 : memref<128x128xf32, #tpu.memory_space<hbm>>) dst(%arg9 : memref<128x128xf32, #tpu.memory_space<vmem>>)
      %scan3A_97 = arith.constant 0 : i32
      scf.yield %scan3A_97 : i32
    }
    %scan3A_48 = arith.constant 2 : i32
    %barrier3A_49 = arith.constant 0 : index
    tpu.barrier barrier_id(%barrier3A_49)
    %mul3A_50 = arith.constant 10240 : i32
    %mul3A_51 = arith.muli %arg0, %mul3A_50 : i32
    %add3A_52 = arith.addi %mul3A_51, %mul3A_0 : i32
    %scan3A_53 = arith.constant 0 : i32
    %scan3A_54 = arith.constant 0 : i32
    %scan3A_55 = arith.constant 16 : i32
    %scan3A_56 = arith.addi %scan3A_54, %scan3A_55 : i32
    %scan3A_57 = arith.constant 1 : i32
    %scan3A_58 = scf.for %scan3A_60 = %scan3A_54 to %scan3A_56 step %scan3A_57 iter_args(%scan3A_61 = %scan3A_53) -> (i32)  : i32 {
      %mul3A_62 = arith.constant 40 : i32
      %mul3A_63 = arith.muli %scan3A_60, %mul3A_62 : i32
      %add3A_64 = arith.addi %mul3A_0, %mul3A_63 : i32
      "tpu.region"() ({
        %run_scoped3A = tpu.sem_alloc : memref<!tpu.dma_semaphore, #tpu.memory_space<semaphore_mem>>
        %dma_start3A = arith.constant 0 : i32
        %dma_start3A_69 = tpu.memref_slice %arg11[%add3A_64, %dma_start3A] : memref<10240x128xf32, #tpu.memory_space<vmem_shared>> -> memref<40x128xf32, #tpu.memory_space<vmem_shared>>
        %dma_start3A_70 = arith.constant 0 : i32
        %dma_start3A_71 = tpu.memref_slice %arg11[%add3A_64, %dma_start3A_70] : memref<10240x128xf32, #tpu.memory_space<vmem_shared>> -> memref<40x128xf32, #tpu.memory_space<vmem_shared>>
        tpu.enqueue_dma source(%dma_start3A_71 : memref<40x128xf32, #tpu.memory_space<vmem_shared>>) target(%arg10 : memref<40x128xf32, #tpu.memory_space<vmem>>) target_semaphore(%run_scoped3A : memref<!tpu.dma_semaphore, #tpu.memory_space<semaphore_mem>>)
        %dma_wait3A = arith.constant 0 : i32
        %dma_wait3A_72 = tpu.memref_slice %arg11[%add3A_64, %dma_wait3A] : memref<10240x128xf32, #tpu.memory_space<vmem_shared>> -> memref<40x128xf32, #tpu.memory_space<vmem_shared>>
        %dma_wait3A_73 = arith.constant 0 : i32
        %dma_wait3A_74 = tpu.memref_slice %arg11[%add3A_64, %dma_wait3A_73] : memref<10240x128xf32, #tpu.memory_space<vmem_shared>> -> memref<40x128xf32, #tpu.memory_space<vmem_shared>>
        tpu.wait_dma2 semaphore(%run_scoped3A : memref<!tpu.dma_semaphore, #tpu.memory_space<semaphore_mem>>) src(%dma_wait3A_74 : memref<40x128xf32, #tpu.memory_space<vmem_shared>>) dst(%arg10 : memref<40x128xf32, #tpu.memory_space<vmem>>)
        tpu.yield
      }) : () -> ()
      %mul3A_65 = arith.constant 40 : i32
      %mul3A_66 = arith.muli %scan3A_60, %mul3A_65 : i32
      %add3A_67 = arith.addi %add3A_52, %mul3A_66 : i32
      "tpu.region"() ({
        %run_scoped3A = tpu.sem_alloc : memref<!tpu.dma_semaphore, #tpu.memory_space<semaphore_mem>>
        %dma_start3A = arith.constant 0 : i32
        %dma_start3A_69 = tpu.memref_slice %arg5[%add3A_67, %dma_start3A] : memref<20480x128xf32, #tpu.memory_space<hbm>> -> memref<40x128xf32, #tpu.memory_space<hbm>>
        %dma_start3A_70 = arith.constant 0 : i32
        %dma_start3A_71 = tpu.memref_slice %arg5[%add3A_67, %dma_start3A_70] : memref<20480x128xf32, #tpu.memory_space<hbm>> -> memref<40x128xf32, #tpu.memory_space<hbm>>
        tpu.enqueue_dma source(%arg10 : memref<40x128xf32, #tpu.memory_space<vmem>>) target(%dma_start3A_71 : memref<40x128xf32, #tpu.memory_space<hbm>>) target_semaphore(%run_scoped3A : memref<!tpu.dma_semaphore, #tpu.memory_space<semaphore_mem>>)
        %dma_wait3A = arith.constant 0 : i32
        %dma_wait3A_72 = tpu.memref_slice %arg5[%add3A_67, %dma_wait3A] : memref<20480x128xf32, #tpu.memory_space<hbm>> -> memref<40x128xf32, #tpu.memory_space<hbm>>
        %dma_wait3A_73 = arith.constant 0 : i32
        %dma_wait3A_74 = tpu.memref_slice %arg5[%add3A_67, %dma_wait3A_73] : memref<20480x128xf32, #tpu.memory_space<hbm>> -> memref<40x128xf32, #tpu.memory_space<hbm>>
        tpu.wait_dma2 semaphore(%run_scoped3A : memref<!tpu.dma_semaphore, #tpu.memory_space<semaphore_mem>>) src(%arg10 : memref<40x128xf32, #tpu.memory_space<vmem>>) dst(%dma_wait3A_74 : memref<40x128xf32, #tpu.memory_space<hbm>>)
        tpu.yield
      }) : () -> ()
      %scan3A_68 = arith.constant 0 : i32
      scf.yield %scan3A_68 : i32
    }
    %scan3A_59 = arith.constant 16 : i32
    return
  }
}

#map = affine_map<(d0, d1) -> (0, 0, 0)>
#map1 = affine_map<(d0, d1) -> (0, 0)>
module attributes {stable_mosaic.version = 14 : i64} {
  func.func @_hist_body(%arg0: i32, %arg1: i32, %arg2: memref<32x80x128xi32, #tpu.memory_space<hbm>>, %arg3: memref<20480x128xf32, #tpu.memory_space<hbm>>, %arg4: memref<40x128xi32, #tpu.memory_space<vmem>>, %arg5: memref<128x128xf32, #tpu.memory_space<vmem>>, %arg6: memref<40x128xf32, #tpu.memory_space<vmem>>, %arg7: memref<10240x128xf32, #tpu.memory_space<vmem_shared>>, %arg8: memref<!tpu.dma_semaphore, #tpu.memory_space<semaphore_mem>>, %arg9: memref<!tpu.dma_semaphore, #tpu.memory_space<semaphore_mem>>) attributes {dimension_semantics = [#tpu.dimension_semantics<core_parallel>, #tpu.dimension_semantics<subcore_parallel>], iteration_bounds = array<i64: 2, 16>, scalar_prefetch = 0 : i64, scratch_operands = 6 : i64, tpu.core_type = #tpu.core_type<sc_vector_subcore>, window_params = [{transform_indices = #map}, {transform_indices = #map1}]} {
    %mul3A = arith.constant 640 : i32
    %mul3A_0 = arith.muli %arg1, %mul3A : i32
    %broadcast_in_dim3A = arith.constant 0.000000e+00 : f32
    %broadcast_in_dim3A_1 = vector.broadcast %broadcast_in_dim3A : f32 to vector<16xf32>
    %scan3A = arith.constant 0 : i32
    %scan3A_2 = arith.constant 0 : i32
    %scan3A_3 = arith.constant 40 : i32
    %scan3A_4 = arith.addi %scan3A_2, %scan3A_3 : i32
    %scan3A_5 = arith.constant 1 : i32
    %scan3A_6 = scf.for %scan3A_69 = %scan3A_2 to %scan3A_4 step %scan3A_5 iter_args(%scan3A_70 = %scan3A) -> (i32)  : i32 {
      %swap3A = arith.index_cast %scan3A_69 : i32 to index
      %swap3A_71 = arith.constant 0 : index
      %swap3A_72 = tpu.vector_load %arg6[%swap3A, %swap3A_71] {strides = array<i32>} : memref<40x128xf32, #tpu.memory_space<vmem>>, vector<1x16xf32>,
      %swap3A_73 = vector.shape_cast %swap3A_72 : vector<1x16xf32> to vector<16xf32>
      %swap3A_74 = vector.shape_cast %broadcast_in_dim3A_1 : vector<16xf32> to vector<1x16xf32>
      tpu.vector_store %arg6[%swap3A, %swap3A_71], %swap3A_74 {strides = array<i32>} : memref<40x128xf32, #tpu.memory_space<vmem>>, vector<1x16xf32>,
      %swap3A_75 = arith.index_cast %scan3A_69 : i32 to index
      %swap3A_76 = arith.constant 16 : index
      %swap3A_77 = tpu.vector_load %arg6[%swap3A_75, %swap3A_76] {strides = array<i32>} : memref<40x128xf32, #tpu.memory_space<vmem>>, vector<1x16xf32>,
      %swap3A_78 = vector.shape_cast %swap3A_77 : vector<1x16xf32> to vector<16xf32>
      %swap3A_79 = vector.shape_cast %broadcast_in_dim3A_1 : vector<16xf32> to vector<1x16xf32>
      tpu.vector_store %arg6[%swap3A_75, %swap3A_76], %swap3A_79 {strides = array<i32>} : memref<40x128xf32, #tpu.memory_space<vmem>>, vector<1x16xf32>,
      %swap3A_80 = arith.index_cast %scan3A_69 : i32 to index
      %swap3A_81 = arith.constant 32 : index
      %swap3A_82 = tpu.vector_load %arg6[%swap3A_80, %swap3A_81] {strides = array<i32>} : memref<40x128xf32, #tpu.memory_space<vmem>>, vector<1x16xf32>,
      %swap3A_83 = vector.shape_cast %swap3A_82 : vector<1x16xf32> to vector<16xf32>
      %swap3A_84 = vector.shape_cast %broadcast_in_dim3A_1 : vector<16xf32> to vector<1x16xf32>
      tpu.vector_store %arg6[%swap3A_80, %swap3A_81], %swap3A_84 {strides = array<i32>} : memref<40x128xf32, #tpu.memory_space<vmem>>, vector<1x16xf32>,
      %swap3A_85 = arith.index_cast %scan3A_69 : i32 to index
      %swap3A_86 = arith.constant 48 : index
      %swap3A_87 = tpu.vector_load %arg6[%swap3A_85, %swap3A_86] {strides = array<i32>} : memref<40x128xf32, #tpu.memory_space<vmem>>, vector<1x16xf32>,
      %swap3A_88 = vector.shape_cast %swap3A_87 : vector<1x16xf32> to vector<16xf32>
      %swap3A_89 = vector.shape_cast %broadcast_in_dim3A_1 : vector<16xf32> to vector<1x16xf32>
      tpu.vector_store %arg6[%swap3A_85, %swap3A_86], %swap3A_89 {strides = array<i32>} : memref<40x128xf32, #tpu.memory_space<vmem>>, vector<1x16xf32>,
      %swap3A_90 = arith.index_cast %scan3A_69 : i32 to index
      %swap3A_91 = arith.constant 64 : index
      %swap3A_92 = tpu.vector_load %arg6[%swap3A_90, %swap3A_91] {strides = array<i32>} : memref<40x128xf32, #tpu.memory_space<vmem>>, vector<1x16xf32>,
      %swap3A_93 = vector.shape_cast %swap3A_92 : vector<1x16xf32> to vector<16xf32>
      %swap3A_94 = vector.shape_cast %broadcast_in_dim3A_1 : vector<16xf32> to vector<1x16xf32>
      tpu.vector_store %arg6[%swap3A_90, %swap3A_91], %swap3A_94 {strides = array<i32>} : memref<40x128xf32, #tpu.memory_space<vmem>>, vector<1x16xf32>,
      %swap3A_95 = arith.index_cast %scan3A_69 : i32 to index
      %swap3A_96 = arith.constant 80 : index
      %swap3A_97 = tpu.vector_load %arg6[%swap3A_95, %swap3A_96] {strides = array<i32>} : memref<40x128xf32, #tpu.memory_space<vmem>>, vector<1x16xf32>,
      %swap3A_98 = vector.shape_cast %swap3A_97 : vector<1x16xf32> to vector<16xf32>
      %swap3A_99 = vector.shape_cast %broadcast_in_dim3A_1 : vector<16xf32> to vector<1x16xf32>
      tpu.vector_store %arg6[%swap3A_95, %swap3A_96], %swap3A_99 {strides = array<i32>} : memref<40x128xf32, #tpu.memory_space<vmem>>, vector<1x16xf32>,
      %swap3A_100 = arith.index_cast %scan3A_69 : i32 to index
      %swap3A_101 = arith.constant 96 : index
      %swap3A_102 = tpu.vector_load %arg6[%swap3A_100, %swap3A_101] {strides = array<i32>} : memref<40x128xf32, #tpu.memory_space<vmem>>, vector<1x16xf32>,
      %swap3A_103 = vector.shape_cast %swap3A_102 : vector<1x16xf32> to vector<16xf32>
      %swap3A_104 = vector.shape_cast %broadcast_in_dim3A_1 : vector<16xf32> to vector<1x16xf32>
      tpu.vector_store %arg6[%swap3A_100, %swap3A_101], %swap3A_104 {strides = array<i32>} : memref<40x128xf32, #tpu.memory_space<vmem>>, vector<1x16xf32>,
      %swap3A_105 = arith.index_cast %scan3A_69 : i32 to index
      %swap3A_106 = arith.constant 112 : index
      %swap3A_107 = tpu.vector_load %arg6[%swap3A_105, %swap3A_106] {strides = array<i32>} : memref<40x128xf32, #tpu.memory_space<vmem>>, vector<1x16xf32>,
      %swap3A_108 = vector.shape_cast %swap3A_107 : vector<1x16xf32> to vector<16xf32>
      %swap3A_109 = vector.shape_cast %broadcast_in_dim3A_1 : vector<16xf32> to vector<1x16xf32>
      tpu.vector_store %arg6[%swap3A_105, %swap3A_106], %swap3A_109 {strides = array<i32>} : memref<40x128xf32, #tpu.memory_space<vmem>>, vector<1x16xf32>,
      %scan3A_110 = arith.constant 0 : i32
      scf.yield %scan3A_110 : i32
    }
    %scan3A_7 = arith.constant 40 : i32
    %add3A = arith.constant 0 : i32
    %add3A_8 = arith.addi %mul3A_0, %add3A : i32
    "tpu.region"() ({
      %run_scoped3A = tpu.sem_alloc : memref<!tpu.dma_semaphore, #tpu.memory_space<semaphore_mem>>
      %dma_start3A = arith.constant 0 : i32
      %dma_start3A_69 = tpu.memref_slice %arg7[%add3A_8, %dma_start3A] : memref<10240x128xf32, #tpu.memory_space<vmem_shared>> -> memref<40x128xf32, #tpu.memory_space<vmem_shared>>
      %dma_start3A_70 = arith.constant 0 : i32
      %dma_start3A_71 = tpu.memref_slice %arg7[%add3A_8, %dma_start3A_70] : memref<10240x128xf32, #tpu.memory_space<vmem_shared>> -> memref<40x128xf32, #tpu.memory_space<vmem_shared>>
      tpu.enqueue_dma source(%arg6 : memref<40x128xf32, #tpu.memory_space<vmem>>) target(%dma_start3A_71 : memref<40x128xf32, #tpu.memory_space<vmem_shared>>) target_semaphore(%run_scoped3A : memref<!tpu.dma_semaphore, #tpu.memory_space<semaphore_mem>>)
      %dma_wait3A = arith.constant 0 : i32
      %dma_wait3A_72 = tpu.memref_slice %arg7[%add3A_8, %dma_wait3A] : memref<10240x128xf32, #tpu.memory_space<vmem_shared>> -> memref<40x128xf32, #tpu.memory_space<vmem_shared>>
      %dma_wait3A_73 = arith.constant 0 : i32
      %dma_wait3A_74 = tpu.memref_slice %arg7[%add3A_8, %dma_wait3A_73] : memref<10240x128xf32, #tpu.memory_space<vmem_shared>> -> memref<40x128xf32, #tpu.memory_space<vmem_shared>>
      tpu.wait_dma2 semaphore(%run_scoped3A : memref<!tpu.dma_semaphore, #tpu.memory_space<semaphore_mem>>) src(%arg6 : memref<40x128xf32, #tpu.memory_space<vmem>>) dst(%dma_wait3A_74 : memref<40x128xf32, #tpu.memory_space<vmem_shared>>)
      tpu.yield
    }) : () -> ()
    %add3A_9 = arith.constant 40 : i32
    %add3A_10 = arith.addi %mul3A_0, %add3A_9 : i32
    "tpu.region"() ({
      %run_scoped3A = tpu.sem_alloc : memref<!tpu.dma_semaphore, #tpu.memory_space<semaphore_mem>>
      %dma_start3A = arith.constant 0 : i32
      %dma_start3A_69 = tpu.memref_slice %arg7[%add3A_10, %dma_start3A] : memref<10240x128xf32, #tpu.memory_space<vmem_shared>> -> memref<40x128xf32, #tpu.memory_space<vmem_shared>>
      %dma_start3A_70 = arith.constant 0 : i32
      %dma_start3A_71 = tpu.memref_slice %arg7[%add3A_10, %dma_start3A_70] : memref<10240x128xf32, #tpu.memory_space<vmem_shared>> -> memref<40x128xf32, #tpu.memory_space<vmem_shared>>
      tpu.enqueue_dma source(%arg6 : memref<40x128xf32, #tpu.memory_space<vmem>>) target(%dma_start3A_71 : memref<40x128xf32, #tpu.memory_space<vmem_shared>>) target_semaphore(%run_scoped3A : memref<!tpu.dma_semaphore, #tpu.memory_space<semaphore_mem>>)
      %dma_wait3A = arith.constant 0 : i32
      %dma_wait3A_72 = tpu.memref_slice %arg7[%add3A_10, %dma_wait3A] : memref<10240x128xf32, #tpu.memory_space<vmem_shared>> -> memref<40x128xf32, #tpu.memory_space<vmem_shared>>
      %dma_wait3A_73 = arith.constant 0 : i32
      %dma_wait3A_74 = tpu.memref_slice %arg7[%add3A_10, %dma_wait3A_73] : memref<10240x128xf32, #tpu.memory_space<vmem_shared>> -> memref<40x128xf32, #tpu.memory_space<vmem_shared>>
      tpu.wait_dma2 semaphore(%run_scoped3A : memref<!tpu.dma_semaphore, #tpu.memory_space<semaphore_mem>>) src(%arg6 : memref<40x128xf32, #tpu.memory_space<vmem>>) dst(%dma_wait3A_74 : memref<40x128xf32, #tpu.memory_space<vmem_shared>>)
      tpu.yield
    }) : () -> ()
    %add3A_11 = arith.constant 80 : i32
    %add3A_12 = arith.addi %mul3A_0, %add3A_11 : i32
    "tpu.region"() ({
      %run_scoped3A = tpu.sem_alloc : memref<!tpu.dma_semaphore, #tpu.memory_space<semaphore_mem>>
      %dma_start3A = arith.constant 0 : i32
      %dma_start3A_69 = tpu.memref_slice %arg7[%add3A_12, %dma_start3A] : memref<10240x128xf32, #tpu.memory_space<vmem_shared>> -> memref<40x128xf32, #tpu.memory_space<vmem_shared>>
      %dma_start3A_70 = arith.constant 0 : i32
      %dma_start3A_71 = tpu.memref_slice %arg7[%add3A_12, %dma_start3A_70] : memref<10240x128xf32, #tpu.memory_space<vmem_shared>> -> memref<40x128xf32, #tpu.memory_space<vmem_shared>>
      tpu.enqueue_dma source(%arg6 : memref<40x128xf32, #tpu.memory_space<vmem>>) target(%dma_start3A_71 : memref<40x128xf32, #tpu.memory_space<vmem_shared>>) target_semaphore(%run_scoped3A : memref<!tpu.dma_semaphore, #tpu.memory_space<semaphore_mem>>)
      %dma_wait3A = arith.constant 0 : i32
      %dma_wait3A_72 = tpu.memref_slice %arg7[%add3A_12, %dma_wait3A] : memref<10240x128xf32, #tpu.memory_space<vmem_shared>> -> memref<40x128xf32, #tpu.memory_space<vmem_shared>>
      %dma_wait3A_73 = arith.constant 0 : i32
      %dma_wait3A_74 = tpu.memref_slice %arg7[%add3A_12, %dma_wait3A_73] : memref<10240x128xf32, #tpu.memory_space<vmem_shared>> -> memref<40x128xf32, #tpu.memory_space<vmem_shared>>
      tpu.wait_dma2 semaphore(%run_scoped3A : memref<!tpu.dma_semaphore, #tpu.memory_space<semaphore_mem>>) src(%arg6 : memref<40x128xf32, #tpu.memory_space<vmem>>) dst(%dma_wait3A_74 : memref<40x128xf32, #tpu.memory_space<vmem_shared>>)
      tpu.yield
    }) : () -> ()
    %add3A_13 = arith.constant 120 : i32
    %add3A_14 = arith.addi %mul3A_0, %add3A_13 : i32
    "tpu.region"() ({
      %run_scoped3A = tpu.sem_alloc : memref<!tpu.dma_semaphore, #tpu.memory_space<semaphore_mem>>
      %dma_start3A = arith.constant 0 : i32
      %dma_start3A_69 = tpu.memref_slice %arg7[%add3A_14, %dma_start3A] : memref<10240x128xf32, #tpu.memory_space<vmem_shared>> -> memref<40x128xf32, #tpu.memory_space<vmem_shared>>
      %dma_start3A_70 = arith.constant 0 : i32
      %dma_start3A_71 = tpu.memref_slice %arg7[%add3A_14, %dma_start3A_70] : memref<10240x128xf32, #tpu.memory_space<vmem_shared>> -> memref<40x128xf32, #tpu.memory_space<vmem_shared>>
      tpu.enqueue_dma source(%arg6 : memref<40x128xf32, #tpu.memory_space<vmem>>) target(%dma_start3A_71 : memref<40x128xf32, #tpu.memory_space<vmem_shared>>) target_semaphore(%run_scoped3A : memref<!tpu.dma_semaphore, #tpu.memory_space<semaphore_mem>>)
      %dma_wait3A = arith.constant 0 : i32
      %dma_wait3A_72 = tpu.memref_slice %arg7[%add3A_14, %dma_wait3A] : memref<10240x128xf32, #tpu.memory_space<vmem_shared>> -> memref<40x128xf32, #tpu.memory_space<vmem_shared>>
      %dma_wait3A_73 = arith.constant 0 : i32
      %dma_wait3A_74 = tpu.memref_slice %arg7[%add3A_14, %dma_wait3A_73] : memref<10240x128xf32, #tpu.memory_space<vmem_shared>> -> memref<40x128xf32, #tpu.memory_space<vmem_shared>>
      tpu.wait_dma2 semaphore(%run_scoped3A : memref<!tpu.dma_semaphore, #tpu.memory_space<semaphore_mem>>) src(%arg6 : memref<40x128xf32, #tpu.memory_space<vmem>>) dst(%dma_wait3A_74 : memref<40x128xf32, #tpu.memory_space<vmem_shared>>)
      tpu.yield
    }) : () -> ()
    %add3A_15 = arith.constant 160 : i32
    %add3A_16 = arith.addi %mul3A_0, %add3A_15 : i32
    "tpu.region"() ({
      %run_scoped3A = tpu.sem_alloc : memref<!tpu.dma_semaphore, #tpu.memory_space<semaphore_mem>>
      %dma_start3A = arith.constant 0 : i32
      %dma_start3A_69 = tpu.memref_slice %arg7[%add3A_16, %dma_start3A] : memref<10240x128xf32, #tpu.memory_space<vmem_shared>> -> memref<40x128xf32, #tpu.memory_space<vmem_shared>>
      %dma_start3A_70 = arith.constant 0 : i32
      %dma_start3A_71 = tpu.memref_slice %arg7[%add3A_16, %dma_start3A_70] : memref<10240x128xf32, #tpu.memory_space<vmem_shared>> -> memref<40x128xf32, #tpu.memory_space<vmem_shared>>
      tpu.enqueue_dma source(%arg6 : memref<40x128xf32, #tpu.memory_space<vmem>>) target(%dma_start3A_71 : memref<40x128xf32, #tpu.memory_space<vmem_shared>>) target_semaphore(%run_scoped3A : memref<!tpu.dma_semaphore, #tpu.memory_space<semaphore_mem>>)
      %dma_wait3A = arith.constant 0 : i32
      %dma_wait3A_72 = tpu.memref_slice %arg7[%add3A_16, %dma_wait3A] : memref<10240x128xf32, #tpu.memory_space<vmem_shared>> -> memref<40x128xf32, #tpu.memory_space<vmem_shared>>
      %dma_wait3A_73 = arith.constant 0 : i32
      %dma_wait3A_74 = tpu.memref_slice %arg7[%add3A_16, %dma_wait3A_73] : memref<10240x128xf32, #tpu.memory_space<vmem_shared>> -> memref<40x128xf32, #tpu.memory_space<vmem_shared>>
      tpu.wait_dma2 semaphore(%run_scoped3A : memref<!tpu.dma_semaphore, #tpu.memory_space<semaphore_mem>>) src(%arg6 : memref<40x128xf32, #tpu.memory_space<vmem>>) dst(%dma_wait3A_74 : memref<40x128xf32, #tpu.memory_space<vmem_shared>>)
      tpu.yield
    }) : () -> ()
    %add3A_17 = arith.constant 200 : i32
    %add3A_18 = arith.addi %mul3A_0, %add3A_17 : i32
    "tpu.region"() ({
      %run_scoped3A = tpu.sem_alloc : memref<!tpu.dma_semaphore, #tpu.memory_space<semaphore_mem>>
      %dma_start3A = arith.constant 0 : i32
      %dma_start3A_69 = tpu.memref_slice %arg7[%add3A_18, %dma_start3A] : memref<10240x128xf32, #tpu.memory_space<vmem_shared>> -> memref<40x128xf32, #tpu.memory_space<vmem_shared>>
      %dma_start3A_70 = arith.constant 0 : i32
      %dma_start3A_71 = tpu.memref_slice %arg7[%add3A_18, %dma_start3A_70] : memref<10240x128xf32, #tpu.memory_space<vmem_shared>> -> memref<40x128xf32, #tpu.memory_space<vmem_shared>>
      tpu.enqueue_dma source(%arg6 : memref<40x128xf32, #tpu.memory_space<vmem>>) target(%dma_start3A_71 : memref<40x128xf32, #tpu.memory_space<vmem_shared>>) target_semaphore(%run_scoped3A : memref<!tpu.dma_semaphore, #tpu.memory_space<semaphore_mem>>)
      %dma_wait3A = arith.constant 0 : i32
      %dma_wait3A_72 = tpu.memref_slice %arg7[%add3A_18, %dma_wait3A] : memref<10240x128xf32, #tpu.memory_space<vmem_shared>> -> memref<40x128xf32, #tpu.memory_space<vmem_shared>>
      %dma_wait3A_73 = arith.constant 0 : i32
      %dma_wait3A_74 = tpu.memref_slice %arg7[%add3A_18, %dma_wait3A_73] : memref<10240x128xf32, #tpu.memory_space<vmem_shared>> -> memref<40x128xf32, #tpu.memory_space<vmem_shared>>
      tpu.wait_dma2 semaphore(%run_scoped3A : memref<!tpu.dma_semaphore, #tpu.memory_space<semaphore_mem>>) src(%arg6 : memref<40x128xf32, #tpu.memory_space<vmem>>) dst(%dma_wait3A_74 : memref<40x128xf32, #tpu.memory_space<vmem_shared>>)
      tpu.yield
    }) : () -> ()
    %add3A_19 = arith.constant 240 : i32
    %add3A_20 = arith.addi %mul3A_0, %add3A_19 : i32
    "tpu.region"() ({
      %run_scoped3A = tpu.sem_alloc : memref<!tpu.dma_semaphore, #tpu.memory_space<semaphore_mem>>
      %dma_start3A = arith.constant 0 : i32
      %dma_start3A_69 = tpu.memref_slice %arg7[%add3A_20, %dma_start3A] : memref<10240x128xf32, #tpu.memory_space<vmem_shared>> -> memref<40x128xf32, #tpu.memory_space<vmem_shared>>
      %dma_start3A_70 = arith.constant 0 : i32
      %dma_start3A_71 = tpu.memref_slice %arg7[%add3A_20, %dma_start3A_70] : memref<10240x128xf32, #tpu.memory_space<vmem_shared>> -> memref<40x128xf32, #tpu.memory_space<vmem_shared>>
      tpu.enqueue_dma source(%arg6 : memref<40x128xf32, #tpu.memory_space<vmem>>) target(%dma_start3A_71 : memref<40x128xf32, #tpu.memory_space<vmem_shared>>) target_semaphore(%run_scoped3A : memref<!tpu.dma_semaphore, #tpu.memory_space<semaphore_mem>>)
      %dma_wait3A = arith.constant 0 : i32
      %dma_wait3A_72 = tpu.memref_slice %arg7[%add3A_20, %dma_wait3A] : memref<10240x128xf32, #tpu.memory_space<vmem_shared>> -> memref<40x128xf32, #tpu.memory_space<vmem_shared>>
      %dma_wait3A_73 = arith.constant 0 : i32
      %dma_wait3A_74 = tpu.memref_slice %arg7[%add3A_20, %dma_wait3A_73] : memref<10240x128xf32, #tpu.memory_space<vmem_shared>> -> memref<40x128xf32, #tpu.memory_space<vmem_shared>>
      tpu.wait_dma2 semaphore(%run_scoped3A : memref<!tpu.dma_semaphore, #tpu.memory_space<semaphore_mem>>) src(%arg6 : memref<40x128xf32, #tpu.memory_space<vmem>>) dst(%dma_wait3A_74 : memref<40x128xf32, #tpu.memory_space<vmem_shared>>)
      tpu.yield
    }) : () -> ()
    %add3A_21 = arith.constant 280 : i32
    %add3A_22 = arith.addi %mul3A_0, %add3A_21 : i32
    "tpu.region"() ({
      %run_scoped3A = tpu.sem_alloc : memref<!tpu.dma_semaphore, #tpu.memory_space<semaphore_mem>>
      %dma_start3A = arith.constant 0 : i32
      %dma_start3A_69 = tpu.memref_slice %arg7[%add3A_22, %dma_start3A] : memref<10240x128xf32, #tpu.memory_space<vmem_shared>> -> memref<40x128xf32, #tpu.memory_space<vmem_shared>>
      %dma_start3A_70 = arith.constant 0 : i32
      %dma_start3A_71 = tpu.memref_slice %arg7[%add3A_22, %dma_start3A_70] : memref<10240x128xf32, #tpu.memory_space<vmem_shared>> -> memref<40x128xf32, #tpu.memory_space<vmem_shared>>
      tpu.enqueue_dma source(%arg6 : memref<40x128xf32, #tpu.memory_space<vmem>>) target(%dma_start3A_71 : memref<40x128xf32, #tpu.memory_space<vmem_shared>>) target_semaphore(%run_scoped3A : memref<!tpu.dma_semaphore, #tpu.memory_space<semaphore_mem>>)
      %dma_wait3A = arith.constant 0 : i32
      %dma_wait3A_72 = tpu.memref_slice %arg7[%add3A_22, %dma_wait3A] : memref<10240x128xf32, #tpu.memory_space<vmem_shared>> -> memref<40x128xf32, #tpu.memory_space<vmem_shared>>
      %dma_wait3A_73 = arith.constant 0 : i32
      %dma_wait3A_74 = tpu.memref_slice %arg7[%add3A_22, %dma_wait3A_73] : memref<10240x128xf32, #tpu.memory_space<vmem_shared>> -> memref<40x128xf32, #tpu.memory_space<vmem_shared>>
      tpu.wait_dma2 semaphore(%run_scoped3A : memref<!tpu.dma_semaphore, #tpu.memory_space<semaphore_mem>>) src(%arg6 : memref<40x128xf32, #tpu.memory_space<vmem>>) dst(%dma_wait3A_74 : memref<40x128xf32, #tpu.memory_space<vmem_shared>>)
      tpu.yield
    }) : () -> ()
    %add3A_23 = arith.constant 320 : i32
    %add3A_24 = arith.addi %mul3A_0, %add3A_23 : i32
    "tpu.region"() ({
      %run_scoped3A = tpu.sem_alloc : memref<!tpu.dma_semaphore, #tpu.memory_space<semaphore_mem>>
      %dma_start3A = arith.constant 0 : i32
      %dma_start3A_69 = tpu.memref_slice %arg7[%add3A_24, %dma_start3A] : memref<10240x128xf32, #tpu.memory_space<vmem_shared>> -> memref<40x128xf32, #tpu.memory_space<vmem_shared>>
      %dma_start3A_70 = arith.constant 0 : i32
      %dma_start3A_71 = tpu.memref_slice %arg7[%add3A_24, %dma_start3A_70] : memref<10240x128xf32, #tpu.memory_space<vmem_shared>> -> memref<40x128xf32, #tpu.memory_space<vmem_shared>>
      tpu.enqueue_dma source(%arg6 : memref<40x128xf32, #tpu.memory_space<vmem>>) target(%dma_start3A_71 : memref<40x128xf32, #tpu.memory_space<vmem_shared>>) target_semaphore(%run_scoped3A : memref<!tpu.dma_semaphore, #tpu.memory_space<semaphore_mem>>)
      %dma_wait3A = arith.constant 0 : i32
      %dma_wait3A_72 = tpu.memref_slice %arg7[%add3A_24, %dma_wait3A] : memref<10240x128xf32, #tpu.memory_space<vmem_shared>> -> memref<40x128xf32, #tpu.memory_space<vmem_shared>>
      %dma_wait3A_73 = arith.constant 0 : i32
      %dma_wait3A_74 = tpu.memref_slice %arg7[%add3A_24, %dma_wait3A_73] : memref<10240x128xf32, #tpu.memory_space<vmem_shared>> -> memref<40x128xf32, #tpu.memory_space<vmem_shared>>
      tpu.wait_dma2 semaphore(%run_scoped3A : memref<!tpu.dma_semaphore, #tpu.memory_space<semaphore_mem>>) src(%arg6 : memref<40x128xf32, #tpu.memory_space<vmem>>) dst(%dma_wait3A_74 : memref<40x128xf32, #tpu.memory_space<vmem_shared>>)
      tpu.yield
    }) : () -> ()
    %add3A_25 = arith.constant 360 : i32
    %add3A_26 = arith.addi %mul3A_0, %add3A_25 : i32
    "tpu.region"() ({
      %run_scoped3A = tpu.sem_alloc : memref<!tpu.dma_semaphore, #tpu.memory_space<semaphore_mem>>
      %dma_start3A = arith.constant 0 : i32
      %dma_start3A_69 = tpu.memref_slice %arg7[%add3A_26, %dma_start3A] : memref<10240x128xf32, #tpu.memory_space<vmem_shared>> -> memref<40x128xf32, #tpu.memory_space<vmem_shared>>
      %dma_start3A_70 = arith.constant 0 : i32
      %dma_start3A_71 = tpu.memref_slice %arg7[%add3A_26, %dma_start3A_70] : memref<10240x128xf32, #tpu.memory_space<vmem_shared>> -> memref<40x128xf32, #tpu.memory_space<vmem_shared>>
      tpu.enqueue_dma source(%arg6 : memref<40x128xf32, #tpu.memory_space<vmem>>) target(%dma_start3A_71 : memref<40x128xf32, #tpu.memory_space<vmem_shared>>) target_semaphore(%run_scoped3A : memref<!tpu.dma_semaphore, #tpu.memory_space<semaphore_mem>>)
      %dma_wait3A = arith.constant 0 : i32
      %dma_wait3A_72 = tpu.memref_slice %arg7[%add3A_26, %dma_wait3A] : memref<10240x128xf32, #tpu.memory_space<vmem_shared>> -> memref<40x128xf32, #tpu.memory_space<vmem_shared>>
      %dma_wait3A_73 = arith.constant 0 : i32
      %dma_wait3A_74 = tpu.memref_slice %arg7[%add3A_26, %dma_wait3A_73] : memref<10240x128xf32, #tpu.memory_space<vmem_shared>> -> memref<40x128xf32, #tpu.memory_space<vmem_shared>>
      tpu.wait_dma2 semaphore(%run_scoped3A : memref<!tpu.dma_semaphore, #tpu.memory_space<semaphore_mem>>) src(%arg6 : memref<40x128xf32, #tpu.memory_space<vmem>>) dst(%dma_wait3A_74 : memref<40x128xf32, #tpu.memory_space<vmem_shared>>)
      tpu.yield
    }) : () -> ()
    %add3A_27 = arith.constant 400 : i32
    %add3A_28 = arith.addi %mul3A_0, %add3A_27 : i32
    "tpu.region"() ({
      %run_scoped3A = tpu.sem_alloc : memref<!tpu.dma_semaphore, #tpu.memory_space<semaphore_mem>>
      %dma_start3A = arith.constant 0 : i32
      %dma_start3A_69 = tpu.memref_slice %arg7[%add3A_28, %dma_start3A] : memref<10240x128xf32, #tpu.memory_space<vmem_shared>> -> memref<40x128xf32, #tpu.memory_space<vmem_shared>>
      %dma_start3A_70 = arith.constant 0 : i32
      %dma_start3A_71 = tpu.memref_slice %arg7[%add3A_28, %dma_start3A_70] : memref<10240x128xf32, #tpu.memory_space<vmem_shared>> -> memref<40x128xf32, #tpu.memory_space<vmem_shared>>
      tpu.enqueue_dma source(%arg6 : memref<40x128xf32, #tpu.memory_space<vmem>>) target(%dma_start3A_71 : memref<40x128xf32, #tpu.memory_space<vmem_shared>>) target_semaphore(%run_scoped3A : memref<!tpu.dma_semaphore, #tpu.memory_space<semaphore_mem>>)
      %dma_wait3A = arith.constant 0 : i32
      %dma_wait3A_72 = tpu.memref_slice %arg7[%add3A_28, %dma_wait3A] : memref<10240x128xf32, #tpu.memory_space<vmem_shared>> -> memref<40x128xf32, #tpu.memory_space<vmem_shared>>
      %dma_wait3A_73 = arith.constant 0 : i32
      %dma_wait3A_74 = tpu.memref_slice %arg7[%add3A_28, %dma_wait3A_73] : memref<10240x128xf32, #tpu.memory_space<vmem_shared>> -> memref<40x128xf32, #tpu.memory_space<vmem_shared>>
      tpu.wait_dma2 semaphore(%run_scoped3A : memref<!tpu.dma_semaphore, #tpu.memory_space<semaphore_mem>>) src(%arg6 : memref<40x128xf32, #tpu.memory_space<vmem>>) dst(%dma_wait3A_74 : memref<40x128xf32, #tpu.memory_space<vmem_shared>>)
      tpu.yield
    }) : () -> ()
    %add3A_29 = arith.constant 440 : i32
    %add3A_30 = arith.addi %mul3A_0, %add3A_29 : i32
    "tpu.region"() ({
      %run_scoped3A = tpu.sem_alloc : memref<!tpu.dma_semaphore, #tpu.memory_space<semaphore_mem>>
      %dma_start3A = arith.constant 0 : i32
      %dma_start3A_69 = tpu.memref_slice %arg7[%add3A_30, %dma_start3A] : memref<10240x128xf32, #tpu.memory_space<vmem_shared>> -> memref<40x128xf32, #tpu.memory_space<vmem_shared>>
      %dma_start3A_70 = arith.constant 0 : i32
      %dma_start3A_71 = tpu.memref_slice %arg7[%add3A_30, %dma_start3A_70] : memref<10240x128xf32, #tpu.memory_space<vmem_shared>> -> memref<40x128xf32, #tpu.memory_space<vmem_shared>>
      tpu.enqueue_dma source(%arg6 : memref<40x128xf32, #tpu.memory_space<vmem>>) target(%dma_start3A_71 : memref<40x128xf32, #tpu.memory_space<vmem_shared>>) target_semaphore(%run_scoped3A : memref<!tpu.dma_semaphore, #tpu.memory_space<semaphore_mem>>)
      %dma_wait3A = arith.constant 0 : i32
      %dma_wait3A_72 = tpu.memref_slice %arg7[%add3A_30, %dma_wait3A] : memref<10240x128xf32, #tpu.memory_space<vmem_shared>> -> memref<40x128xf32, #tpu.memory_space<vmem_shared>>
      %dma_wait3A_73 = arith.constant 0 : i32
      %dma_wait3A_74 = tpu.memref_slice %arg7[%add3A_30, %dma_wait3A_73] : memref<10240x128xf32, #tpu.memory_space<vmem_shared>> -> memref<40x128xf32, #tpu.memory_space<vmem_shared>>
      tpu.wait_dma2 semaphore(%run_scoped3A : memref<!tpu.dma_semaphore, #tpu.memory_space<semaphore_mem>>) src(%arg6 : memref<40x128xf32, #tpu.memory_space<vmem>>) dst(%dma_wait3A_74 : memref<40x128xf32, #tpu.memory_space<vmem_shared>>)
      tpu.yield
    }) : () -> ()
    %add3A_31 = arith.constant 480 : i32
    %add3A_32 = arith.addi %mul3A_0, %add3A_31 : i32
    "tpu.region"() ({
      %run_scoped3A = tpu.sem_alloc : memref<!tpu.dma_semaphore, #tpu.memory_space<semaphore_mem>>
      %dma_start3A = arith.constant 0 : i32
      %dma_start3A_69 = tpu.memref_slice %arg7[%add3A_32, %dma_start3A] : memref<10240x128xf32, #tpu.memory_space<vmem_shared>> -> memref<40x128xf32, #tpu.memory_space<vmem_shared>>
      %dma_start3A_70 = arith.constant 0 : i32
      %dma_start3A_71 = tpu.memref_slice %arg7[%add3A_32, %dma_start3A_70] : memref<10240x128xf32, #tpu.memory_space<vmem_shared>> -> memref<40x128xf32, #tpu.memory_space<vmem_shared>>
      tpu.enqueue_dma source(%arg6 : memref<40x128xf32, #tpu.memory_space<vmem>>) target(%dma_start3A_71 : memref<40x128xf32, #tpu.memory_space<vmem_shared>>) target_semaphore(%run_scoped3A : memref<!tpu.dma_semaphore, #tpu.memory_space<semaphore_mem>>)
      %dma_wait3A = arith.constant 0 : i32
      %dma_wait3A_72 = tpu.memref_slice %arg7[%add3A_32, %dma_wait3A] : memref<10240x128xf32, #tpu.memory_space<vmem_shared>> -> memref<40x128xf32, #tpu.memory_space<vmem_shared>>
      %dma_wait3A_73 = arith.constant 0 : i32
      %dma_wait3A_74 = tpu.memref_slice %arg7[%add3A_32, %dma_wait3A_73] : memref<10240x128xf32, #tpu.memory_space<vmem_shared>> -> memref<40x128xf32, #tpu.memory_space<vmem_shared>>
      tpu.wait_dma2 semaphore(%run_scoped3A : memref<!tpu.dma_semaphore, #tpu.memory_space<semaphore_mem>>) src(%arg6 : memref<40x128xf32, #tpu.memory_space<vmem>>) dst(%dma_wait3A_74 : memref<40x128xf32, #tpu.memory_space<vmem_shared>>)
      tpu.yield
    }) : () -> ()
    %add3A_33 = arith.constant 520 : i32
    %add3A_34 = arith.addi %mul3A_0, %add3A_33 : i32
    "tpu.region"() ({
      %run_scoped3A = tpu.sem_alloc : memref<!tpu.dma_semaphore, #tpu.memory_space<semaphore_mem>>
      %dma_start3A = arith.constant 0 : i32
      %dma_start3A_69 = tpu.memref_slice %arg7[%add3A_34, %dma_start3A] : memref<10240x128xf32, #tpu.memory_space<vmem_shared>> -> memref<40x128xf32, #tpu.memory_space<vmem_shared>>
      %dma_start3A_70 = arith.constant 0 : i32
      %dma_start3A_71 = tpu.memref_slice %arg7[%add3A_34, %dma_start3A_70] : memref<10240x128xf32, #tpu.memory_space<vmem_shared>> -> memref<40x128xf32, #tpu.memory_space<vmem_shared>>
      tpu.enqueue_dma source(%arg6 : memref<40x128xf32, #tpu.memory_space<vmem>>) target(%dma_start3A_71 : memref<40x128xf32, #tpu.memory_space<vmem_shared>>) target_semaphore(%run_scoped3A : memref<!tpu.dma_semaphore, #tpu.memory_space<semaphore_mem>>)
      %dma_wait3A = arith.constant 0 : i32
      %dma_wait3A_72 = tpu.memref_slice %arg7[%add3A_34, %dma_wait3A] : memref<10240x128xf32, #tpu.memory_space<vmem_shared>> -> memref<40x128xf32, #tpu.memory_space<vmem_shared>>
      %dma_wait3A_73 = arith.constant 0 : i32
      %dma_wait3A_74 = tpu.memref_slice %arg7[%add3A_34, %dma_wait3A_73] : memref<10240x128xf32, #tpu.memory_space<vmem_shared>> -> memref<40x128xf32, #tpu.memory_space<vmem_shared>>
      tpu.wait_dma2 semaphore(%run_scoped3A : memref<!tpu.dma_semaphore, #tpu.memory_space<semaphore_mem>>) src(%arg6 : memref<40x128xf32, #tpu.memory_space<vmem>>) dst(%dma_wait3A_74 : memref<40x128xf32, #tpu.memory_space<vmem_shared>>)
      tpu.yield
    }) : () -> ()
    %add3A_35 = arith.constant 560 : i32
    %add3A_36 = arith.addi %mul3A_0, %add3A_35 : i32
    "tpu.region"() ({
      %run_scoped3A = tpu.sem_alloc : memref<!tpu.dma_semaphore, #tpu.memory_space<semaphore_mem>>
      %dma_start3A = arith.constant 0 : i32
      %dma_start3A_69 = tpu.memref_slice %arg7[%add3A_36, %dma_start3A] : memref<10240x128xf32, #tpu.memory_space<vmem_shared>> -> memref<40x128xf32, #tpu.memory_space<vmem_shared>>
      %dma_start3A_70 = arith.constant 0 : i32
      %dma_start3A_71 = tpu.memref_slice %arg7[%add3A_36, %dma_start3A_70] : memref<10240x128xf32, #tpu.memory_space<vmem_shared>> -> memref<40x128xf32, #tpu.memory_space<vmem_shared>>
      tpu.enqueue_dma source(%arg6 : memref<40x128xf32, #tpu.memory_space<vmem>>) target(%dma_start3A_71 : memref<40x128xf32, #tpu.memory_space<vmem_shared>>) target_semaphore(%run_scoped3A : memref<!tpu.dma_semaphore, #tpu.memory_space<semaphore_mem>>)
      %dma_wait3A = arith.constant 0 : i32
      %dma_wait3A_72 = tpu.memref_slice %arg7[%add3A_36, %dma_wait3A] : memref<10240x128xf32, #tpu.memory_space<vmem_shared>> -> memref<40x128xf32, #tpu.memory_space<vmem_shared>>
      %dma_wait3A_73 = arith.constant 0 : i32
      %dma_wait3A_74 = tpu.memref_slice %arg7[%add3A_36, %dma_wait3A_73] : memref<10240x128xf32, #tpu.memory_space<vmem_shared>> -> memref<40x128xf32, #tpu.memory_space<vmem_shared>>
      tpu.wait_dma2 semaphore(%run_scoped3A : memref<!tpu.dma_semaphore, #tpu.memory_space<semaphore_mem>>) src(%arg6 : memref<40x128xf32, #tpu.memory_space<vmem>>) dst(%dma_wait3A_74 : memref<40x128xf32, #tpu.memory_space<vmem_shared>>)
      tpu.yield
    }) : () -> ()
    %add3A_37 = arith.constant 600 : i32
    %add3A_38 = arith.addi %mul3A_0, %add3A_37 : i32
    "tpu.region"() ({
      %run_scoped3A = tpu.sem_alloc : memref<!tpu.dma_semaphore, #tpu.memory_space<semaphore_mem>>
      %dma_start3A = arith.constant 0 : i32
      %dma_start3A_69 = tpu.memref_slice %arg7[%add3A_38, %dma_start3A] : memref<10240x128xf32, #tpu.memory_space<vmem_shared>> -> memref<40x128xf32, #tpu.memory_space<vmem_shared>>
      %dma_start3A_70 = arith.constant 0 : i32
      %dma_start3A_71 = tpu.memref_slice %arg7[%add3A_38, %dma_start3A_70] : memref<10240x128xf32, #tpu.memory_space<vmem_shared>> -> memref<40x128xf32, #tpu.memory_space<vmem_shared>>
      tpu.enqueue_dma source(%arg6 : memref<40x128xf32, #tpu.memory_space<vmem>>) target(%dma_start3A_71 : memref<40x128xf32, #tpu.memory_space<vmem_shared>>) target_semaphore(%run_scoped3A : memref<!tpu.dma_semaphore, #tpu.memory_space<semaphore_mem>>)
      %dma_wait3A = arith.constant 0 : i32
      %dma_wait3A_72 = tpu.memref_slice %arg7[%add3A_38, %dma_wait3A] : memref<10240x128xf32, #tpu.memory_space<vmem_shared>> -> memref<40x128xf32, #tpu.memory_space<vmem_shared>>
      %dma_wait3A_73 = arith.constant 0 : i32
      %dma_wait3A_74 = tpu.memref_slice %arg7[%add3A_38, %dma_wait3A_73] : memref<10240x128xf32, #tpu.memory_space<vmem_shared>> -> memref<40x128xf32, #tpu.memory_space<vmem_shared>>
      tpu.wait_dma2 semaphore(%run_scoped3A : memref<!tpu.dma_semaphore, #tpu.memory_space<semaphore_mem>>) src(%arg6 : memref<40x128xf32, #tpu.memory_space<vmem>>) dst(%dma_wait3A_74 : memref<40x128xf32, #tpu.memory_space<vmem_shared>>)
      tpu.yield
    }) : () -> ()
    %broadcast_in_dim3A_39 = arith.constant 1.000000e+00 : f32
    %broadcast_in_dim3A_40 = vector.broadcast %broadcast_in_dim3A_39 : f32 to vector<16xf32>
    %scan3A_41 = arith.constant 0 : i32
    %scan3A_42 = arith.constant 0 : i32
    %scan3A_43 = arith.constant 128 : i32
    %scan3A_44 = arith.addi %scan3A_42, %scan3A_43 : i32
    %scan3A_45 = arith.constant 1 : i32
    %scan3A_46 = scf.for %scan3A_69 = %scan3A_42 to %scan3A_44 step %scan3A_45 iter_args(%scan3A_70 = %scan3A_41) -> (i32)  : i32 {
      %swap3A = arith.index_cast %scan3A_69 : i32 to index
      %swap3A_71 = arith.constant 0 : index
      %swap3A_72 = tpu.vector_load %arg5[%swap3A, %swap3A_71] {strides = array<i32>} : memref<128x128xf32, #tpu.memory_space<vmem>>, vector<1x16xf32>,
      %swap3A_73 = vector.shape_cast %swap3A_72 : vector<1x16xf32> to vector<16xf32>
      %swap3A_74 = vector.shape_cast %broadcast_in_dim3A_40 : vector<16xf32> to vector<1x16xf32>
      tpu.vector_store %arg5[%swap3A, %swap3A_71], %swap3A_74 {strides = array<i32>} : memref<128x128xf32, #tpu.memory_space<vmem>>, vector<1x16xf32>,
      %swap3A_75 = arith.index_cast %scan3A_69 : i32 to index
      %swap3A_76 = arith.constant 16 : index
      %swap3A_77 = tpu.vector_load %arg5[%swap3A_75, %swap3A_76] {strides = array<i32>} : memref<128x128xf32, #tpu.memory_space<vmem>>, vector<1x16xf32>,
      %swap3A_78 = vector.shape_cast %swap3A_77 : vector<1x16xf32> to vector<16xf32>
      %swap3A_79 = vector.shape_cast %broadcast_in_dim3A_40 : vector<16xf32> to vector<1x16xf32>
      tpu.vector_store %arg5[%swap3A_75, %swap3A_76], %swap3A_79 {strides = array<i32>} : memref<128x128xf32, #tpu.memory_space<vmem>>, vector<1x16xf32>,
      %swap3A_80 = arith.index_cast %scan3A_69 : i32 to index
      %swap3A_81 = arith.constant 32 : index
      %swap3A_82 = tpu.vector_load %arg5[%swap3A_80, %swap3A_81] {strides = array<i32>} : memref<128x128xf32, #tpu.memory_space<vmem>>, vector<1x16xf32>,
      %swap3A_83 = vector.shape_cast %swap3A_82 : vector<1x16xf32> to vector<16xf32>
      %swap3A_84 = vector.shape_cast %broadcast_in_dim3A_40 : vector<16xf32> to vector<1x16xf32>
      tpu.vector_store %arg5[%swap3A_80, %swap3A_81], %swap3A_84 {strides = array<i32>} : memref<128x128xf32, #tpu.memory_space<vmem>>, vector<1x16xf32>,
      %swap3A_85 = arith.index_cast %scan3A_69 : i32 to index
      %swap3A_86 = arith.constant 48 : index
      %swap3A_87 = tpu.vector_load %arg5[%swap3A_85, %swap3A_86] {strides = array<i32>} : memref<128x128xf32, #tpu.memory_space<vmem>>, vector<1x16xf32>,
      %swap3A_88 = vector.shape_cast %swap3A_87 : vector<1x16xf32> to vector<16xf32>
      %swap3A_89 = vector.shape_cast %broadcast_in_dim3A_40 : vector<16xf32> to vector<1x16xf32>
      tpu.vector_store %arg5[%swap3A_85, %swap3A_86], %swap3A_89 {strides = array<i32>} : memref<128x128xf32, #tpu.memory_space<vmem>>, vector<1x16xf32>,
      %swap3A_90 = arith.index_cast %scan3A_69 : i32 to index
      %swap3A_91 = arith.constant 64 : index
      %swap3A_92 = tpu.vector_load %arg5[%swap3A_90, %swap3A_91] {strides = array<i32>} : memref<128x128xf32, #tpu.memory_space<vmem>>, vector<1x16xf32>,
      %swap3A_93 = vector.shape_cast %swap3A_92 : vector<1x16xf32> to vector<16xf32>
      %swap3A_94 = vector.shape_cast %broadcast_in_dim3A_40 : vector<16xf32> to vector<1x16xf32>
      tpu.vector_store %arg5[%swap3A_90, %swap3A_91], %swap3A_94 {strides = array<i32>} : memref<128x128xf32, #tpu.memory_space<vmem>>, vector<1x16xf32>,
      %swap3A_95 = arith.index_cast %scan3A_69 : i32 to index
      %swap3A_96 = arith.constant 80 : index
      %swap3A_97 = tpu.vector_load %arg5[%swap3A_95, %swap3A_96] {strides = array<i32>} : memref<128x128xf32, #tpu.memory_space<vmem>>, vector<1x16xf32>,
      %swap3A_98 = vector.shape_cast %swap3A_97 : vector<1x16xf32> to vector<16xf32>
      %swap3A_99 = vector.shape_cast %broadcast_in_dim3A_40 : vector<16xf32> to vector<1x16xf32>
      tpu.vector_store %arg5[%swap3A_95, %swap3A_96], %swap3A_99 {strides = array<i32>} : memref<128x128xf32, #tpu.memory_space<vmem>>, vector<1x16xf32>,
      %swap3A_100 = arith.index_cast %scan3A_69 : i32 to index
      %swap3A_101 = arith.constant 96 : index
      %swap3A_102 = tpu.vector_load %arg5[%swap3A_100, %swap3A_101] {strides = array<i32>} : memref<128x128xf32, #tpu.memory_space<vmem>>, vector<1x16xf32>,
      %swap3A_103 = vector.shape_cast %swap3A_102 : vector<1x16xf32> to vector<16xf32>
      %swap3A_104 = vector.shape_cast %broadcast_in_dim3A_40 : vector<16xf32> to vector<1x16xf32>
      tpu.vector_store %arg5[%swap3A_100, %swap3A_101], %swap3A_104 {strides = array<i32>} : memref<128x128xf32, #tpu.memory_space<vmem>>, vector<1x16xf32>,
      %swap3A_105 = arith.index_cast %scan3A_69 : i32 to index
      %swap3A_106 = arith.constant 112 : index
      %swap3A_107 = tpu.vector_load %arg5[%swap3A_105, %swap3A_106] {strides = array<i32>} : memref<128x128xf32, #tpu.memory_space<vmem>>, vector<1x16xf32>,
      %swap3A_108 = vector.shape_cast %swap3A_107 : vector<1x16xf32> to vector<16xf32>
      %swap3A_109 = vector.shape_cast %broadcast_in_dim3A_40 : vector<16xf32> to vector<1x16xf32>
      tpu.vector_store %arg5[%swap3A_105, %swap3A_106], %swap3A_109 {strides = array<i32>} : memref<128x128xf32, #tpu.memory_space<vmem>>, vector<1x16xf32>,
      %scan3A_110 = arith.constant 0 : i32
      scf.yield %scan3A_110 : i32
    }
    %scan3A_47 = arith.constant 128 : i32
    %barrier3A = arith.constant 0 : index
    tpu.barrier barrier_id(%barrier3A)
    %mul3A_48 = arith.constant 16 : i32
    %mul3A_49 = arith.muli %arg0, %mul3A_48 : i32
    %add3A_50 = arith.addi %mul3A_49, %arg1 : i32
    %scan3A_51 = arith.constant 0 : i32
    %scan3A_52 = arith.constant 0 : i32
    %scan3A_53 = arith.constant 2 : i32
    %scan3A_54 = arith.addi %scan3A_52, %scan3A_53 : i32
    %scan3A_55 = arith.constant 1 : i32
    %scan3A_56 = scf.for %scan3A_69 = %scan3A_52 to %scan3A_54 step %scan3A_55 iter_args(%scan3A_70 = %scan3A_51) -> (i32)  : i32 {
      %mul3A_71 = arith.constant 40 : i32
      %mul3A_72 = arith.muli %scan3A_69, %mul3A_71 : i32
      "tpu.region"() ({
        %run_scoped3A = tpu.sem_alloc : memref<!tpu.dma_semaphore, #tpu.memory_space<semaphore_mem>>
        %dma_start3A_105 = arith.constant 0 : i32
        %dma_start3A_106 = tpu.memref_slice %arg2[%add3A_50, %mul3A_72, %dma_start3A_105] : memref<32x80x128xi32, #tpu.memory_space<hbm>> -> memref<1x40x128xi32, #tpu.memory_space<hbm>>
        %dma_start3A_107 = tpu.memref_squeeze %dma_start3A_106 : memref<1x40x128xi32, #tpu.memory_space<hbm>> -> memref<40x128xi32, #tpu.memory_space<hbm>>
        %dma_start3A_108 = arith.constant 0 : i32
        %dma_start3A_109 = tpu.memref_slice %arg2[%add3A_50, %mul3A_72, %dma_start3A_108] : memref<32x80x128xi32, #tpu.memory_space<hbm>> -> memref<1x40x128xi32, #tpu.memory_space<hbm>>
        %dma_start3A_110 = tpu.memref_squeeze %dma_start3A_109 : memref<1x40x128xi32, #tpu.memory_space<hbm>> -> memref<40x128xi32, #tpu.memory_space<hbm>>
        tpu.enqueue_dma source(%dma_start3A_110 : memref<40x128xi32, #tpu.memory_space<hbm>>) target(%arg4 : memref<40x128xi32, #tpu.memory_space<vmem>>) target_semaphore(%run_scoped3A : memref<!tpu.dma_semaphore, #tpu.memory_space<semaphore_mem>>)
        %dma_wait3A_111 = arith.constant 0 : i32
        %dma_wait3A_112 = tpu.memref_slice %arg2[%add3A_50, %mul3A_72, %dma_wait3A_111] : memref<32x80x128xi32, #tpu.memory_space<hbm>> -> memref<1x40x128xi32, #tpu.memory_space<hbm>>
        %dma_wait3A_113 = tpu.memref_squeeze %dma_wait3A_112 : memref<1x40x128xi32, #tpu.memory_space<hbm>> -> memref<40x128xi32, #tpu.memory_space<hbm>>
        %dma_wait3A_114 = arith.constant 0 : i32
        %dma_wait3A_115 = tpu.memref_slice %arg2[%add3A_50, %mul3A_72, %dma_wait3A_114] : memref<32x80x128xi32, #tpu.memory_space<hbm>> -> memref<1x40x128xi32, #tpu.memory_space<hbm>>
        %dma_wait3A_116 = tpu.memref_squeeze %dma_wait3A_115 : memref<1x40x128xi32, #tpu.memory_space<hbm>> -> memref<40x128xi32, #tpu.memory_space<hbm>>
        tpu.wait_dma2 semaphore(%run_scoped3A : memref<!tpu.dma_semaphore, #tpu.memory_space<semaphore_mem>>) src(%dma_wait3A_116 : memref<40x128xi32, #tpu.memory_space<hbm>>) dst(%arg4 : memref<40x128xi32, #tpu.memory_space<vmem>>)
        tpu.yield
      }) : () -> ()
      %dma_start3A = arith.constant 0 : i32
      %dma_start3A_73 = arith.constant 0 : i32
      %dma_start3A_74 = tpu.memref_slice %arg4[%dma_start3A, %dma_start3A_73] : memref<40x128xi32, #tpu.memory_space<vmem>> -> memref<1x128xi32, #tpu.memory_space<vmem>>
      %dma_start3A_75 = tpu.memref_squeeze %dma_start3A_74 : memref<1x128xi32, #tpu.memory_space<vmem>> -> memref<128xi32, #tpu.memory_space<vmem>>
      %dma_start3A_76 = arith.constant 0 : i32
      %dma_start3A_77 = arith.constant 0 : i32
      %dma_start3A_78 = tpu.memref_slice %arg7[%dma_start3A_76, %dma_start3A_77] : memref<10240x128xf32, #tpu.memory_space<vmem_shared>> -> memref<10240x128xf32, #tpu.memory_space<vmem_shared>>
      tpu.enqueue_indirect_dma source(%arg5 : memref<128x128xf32, #tpu.memory_space<vmem>>) target(%dma_start3A_78 : memref<10240x128xf32, #tpu.memory_space<vmem_shared>>) offsets(%dma_start3A_75 : memref<128xi32, #tpu.memory_space<vmem>>) semaphore(%arg8 : memref<!tpu.dma_semaphore, #tpu.memory_space<semaphore_mem>>) {add = true}
      %dma_start3A_79 = arith.constant 1 : i32
      %dma_start3A_80 = arith.constant 0 : i32
      %dma_start3A_81 = tpu.memref_slice %arg4[%dma_start3A_79, %dma_start3A_80] : memref<40x128xi32, #tpu.memory_space<vmem>> -> memref<1x128xi32, #tpu.memory_space<vmem>>
      %dma_start3A_82 = tpu.memref_squeeze %dma_start3A_81 : memref<1x128xi32, #tpu.memory_space<vmem>> -> memref<128xi32, #tpu.memory_space<vmem>>
      %dma_start3A_83 = arith.constant 0 : i32
      %dma_start3A_84 = arith.constant 0 : i32
      %dma_start3A_85 = tpu.memref_slice %arg7[%dma_start3A_83, %dma_start3A_84] : memref<10240x128xf32, #tpu.memory_space<vmem_shared>> -> memref<10240x128xf32, #tpu.memory_space<vmem_shared>>
      tpu.enqueue_indirect_dma source(%arg5 : memref<128x128xf32, #tpu.memory_space<vmem>>) target(%dma_start3A_85 : memref<10240x128xf32, #tpu.memory_space<vmem_shared>>) offsets(%dma_start3A_82 : memref<128xi32, #tpu.memory_space<vmem>>) semaphore(%arg9 : memref<!tpu.dma_semaphore, #tpu.memory_space<semaphore_mem>>) {add = true}
      %scan3A_86 = arith.constant 0 : i32
      %scan3A_87 = arith.constant 0 : i32
      %scan3A_88 = arith.constant 19 : i32
      %scan3A_89 = arith.addi %scan3A_87, %scan3A_88 : i32
      %scan3A_90 = arith.constant 1 : i32
      %scan3A_91 = scf.for %scan3A_105 = %scan3A_87 to %scan3A_89 step %scan3A_90 iter_args(%scan3A_106 = %scan3A_86) -> (i32)  : i32 {
        %dma_wait3A_107 = arith.constant 0 : i32
        %dma_wait3A_108 = arith.constant 0 : i32
        %dma_wait3A_109 = tpu.memref_slice %arg3[%dma_wait3A_107, %dma_wait3A_108] : memref<20480x128xf32, #tpu.memory_space<hbm>> -> memref<128x128xf32, #tpu.memory_space<hbm>>
        %dma_wait3A_110 = arith.constant 0 : i32
        %dma_wait3A_111 = arith.constant 0 : i32
        %dma_wait3A_112 = tpu.memref_slice %arg3[%dma_wait3A_110, %dma_wait3A_111] : memref<20480x128xf32, #tpu.memory_space<hbm>> -> memref<128x128xf32, #tpu.memory_space<hbm>>
        tpu.wait_dma2 semaphore(%arg8 : memref<!tpu.dma_semaphore, #tpu.memory_space<semaphore_mem>>) src(%dma_wait3A_112 : memref<128x128xf32, #tpu.memory_space<hbm>>) dst(%arg5 : memref<128x128xf32, #tpu.memory_space<vmem>>)
        %mul3A_113 = arith.constant 2 : i32
        %mul3A_114 = arith.muli %mul3A_113, %scan3A_105 : i32
        %add3A_115 = arith.constant 2 : i32
        %add3A_116 = arith.addi %mul3A_114, %add3A_115 : i32
        %dma_start3A_117 = arith.constant 0 : i32
        %dma_start3A_118 = tpu.memref_slice %arg4[%add3A_116, %dma_start3A_117] : memref<40x128xi32, #tpu.memory_space<vmem>> -> memref<1x128xi32, #tpu.memory_space<vmem>>
        %dma_start3A_119 = tpu.memref_squeeze %dma_start3A_118 : memref<1x128xi32, #tpu.memory_space<vmem>> -> memref<128xi32, #tpu.memory_space<vmem>>
        %dma_start3A_120 = arith.constant 0 : i32
        %dma_start3A_121 = arith.constant 0 : i32
        %dma_start3A_122 = tpu.memref_slice %arg7[%dma_start3A_120, %dma_start3A_121] : memref<10240x128xf32, #tpu.memory_space<vmem_shared>> -> memref<10240x128xf32, #tpu.memory_space<vmem_shared>>
        tpu.enqueue_indirect_dma source(%arg5 : memref<128x128xf32, #tpu.memory_space<vmem>>) target(%dma_start3A_122 : memref<10240x128xf32, #tpu.memory_space<vmem_shared>>) offsets(%dma_start3A_119 : memref<128xi32, #tpu.memory_space<vmem>>) semaphore(%arg8 : memref<!tpu.dma_semaphore, #tpu.memory_space<semaphore_mem>>) {add = true}
        %dma_wait3A_123 = arith.constant 0 : i32
        %dma_wait3A_124 = arith.constant 0 : i32
        %dma_wait3A_125 = tpu.memref_slice %arg3[%dma_wait3A_123, %dma_wait3A_124] : memref<20480x128xf32, #tpu.memory_space<hbm>> -> memref<128x128xf32, #tpu.memory_space<hbm>>
        %dma_wait3A_126 = arith.constant 0 : i32
        %dma_wait3A_127 = arith.constant 0 : i32
        %dma_wait3A_128 = tpu.memref_slice %arg3[%dma_wait3A_126, %dma_wait3A_127] : memref<20480x128xf32, #tpu.memory_space<hbm>> -> memref<128x128xf32, #tpu.memory_space<hbm>>
        tpu.wait_dma2 semaphore(%arg9 : memref<!tpu.dma_semaphore, #tpu.memory_space<semaphore_mem>>) src(%dma_wait3A_128 : memref<128x128xf32, #tpu.memory_space<hbm>>) dst(%arg5 : memref<128x128xf32, #tpu.memory_space<vmem>>)
        %mul3A_129 = arith.constant 2 : i32
        %mul3A_130 = arith.muli %mul3A_129, %scan3A_105 : i32
        %add3A_131 = arith.constant 3 : i32
        %add3A_132 = arith.addi %mul3A_130, %add3A_131 : i32
        %dma_start3A_133 = arith.constant 0 : i32
        %dma_start3A_134 = tpu.memref_slice %arg4[%add3A_132, %dma_start3A_133] : memref<40x128xi32, #tpu.memory_space<vmem>> -> memref<1x128xi32, #tpu.memory_space<vmem>>
        %dma_start3A_135 = tpu.memref_squeeze %dma_start3A_134 : memref<1x128xi32, #tpu.memory_space<vmem>> -> memref<128xi32, #tpu.memory_space<vmem>>
        %dma_start3A_136 = arith.constant 0 : i32
        %dma_start3A_137 = arith.constant 0 : i32
        %dma_start3A_138 = tpu.memref_slice %arg7[%dma_start3A_136, %dma_start3A_137] : memref<10240x128xf32, #tpu.memory_space<vmem_shared>> -> memref<10240x128xf32, #tpu.memory_space<vmem_shared>>
        tpu.enqueue_indirect_dma source(%arg5 : memref<128x128xf32, #tpu.memory_space<vmem>>) target(%dma_start3A_138 : memref<10240x128xf32, #tpu.memory_space<vmem_shared>>) offsets(%dma_start3A_135 : memref<128xi32, #tpu.memory_space<vmem>>) semaphore(%arg9 : memref<!tpu.dma_semaphore, #tpu.memory_space<semaphore_mem>>) {add = true}
        %scan3A_139 = arith.constant 0 : i32
        scf.yield %scan3A_139 : i32
      }
      %scan3A_92 = arith.constant 19 : i32
      %dma_wait3A = arith.constant 0 : i32
      %dma_wait3A_93 = arith.constant 0 : i32
      %dma_wait3A_94 = tpu.memref_slice %arg3[%dma_wait3A, %dma_wait3A_93] : memref<20480x128xf32, #tpu.memory_space<hbm>> -> memref<128x128xf32, #tpu.memory_space<hbm>>
      %dma_wait3A_95 = arith.constant 0 : i32
      %dma_wait3A_96 = arith.constant 0 : i32
      %dma_wait3A_97 = tpu.memref_slice %arg3[%dma_wait3A_95, %dma_wait3A_96] : memref<20480x128xf32, #tpu.memory_space<hbm>> -> memref<128x128xf32, #tpu.memory_space<hbm>>
      tpu.wait_dma2 semaphore(%arg8 : memref<!tpu.dma_semaphore, #tpu.memory_space<semaphore_mem>>) src(%dma_wait3A_97 : memref<128x128xf32, #tpu.memory_space<hbm>>) dst(%arg5 : memref<128x128xf32, #tpu.memory_space<vmem>>)
      %dma_wait3A_98 = arith.constant 0 : i32
      %dma_wait3A_99 = arith.constant 0 : i32
      %dma_wait3A_100 = tpu.memref_slice %arg3[%dma_wait3A_98, %dma_wait3A_99] : memref<20480x128xf32, #tpu.memory_space<hbm>> -> memref<128x128xf32, #tpu.memory_space<hbm>>
      %dma_wait3A_101 = arith.constant 0 : i32
      %dma_wait3A_102 = arith.constant 0 : i32
      %dma_wait3A_103 = tpu.memref_slice %arg3[%dma_wait3A_101, %dma_wait3A_102] : memref<20480x128xf32, #tpu.memory_space<hbm>> -> memref<128x128xf32, #tpu.memory_space<hbm>>
      tpu.wait_dma2 semaphore(%arg9 : memref<!tpu.dma_semaphore, #tpu.memory_space<semaphore_mem>>) src(%dma_wait3A_103 : memref<128x128xf32, #tpu.memory_space<hbm>>) dst(%arg5 : memref<128x128xf32, #tpu.memory_space<vmem>>)
      %scan3A_104 = arith.constant 0 : i32
      scf.yield %scan3A_104 : i32
    }
    %scan3A_57 = arith.constant 2 : i32
    %barrier3A_58 = arith.constant 0 : index
    tpu.barrier barrier_id(%barrier3A_58)
    %mul3A_59 = arith.constant 10240 : i32
    %mul3A_60 = arith.muli %arg0, %mul3A_59 : i32
    %add3A_61 = arith.addi %mul3A_60, %mul3A_0 : i32
    %scan3A_62 = arith.constant 0 : i32
    %scan3A_63 = arith.constant 0 : i32
    %scan3A_64 = arith.constant 16 : i32
    %scan3A_65 = arith.addi %scan3A_63, %scan3A_64 : i32
    %scan3A_66 = arith.constant 1 : i32
    %scan3A_67 = scf.for %scan3A_69 = %scan3A_63 to %scan3A_65 step %scan3A_66 iter_args(%scan3A_70 = %scan3A_62) -> (i32)  : i32 {
      %mul3A_71 = arith.constant 40 : i32
      %mul3A_72 = arith.muli %scan3A_69, %mul3A_71 : i32
      %add3A_73 = arith.addi %mul3A_0, %mul3A_72 : i32
      "tpu.region"() ({
        %run_scoped3A = tpu.sem_alloc : memref<!tpu.dma_semaphore, #tpu.memory_space<semaphore_mem>>
        %dma_start3A = arith.constant 0 : i32
        %dma_start3A_78 = tpu.memref_slice %arg7[%add3A_73, %dma_start3A] : memref<10240x128xf32, #tpu.memory_space<vmem_shared>> -> memref<40x128xf32, #tpu.memory_space<vmem_shared>>
        %dma_start3A_79 = arith.constant 0 : i32
        %dma_start3A_80 = tpu.memref_slice %arg7[%add3A_73, %dma_start3A_79] : memref<10240x128xf32, #tpu.memory_space<vmem_shared>> -> memref<40x128xf32, #tpu.memory_space<vmem_shared>>
        tpu.enqueue_dma source(%dma_start3A_80 : memref<40x128xf32, #tpu.memory_space<vmem_shared>>) target(%arg6 : memref<40x128xf32, #tpu.memory_space<vmem>>) target_semaphore(%run_scoped3A : memref<!tpu.dma_semaphore, #tpu.memory_space<semaphore_mem>>)
        %dma_wait3A = arith.constant 0 : i32
        %dma_wait3A_81 = tpu.memref_slice %arg7[%add3A_73, %dma_wait3A] : memref<10240x128xf32, #tpu.memory_space<vmem_shared>> -> memref<40x128xf32, #tpu.memory_space<vmem_shared>>
        %dma_wait3A_82 = arith.constant 0 : i32
        %dma_wait3A_83 = tpu.memref_slice %arg7[%add3A_73, %dma_wait3A_82] : memref<10240x128xf32, #tpu.memory_space<vmem_shared>> -> memref<40x128xf32, #tpu.memory_space<vmem_shared>>
        tpu.wait_dma2 semaphore(%run_scoped3A : memref<!tpu.dma_semaphore, #tpu.memory_space<semaphore_mem>>) src(%dma_wait3A_83 : memref<40x128xf32, #tpu.memory_space<vmem_shared>>) dst(%arg6 : memref<40x128xf32, #tpu.memory_space<vmem>>)
        tpu.yield
      }) : () -> ()
      %mul3A_74 = arith.constant 40 : i32
      %mul3A_75 = arith.muli %scan3A_69, %mul3A_74 : i32
      %add3A_76 = arith.addi %add3A_61, %mul3A_75 : i32
      "tpu.region"() ({
        %run_scoped3A = tpu.sem_alloc : memref<!tpu.dma_semaphore, #tpu.memory_space<semaphore_mem>>
        %dma_start3A = arith.constant 0 : i32
        %dma_start3A_78 = tpu.memref_slice %arg3[%add3A_76, %dma_start3A] : memref<20480x128xf32, #tpu.memory_space<hbm>> -> memref<40x128xf32, #tpu.memory_space<hbm>>
        %dma_start3A_79 = arith.constant 0 : i32
        %dma_start3A_80 = tpu.memref_slice %arg3[%add3A_76, %dma_start3A_79] : memref<20480x128xf32, #tpu.memory_space<hbm>> -> memref<40x128xf32, #tpu.memory_space<hbm>>
        tpu.enqueue_dma source(%arg6 : memref<40x128xf32, #tpu.memory_space<vmem>>) target(%dma_start3A_80 : memref<40x128xf32, #tpu.memory_space<hbm>>) target_semaphore(%run_scoped3A : memref<!tpu.dma_semaphore, #tpu.memory_space<semaphore_mem>>)
        %dma_wait3A = arith.constant 0 : i32
        %dma_wait3A_81 = tpu.memref_slice %arg3[%add3A_76, %dma_wait3A] : memref<20480x128xf32, #tpu.memory_space<hbm>> -> memref<40x128xf32, #tpu.memory_space<hbm>>
        %dma_wait3A_82 = arith.constant 0 : i32
        %dma_wait3A_83 = tpu.memref_slice %arg3[%add3A_76, %dma_wait3A_82] : memref<20480x128xf32, #tpu.memory_space<hbm>> -> memref<40x128xf32, #tpu.memory_space<hbm>>
        tpu.wait_dma2 semaphore(%run_scoped3A : memref<!tpu.dma_semaphore, #tpu.memory_space<semaphore_mem>>) src(%arg6 : memref<40x128xf32, #tpu.memory_space<vmem>>) dst(%dma_wait3A_83 : memref<40x128xf32, #tpu.memory_space<hbm>>)
        tpu.yield
      }) : () -> ()
      %scan3A_77 = arith.constant 0 : i32
      scf.yield %scan3A_77 : i32
    }
    %scan3A_68 = arith.constant 16 : i32
    return
  }
}

#map = affine_map<(d0, d1) -> (0, 0)>
#map1 = affine_map<(d0, d1) -> (0, 0, 0)>
module attributes {stable_mosaic.version = 14 : i64} {
  func.func @_agg_body(%arg0: i32, %arg1: i32, %arg2: memref<20480x128xf32, #tpu.memory_space<hbm>>, %arg3: memref<32x160x128xi32, #tpu.memory_space<hbm>>, %arg4: memref<32x160x128xi32, #tpu.memory_space<hbm>>, %arg5: memref<20480x128xf32, #tpu.memory_space<hbm>>, %arg6: memref<40x128xi32, #tpu.memory_space<vmem>>, %arg7: memref<40x128xi32, #tpu.memory_space<vmem>>, %arg8: memref<128x128xf32, #tpu.memory_space<vmem>>, %arg9: memref<128x128xf32, #tpu.memory_space<vmem>>, %arg10: memref<40x128xf32, #tpu.memory_space<vmem>>, %arg11: memref<10240x128xf32, #tpu.memory_space<vmem_shared>>, %arg12: memref<!tpu.dma_semaphore, #tpu.memory_space<semaphore_mem>>, %arg13: memref<!tpu.dma_semaphore, #tpu.memory_space<semaphore_mem>>, %arg14: memref<!tpu.dma_semaphore, #tpu.memory_space<semaphore_mem>>, %arg15: memref<!tpu.dma_semaphore, #tpu.memory_space<semaphore_mem>>) attributes {dimension_semantics = [#tpu.dimension_semantics<core_parallel>, #tpu.dimension_semantics<subcore_parallel>], iteration_bounds = array<i64: 2, 16>, scalar_prefetch = 0 : i64, scratch_operands = 10 : i64, tpu.core_type = #tpu.core_type<sc_vector_subcore>, window_params = [{transform_indices = #map}, {transform_indices = #map1}, {transform_indices = #map1}, {transform_indices = #map}]} {
    %mul3A = arith.constant 640 : i32
    %mul3A_0 = arith.muli %arg1, %mul3A : i32
    %mul3A_1 = arith.constant 16 : i32
    %mul3A_2 = arith.muli %arg0, %mul3A_1 : i32
    %add3A = arith.addi %mul3A_2, %arg1 : i32
    %broadcast_in_dim3A = arith.constant 0.000000e+00 : f32
    %broadcast_in_dim3A_3 = vector.broadcast %broadcast_in_dim3A : f32 to vector<16xf32>
    %scan3A = arith.constant 0 : i32
    %scan3A_4 = arith.constant 0 : i32
    %scan3A_5 = arith.constant 40 : i32
    %scan3A_6 = arith.addi %scan3A_4, %scan3A_5 : i32
    %scan3A_7 = arith.constant 1 : i32
    %scan3A_8 = scf.for %scan3A_60 = %scan3A_4 to %scan3A_6 step %scan3A_7 iter_args(%scan3A_61 = %scan3A) -> (i32)  : i32 {
      %swap3A = arith.index_cast %scan3A_60 : i32 to index
      %swap3A_62 = arith.constant 0 : index
      %swap3A_63 = tpu.vector_load %arg10[%swap3A, %swap3A_62] {strides = array<i32>} : memref<40x128xf32, #tpu.memory_space<vmem>>, vector<1x16xf32>,
      %swap3A_64 = vector.shape_cast %swap3A_63 : vector<1x16xf32> to vector<16xf32>
      %swap3A_65 = vector.shape_cast %broadcast_in_dim3A_3 : vector<16xf32> to vector<1x16xf32>
      tpu.vector_store %arg10[%swap3A, %swap3A_62], %swap3A_65 {strides = array<i32>} : memref<40x128xf32, #tpu.memory_space<vmem>>, vector<1x16xf32>,
      %swap3A_66 = arith.index_cast %scan3A_60 : i32 to index
      %swap3A_67 = arith.constant 16 : index
      %swap3A_68 = tpu.vector_load %arg10[%swap3A_66, %swap3A_67] {strides = array<i32>} : memref<40x128xf32, #tpu.memory_space<vmem>>, vector<1x16xf32>,
      %swap3A_69 = vector.shape_cast %swap3A_68 : vector<1x16xf32> to vector<16xf32>
      %swap3A_70 = vector.shape_cast %broadcast_in_dim3A_3 : vector<16xf32> to vector<1x16xf32>
      tpu.vector_store %arg10[%swap3A_66, %swap3A_67], %swap3A_70 {strides = array<i32>} : memref<40x128xf32, #tpu.memory_space<vmem>>, vector<1x16xf32>,
      %swap3A_71 = arith.index_cast %scan3A_60 : i32 to index
      %swap3A_72 = arith.constant 32 : index
      %swap3A_73 = tpu.vector_load %arg10[%swap3A_71, %swap3A_72] {strides = array<i32>} : memref<40x128xf32, #tpu.memory_space<vmem>>, vector<1x16xf32>,
      %swap3A_74 = vector.shape_cast %swap3A_73 : vector<1x16xf32> to vector<16xf32>
      %swap3A_75 = vector.shape_cast %broadcast_in_dim3A_3 : vector<16xf32> to vector<1x16xf32>
      tpu.vector_store %arg10[%swap3A_71, %swap3A_72], %swap3A_75 {strides = array<i32>} : memref<40x128xf32, #tpu.memory_space<vmem>>, vector<1x16xf32>,
      %swap3A_76 = arith.index_cast %scan3A_60 : i32 to index
      %swap3A_77 = arith.constant 48 : index
      %swap3A_78 = tpu.vector_load %arg10[%swap3A_76, %swap3A_77] {strides = array<i32>} : memref<40x128xf32, #tpu.memory_space<vmem>>, vector<1x16xf32>,
      %swap3A_79 = vector.shape_cast %swap3A_78 : vector<1x16xf32> to vector<16xf32>
      %swap3A_80 = vector.shape_cast %broadcast_in_dim3A_3 : vector<16xf32> to vector<1x16xf32>
      tpu.vector_store %arg10[%swap3A_76, %swap3A_77], %swap3A_80 {strides = array<i32>} : memref<40x128xf32, #tpu.memory_space<vmem>>, vector<1x16xf32>,
      %swap3A_81 = arith.index_cast %scan3A_60 : i32 to index
      %swap3A_82 = arith.constant 64 : index
      %swap3A_83 = tpu.vector_load %arg10[%swap3A_81, %swap3A_82] {strides = array<i32>} : memref<40x128xf32, #tpu.memory_space<vmem>>, vector<1x16xf32>,
      %swap3A_84 = vector.shape_cast %swap3A_83 : vector<1x16xf32> to vector<16xf32>
      %swap3A_85 = vector.shape_cast %broadcast_in_dim3A_3 : vector<16xf32> to vector<1x16xf32>
      tpu.vector_store %arg10[%swap3A_81, %swap3A_82], %swap3A_85 {strides = array<i32>} : memref<40x128xf32, #tpu.memory_space<vmem>>, vector<1x16xf32>,
      %swap3A_86 = arith.index_cast %scan3A_60 : i32 to index
      %swap3A_87 = arith.constant 80 : index
      %swap3A_88 = tpu.vector_load %arg10[%swap3A_86, %swap3A_87] {strides = array<i32>} : memref<40x128xf32, #tpu.memory_space<vmem>>, vector<1x16xf32>,
      %swap3A_89 = vector.shape_cast %swap3A_88 : vector<1x16xf32> to vector<16xf32>
      %swap3A_90 = vector.shape_cast %broadcast_in_dim3A_3 : vector<16xf32> to vector<1x16xf32>
      tpu.vector_store %arg10[%swap3A_86, %swap3A_87], %swap3A_90 {strides = array<i32>} : memref<40x128xf32, #tpu.memory_space<vmem>>, vector<1x16xf32>,
      %swap3A_91 = arith.index_cast %scan3A_60 : i32 to index
      %swap3A_92 = arith.constant 96 : index
      %swap3A_93 = tpu.vector_load %arg10[%swap3A_91, %swap3A_92] {strides = array<i32>} : memref<40x128xf32, #tpu.memory_space<vmem>>, vector<1x16xf32>,
      %swap3A_94 = vector.shape_cast %swap3A_93 : vector<1x16xf32> to vector<16xf32>
      %swap3A_95 = vector.shape_cast %broadcast_in_dim3A_3 : vector<16xf32> to vector<1x16xf32>
      tpu.vector_store %arg10[%swap3A_91, %swap3A_92], %swap3A_95 {strides = array<i32>} : memref<40x128xf32, #tpu.memory_space<vmem>>, vector<1x16xf32>,
      %swap3A_96 = arith.index_cast %scan3A_60 : i32 to index
      %swap3A_97 = arith.constant 112 : index
      %swap3A_98 = tpu.vector_load %arg10[%swap3A_96, %swap3A_97] {strides = array<i32>} : memref<40x128xf32, #tpu.memory_space<vmem>>, vector<1x16xf32>,
      %swap3A_99 = vector.shape_cast %swap3A_98 : vector<1x16xf32> to vector<16xf32>
      %swap3A_100 = vector.shape_cast %broadcast_in_dim3A_3 : vector<16xf32> to vector<1x16xf32>
      tpu.vector_store %arg10[%swap3A_96, %swap3A_97], %swap3A_100 {strides = array<i32>} : memref<40x128xf32, #tpu.memory_space<vmem>>, vector<1x16xf32>,
      %scan3A_101 = arith.constant 0 : i32
      scf.yield %scan3A_101 : i32
    }
    %scan3A_9 = arith.constant 40 : i32
    %add3A_10 = arith.constant 0 : i32
    %add3A_11 = arith.addi %mul3A_0, %add3A_10 : i32
    "tpu.region"() ({
      %run_scoped3A = tpu.sem_alloc : memref<!tpu.dma_semaphore, #tpu.memory_space<semaphore_mem>>
      %dma_start3A = arith.constant 0 : i32
      %dma_start3A_60 = tpu.memref_slice %arg11[%add3A_11, %dma_start3A] : memref<10240x128xf32, #tpu.memory_space<vmem_shared>> -> memref<40x128xf32, #tpu.memory_space<vmem_shared>>
      %dma_start3A_61 = arith.constant 0 : i32
      %dma_start3A_62 = tpu.memref_slice %arg11[%add3A_11, %dma_start3A_61] : memref<10240x128xf32, #tpu.memory_space<vmem_shared>> -> memref<40x128xf32, #tpu.memory_space<vmem_shared>>
      tpu.enqueue_dma source(%arg10 : memref<40x128xf32, #tpu.memory_space<vmem>>) target(%dma_start3A_62 : memref<40x128xf32, #tpu.memory_space<vmem_shared>>) target_semaphore(%run_scoped3A : memref<!tpu.dma_semaphore, #tpu.memory_space<semaphore_mem>>)
      %dma_wait3A = arith.constant 0 : i32
      %dma_wait3A_63 = tpu.memref_slice %arg11[%add3A_11, %dma_wait3A] : memref<10240x128xf32, #tpu.memory_space<vmem_shared>> -> memref<40x128xf32, #tpu.memory_space<vmem_shared>>
      %dma_wait3A_64 = arith.constant 0 : i32
      %dma_wait3A_65 = tpu.memref_slice %arg11[%add3A_11, %dma_wait3A_64] : memref<10240x128xf32, #tpu.memory_space<vmem_shared>> -> memref<40x128xf32, #tpu.memory_space<vmem_shared>>
      tpu.wait_dma2 semaphore(%run_scoped3A : memref<!tpu.dma_semaphore, #tpu.memory_space<semaphore_mem>>) src(%arg10 : memref<40x128xf32, #tpu.memory_space<vmem>>) dst(%dma_wait3A_65 : memref<40x128xf32, #tpu.memory_space<vmem_shared>>)
      tpu.yield
    }) : () -> ()
    %add3A_12 = arith.constant 40 : i32
    %add3A_13 = arith.addi %mul3A_0, %add3A_12 : i32
    "tpu.region"() ({
      %run_scoped3A = tpu.sem_alloc : memref<!tpu.dma_semaphore, #tpu.memory_space<semaphore_mem>>
      %dma_start3A = arith.constant 0 : i32
      %dma_start3A_60 = tpu.memref_slice %arg11[%add3A_13, %dma_start3A] : memref<10240x128xf32, #tpu.memory_space<vmem_shared>> -> memref<40x128xf32, #tpu.memory_space<vmem_shared>>
      %dma_start3A_61 = arith.constant 0 : i32
      %dma_start3A_62 = tpu.memref_slice %arg11[%add3A_13, %dma_start3A_61] : memref<10240x128xf32, #tpu.memory_space<vmem_shared>> -> memref<40x128xf32, #tpu.memory_space<vmem_shared>>
      tpu.enqueue_dma source(%arg10 : memref<40x128xf32, #tpu.memory_space<vmem>>) target(%dma_start3A_62 : memref<40x128xf32, #tpu.memory_space<vmem_shared>>) target_semaphore(%run_scoped3A : memref<!tpu.dma_semaphore, #tpu.memory_space<semaphore_mem>>)
      %dma_wait3A = arith.constant 0 : i32
      %dma_wait3A_63 = tpu.memref_slice %arg11[%add3A_13, %dma_wait3A] : memref<10240x128xf32, #tpu.memory_space<vmem_shared>> -> memref<40x128xf32, #tpu.memory_space<vmem_shared>>
      %dma_wait3A_64 = arith.constant 0 : i32
      %dma_wait3A_65 = tpu.memref_slice %arg11[%add3A_13, %dma_wait3A_64] : memref<10240x128xf32, #tpu.memory_space<vmem_shared>> -> memref<40x128xf32, #tpu.memory_space<vmem_shared>>
      tpu.wait_dma2 semaphore(%run_scoped3A : memref<!tpu.dma_semaphore, #tpu.memory_space<semaphore_mem>>) src(%arg10 : memref<40x128xf32, #tpu.memory_space<vmem>>) dst(%dma_wait3A_65 : memref<40x128xf32, #tpu.memory_space<vmem_shared>>)
      tpu.yield
    }) : () -> ()
    %add3A_14 = arith.constant 80 : i32
    %add3A_15 = arith.addi %mul3A_0, %add3A_14 : i32
    "tpu.region"() ({
      %run_scoped3A = tpu.sem_alloc : memref<!tpu.dma_semaphore, #tpu.memory_space<semaphore_mem>>
      %dma_start3A = arith.constant 0 : i32
      %dma_start3A_60 = tpu.memref_slice %arg11[%add3A_15, %dma_start3A] : memref<10240x128xf32, #tpu.memory_space<vmem_shared>> -> memref<40x128xf32, #tpu.memory_space<vmem_shared>>
      %dma_start3A_61 = arith.constant 0 : i32
      %dma_start3A_62 = tpu.memref_slice %arg11[%add3A_15, %dma_start3A_61] : memref<10240x128xf32, #tpu.memory_space<vmem_shared>> -> memref<40x128xf32, #tpu.memory_space<vmem_shared>>
      tpu.enqueue_dma source(%arg10 : memref<40x128xf32, #tpu.memory_space<vmem>>) target(%dma_start3A_62 : memref<40x128xf32, #tpu.memory_space<vmem_shared>>) target_semaphore(%run_scoped3A : memref<!tpu.dma_semaphore, #tpu.memory_space<semaphore_mem>>)
      %dma_wait3A = arith.constant 0 : i32
      %dma_wait3A_63 = tpu.memref_slice %arg11[%add3A_15, %dma_wait3A] : memref<10240x128xf32, #tpu.memory_space<vmem_shared>> -> memref<40x128xf32, #tpu.memory_space<vmem_shared>>
      %dma_wait3A_64 = arith.constant 0 : i32
      %dma_wait3A_65 = tpu.memref_slice %arg11[%add3A_15, %dma_wait3A_64] : memref<10240x128xf32, #tpu.memory_space<vmem_shared>> -> memref<40x128xf32, #tpu.memory_space<vmem_shared>>
      tpu.wait_dma2 semaphore(%run_scoped3A : memref<!tpu.dma_semaphore, #tpu.memory_space<semaphore_mem>>) src(%arg10 : memref<40x128xf32, #tpu.memory_space<vmem>>) dst(%dma_wait3A_65 : memref<40x128xf32, #tpu.memory_space<vmem_shared>>)
      tpu.yield
    }) : () -> ()
    %add3A_16 = arith.constant 120 : i32
    %add3A_17 = arith.addi %mul3A_0, %add3A_16 : i32
    "tpu.region"() ({
      %run_scoped3A = tpu.sem_alloc : memref<!tpu.dma_semaphore, #tpu.memory_space<semaphore_mem>>
      %dma_start3A = arith.constant 0 : i32
      %dma_start3A_60 = tpu.memref_slice %arg11[%add3A_17, %dma_start3A] : memref<10240x128xf32, #tpu.memory_space<vmem_shared>> -> memref<40x128xf32, #tpu.memory_space<vmem_shared>>
      %dma_start3A_61 = arith.constant 0 : i32
      %dma_start3A_62 = tpu.memref_slice %arg11[%add3A_17, %dma_start3A_61] : memref<10240x128xf32, #tpu.memory_space<vmem_shared>> -> memref<40x128xf32, #tpu.memory_space<vmem_shared>>
      tpu.enqueue_dma source(%arg10 : memref<40x128xf32, #tpu.memory_space<vmem>>) target(%dma_start3A_62 : memref<40x128xf32, #tpu.memory_space<vmem_shared>>) target_semaphore(%run_scoped3A : memref<!tpu.dma_semaphore, #tpu.memory_space<semaphore_mem>>)
      %dma_wait3A = arith.constant 0 : i32
      %dma_wait3A_63 = tpu.memref_slice %arg11[%add3A_17, %dma_wait3A] : memref<10240x128xf32, #tpu.memory_space<vmem_shared>> -> memref<40x128xf32, #tpu.memory_space<vmem_shared>>
      %dma_wait3A_64 = arith.constant 0 : i32
      %dma_wait3A_65 = tpu.memref_slice %arg11[%add3A_17, %dma_wait3A_64] : memref<10240x128xf32, #tpu.memory_space<vmem_shared>> -> memref<40x128xf32, #tpu.memory_space<vmem_shared>>
      tpu.wait_dma2 semaphore(%run_scoped3A : memref<!tpu.dma_semaphore, #tpu.memory_space<semaphore_mem>>) src(%arg10 : memref<40x128xf32, #tpu.memory_space<vmem>>) dst(%dma_wait3A_65 : memref<40x128xf32, #tpu.memory_space<vmem_shared>>)
      tpu.yield
    }) : () -> ()
    %add3A_18 = arith.constant 160 : i32
    %add3A_19 = arith.addi %mul3A_0, %add3A_18 : i32
    "tpu.region"() ({
      %run_scoped3A = tpu.sem_alloc : memref<!tpu.dma_semaphore, #tpu.memory_space<semaphore_mem>>
      %dma_start3A = arith.constant 0 : i32
      %dma_start3A_60 = tpu.memref_slice %arg11[%add3A_19, %dma_start3A] : memref<10240x128xf32, #tpu.memory_space<vmem_shared>> -> memref<40x128xf32, #tpu.memory_space<vmem_shared>>
      %dma_start3A_61 = arith.constant 0 : i32
      %dma_start3A_62 = tpu.memref_slice %arg11[%add3A_19, %dma_start3A_61] : memref<10240x128xf32, #tpu.memory_space<vmem_shared>> -> memref<40x128xf32, #tpu.memory_space<vmem_shared>>
      tpu.enqueue_dma source(%arg10 : memref<40x128xf32, #tpu.memory_space<vmem>>) target(%dma_start3A_62 : memref<40x128xf32, #tpu.memory_space<vmem_shared>>) target_semaphore(%run_scoped3A : memref<!tpu.dma_semaphore, #tpu.memory_space<semaphore_mem>>)
      %dma_wait3A = arith.constant 0 : i32
      %dma_wait3A_63 = tpu.memref_slice %arg11[%add3A_19, %dma_wait3A] : memref<10240x128xf32, #tpu.memory_space<vmem_shared>> -> memref<40x128xf32, #tpu.memory_space<vmem_shared>>
      %dma_wait3A_64 = arith.constant 0 : i32
      %dma_wait3A_65 = tpu.memref_slice %arg11[%add3A_19, %dma_wait3A_64] : memref<10240x128xf32, #tpu.memory_space<vmem_shared>> -> memref<40x128xf32, #tpu.memory_space<vmem_shared>>
      tpu.wait_dma2 semaphore(%run_scoped3A : memref<!tpu.dma_semaphore, #tpu.memory_space<semaphore_mem>>) src(%arg10 : memref<40x128xf32, #tpu.memory_space<vmem>>) dst(%dma_wait3A_65 : memref<40x128xf32, #tpu.memory_space<vmem_shared>>)
      tpu.yield
    }) : () -> ()
    %add3A_20 = arith.constant 200 : i32
    %add3A_21 = arith.addi %mul3A_0, %add3A_20 : i32
    "tpu.region"() ({
      %run_scoped3A = tpu.sem_alloc : memref<!tpu.dma_semaphore, #tpu.memory_space<semaphore_mem>>
      %dma_start3A = arith.constant 0 : i32
      %dma_start3A_60 = tpu.memref_slice %arg11[%add3A_21, %dma_start3A] : memref<10240x128xf32, #tpu.memory_space<vmem_shared>> -> memref<40x128xf32, #tpu.memory_space<vmem_shared>>
      %dma_start3A_61 = arith.constant 0 : i32
      %dma_start3A_62 = tpu.memref_slice %arg11[%add3A_21, %dma_start3A_61] : memref<10240x128xf32, #tpu.memory_space<vmem_shared>> -> memref<40x128xf32, #tpu.memory_space<vmem_shared>>
      tpu.enqueue_dma source(%arg10 : memref<40x128xf32, #tpu.memory_space<vmem>>) target(%dma_start3A_62 : memref<40x128xf32, #tpu.memory_space<vmem_shared>>) target_semaphore(%run_scoped3A : memref<!tpu.dma_semaphore, #tpu.memory_space<semaphore_mem>>)
      %dma_wait3A = arith.constant 0 : i32
      %dma_wait3A_63 = tpu.memref_slice %arg11[%add3A_21, %dma_wait3A] : memref<10240x128xf32, #tpu.memory_space<vmem_shared>> -> memref<40x128xf32, #tpu.memory_space<vmem_shared>>
      %dma_wait3A_64 = arith.constant 0 : i32
      %dma_wait3A_65 = tpu.memref_slice %arg11[%add3A_21, %dma_wait3A_64] : memref<10240x128xf32, #tpu.memory_space<vmem_shared>> -> memref<40x128xf32, #tpu.memory_space<vmem_shared>>
      tpu.wait_dma2 semaphore(%run_scoped3A : memref<!tpu.dma_semaphore, #tpu.memory_space<semaphore_mem>>) src(%arg10 : memref<40x128xf32, #tpu.memory_space<vmem>>) dst(%dma_wait3A_65 : memref<40x128xf32, #tpu.memory_space<vmem_shared>>)
      tpu.yield
    }) : () -> ()
    %add3A_22 = arith.constant 240 : i32
    %add3A_23 = arith.addi %mul3A_0, %add3A_22 : i32
    "tpu.region"() ({
      %run_scoped3A = tpu.sem_alloc : memref<!tpu.dma_semaphore, #tpu.memory_space<semaphore_mem>>
      %dma_start3A = arith.constant 0 : i32
      %dma_start3A_60 = tpu.memref_slice %arg11[%add3A_23, %dma_start3A] : memref<10240x128xf32, #tpu.memory_space<vmem_shared>> -> memref<40x128xf32, #tpu.memory_space<vmem_shared>>
      %dma_start3A_61 = arith.constant 0 : i32
      %dma_start3A_62 = tpu.memref_slice %arg11[%add3A_23, %dma_start3A_61] : memref<10240x128xf32, #tpu.memory_space<vmem_shared>> -> memref<40x128xf32, #tpu.memory_space<vmem_shared>>
      tpu.enqueue_dma source(%arg10 : memref<40x128xf32, #tpu.memory_space<vmem>>) target(%dma_start3A_62 : memref<40x128xf32, #tpu.memory_space<vmem_shared>>) target_semaphore(%run_scoped3A : memref<!tpu.dma_semaphore, #tpu.memory_space<semaphore_mem>>)
      %dma_wait3A = arith.constant 0 : i32
      %dma_wait3A_63 = tpu.memref_slice %arg11[%add3A_23, %dma_wait3A] : memref<10240x128xf32, #tpu.memory_space<vmem_shared>> -> memref<40x128xf32, #tpu.memory_space<vmem_shared>>
      %dma_wait3A_64 = arith.constant 0 : i32
      %dma_wait3A_65 = tpu.memref_slice %arg11[%add3A_23, %dma_wait3A_64] : memref<10240x128xf32, #tpu.memory_space<vmem_shared>> -> memref<40x128xf32, #tpu.memory_space<vmem_shared>>
      tpu.wait_dma2 semaphore(%run_scoped3A : memref<!tpu.dma_semaphore, #tpu.memory_space<semaphore_mem>>) src(%arg10 : memref<40x128xf32, #tpu.memory_space<vmem>>) dst(%dma_wait3A_65 : memref<40x128xf32, #tpu.memory_space<vmem_shared>>)
      tpu.yield
    }) : () -> ()
    %add3A_24 = arith.constant 280 : i32
    %add3A_25 = arith.addi %mul3A_0, %add3A_24 : i32
    "tpu.region"() ({
      %run_scoped3A = tpu.sem_alloc : memref<!tpu.dma_semaphore, #tpu.memory_space<semaphore_mem>>
      %dma_start3A = arith.constant 0 : i32
      %dma_start3A_60 = tpu.memref_slice %arg11[%add3A_25, %dma_start3A] : memref<10240x128xf32, #tpu.memory_space<vmem_shared>> -> memref<40x128xf32, #tpu.memory_space<vmem_shared>>
      %dma_start3A_61 = arith.constant 0 : i32
      %dma_start3A_62 = tpu.memref_slice %arg11[%add3A_25, %dma_start3A_61] : memref<10240x128xf32, #tpu.memory_space<vmem_shared>> -> memref<40x128xf32, #tpu.memory_space<vmem_shared>>
      tpu.enqueue_dma source(%arg10 : memref<40x128xf32, #tpu.memory_space<vmem>>) target(%dma_start3A_62 : memref<40x128xf32, #tpu.memory_space<vmem_shared>>) target_semaphore(%run_scoped3A : memref<!tpu.dma_semaphore, #tpu.memory_space<semaphore_mem>>)
      %dma_wait3A = arith.constant 0 : i32
      %dma_wait3A_63 = tpu.memref_slice %arg11[%add3A_25, %dma_wait3A] : memref<10240x128xf32, #tpu.memory_space<vmem_shared>> -> memref<40x128xf32, #tpu.memory_space<vmem_shared>>
      %dma_wait3A_64 = arith.constant 0 : i32
      %dma_wait3A_65 = tpu.memref_slice %arg11[%add3A_25, %dma_wait3A_64] : memref<10240x128xf32, #tpu.memory_space<vmem_shared>> -> memref<40x128xf32, #tpu.memory_space<vmem_shared>>
      tpu.wait_dma2 semaphore(%run_scoped3A : memref<!tpu.dma_semaphore, #tpu.memory_space<semaphore_mem>>) src(%arg10 : memref<40x128xf32, #tpu.memory_space<vmem>>) dst(%dma_wait3A_65 : memref<40x128xf32, #tpu.memory_space<vmem_shared>>)
      tpu.yield
    }) : () -> ()
    %add3A_26 = arith.constant 320 : i32
    %add3A_27 = arith.addi %mul3A_0, %add3A_26 : i32
    "tpu.region"() ({
      %run_scoped3A = tpu.sem_alloc : memref<!tpu.dma_semaphore, #tpu.memory_space<semaphore_mem>>
      %dma_start3A = arith.constant 0 : i32
      %dma_start3A_60 = tpu.memref_slice %arg11[%add3A_27, %dma_start3A] : memref<10240x128xf32, #tpu.memory_space<vmem_shared>> -> memref<40x128xf32, #tpu.memory_space<vmem_shared>>
      %dma_start3A_61 = arith.constant 0 : i32
      %dma_start3A_62 = tpu.memref_slice %arg11[%add3A_27, %dma_start3A_61] : memref<10240x128xf32, #tpu.memory_space<vmem_shared>> -> memref<40x128xf32, #tpu.memory_space<vmem_shared>>
      tpu.enqueue_dma source(%arg10 : memref<40x128xf32, #tpu.memory_space<vmem>>) target(%dma_start3A_62 : memref<40x128xf32, #tpu.memory_space<vmem_shared>>) target_semaphore(%run_scoped3A : memref<!tpu.dma_semaphore, #tpu.memory_space<semaphore_mem>>)
      %dma_wait3A = arith.constant 0 : i32
      %dma_wait3A_63 = tpu.memref_slice %arg11[%add3A_27, %dma_wait3A] : memref<10240x128xf32, #tpu.memory_space<vmem_shared>> -> memref<40x128xf32, #tpu.memory_space<vmem_shared>>
      %dma_wait3A_64 = arith.constant 0 : i32
      %dma_wait3A_65 = tpu.memref_slice %arg11[%add3A_27, %dma_wait3A_64] : memref<10240x128xf32, #tpu.memory_space<vmem_shared>> -> memref<40x128xf32, #tpu.memory_space<vmem_shared>>
      tpu.wait_dma2 semaphore(%run_scoped3A : memref<!tpu.dma_semaphore, #tpu.memory_space<semaphore_mem>>) src(%arg10 : memref<40x128xf32, #tpu.memory_space<vmem>>) dst(%dma_wait3A_65 : memref<40x128xf32, #tpu.memory_space<vmem_shared>>)
      tpu.yield
    }) : () -> ()
    %add3A_28 = arith.constant 360 : i32
    %add3A_29 = arith.addi %mul3A_0, %add3A_28 : i32
    "tpu.region"() ({
      %run_scoped3A = tpu.sem_alloc : memref<!tpu.dma_semaphore, #tpu.memory_space<semaphore_mem>>
      %dma_start3A = arith.constant 0 : i32
      %dma_start3A_60 = tpu.memref_slice %arg11[%add3A_29, %dma_start3A] : memref<10240x128xf32, #tpu.memory_space<vmem_shared>> -> memref<40x128xf32, #tpu.memory_space<vmem_shared>>
      %dma_start3A_61 = arith.constant 0 : i32
      %dma_start3A_62 = tpu.memref_slice %arg11[%add3A_29, %dma_start3A_61] : memref<10240x128xf32, #tpu.memory_space<vmem_shared>> -> memref<40x128xf32, #tpu.memory_space<vmem_shared>>
      tpu.enqueue_dma source(%arg10 : memref<40x128xf32, #tpu.memory_space<vmem>>) target(%dma_start3A_62 : memref<40x128xf32, #tpu.memory_space<vmem_shared>>) target_semaphore(%run_scoped3A : memref<!tpu.dma_semaphore, #tpu.memory_space<semaphore_mem>>)
      %dma_wait3A = arith.constant 0 : i32
      %dma_wait3A_63 = tpu.memref_slice %arg11[%add3A_29, %dma_wait3A] : memref<10240x128xf32, #tpu.memory_space<vmem_shared>> -> memref<40x128xf32, #tpu.memory_space<vmem_shared>>
      %dma_wait3A_64 = arith.constant 0 : i32
      %dma_wait3A_65 = tpu.memref_slice %arg11[%add3A_29, %dma_wait3A_64] : memref<10240x128xf32, #tpu.memory_space<vmem_shared>> -> memref<40x128xf32, #tpu.memory_space<vmem_shared>>
      tpu.wait_dma2 semaphore(%run_scoped3A : memref<!tpu.dma_semaphore, #tpu.memory_space<semaphore_mem>>) src(%arg10 : memref<40x128xf32, #tpu.memory_space<vmem>>) dst(%dma_wait3A_65 : memref<40x128xf32, #tpu.memory_space<vmem_shared>>)
      tpu.yield
    }) : () -> ()
    %add3A_30 = arith.constant 400 : i32
    %add3A_31 = arith.addi %mul3A_0, %add3A_30 : i32
    "tpu.region"() ({
      %run_scoped3A = tpu.sem_alloc : memref<!tpu.dma_semaphore, #tpu.memory_space<semaphore_mem>>
      %dma_start3A = arith.constant 0 : i32
      %dma_start3A_60 = tpu.memref_slice %arg11[%add3A_31, %dma_start3A] : memref<10240x128xf32, #tpu.memory_space<vmem_shared>> -> memref<40x128xf32, #tpu.memory_space<vmem_shared>>
      %dma_start3A_61 = arith.constant 0 : i32
      %dma_start3A_62 = tpu.memref_slice %arg11[%add3A_31, %dma_start3A_61] : memref<10240x128xf32, #tpu.memory_space<vmem_shared>> -> memref<40x128xf32, #tpu.memory_space<vmem_shared>>
      tpu.enqueue_dma source(%arg10 : memref<40x128xf32, #tpu.memory_space<vmem>>) target(%dma_start3A_62 : memref<40x128xf32, #tpu.memory_space<vmem_shared>>) target_semaphore(%run_scoped3A : memref<!tpu.dma_semaphore, #tpu.memory_space<semaphore_mem>>)
      %dma_wait3A = arith.constant 0 : i32
      %dma_wait3A_63 = tpu.memref_slice %arg11[%add3A_31, %dma_wait3A] : memref<10240x128xf32, #tpu.memory_space<vmem_shared>> -> memref<40x128xf32, #tpu.memory_space<vmem_shared>>
      %dma_wait3A_64 = arith.constant 0 : i32
      %dma_wait3A_65 = tpu.memref_slice %arg11[%add3A_31, %dma_wait3A_64] : memref<10240x128xf32, #tpu.memory_space<vmem_shared>> -> memref<40x128xf32, #tpu.memory_space<vmem_shared>>
      tpu.wait_dma2 semaphore(%run_scoped3A : memref<!tpu.dma_semaphore, #tpu.memory_space<semaphore_mem>>) src(%arg10 : memref<40x128xf32, #tpu.memory_space<vmem>>) dst(%dma_wait3A_65 : memref<40x128xf32, #tpu.memory_space<vmem_shared>>)
      tpu.yield
    }) : () -> ()
    %add3A_32 = arith.constant 440 : i32
    %add3A_33 = arith.addi %mul3A_0, %add3A_32 : i32
    "tpu.region"() ({
      %run_scoped3A = tpu.sem_alloc : memref<!tpu.dma_semaphore, #tpu.memory_space<semaphore_mem>>
      %dma_start3A = arith.constant 0 : i32
      %dma_start3A_60 = tpu.memref_slice %arg11[%add3A_33, %dma_start3A] : memref<10240x128xf32, #tpu.memory_space<vmem_shared>> -> memref<40x128xf32, #tpu.memory_space<vmem_shared>>
      %dma_start3A_61 = arith.constant 0 : i32
      %dma_start3A_62 = tpu.memref_slice %arg11[%add3A_33, %dma_start3A_61] : memref<10240x128xf32, #tpu.memory_space<vmem_shared>> -> memref<40x128xf32, #tpu.memory_space<vmem_shared>>
      tpu.enqueue_dma source(%arg10 : memref<40x128xf32, #tpu.memory_space<vmem>>) target(%dma_start3A_62 : memref<40x128xf32, #tpu.memory_space<vmem_shared>>) target_semaphore(%run_scoped3A : memref<!tpu.dma_semaphore, #tpu.memory_space<semaphore_mem>>)
      %dma_wait3A = arith.constant 0 : i32
      %dma_wait3A_63 = tpu.memref_slice %arg11[%add3A_33, %dma_wait3A] : memref<10240x128xf32, #tpu.memory_space<vmem_shared>> -> memref<40x128xf32, #tpu.memory_space<vmem_shared>>
      %dma_wait3A_64 = arith.constant 0 : i32
      %dma_wait3A_65 = tpu.memref_slice %arg11[%add3A_33, %dma_wait3A_64] : memref<10240x128xf32, #tpu.memory_space<vmem_shared>> -> memref<40x128xf32, #tpu.memory_space<vmem_shared>>
      tpu.wait_dma2 semaphore(%run_scoped3A : memref<!tpu.dma_semaphore, #tpu.memory_space<semaphore_mem>>) src(%arg10 : memref<40x128xf32, #tpu.memory_space<vmem>>) dst(%dma_wait3A_65 : memref<40x128xf32, #tpu.memory_space<vmem_shared>>)
      tpu.yield
    }) : () -> ()
    %add3A_34 = arith.constant 480 : i32
    %add3A_35 = arith.addi %mul3A_0, %add3A_34 : i32
    "tpu.region"() ({
      %run_scoped3A = tpu.sem_alloc : memref<!tpu.dma_semaphore, #tpu.memory_space<semaphore_mem>>
      %dma_start3A = arith.constant 0 : i32
      %dma_start3A_60 = tpu.memref_slice %arg11[%add3A_35, %dma_start3A] : memref<10240x128xf32, #tpu.memory_space<vmem_shared>> -> memref<40x128xf32, #tpu.memory_space<vmem_shared>>
      %dma_start3A_61 = arith.constant 0 : i32
      %dma_start3A_62 = tpu.memref_slice %arg11[%add3A_35, %dma_start3A_61] : memref<10240x128xf32, #tpu.memory_space<vmem_shared>> -> memref<40x128xf32, #tpu.memory_space<vmem_shared>>
      tpu.enqueue_dma source(%arg10 : memref<40x128xf32, #tpu.memory_space<vmem>>) target(%dma_start3A_62 : memref<40x128xf32, #tpu.memory_space<vmem_shared>>) target_semaphore(%run_scoped3A : memref<!tpu.dma_semaphore, #tpu.memory_space<semaphore_mem>>)
      %dma_wait3A = arith.constant 0 : i32
      %dma_wait3A_63 = tpu.memref_slice %arg11[%add3A_35, %dma_wait3A] : memref<10240x128xf32, #tpu.memory_space<vmem_shared>> -> memref<40x128xf32, #tpu.memory_space<vmem_shared>>
      %dma_wait3A_64 = arith.constant 0 : i32
      %dma_wait3A_65 = tpu.memref_slice %arg11[%add3A_35, %dma_wait3A_64] : memref<10240x128xf32, #tpu.memory_space<vmem_shared>> -> memref<40x128xf32, #tpu.memory_space<vmem_shared>>
      tpu.wait_dma2 semaphore(%run_scoped3A : memref<!tpu.dma_semaphore, #tpu.memory_space<semaphore_mem>>) src(%arg10 : memref<40x128xf32, #tpu.memory_space<vmem>>) dst(%dma_wait3A_65 : memref<40x128xf32, #tpu.memory_space<vmem_shared>>)
      tpu.yield
    }) : () -> ()
    %add3A_36 = arith.constant 520 : i32
    %add3A_37 = arith.addi %mul3A_0, %add3A_36 : i32
    "tpu.region"() ({
      %run_scoped3A = tpu.sem_alloc : memref<!tpu.dma_semaphore, #tpu.memory_space<semaphore_mem>>
      %dma_start3A = arith.constant 0 : i32
      %dma_start3A_60 = tpu.memref_slice %arg11[%add3A_37, %dma_start3A] : memref<10240x128xf32, #tpu.memory_space<vmem_shared>> -> memref<40x128xf32, #tpu.memory_space<vmem_shared>>
      %dma_start3A_61 = arith.constant 0 : i32
      %dma_start3A_62 = tpu.memref_slice %arg11[%add3A_37, %dma_start3A_61] : memref<10240x128xf32, #tpu.memory_space<vmem_shared>> -> memref<40x128xf32, #tpu.memory_space<vmem_shared>>
      tpu.enqueue_dma source(%arg10 : memref<40x128xf32, #tpu.memory_space<vmem>>) target(%dma_start3A_62 : memref<40x128xf32, #tpu.memory_space<vmem_shared>>) target_semaphore(%run_scoped3A : memref<!tpu.dma_semaphore, #tpu.memory_space<semaphore_mem>>)
      %dma_wait3A = arith.constant 0 : i32
      %dma_wait3A_63 = tpu.memref_slice %arg11[%add3A_37, %dma_wait3A] : memref<10240x128xf32, #tpu.memory_space<vmem_shared>> -> memref<40x128xf32, #tpu.memory_space<vmem_shared>>
      %dma_wait3A_64 = arith.constant 0 : i32
      %dma_wait3A_65 = tpu.memref_slice %arg11[%add3A_37, %dma_wait3A_64] : memref<10240x128xf32, #tpu.memory_space<vmem_shared>> -> memref<40x128xf32, #tpu.memory_space<vmem_shared>>
      tpu.wait_dma2 semaphore(%run_scoped3A : memref<!tpu.dma_semaphore, #tpu.memory_space<semaphore_mem>>) src(%arg10 : memref<40x128xf32, #tpu.memory_space<vmem>>) dst(%dma_wait3A_65 : memref<40x128xf32, #tpu.memory_space<vmem_shared>>)
      tpu.yield
    }) : () -> ()
    %add3A_38 = arith.constant 560 : i32
    %add3A_39 = arith.addi %mul3A_0, %add3A_38 : i32
    "tpu.region"() ({
      %run_scoped3A = tpu.sem_alloc : memref<!tpu.dma_semaphore, #tpu.memory_space<semaphore_mem>>
      %dma_start3A = arith.constant 0 : i32
      %dma_start3A_60 = tpu.memref_slice %arg11[%add3A_39, %dma_start3A] : memref<10240x128xf32, #tpu.memory_space<vmem_shared>> -> memref<40x128xf32, #tpu.memory_space<vmem_shared>>
      %dma_start3A_61 = arith.constant 0 : i32
      %dma_start3A_62 = tpu.memref_slice %arg11[%add3A_39, %dma_start3A_61] : memref<10240x128xf32, #tpu.memory_space<vmem_shared>> -> memref<40x128xf32, #tpu.memory_space<vmem_shared>>
      tpu.enqueue_dma source(%arg10 : memref<40x128xf32, #tpu.memory_space<vmem>>) target(%dma_start3A_62 : memref<40x128xf32, #tpu.memory_space<vmem_shared>>) target_semaphore(%run_scoped3A : memref<!tpu.dma_semaphore, #tpu.memory_space<semaphore_mem>>)
      %dma_wait3A = arith.constant 0 : i32
      %dma_wait3A_63 = tpu.memref_slice %arg11[%add3A_39, %dma_wait3A] : memref<10240x128xf32, #tpu.memory_space<vmem_shared>> -> memref<40x128xf32, #tpu.memory_space<vmem_shared>>
      %dma_wait3A_64 = arith.constant 0 : i32
      %dma_wait3A_65 = tpu.memref_slice %arg11[%add3A_39, %dma_wait3A_64] : memref<10240x128xf32, #tpu.memory_space<vmem_shared>> -> memref<40x128xf32, #tpu.memory_space<vmem_shared>>
      tpu.wait_dma2 semaphore(%run_scoped3A : memref<!tpu.dma_semaphore, #tpu.memory_space<semaphore_mem>>) src(%arg10 : memref<40x128xf32, #tpu.memory_space<vmem>>) dst(%dma_wait3A_65 : memref<40x128xf32, #tpu.memory_space<vmem_shared>>)
      tpu.yield
    }) : () -> ()
    %add3A_40 = arith.constant 600 : i32
    %add3A_41 = arith.addi %mul3A_0, %add3A_40 : i32
    "tpu.region"() ({
      %run_scoped3A = tpu.sem_alloc : memref<!tpu.dma_semaphore, #tpu.memory_space<semaphore_mem>>
      %dma_start3A = arith.constant 0 : i32
      %dma_start3A_60 = tpu.memref_slice %arg11[%add3A_41, %dma_start3A] : memref<10240x128xf32, #tpu.memory_space<vmem_shared>> -> memref<40x128xf32, #tpu.memory_space<vmem_shared>>
      %dma_start3A_61 = arith.constant 0 : i32
      %dma_start3A_62 = tpu.memref_slice %arg11[%add3A_41, %dma_start3A_61] : memref<10240x128xf32, #tpu.memory_space<vmem_shared>> -> memref<40x128xf32, #tpu.memory_space<vmem_shared>>
      tpu.enqueue_dma source(%arg10 : memref<40x128xf32, #tpu.memory_space<vmem>>) target(%dma_start3A_62 : memref<40x128xf32, #tpu.memory_space<vmem_shared>>) target_semaphore(%run_scoped3A : memref<!tpu.dma_semaphore, #tpu.memory_space<semaphore_mem>>)
      %dma_wait3A = arith.constant 0 : i32
      %dma_wait3A_63 = tpu.memref_slice %arg11[%add3A_41, %dma_wait3A] : memref<10240x128xf32, #tpu.memory_space<vmem_shared>> -> memref<40x128xf32, #tpu.memory_space<vmem_shared>>
      %dma_wait3A_64 = arith.constant 0 : i32
      %dma_wait3A_65 = tpu.memref_slice %arg11[%add3A_41, %dma_wait3A_64] : memref<10240x128xf32, #tpu.memory_space<vmem_shared>> -> memref<40x128xf32, #tpu.memory_space<vmem_shared>>
      tpu.wait_dma2 semaphore(%run_scoped3A : memref<!tpu.dma_semaphore, #tpu.memory_space<semaphore_mem>>) src(%arg10 : memref<40x128xf32, #tpu.memory_space<vmem>>) dst(%dma_wait3A_65 : memref<40x128xf32, #tpu.memory_space<vmem_shared>>)
      tpu.yield
    }) : () -> ()
    %barrier3A = arith.constant 0 : index
    tpu.barrier barrier_id(%barrier3A)
    %scan3A_42 = arith.constant 0 : i32
    %scan3A_43 = arith.constant 0 : i32
    %scan3A_44 = arith.constant 4 : i32
    %scan3A_45 = arith.addi %scan3A_43, %scan3A_44 : i32
    %scan3A_46 = arith.constant 1 : i32
    %scan3A_47 = scf.for %scan3A_60 = %scan3A_43 to %scan3A_45 step %scan3A_46 iter_args(%scan3A_61 = %scan3A_42) -> (i32)  : i32 {
      %mul3A_62 = arith.constant 40 : i32
      %mul3A_63 = arith.muli %scan3A_60, %mul3A_62 : i32
      "tpu.region"() ({
        %run_scoped3A = tpu.sem_alloc : memref<!tpu.dma_semaphore, #tpu.memory_space<semaphore_mem>>
        %dma_start3A_98 = arith.constant 0 : i32
        %dma_start3A_99 = tpu.memref_slice %arg3[%add3A, %mul3A_63, %dma_start3A_98] : memref<32x160x128xi32, #tpu.memory_space<hbm>> -> memref<1x40x128xi32, #tpu.memory_space<hbm>>
        %dma_start3A_100 = tpu.memref_squeeze %dma_start3A_99 : memref<1x40x128xi32, #tpu.memory_space<hbm>> -> memref<40x128xi32, #tpu.memory_space<hbm>>
        %dma_start3A_101 = arith.constant 0 : i32
        %dma_start3A_102 = tpu.memref_slice %arg3[%add3A, %mul3A_63, %dma_start3A_101] : memref<32x160x128xi32, #tpu.memory_space<hbm>> -> memref<1x40x128xi32, #tpu.memory_space<hbm>>
        %dma_start3A_103 = tpu.memref_squeeze %dma_start3A_102 : memref<1x40x128xi32, #tpu.memory_space<hbm>> -> memref<40x128xi32, #tpu.memory_space<hbm>>
        tpu.enqueue_dma source(%dma_start3A_103 : memref<40x128xi32, #tpu.memory_space<hbm>>) target(%arg6 : memref<40x128xi32, #tpu.memory_space<vmem>>) target_semaphore(%run_scoped3A : memref<!tpu.dma_semaphore, #tpu.memory_space<semaphore_mem>>)
        %dma_wait3A_104 = arith.constant 0 : i32
        %dma_wait3A_105 = tpu.memref_slice %arg3[%add3A, %mul3A_63, %dma_wait3A_104] : memref<32x160x128xi32, #tpu.memory_space<hbm>> -> memref<1x40x128xi32, #tpu.memory_space<hbm>>
        %dma_wait3A_106 = tpu.memref_squeeze %dma_wait3A_105 : memref<1x40x128xi32, #tpu.memory_space<hbm>> -> memref<40x128xi32, #tpu.memory_space<hbm>>
        %dma_wait3A_107 = arith.constant 0 : i32
        %dma_wait3A_108 = tpu.memref_slice %arg3[%add3A, %mul3A_63, %dma_wait3A_107] : memref<32x160x128xi32, #tpu.memory_space<hbm>> -> memref<1x40x128xi32, #tpu.memory_space<hbm>>
        %dma_wait3A_109 = tpu.memref_squeeze %dma_wait3A_108 : memref<1x40x128xi32, #tpu.memory_space<hbm>> -> memref<40x128xi32, #tpu.memory_space<hbm>>
        tpu.wait_dma2 semaphore(%run_scoped3A : memref<!tpu.dma_semaphore, #tpu.memory_space<semaphore_mem>>) src(%dma_wait3A_109 : memref<40x128xi32, #tpu.memory_space<hbm>>) dst(%arg6 : memref<40x128xi32, #tpu.memory_space<vmem>>)
        tpu.yield
      }) : () -> ()
      %mul3A_64 = arith.constant 40 : i32
      %mul3A_65 = arith.muli %scan3A_60, %mul3A_64 : i32
      "tpu.region"() ({
        %run_scoped3A = tpu.sem_alloc : memref<!tpu.dma_semaphore, #tpu.memory_space<semaphore_mem>>
        %dma_start3A_98 = arith.constant 0 : i32
        %dma_start3A_99 = tpu.memref_slice %arg4[%add3A, %mul3A_65, %dma_start3A_98] : memref<32x160x128xi32, #tpu.memory_space<hbm>> -> memref<1x40x128xi32, #tpu.memory_space<hbm>>
        %dma_start3A_100 = tpu.memref_squeeze %dma_start3A_99 : memref<1x40x128xi32, #tpu.memory_space<hbm>> -> memref<40x128xi32, #tpu.memory_space<hbm>>
        %dma_start3A_101 = arith.constant 0 : i32
        %dma_start3A_102 = tpu.memref_slice %arg4[%add3A, %mul3A_65, %dma_start3A_101] : memref<32x160x128xi32, #tpu.memory_space<hbm>> -> memref<1x40x128xi32, #tpu.memory_space<hbm>>
        %dma_start3A_103 = tpu.memref_squeeze %dma_start3A_102 : memref<1x40x128xi32, #tpu.memory_space<hbm>> -> memref<40x128xi32, #tpu.memory_space<hbm>>
        tpu.enqueue_dma source(%dma_start3A_103 : memref<40x128xi32, #tpu.memory_space<hbm>>) target(%arg7 : memref<40x128xi32, #tpu.memory_space<vmem>>) target_semaphore(%run_scoped3A : memref<!tpu.dma_semaphore, #tpu.memory_space<semaphore_mem>>)
        %dma_wait3A_104 = arith.constant 0 : i32
        %dma_wait3A_105 = tpu.memref_slice %arg4[%add3A, %mul3A_65, %dma_wait3A_104] : memref<32x160x128xi32, #tpu.memory_space<hbm>> -> memref<1x40x128xi32, #tpu.memory_space<hbm>>
        %dma_wait3A_106 = tpu.memref_squeeze %dma_wait3A_105 : memref<1x40x128xi32, #tpu.memory_space<hbm>> -> memref<40x128xi32, #tpu.memory_space<hbm>>
        %dma_wait3A_107 = arith.constant 0 : i32
        %dma_wait3A_108 = tpu.memref_slice %arg4[%add3A, %mul3A_65, %dma_wait3A_107] : memref<32x160x128xi32, #tpu.memory_space<hbm>> -> memref<1x40x128xi32, #tpu.memory_space<hbm>>
        %dma_wait3A_109 = tpu.memref_squeeze %dma_wait3A_108 : memref<1x40x128xi32, #tpu.memory_space<hbm>> -> memref<40x128xi32, #tpu.memory_space<hbm>>
        tpu.wait_dma2 semaphore(%run_scoped3A : memref<!tpu.dma_semaphore, #tpu.memory_space<semaphore_mem>>) src(%dma_wait3A_109 : memref<40x128xi32, #tpu.memory_space<hbm>>) dst(%arg7 : memref<40x128xi32, #tpu.memory_space<vmem>>)
        tpu.yield
      }) : () -> ()
      %dma_start3A = arith.constant 0 : i32
      %dma_start3A_66 = arith.constant 0 : i32
      %dma_start3A_67 = tpu.memref_slice %arg6[%dma_start3A, %dma_start3A_66] : memref<40x128xi32, #tpu.memory_space<vmem>> -> memref<1x128xi32, #tpu.memory_space<vmem>>
      %dma_start3A_68 = tpu.memref_squeeze %dma_start3A_67 : memref<1x128xi32, #tpu.memory_space<vmem>> -> memref<128xi32, #tpu.memory_space<vmem>>
      %dma_start3A_69 = arith.constant 0 : i32
      %dma_start3A_70 = arith.constant 0 : i32
      %dma_start3A_71 = tpu.memref_slice %arg2[%dma_start3A_69, %dma_start3A_70] : memref<20480x128xf32, #tpu.memory_space<hbm>> -> memref<20480x128xf32, #tpu.memory_space<hbm>>
      tpu.enqueue_indirect_dma source(%dma_start3A_71 : memref<20480x128xf32, #tpu.memory_space<hbm>>) target(%arg8 : memref<128x128xf32, #tpu.memory_space<vmem>>) offsets(%dma_start3A_68 : memref<128xi32, #tpu.memory_space<vmem>>) semaphore(%arg12 : memref<!tpu.dma_semaphore, #tpu.memory_space<semaphore_mem>>)
      %dma_start3A_72 = arith.constant 1 : i32
      %dma_start3A_73 = arith.constant 0 : i32
      %dma_start3A_74 = tpu.memref_slice %arg6[%dma_start3A_72, %dma_start3A_73] : memref<40x128xi32, #tpu.memory_space<vmem>> -> memref<1x128xi32, #tpu.memory_space<vmem>>
      %dma_start3A_75 = tpu.memref_squeeze %dma_start3A_74 : memref<1x128xi32, #tpu.memory_space<vmem>> -> memref<128xi32, #tpu.memory_space<vmem>>
      %dma_start3A_76 = arith.constant 0 : i32
      %dma_start3A_77 = arith.constant 0 : i32
      %dma_start3A_78 = tpu.memref_slice %arg2[%dma_start3A_76, %dma_start3A_77] : memref<20480x128xf32, #tpu.memory_space<hbm>> -> memref<20480x128xf32, #tpu.memory_space<hbm>>
      tpu.enqueue_indirect_dma source(%dma_start3A_78 : memref<20480x128xf32, #tpu.memory_space<hbm>>) target(%arg9 : memref<128x128xf32, #tpu.memory_space<vmem>>) offsets(%dma_start3A_75 : memref<128xi32, #tpu.memory_space<vmem>>) semaphore(%arg13 : memref<!tpu.dma_semaphore, #tpu.memory_space<semaphore_mem>>)
      %scan3A_79 = arith.constant 0 : i32
      %scan3A_80 = arith.constant 0 : i32
      %scan3A_81 = arith.constant 20 : i32
      %scan3A_82 = arith.addi %scan3A_80, %scan3A_81 : i32
      %scan3A_83 = arith.constant 1 : i32
      %scan3A_84 = scf.for %scan3A_98 = %scan3A_80 to %scan3A_82 step %scan3A_83 iter_args(%scan3A_99 = %scan3A_79) -> (i32)  : i32 {
        %dma_wait3A_100 = arith.constant 0 : i32
        %dma_wait3A_101 = arith.constant 0 : i32
        %dma_wait3A_102 = tpu.memref_slice %arg2[%dma_wait3A_100, %dma_wait3A_101] : memref<20480x128xf32, #tpu.memory_space<hbm>> -> memref<128x128xf32, #tpu.memory_space<hbm>>
        %dma_wait3A_103 = arith.constant 0 : i32
        %dma_wait3A_104 = arith.constant 0 : i32
        %dma_wait3A_105 = tpu.memref_slice %arg2[%dma_wait3A_103, %dma_wait3A_104] : memref<20480x128xf32, #tpu.memory_space<hbm>> -> memref<128x128xf32, #tpu.memory_space<hbm>>
        tpu.wait_dma2 semaphore(%arg12 : memref<!tpu.dma_semaphore, #tpu.memory_space<semaphore_mem>>) src(%dma_wait3A_105 : memref<128x128xf32, #tpu.memory_space<hbm>>) dst(%arg8 : memref<128x128xf32, #tpu.memory_space<vmem>>)
        %mul3A_106 = arith.constant 2 : i32
        %mul3A_107 = arith.muli %mul3A_106, %scan3A_98 : i32
        %dma_start3A_108 = arith.constant 0 : i32
        %dma_start3A_109 = tpu.memref_slice %arg7[%mul3A_107, %dma_start3A_108] : memref<40x128xi32, #tpu.memory_space<vmem>> -> memref<1x128xi32, #tpu.memory_space<vmem>>
        %dma_start3A_110 = tpu.memref_squeeze %dma_start3A_109 : memref<1x128xi32, #tpu.memory_space<vmem>> -> memref<128xi32, #tpu.memory_space<vmem>>
        %dma_start3A_111 = arith.constant 0 : i32
        %dma_start3A_112 = arith.constant 0 : i32
        %dma_start3A_113 = tpu.memref_slice %arg11[%dma_start3A_111, %dma_start3A_112] : memref<10240x128xf32, #tpu.memory_space<vmem_shared>> -> memref<10240x128xf32, #tpu.memory_space<vmem_shared>>
        tpu.enqueue_indirect_dma source(%arg8 : memref<128x128xf32, #tpu.memory_space<vmem>>) target(%dma_start3A_113 : memref<10240x128xf32, #tpu.memory_space<vmem_shared>>) offsets(%dma_start3A_110 : memref<128xi32, #tpu.memory_space<vmem>>) semaphore(%arg14 : memref<!tpu.dma_semaphore, #tpu.memory_space<semaphore_mem>>) {add = true}
        %mul3A_114 = arith.constant 2 : i32
        %mul3A_115 = arith.muli %mul3A_114, %scan3A_98 : i32
        %add3A_116 = arith.constant 2 : i32
        %add3A_117 = arith.addi %mul3A_115, %add3A_116 : i32
        %lt3A = arith.constant 40 : i32
        %lt3A_118 = arith.cmpi slt, %add3A_117, %lt3A : i32
        %convert_element_type3A = arith.extui %lt3A_118 : i1 to i32
        %cond3A = arith.constant 0 : i32
        %cond3A_119 = arith.cmpi ne, %convert_element_type3A, %cond3A : i32
        scf.if %cond3A_119 {
          %dma_wait3A_146 = arith.constant 0 : i32
          %dma_wait3A_147 = arith.constant 0 : i32
          %dma_wait3A_148 = tpu.memref_slice %arg2[%dma_wait3A_146, %dma_wait3A_147] : memref<20480x128xf32, #tpu.memory_space<hbm>> -> memref<128x128xf32, #tpu.memory_space<hbm>>
          %dma_wait3A_149 = arith.constant 0 : i32
          %dma_wait3A_150 = arith.constant 0 : i32
          %dma_wait3A_151 = tpu.memref_slice %arg2[%dma_wait3A_149, %dma_wait3A_150] : memref<20480x128xf32, #tpu.memory_space<hbm>> -> memref<128x128xf32, #tpu.memory_space<hbm>>
          tpu.wait_dma2 semaphore(%arg14 : memref<!tpu.dma_semaphore, #tpu.memory_space<semaphore_mem>>) src(%dma_wait3A_151 : memref<128x128xf32, #tpu.memory_space<hbm>>) dst(%arg8 : memref<128x128xf32, #tpu.memory_space<vmem>>)
          %mul3A_152 = arith.constant 2 : i32
          %mul3A_153 = arith.muli %mul3A_152, %scan3A_98 : i32
          %add3A_154 = arith.constant 2 : i32
          %add3A_155 = arith.addi %mul3A_153, %add3A_154 : i32
          %dma_start3A_156 = arith.constant 0 : i32
          %dma_start3A_157 = tpu.memref_slice %arg6[%add3A_155, %dma_start3A_156] : memref<40x128xi32, #tpu.memory_space<vmem>> -> memref<1x128xi32, #tpu.memory_space<vmem>>
          %dma_start3A_158 = tpu.memref_squeeze %dma_start3A_157 : memref<1x128xi32, #tpu.memory_space<vmem>> -> memref<128xi32, #tpu.memory_space<vmem>>
          %dma_start3A_159 = arith.constant 0 : i32
          %dma_start3A_160 = arith.constant 0 : i32
          %dma_start3A_161 = tpu.memref_slice %arg2[%dma_start3A_159, %dma_start3A_160] : memref<20480x128xf32, #tpu.memory_space<hbm>> -> memref<20480x128xf32, #tpu.memory_space<hbm>>
          tpu.enqueue_indirect_dma source(%dma_start3A_161 : memref<20480x128xf32, #tpu.memory_space<hbm>>) target(%arg8 : memref<128x128xf32, #tpu.memory_space<vmem>>) offsets(%dma_start3A_158 : memref<128xi32, #tpu.memory_space<vmem>>) semaphore(%arg12 : memref<!tpu.dma_semaphore, #tpu.memory_space<semaphore_mem>>)
        } else {
        }
        %dma_wait3A_120 = arith.constant 0 : i32
        %dma_wait3A_121 = arith.constant 0 : i32
        %dma_wait3A_122 = tpu.memref_slice %arg2[%dma_wait3A_120, %dma_wait3A_121] : memref<20480x128xf32, #tpu.memory_space<hbm>> -> memref<128x128xf32, #tpu.memory_space<hbm>>
        %dma_wait3A_123 = arith.constant 0 : i32
        %dma_wait3A_124 = arith.constant 0 : i32
        %dma_wait3A_125 = tpu.memref_slice %arg2[%dma_wait3A_123, %dma_wait3A_124] : memref<20480x128xf32, #tpu.memory_space<hbm>> -> memref<128x128xf32, #tpu.memory_space<hbm>>
        tpu.wait_dma2 semaphore(%arg13 : memref<!tpu.dma_semaphore, #tpu.memory_space<semaphore_mem>>) src(%dma_wait3A_125 : memref<128x128xf32, #tpu.memory_space<hbm>>) dst(%arg9 : memref<128x128xf32, #tpu.memory_space<vmem>>)
        %mul3A_126 = arith.constant 2 : i32
        %mul3A_127 = arith.muli %mul3A_126, %scan3A_98 : i32
        %add3A_128 = arith.constant 1 : i32
        %add3A_129 = arith.addi %mul3A_127, %add3A_128 : i32
        %dma_start3A_130 = arith.constant 0 : i32
        %dma_start3A_131 = tpu.memref_slice %arg7[%add3A_129, %dma_start3A_130] : memref<40x128xi32, #tpu.memory_space<vmem>> -> memref<1x128xi32, #tpu.memory_space<vmem>>
        %dma_start3A_132 = tpu.memref_squeeze %dma_start3A_131 : memref<1x128xi32, #tpu.memory_space<vmem>> -> memref<128xi32, #tpu.memory_space<vmem>>
        %dma_start3A_133 = arith.constant 0 : i32
        %dma_start3A_134 = arith.constant 0 : i32
        %dma_start3A_135 = tpu.memref_slice %arg11[%dma_start3A_133, %dma_start3A_134] : memref<10240x128xf32, #tpu.memory_space<vmem_shared>> -> memref<10240x128xf32, #tpu.memory_space<vmem_shared>>
        tpu.enqueue_indirect_dma source(%arg9 : memref<128x128xf32, #tpu.memory_space<vmem>>) target(%dma_start3A_135 : memref<10240x128xf32, #tpu.memory_space<vmem_shared>>) offsets(%dma_start3A_132 : memref<128xi32, #tpu.memory_space<vmem>>) semaphore(%arg15 : memref<!tpu.dma_semaphore, #tpu.memory_space<semaphore_mem>>) {add = true}
        %mul3A_136 = arith.constant 2 : i32
        %mul3A_137 = arith.muli %mul3A_136, %scan3A_98 : i32
        %add3A_138 = arith.constant 3 : i32
        %add3A_139 = arith.addi %mul3A_137, %add3A_138 : i32
        %lt3A_140 = arith.constant 40 : i32
        %lt3A_141 = arith.cmpi slt, %add3A_139, %lt3A_140 : i32
        %convert_element_type3A_142 = arith.extui %lt3A_141 : i1 to i32
        %cond3A_143 = arith.constant 0 : i32
        %cond3A_144 = arith.cmpi ne, %convert_element_type3A_142, %cond3A_143 : i32
        scf.if %cond3A_144 {
          %dma_wait3A_146 = arith.constant 0 : i32
          %dma_wait3A_147 = arith.constant 0 : i32
          %dma_wait3A_148 = tpu.memref_slice %arg2[%dma_wait3A_146, %dma_wait3A_147] : memref<20480x128xf32, #tpu.memory_space<hbm>> -> memref<128x128xf32, #tpu.memory_space<hbm>>
          %dma_wait3A_149 = arith.constant 0 : i32
          %dma_wait3A_150 = arith.constant 0 : i32
          %dma_wait3A_151 = tpu.memref_slice %arg2[%dma_wait3A_149, %dma_wait3A_150] : memref<20480x128xf32, #tpu.memory_space<hbm>> -> memref<128x128xf32, #tpu.memory_space<hbm>>
          tpu.wait_dma2 semaphore(%arg15 : memref<!tpu.dma_semaphore, #tpu.memory_space<semaphore_mem>>) src(%dma_wait3A_151 : memref<128x128xf32, #tpu.memory_space<hbm>>) dst(%arg9 : memref<128x128xf32, #tpu.memory_space<vmem>>)
          %mul3A_152 = arith.constant 2 : i32
          %mul3A_153 = arith.muli %mul3A_152, %scan3A_98 : i32
          %add3A_154 = arith.constant 3 : i32
          %add3A_155 = arith.addi %mul3A_153, %add3A_154 : i32
          %dma_start3A_156 = arith.constant 0 : i32
          %dma_start3A_157 = tpu.memref_slice %arg6[%add3A_155, %dma_start3A_156] : memref<40x128xi32, #tpu.memory_space<vmem>> -> memref<1x128xi32, #tpu.memory_space<vmem>>
          %dma_start3A_158 = tpu.memref_squeeze %dma_start3A_157 : memref<1x128xi32, #tpu.memory_space<vmem>> -> memref<128xi32, #tpu.memory_space<vmem>>
          %dma_start3A_159 = arith.constant 0 : i32
          %dma_start3A_160 = arith.constant 0 : i32
          %dma_start3A_161 = tpu.memref_slice %arg2[%dma_start3A_159, %dma_start3A_160] : memref<20480x128xf32, #tpu.memory_space<hbm>> -> memref<20480x128xf32, #tpu.memory_space<hbm>>
          tpu.enqueue_indirect_dma source(%dma_start3A_161 : memref<20480x128xf32, #tpu.memory_space<hbm>>) target(%arg9 : memref<128x128xf32, #tpu.memory_space<vmem>>) offsets(%dma_start3A_158 : memref<128xi32, #tpu.memory_space<vmem>>) semaphore(%arg13 : memref<!tpu.dma_semaphore, #tpu.memory_space<semaphore_mem>>)
        } else {
        }
        %scan3A_145 = arith.constant 0 : i32
        scf.yield %scan3A_145 : i32
      }
      %scan3A_85 = arith.constant 20 : i32
      %dma_wait3A = arith.constant 0 : i32
      %dma_wait3A_86 = arith.constant 0 : i32
      %dma_wait3A_87 = tpu.memref_slice %arg2[%dma_wait3A, %dma_wait3A_86] : memref<20480x128xf32, #tpu.memory_space<hbm>> -> memref<128x128xf32, #tpu.memory_space<hbm>>
      %dma_wait3A_88 = arith.constant 0 : i32
      %dma_wait3A_89 = arith.constant 0 : i32
      %dma_wait3A_90 = tpu.memref_slice %arg2[%dma_wait3A_88, %dma_wait3A_89] : memref<20480x128xf32, #tpu.memory_space<hbm>> -> memref<128x128xf32, #tpu.memory_space<hbm>>
      tpu.wait_dma2 semaphore(%arg14 : memref<!tpu.dma_semaphore, #tpu.memory_space<semaphore_mem>>) src(%dma_wait3A_90 : memref<128x128xf32, #tpu.memory_space<hbm>>) dst(%arg8 : memref<128x128xf32, #tpu.memory_space<vmem>>)
      %dma_wait3A_91 = arith.constant 0 : i32
      %dma_wait3A_92 = arith.constant 0 : i32
      %dma_wait3A_93 = tpu.memref_slice %arg2[%dma_wait3A_91, %dma_wait3A_92] : memref<20480x128xf32, #tpu.memory_space<hbm>> -> memref<128x128xf32, #tpu.memory_space<hbm>>
      %dma_wait3A_94 = arith.constant 0 : i32
      %dma_wait3A_95 = arith.constant 0 : i32
      %dma_wait3A_96 = tpu.memref_slice %arg2[%dma_wait3A_94, %dma_wait3A_95] : memref<20480x128xf32, #tpu.memory_space<hbm>> -> memref<128x128xf32, #tpu.memory_space<hbm>>
      tpu.wait_dma2 semaphore(%arg15 : memref<!tpu.dma_semaphore, #tpu.memory_space<semaphore_mem>>) src(%dma_wait3A_96 : memref<128x128xf32, #tpu.memory_space<hbm>>) dst(%arg9 : memref<128x128xf32, #tpu.memory_space<vmem>>)
      %scan3A_97 = arith.constant 0 : i32
      scf.yield %scan3A_97 : i32
    }
    %scan3A_48 = arith.constant 4 : i32
    %barrier3A_49 = arith.constant 0 : index
    tpu.barrier barrier_id(%barrier3A_49)
    %mul3A_50 = arith.constant 10240 : i32
    %mul3A_51 = arith.muli %arg0, %mul3A_50 : i32
    %add3A_52 = arith.addi %mul3A_51, %mul3A_0 : i32
    %scan3A_53 = arith.constant 0 : i32
    %scan3A_54 = arith.constant 0 : i32
    %scan3A_55 = arith.constant 16 : i32
    %scan3A_56 = arith.addi %scan3A_54, %scan3A_55 : i32
    %scan3A_57 = arith.constant 1 : i32
    %scan3A_58 = scf.for %scan3A_60 = %scan3A_54 to %scan3A_56 step %scan3A_57 iter_args(%scan3A_61 = %scan3A_53) -> (i32)  : i32 {
      %mul3A_62 = arith.constant 40 : i32
      %mul3A_63 = arith.muli %scan3A_60, %mul3A_62 : i32
      %add3A_64 = arith.addi %mul3A_0, %mul3A_63 : i32
      "tpu.region"() ({
        %run_scoped3A = tpu.sem_alloc : memref<!tpu.dma_semaphore, #tpu.memory_space<semaphore_mem>>
        %dma_start3A = arith.constant 0 : i32
        %dma_start3A_69 = tpu.memref_slice %arg11[%add3A_64, %dma_start3A] : memref<10240x128xf32, #tpu.memory_space<vmem_shared>> -> memref<40x128xf32, #tpu.memory_space<vmem_shared>>
        %dma_start3A_70 = arith.constant 0 : i32
        %dma_start3A_71 = tpu.memref_slice %arg11[%add3A_64, %dma_start3A_70] : memref<10240x128xf32, #tpu.memory_space<vmem_shared>> -> memref<40x128xf32, #tpu.memory_space<vmem_shared>>
        tpu.enqueue_dma source(%dma_start3A_71 : memref<40x128xf32, #tpu.memory_space<vmem_shared>>) target(%arg10 : memref<40x128xf32, #tpu.memory_space<vmem>>) target_semaphore(%run_scoped3A : memref<!tpu.dma_semaphore, #tpu.memory_space<semaphore_mem>>)
        %dma_wait3A = arith.constant 0 : i32
        %dma_wait3A_72 = tpu.memref_slice %arg11[%add3A_64, %dma_wait3A] : memref<10240x128xf32, #tpu.memory_space<vmem_shared>> -> memref<40x128xf32, #tpu.memory_space<vmem_shared>>
        %dma_wait3A_73 = arith.constant 0 : i32
        %dma_wait3A_74 = tpu.memref_slice %arg11[%add3A_64, %dma_wait3A_73] : memref<10240x128xf32, #tpu.memory_space<vmem_shared>> -> memref<40x128xf32, #tpu.memory_space<vmem_shared>>
        tpu.wait_dma2 semaphore(%run_scoped3A : memref<!tpu.dma_semaphore, #tpu.memory_space<semaphore_mem>>) src(%dma_wait3A_74 : memref<40x128xf32, #tpu.memory_space<vmem_shared>>) dst(%arg10 : memref<40x128xf32, #tpu.memory_space<vmem>>)
        tpu.yield
      }) : () -> ()
      %mul3A_65 = arith.constant 40 : i32
      %mul3A_66 = arith.muli %scan3A_60, %mul3A_65 : i32
      %add3A_67 = arith.addi %add3A_52, %mul3A_66 : i32
      "tpu.region"() ({
        %run_scoped3A = tpu.sem_alloc : memref<!tpu.dma_semaphore, #tpu.memory_space<semaphore_mem>>
        %dma_start3A = arith.constant 0 : i32
        %dma_start3A_69 = tpu.memref_slice %arg5[%add3A_67, %dma_start3A] : memref<20480x128xf32, #tpu.memory_space<hbm>> -> memref<40x128xf32, #tpu.memory_space<hbm>>
        %dma_start3A_70 = arith.constant 0 : i32
        %dma_start3A_71 = tpu.memref_slice %arg5[%add3A_67, %dma_start3A_70] : memref<20480x128xf32, #tpu.memory_space<hbm>> -> memref<40x128xf32, #tpu.memory_space<hbm>>
        tpu.enqueue_dma source(%arg10 : memref<40x128xf32, #tpu.memory_space<vmem>>) target(%dma_start3A_71 : memref<40x128xf32, #tpu.memory_space<hbm>>) target_semaphore(%run_scoped3A : memref<!tpu.dma_semaphore, #tpu.memory_space<semaphore_mem>>)
        %dma_wait3A = arith.constant 0 : i32
        %dma_wait3A_72 = tpu.memref_slice %arg5[%add3A_67, %dma_wait3A] : memref<20480x128xf32, #tpu.memory_space<hbm>> -> memref<40x128xf32, #tpu.memory_space<hbm>>
        %dma_wait3A_73 = arith.constant 0 : i32
        %dma_wait3A_74 = tpu.memref_slice %arg5[%add3A_67, %dma_wait3A_73] : memref<20480x128xf32, #tpu.memory_space<hbm>> -> memref<40x128xf32, #tpu.memory_space<hbm>>
        tpu.wait_dma2 semaphore(%run_scoped3A : memref<!tpu.dma_semaphore, #tpu.memory_space<semaphore_mem>>) src(%arg10 : memref<40x128xf32, #tpu.memory_space<vmem>>) dst(%dma_wait3A_74 : memref<40x128xf32, #tpu.memory_space<hbm>>)
        tpu.yield
      }) : () -> ()
      %scan3A_68 = arith.constant 0 : i32
      scf.yield %scan3A_68 : i32
    }
    %scan3A_59 = arith.constant 16 : i32
    return
  }
}

#map = affine_map<(d0, d1) -> (0, 0)>
#map1 = affine_map<(d0, d1) -> (0, 0, 0)>
module attributes {stable_mosaic.version = 14 : i64} {
  func.func @_agg_body(%arg0: i32, %arg1: i32, %arg2: memref<20480x128xf32, #tpu.memory_space<hbm>>, %arg3: memref<32x160x128xi32, #tpu.memory_space<hbm>>, %arg4: memref<32x160x128xi32, #tpu.memory_space<hbm>>, %arg5: memref<20480x128xf32, #tpu.memory_space<hbm>>, %arg6: memref<40x128xi32, #tpu.memory_space<vmem>>, %arg7: memref<40x128xi32, #tpu.memory_space<vmem>>, %arg8: memref<128x128xf32, #tpu.memory_space<vmem>>, %arg9: memref<128x128xf32, #tpu.memory_space<vmem>>, %arg10: memref<40x128xf32, #tpu.memory_space<vmem>>, %arg11: memref<10240x128xf32, #tpu.memory_space<vmem_shared>>, %arg12: memref<!tpu.dma_semaphore, #tpu.memory_space<semaphore_mem>>, %arg13: memref<!tpu.dma_semaphore, #tpu.memory_space<semaphore_mem>>, %arg14: memref<!tpu.dma_semaphore, #tpu.memory_space<semaphore_mem>>, %arg15: memref<!tpu.dma_semaphore, #tpu.memory_space<semaphore_mem>>) attributes {dimension_semantics = [#tpu.dimension_semantics<core_parallel>, #tpu.dimension_semantics<subcore_parallel>], iteration_bounds = array<i64: 2, 16>, scalar_prefetch = 0 : i64, scratch_operands = 10 : i64, tpu.core_type = #tpu.core_type<sc_vector_subcore>, window_params = [{transform_indices = #map}, {transform_indices = #map1}, {transform_indices = #map1}, {transform_indices = #map}]} {
    %mul3A = arith.constant 640 : i32
    %mul3A_0 = arith.muli %arg1, %mul3A : i32
    %mul3A_1 = arith.constant 16 : i32
    %mul3A_2 = arith.muli %arg0, %mul3A_1 : i32
    %add3A = arith.addi %mul3A_2, %arg1 : i32
    %broadcast_in_dim3A = arith.constant 0.000000e+00 : f32
    %broadcast_in_dim3A_3 = vector.broadcast %broadcast_in_dim3A : f32 to vector<16xf32>
    %scan3A = arith.constant 0 : i32
    %scan3A_4 = arith.constant 0 : i32
    %scan3A_5 = arith.constant 40 : i32
    %scan3A_6 = arith.addi %scan3A_4, %scan3A_5 : i32
    %scan3A_7 = arith.constant 1 : i32
    %scan3A_8 = scf.for %scan3A_60 = %scan3A_4 to %scan3A_6 step %scan3A_7 iter_args(%scan3A_61 = %scan3A) -> (i32)  : i32 {
      %swap3A = arith.index_cast %scan3A_60 : i32 to index
      %swap3A_62 = arith.constant 0 : index
      %swap3A_63 = tpu.vector_load %arg10[%swap3A, %swap3A_62] {strides = array<i32>} : memref<40x128xf32, #tpu.memory_space<vmem>>, vector<1x16xf32>,
      %swap3A_64 = vector.shape_cast %swap3A_63 : vector<1x16xf32> to vector<16xf32>
      %swap3A_65 = vector.shape_cast %broadcast_in_dim3A_3 : vector<16xf32> to vector<1x16xf32>
      tpu.vector_store %arg10[%swap3A, %swap3A_62], %swap3A_65 {strides = array<i32>} : memref<40x128xf32, #tpu.memory_space<vmem>>, vector<1x16xf32>,
      %swap3A_66 = arith.index_cast %scan3A_60 : i32 to index
      %swap3A_67 = arith.constant 16 : index
      %swap3A_68 = tpu.vector_load %arg10[%swap3A_66, %swap3A_67] {strides = array<i32>} : memref<40x128xf32, #tpu.memory_space<vmem>>, vector<1x16xf32>,
      %swap3A_69 = vector.shape_cast %swap3A_68 : vector<1x16xf32> to vector<16xf32>
      %swap3A_70 = vector.shape_cast %broadcast_in_dim3A_3 : vector<16xf32> to vector<1x16xf32>
      tpu.vector_store %arg10[%swap3A_66, %swap3A_67], %swap3A_70 {strides = array<i32>} : memref<40x128xf32, #tpu.memory_space<vmem>>, vector<1x16xf32>,
      %swap3A_71 = arith.index_cast %scan3A_60 : i32 to index
      %swap3A_72 = arith.constant 32 : index
      %swap3A_73 = tpu.vector_load %arg10[%swap3A_71, %swap3A_72] {strides = array<i32>} : memref<40x128xf32, #tpu.memory_space<vmem>>, vector<1x16xf32>,
      %swap3A_74 = vector.shape_cast %swap3A_73 : vector<1x16xf32> to vector<16xf32>
      %swap3A_75 = vector.shape_cast %broadcast_in_dim3A_3 : vector<16xf32> to vector<1x16xf32>
      tpu.vector_store %arg10[%swap3A_71, %swap3A_72], %swap3A_75 {strides = array<i32>} : memref<40x128xf32, #tpu.memory_space<vmem>>, vector<1x16xf32>,
      %swap3A_76 = arith.index_cast %scan3A_60 : i32 to index
      %swap3A_77 = arith.constant 48 : index
      %swap3A_78 = tpu.vector_load %arg10[%swap3A_76, %swap3A_77] {strides = array<i32>} : memref<40x128xf32, #tpu.memory_space<vmem>>, vector<1x16xf32>,
      %swap3A_79 = vector.shape_cast %swap3A_78 : vector<1x16xf32> to vector<16xf32>
      %swap3A_80 = vector.shape_cast %broadcast_in_dim3A_3 : vector<16xf32> to vector<1x16xf32>
      tpu.vector_store %arg10[%swap3A_76, %swap3A_77], %swap3A_80 {strides = array<i32>} : memref<40x128xf32, #tpu.memory_space<vmem>>, vector<1x16xf32>,
      %swap3A_81 = arith.index_cast %scan3A_60 : i32 to index
      %swap3A_82 = arith.constant 64 : index
      %swap3A_83 = tpu.vector_load %arg10[%swap3A_81, %swap3A_82] {strides = array<i32>} : memref<40x128xf32, #tpu.memory_space<vmem>>, vector<1x16xf32>,
      %swap3A_84 = vector.shape_cast %swap3A_83 : vector<1x16xf32> to vector<16xf32>
      %swap3A_85 = vector.shape_cast %broadcast_in_dim3A_3 : vector<16xf32> to vector<1x16xf32>
      tpu.vector_store %arg10[%swap3A_81, %swap3A_82], %swap3A_85 {strides = array<i32>} : memref<40x128xf32, #tpu.memory_space<vmem>>, vector<1x16xf32>,
      %swap3A_86 = arith.index_cast %scan3A_60 : i32 to index
      %swap3A_87 = arith.constant 80 : index
      %swap3A_88 = tpu.vector_load %arg10[%swap3A_86, %swap3A_87] {strides = array<i32>} : memref<40x128xf32, #tpu.memory_space<vmem>>, vector<1x16xf32>,
      %swap3A_89 = vector.shape_cast %swap3A_88 : vector<1x16xf32> to vector<16xf32>
      %swap3A_90 = vector.shape_cast %broadcast_in_dim3A_3 : vector<16xf32> to vector<1x16xf32>
      tpu.vector_store %arg10[%swap3A_86, %swap3A_87], %swap3A_90 {strides = array<i32>} : memref<40x128xf32, #tpu.memory_space<vmem>>, vector<1x16xf32>,
      %swap3A_91 = arith.index_cast %scan3A_60 : i32 to index
      %swap3A_92 = arith.constant 96 : index
      %swap3A_93 = tpu.vector_load %arg10[%swap3A_91, %swap3A_92] {strides = array<i32>} : memref<40x128xf32, #tpu.memory_space<vmem>>, vector<1x16xf32>,
      %swap3A_94 = vector.shape_cast %swap3A_93 : vector<1x16xf32> to vector<16xf32>
      %swap3A_95 = vector.shape_cast %broadcast_in_dim3A_3 : vector<16xf32> to vector<1x16xf32>
      tpu.vector_store %arg10[%swap3A_91, %swap3A_92], %swap3A_95 {strides = array<i32>} : memref<40x128xf32, #tpu.memory_space<vmem>>, vector<1x16xf32>,
      %swap3A_96 = arith.index_cast %scan3A_60 : i32 to index
      %swap3A_97 = arith.constant 112 : index
      %swap3A_98 = tpu.vector_load %arg10[%swap3A_96, %swap3A_97] {strides = array<i32>} : memref<40x128xf32, #tpu.memory_space<vmem>>, vector<1x16xf32>,
      %swap3A_99 = vector.shape_cast %swap3A_98 : vector<1x16xf32> to vector<16xf32>
      %swap3A_100 = vector.shape_cast %broadcast_in_dim3A_3 : vector<16xf32> to vector<1x16xf32>
      tpu.vector_store %arg10[%swap3A_96, %swap3A_97], %swap3A_100 {strides = array<i32>} : memref<40x128xf32, #tpu.memory_space<vmem>>, vector<1x16xf32>,
      %scan3A_101 = arith.constant 0 : i32
      scf.yield %scan3A_101 : i32
    }
    %scan3A_9 = arith.constant 40 : i32
    %add3A_10 = arith.constant 0 : i32
    %add3A_11 = arith.addi %mul3A_0, %add3A_10 : i32
    "tpu.region"() ({
      %run_scoped3A = tpu.sem_alloc : memref<!tpu.dma_semaphore, #tpu.memory_space<semaphore_mem>>
      %dma_start3A = arith.constant 0 : i32
      %dma_start3A_60 = tpu.memref_slice %arg11[%add3A_11, %dma_start3A] : memref<10240x128xf32, #tpu.memory_space<vmem_shared>> -> memref<40x128xf32, #tpu.memory_space<vmem_shared>>
      %dma_start3A_61 = arith.constant 0 : i32
      %dma_start3A_62 = tpu.memref_slice %arg11[%add3A_11, %dma_start3A_61] : memref<10240x128xf32, #tpu.memory_space<vmem_shared>> -> memref<40x128xf32, #tpu.memory_space<vmem_shared>>
      tpu.enqueue_dma source(%arg10 : memref<40x128xf32, #tpu.memory_space<vmem>>) target(%dma_start3A_62 : memref<40x128xf32, #tpu.memory_space<vmem_shared>>) target_semaphore(%run_scoped3A : memref<!tpu.dma_semaphore, #tpu.memory_space<semaphore_mem>>)
      %dma_wait3A = arith.constant 0 : i32
      %dma_wait3A_63 = tpu.memref_slice %arg11[%add3A_11, %dma_wait3A] : memref<10240x128xf32, #tpu.memory_space<vmem_shared>> -> memref<40x128xf32, #tpu.memory_space<vmem_shared>>
      %dma_wait3A_64 = arith.constant 0 : i32
      %dma_wait3A_65 = tpu.memref_slice %arg11[%add3A_11, %dma_wait3A_64] : memref<10240x128xf32, #tpu.memory_space<vmem_shared>> -> memref<40x128xf32, #tpu.memory_space<vmem_shared>>
      tpu.wait_dma2 semaphore(%run_scoped3A : memref<!tpu.dma_semaphore, #tpu.memory_space<semaphore_mem>>) src(%arg10 : memref<40x128xf32, #tpu.memory_space<vmem>>) dst(%dma_wait3A_65 : memref<40x128xf32, #tpu.memory_space<vmem_shared>>)
      tpu.yield
    }) : () -> ()
    %add3A_12 = arith.constant 40 : i32
    %add3A_13 = arith.addi %mul3A_0, %add3A_12 : i32
    "tpu.region"() ({
      %run_scoped3A = tpu.sem_alloc : memref<!tpu.dma_semaphore, #tpu.memory_space<semaphore_mem>>
      %dma_start3A = arith.constant 0 : i32
      %dma_start3A_60 = tpu.memref_slice %arg11[%add3A_13, %dma_start3A] : memref<10240x128xf32, #tpu.memory_space<vmem_shared>> -> memref<40x128xf32, #tpu.memory_space<vmem_shared>>
      %dma_start3A_61 = arith.constant 0 : i32
      %dma_start3A_62 = tpu.memref_slice %arg11[%add3A_13, %dma_start3A_61] : memref<10240x128xf32, #tpu.memory_space<vmem_shared>> -> memref<40x128xf32, #tpu.memory_space<vmem_shared>>
      tpu.enqueue_dma source(%arg10 : memref<40x128xf32, #tpu.memory_space<vmem>>) target(%dma_start3A_62 : memref<40x128xf32, #tpu.memory_space<vmem_shared>>) target_semaphore(%run_scoped3A : memref<!tpu.dma_semaphore, #tpu.memory_space<semaphore_mem>>)
      %dma_wait3A = arith.constant 0 : i32
      %dma_wait3A_63 = tpu.memref_slice %arg11[%add3A_13, %dma_wait3A] : memref<10240x128xf32, #tpu.memory_space<vmem_shared>> -> memref<40x128xf32, #tpu.memory_space<vmem_shared>>
      %dma_wait3A_64 = arith.constant 0 : i32
      %dma_wait3A_65 = tpu.memref_slice %arg11[%add3A_13, %dma_wait3A_64] : memref<10240x128xf32, #tpu.memory_space<vmem_shared>> -> memref<40x128xf32, #tpu.memory_space<vmem_shared>>
      tpu.wait_dma2 semaphore(%run_scoped3A : memref<!tpu.dma_semaphore, #tpu.memory_space<semaphore_mem>>) src(%arg10 : memref<40x128xf32, #tpu.memory_space<vmem>>) dst(%dma_wait3A_65 : memref<40x128xf32, #tpu.memory_space<vmem_shared>>)
      tpu.yield
    }) : () -> ()
    %add3A_14 = arith.constant 80 : i32
    %add3A_15 = arith.addi %mul3A_0, %add3A_14 : i32
    "tpu.region"() ({
      %run_scoped3A = tpu.sem_alloc : memref<!tpu.dma_semaphore, #tpu.memory_space<semaphore_mem>>
      %dma_start3A = arith.constant 0 : i32
      %dma_start3A_60 = tpu.memref_slice %arg11[%add3A_15, %dma_start3A] : memref<10240x128xf32, #tpu.memory_space<vmem_shared>> -> memref<40x128xf32, #tpu.memory_space<vmem_shared>>
      %dma_start3A_61 = arith.constant 0 : i32
      %dma_start3A_62 = tpu.memref_slice %arg11[%add3A_15, %dma_start3A_61] : memref<10240x128xf32, #tpu.memory_space<vmem_shared>> -> memref<40x128xf32, #tpu.memory_space<vmem_shared>>
      tpu.enqueue_dma source(%arg10 : memref<40x128xf32, #tpu.memory_space<vmem>>) target(%dma_start3A_62 : memref<40x128xf32, #tpu.memory_space<vmem_shared>>) target_semaphore(%run_scoped3A : memref<!tpu.dma_semaphore, #tpu.memory_space<semaphore_mem>>)
      %dma_wait3A = arith.constant 0 : i32
      %dma_wait3A_63 = tpu.memref_slice %arg11[%add3A_15, %dma_wait3A] : memref<10240x128xf32, #tpu.memory_space<vmem_shared>> -> memref<40x128xf32, #tpu.memory_space<vmem_shared>>
      %dma_wait3A_64 = arith.constant 0 : i32
      %dma_wait3A_65 = tpu.memref_slice %arg11[%add3A_15, %dma_wait3A_64] : memref<10240x128xf32, #tpu.memory_space<vmem_shared>> -> memref<40x128xf32, #tpu.memory_space<vmem_shared>>
      tpu.wait_dma2 semaphore(%run_scoped3A : memref<!tpu.dma_semaphore, #tpu.memory_space<semaphore_mem>>) src(%arg10 : memref<40x128xf32, #tpu.memory_space<vmem>>) dst(%dma_wait3A_65 : memref<40x128xf32, #tpu.memory_space<vmem_shared>>)
      tpu.yield
    }) : () -> ()
    %add3A_16 = arith.constant 120 : i32
    %add3A_17 = arith.addi %mul3A_0, %add3A_16 : i32
    "tpu.region"() ({
      %run_scoped3A = tpu.sem_alloc : memref<!tpu.dma_semaphore, #tpu.memory_space<semaphore_mem>>
      %dma_start3A = arith.constant 0 : i32
      %dma_start3A_60 = tpu.memref_slice %arg11[%add3A_17, %dma_start3A] : memref<10240x128xf32, #tpu.memory_space<vmem_shared>> -> memref<40x128xf32, #tpu.memory_space<vmem_shared>>
      %dma_start3A_61 = arith.constant 0 : i32
      %dma_start3A_62 = tpu.memref_slice %arg11[%add3A_17, %dma_start3A_61] : memref<10240x128xf32, #tpu.memory_space<vmem_shared>> -> memref<40x128xf32, #tpu.memory_space<vmem_shared>>
      tpu.enqueue_dma source(%arg10 : memref<40x128xf32, #tpu.memory_space<vmem>>) target(%dma_start3A_62 : memref<40x128xf32, #tpu.memory_space<vmem_shared>>) target_semaphore(%run_scoped3A : memref<!tpu.dma_semaphore, #tpu.memory_space<semaphore_mem>>)
      %dma_wait3A = arith.constant 0 : i32
      %dma_wait3A_63 = tpu.memref_slice %arg11[%add3A_17, %dma_wait3A] : memref<10240x128xf32, #tpu.memory_space<vmem_shared>> -> memref<40x128xf32, #tpu.memory_space<vmem_shared>>
      %dma_wait3A_64 = arith.constant 0 : i32
      %dma_wait3A_65 = tpu.memref_slice %arg11[%add3A_17, %dma_wait3A_64] : memref<10240x128xf32, #tpu.memory_space<vmem_shared>> -> memref<40x128xf32, #tpu.memory_space<vmem_shared>>
      tpu.wait_dma2 semaphore(%run_scoped3A : memref<!tpu.dma_semaphore, #tpu.memory_space<semaphore_mem>>) src(%arg10 : memref<40x128xf32, #tpu.memory_space<vmem>>) dst(%dma_wait3A_65 : memref<40x128xf32, #tpu.memory_space<vmem_shared>>)
      tpu.yield
    }) : () -> ()
    %add3A_18 = arith.constant 160 : i32
    %add3A_19 = arith.addi %mul3A_0, %add3A_18 : i32
    "tpu.region"() ({
      %run_scoped3A = tpu.sem_alloc : memref<!tpu.dma_semaphore, #tpu.memory_space<semaphore_mem>>
      %dma_start3A = arith.constant 0 : i32
      %dma_start3A_60 = tpu.memref_slice %arg11[%add3A_19, %dma_start3A] : memref<10240x128xf32, #tpu.memory_space<vmem_shared>> -> memref<40x128xf32, #tpu.memory_space<vmem_shared>>
      %dma_start3A_61 = arith.constant 0 : i32
      %dma_start3A_62 = tpu.memref_slice %arg11[%add3A_19, %dma_start3A_61] : memref<10240x128xf32, #tpu.memory_space<vmem_shared>> -> memref<40x128xf32, #tpu.memory_space<vmem_shared>>
      tpu.enqueue_dma source(%arg10 : memref<40x128xf32, #tpu.memory_space<vmem>>) target(%dma_start3A_62 : memref<40x128xf32, #tpu.memory_space<vmem_shared>>) target_semaphore(%run_scoped3A : memref<!tpu.dma_semaphore, #tpu.memory_space<semaphore_mem>>)
      %dma_wait3A = arith.constant 0 : i32
      %dma_wait3A_63 = tpu.memref_slice %arg11[%add3A_19, %dma_wait3A] : memref<10240x128xf32, #tpu.memory_space<vmem_shared>> -> memref<40x128xf32, #tpu.memory_space<vmem_shared>>
      %dma_wait3A_64 = arith.constant 0 : i32
      %dma_wait3A_65 = tpu.memref_slice %arg11[%add3A_19, %dma_wait3A_64] : memref<10240x128xf32, #tpu.memory_space<vmem_shared>> -> memref<40x128xf32, #tpu.memory_space<vmem_shared>>
      tpu.wait_dma2 semaphore(%run_scoped3A : memref<!tpu.dma_semaphore, #tpu.memory_space<semaphore_mem>>) src(%arg10 : memref<40x128xf32, #tpu.memory_space<vmem>>) dst(%dma_wait3A_65 : memref<40x128xf32, #tpu.memory_space<vmem_shared>>)
      tpu.yield
    }) : () -> ()
    %add3A_20 = arith.constant 200 : i32
    %add3A_21 = arith.addi %mul3A_0, %add3A_20 : i32
    "tpu.region"() ({
      %run_scoped3A = tpu.sem_alloc : memref<!tpu.dma_semaphore, #tpu.memory_space<semaphore_mem>>
      %dma_start3A = arith.constant 0 : i32
      %dma_start3A_60 = tpu.memref_slice %arg11[%add3A_21, %dma_start3A] : memref<10240x128xf32, #tpu.memory_space<vmem_shared>> -> memref<40x128xf32, #tpu.memory_space<vmem_shared>>
      %dma_start3A_61 = arith.constant 0 : i32
      %dma_start3A_62 = tpu.memref_slice %arg11[%add3A_21, %dma_start3A_61] : memref<10240x128xf32, #tpu.memory_space<vmem_shared>> -> memref<40x128xf32, #tpu.memory_space<vmem_shared>>
      tpu.enqueue_dma source(%arg10 : memref<40x128xf32, #tpu.memory_space<vmem>>) target(%dma_start3A_62 : memref<40x128xf32, #tpu.memory_space<vmem_shared>>) target_semaphore(%run_scoped3A : memref<!tpu.dma_semaphore, #tpu.memory_space<semaphore_mem>>)
      %dma_wait3A = arith.constant 0 : i32
      %dma_wait3A_63 = tpu.memref_slice %arg11[%add3A_21, %dma_wait3A] : memref<10240x128xf32, #tpu.memory_space<vmem_shared>> -> memref<40x128xf32, #tpu.memory_space<vmem_shared>>
      %dma_wait3A_64 = arith.constant 0 : i32
      %dma_wait3A_65 = tpu.memref_slice %arg11[%add3A_21, %dma_wait3A_64] : memref<10240x128xf32, #tpu.memory_space<vmem_shared>> -> memref<40x128xf32, #tpu.memory_space<vmem_shared>>
      tpu.wait_dma2 semaphore(%run_scoped3A : memref<!tpu.dma_semaphore, #tpu.memory_space<semaphore_mem>>) src(%arg10 : memref<40x128xf32, #tpu.memory_space<vmem>>) dst(%dma_wait3A_65 : memref<40x128xf32, #tpu.memory_space<vmem_shared>>)
      tpu.yield
    }) : () -> ()
    %add3A_22 = arith.constant 240 : i32
    %add3A_23 = arith.addi %mul3A_0, %add3A_22 : i32
    "tpu.region"() ({
      %run_scoped3A = tpu.sem_alloc : memref<!tpu.dma_semaphore, #tpu.memory_space<semaphore_mem>>
      %dma_start3A = arith.constant 0 : i32
      %dma_start3A_60 = tpu.memref_slice %arg11[%add3A_23, %dma_start3A] : memref<10240x128xf32, #tpu.memory_space<vmem_shared>> -> memref<40x128xf32, #tpu.memory_space<vmem_shared>>
      %dma_start3A_61 = arith.constant 0 : i32
      %dma_start3A_62 = tpu.memref_slice %arg11[%add3A_23, %dma_start3A_61] : memref<10240x128xf32, #tpu.memory_space<vmem_shared>> -> memref<40x128xf32, #tpu.memory_space<vmem_shared>>
      tpu.enqueue_dma source(%arg10 : memref<40x128xf32, #tpu.memory_space<vmem>>) target(%dma_start3A_62 : memref<40x128xf32, #tpu.memory_space<vmem_shared>>) target_semaphore(%run_scoped3A : memref<!tpu.dma_semaphore, #tpu.memory_space<semaphore_mem>>)
      %dma_wait3A = arith.constant 0 : i32
      %dma_wait3A_63 = tpu.memref_slice %arg11[%add3A_23, %dma_wait3A] : memref<10240x128xf32, #tpu.memory_space<vmem_shared>> -> memref<40x128xf32, #tpu.memory_space<vmem_shared>>
      %dma_wait3A_64 = arith.constant 0 : i32
      %dma_wait3A_65 = tpu.memref_slice %arg11[%add3A_23, %dma_wait3A_64] : memref<10240x128xf32, #tpu.memory_space<vmem_shared>> -> memref<40x128xf32, #tpu.memory_space<vmem_shared>>
      tpu.wait_dma2 semaphore(%run_scoped3A : memref<!tpu.dma_semaphore, #tpu.memory_space<semaphore_mem>>) src(%arg10 : memref<40x128xf32, #tpu.memory_space<vmem>>) dst(%dma_wait3A_65 : memref<40x128xf32, #tpu.memory_space<vmem_shared>>)
      tpu.yield
    }) : () -> ()
    %add3A_24 = arith.constant 280 : i32
    %add3A_25 = arith.addi %mul3A_0, %add3A_24 : i32
    "tpu.region"() ({
      %run_scoped3A = tpu.sem_alloc : memref<!tpu.dma_semaphore, #tpu.memory_space<semaphore_mem>>
      %dma_start3A = arith.constant 0 : i32
      %dma_start3A_60 = tpu.memref_slice %arg11[%add3A_25, %dma_start3A] : memref<10240x128xf32, #tpu.memory_space<vmem_shared>> -> memref<40x128xf32, #tpu.memory_space<vmem_shared>>
      %dma_start3A_61 = arith.constant 0 : i32
      %dma_start3A_62 = tpu.memref_slice %arg11[%add3A_25, %dma_start3A_61] : memref<10240x128xf32, #tpu.memory_space<vmem_shared>> -> memref<40x128xf32, #tpu.memory_space<vmem_shared>>
      tpu.enqueue_dma source(%arg10 : memref<40x128xf32, #tpu.memory_space<vmem>>) target(%dma_start3A_62 : memref<40x128xf32, #tpu.memory_space<vmem_shared>>) target_semaphore(%run_scoped3A : memref<!tpu.dma_semaphore, #tpu.memory_space<semaphore_mem>>)
      %dma_wait3A = arith.constant 0 : i32
      %dma_wait3A_63 = tpu.memref_slice %arg11[%add3A_25, %dma_wait3A] : memref<10240x128xf32, #tpu.memory_space<vmem_shared>> -> memref<40x128xf32, #tpu.memory_space<vmem_shared>>
      %dma_wait3A_64 = arith.constant 0 : i32
      %dma_wait3A_65 = tpu.memref_slice %arg11[%add3A_25, %dma_wait3A_64] : memref<10240x128xf32, #tpu.memory_space<vmem_shared>> -> memref<40x128xf32, #tpu.memory_space<vmem_shared>>
      tpu.wait_dma2 semaphore(%run_scoped3A : memref<!tpu.dma_semaphore, #tpu.memory_space<semaphore_mem>>) src(%arg10 : memref<40x128xf32, #tpu.memory_space<vmem>>) dst(%dma_wait3A_65 : memref<40x128xf32, #tpu.memory_space<vmem_shared>>)
      tpu.yield
    }) : () -> ()
    %add3A_26 = arith.constant 320 : i32
    %add3A_27 = arith.addi %mul3A_0, %add3A_26 : i32
    "tpu.region"() ({
      %run_scoped3A = tpu.sem_alloc : memref<!tpu.dma_semaphore, #tpu.memory_space<semaphore_mem>>
      %dma_start3A = arith.constant 0 : i32
      %dma_start3A_60 = tpu.memref_slice %arg11[%add3A_27, %dma_start3A] : memref<10240x128xf32, #tpu.memory_space<vmem_shared>> -> memref<40x128xf32, #tpu.memory_space<vmem_shared>>
      %dma_start3A_61 = arith.constant 0 : i32
      %dma_start3A_62 = tpu.memref_slice %arg11[%add3A_27, %dma_start3A_61] : memref<10240x128xf32, #tpu.memory_space<vmem_shared>> -> memref<40x128xf32, #tpu.memory_space<vmem_shared>>
      tpu.enqueue_dma source(%arg10 : memref<40x128xf32, #tpu.memory_space<vmem>>) target(%dma_start3A_62 : memref<40x128xf32, #tpu.memory_space<vmem_shared>>) target_semaphore(%run_scoped3A : memref<!tpu.dma_semaphore, #tpu.memory_space<semaphore_mem>>)
      %dma_wait3A = arith.constant 0 : i32
      %dma_wait3A_63 = tpu.memref_slice %arg11[%add3A_27, %dma_wait3A] : memref<10240x128xf32, #tpu.memory_space<vmem_shared>> -> memref<40x128xf32, #tpu.memory_space<vmem_shared>>
      %dma_wait3A_64 = arith.constant 0 : i32
      %dma_wait3A_65 = tpu.memref_slice %arg11[%add3A_27, %dma_wait3A_64] : memref<10240x128xf32, #tpu.memory_space<vmem_shared>> -> memref<40x128xf32, #tpu.memory_space<vmem_shared>>
      tpu.wait_dma2 semaphore(%run_scoped3A : memref<!tpu.dma_semaphore, #tpu.memory_space<semaphore_mem>>) src(%arg10 : memref<40x128xf32, #tpu.memory_space<vmem>>) dst(%dma_wait3A_65 : memref<40x128xf32, #tpu.memory_space<vmem_shared>>)
      tpu.yield
    }) : () -> ()
    %add3A_28 = arith.constant 360 : i32
    %add3A_29 = arith.addi %mul3A_0, %add3A_28 : i32
    "tpu.region"() ({
      %run_scoped3A = tpu.sem_alloc : memref<!tpu.dma_semaphore, #tpu.memory_space<semaphore_mem>>
      %dma_start3A = arith.constant 0 : i32
      %dma_start3A_60 = tpu.memref_slice %arg11[%add3A_29, %dma_start3A] : memref<10240x128xf32, #tpu.memory_space<vmem_shared>> -> memref<40x128xf32, #tpu.memory_space<vmem_shared>>
      %dma_start3A_61 = arith.constant 0 : i32
      %dma_start3A_62 = tpu.memref_slice %arg11[%add3A_29, %dma_start3A_61] : memref<10240x128xf32, #tpu.memory_space<vmem_shared>> -> memref<40x128xf32, #tpu.memory_space<vmem_shared>>
      tpu.enqueue_dma source(%arg10 : memref<40x128xf32, #tpu.memory_space<vmem>>) target(%dma_start3A_62 : memref<40x128xf32, #tpu.memory_space<vmem_shared>>) target_semaphore(%run_scoped3A : memref<!tpu.dma_semaphore, #tpu.memory_space<semaphore_mem>>)
      %dma_wait3A = arith.constant 0 : i32
      %dma_wait3A_63 = tpu.memref_slice %arg11[%add3A_29, %dma_wait3A] : memref<10240x128xf32, #tpu.memory_space<vmem_shared>> -> memref<40x128xf32, #tpu.memory_space<vmem_shared>>
      %dma_wait3A_64 = arith.constant 0 : i32
      %dma_wait3A_65 = tpu.memref_slice %arg11[%add3A_29, %dma_wait3A_64] : memref<10240x128xf32, #tpu.memory_space<vmem_shared>> -> memref<40x128xf32, #tpu.memory_space<vmem_shared>>
      tpu.wait_dma2 semaphore(%run_scoped3A : memref<!tpu.dma_semaphore, #tpu.memory_space<semaphore_mem>>) src(%arg10 : memref<40x128xf32, #tpu.memory_space<vmem>>) dst(%dma_wait3A_65 : memref<40x128xf32, #tpu.memory_space<vmem_shared>>)
      tpu.yield
    }) : () -> ()
    %add3A_30 = arith.constant 400 : i32
    %add3A_31 = arith.addi %mul3A_0, %add3A_30 : i32
    "tpu.region"() ({
      %run_scoped3A = tpu.sem_alloc : memref<!tpu.dma_semaphore, #tpu.memory_space<semaphore_mem>>
      %dma_start3A = arith.constant 0 : i32
      %dma_start3A_60 = tpu.memref_slice %arg11[%add3A_31, %dma_start3A] : memref<10240x128xf32, #tpu.memory_space<vmem_shared>> -> memref<40x128xf32, #tpu.memory_space<vmem_shared>>
      %dma_start3A_61 = arith.constant 0 : i32
      %dma_start3A_62 = tpu.memref_slice %arg11[%add3A_31, %dma_start3A_61] : memref<10240x128xf32, #tpu.memory_space<vmem_shared>> -> memref<40x128xf32, #tpu.memory_space<vmem_shared>>
      tpu.enqueue_dma source(%arg10 : memref<40x128xf32, #tpu.memory_space<vmem>>) target(%dma_start3A_62 : memref<40x128xf32, #tpu.memory_space<vmem_shared>>) target_semaphore(%run_scoped3A : memref<!tpu.dma_semaphore, #tpu.memory_space<semaphore_mem>>)
      %dma_wait3A = arith.constant 0 : i32
      %dma_wait3A_63 = tpu.memref_slice %arg11[%add3A_31, %dma_wait3A] : memref<10240x128xf32, #tpu.memory_space<vmem_shared>> -> memref<40x128xf32, #tpu.memory_space<vmem_shared>>
      %dma_wait3A_64 = arith.constant 0 : i32
      %dma_wait3A_65 = tpu.memref_slice %arg11[%add3A_31, %dma_wait3A_64] : memref<10240x128xf32, #tpu.memory_space<vmem_shared>> -> memref<40x128xf32, #tpu.memory_space<vmem_shared>>
      tpu.wait_dma2 semaphore(%run_scoped3A : memref<!tpu.dma_semaphore, #tpu.memory_space<semaphore_mem>>) src(%arg10 : memref<40x128xf32, #tpu.memory_space<vmem>>) dst(%dma_wait3A_65 : memref<40x128xf32, #tpu.memory_space<vmem_shared>>)
      tpu.yield
    }) : () -> ()
    %add3A_32 = arith.constant 440 : i32
    %add3A_33 = arith.addi %mul3A_0, %add3A_32 : i32
    "tpu.region"() ({
      %run_scoped3A = tpu.sem_alloc : memref<!tpu.dma_semaphore, #tpu.memory_space<semaphore_mem>>
      %dma_start3A = arith.constant 0 : i32
      %dma_start3A_60 = tpu.memref_slice %arg11[%add3A_33, %dma_start3A] : memref<10240x128xf32, #tpu.memory_space<vmem_shared>> -> memref<40x128xf32, #tpu.memory_space<vmem_shared>>
      %dma_start3A_61 = arith.constant 0 : i32
      %dma_start3A_62 = tpu.memref_slice %arg11[%add3A_33, %dma_start3A_61] : memref<10240x128xf32, #tpu.memory_space<vmem_shared>> -> memref<40x128xf32, #tpu.memory_space<vmem_shared>>
      tpu.enqueue_dma source(%arg10 : memref<40x128xf32, #tpu.memory_space<vmem>>) target(%dma_start3A_62 : memref<40x128xf32, #tpu.memory_space<vmem_shared>>) target_semaphore(%run_scoped3A : memref<!tpu.dma_semaphore, #tpu.memory_space<semaphore_mem>>)
      %dma_wait3A = arith.constant 0 : i32
      %dma_wait3A_63 = tpu.memref_slice %arg11[%add3A_33, %dma_wait3A] : memref<10240x128xf32, #tpu.memory_space<vmem_shared>> -> memref<40x128xf32, #tpu.memory_space<vmem_shared>>
      %dma_wait3A_64 = arith.constant 0 : i32
      %dma_wait3A_65 = tpu.memref_slice %arg11[%add3A_33, %dma_wait3A_64] : memref<10240x128xf32, #tpu.memory_space<vmem_shared>> -> memref<40x128xf32, #tpu.memory_space<vmem_shared>>
      tpu.wait_dma2 semaphore(%run_scoped3A : memref<!tpu.dma_semaphore, #tpu.memory_space<semaphore_mem>>) src(%arg10 : memref<40x128xf32, #tpu.memory_space<vmem>>) dst(%dma_wait3A_65 : memref<40x128xf32, #tpu.memory_space<vmem_shared>>)
      tpu.yield
    }) : () -> ()
    %add3A_34 = arith.constant 480 : i32
    %add3A_35 = arith.addi %mul3A_0, %add3A_34 : i32
    "tpu.region"() ({
      %run_scoped3A = tpu.sem_alloc : memref<!tpu.dma_semaphore, #tpu.memory_space<semaphore_mem>>
      %dma_start3A = arith.constant 0 : i32
      %dma_start3A_60 = tpu.memref_slice %arg11[%add3A_35, %dma_start3A] : memref<10240x128xf32, #tpu.memory_space<vmem_shared>> -> memref<40x128xf32, #tpu.memory_space<vmem_shared>>
      %dma_start3A_61 = arith.constant 0 : i32
      %dma_start3A_62 = tpu.memref_slice %arg11[%add3A_35, %dma_start3A_61] : memref<10240x128xf32, #tpu.memory_space<vmem_shared>> -> memref<40x128xf32, #tpu.memory_space<vmem_shared>>
      tpu.enqueue_dma source(%arg10 : memref<40x128xf32, #tpu.memory_space<vmem>>) target(%dma_start3A_62 : memref<40x128xf32, #tpu.memory_space<vmem_shared>>) target_semaphore(%run_scoped3A : memref<!tpu.dma_semaphore, #tpu.memory_space<semaphore_mem>>)
      %dma_wait3A = arith.constant 0 : i32
      %dma_wait3A_63 = tpu.memref_slice %arg11[%add3A_35, %dma_wait3A] : memref<10240x128xf32, #tpu.memory_space<vmem_shared>> -> memref<40x128xf32, #tpu.memory_space<vmem_shared>>
      %dma_wait3A_64 = arith.constant 0 : i32
      %dma_wait3A_65 = tpu.memref_slice %arg11[%add3A_35, %dma_wait3A_64] : memref<10240x128xf32, #tpu.memory_space<vmem_shared>> -> memref<40x128xf32, #tpu.memory_space<vmem_shared>>
      tpu.wait_dma2 semaphore(%run_scoped3A : memref<!tpu.dma_semaphore, #tpu.memory_space<semaphore_mem>>) src(%arg10 : memref<40x128xf32, #tpu.memory_space<vmem>>) dst(%dma_wait3A_65 : memref<40x128xf32, #tpu.memory_space<vmem_shared>>)
      tpu.yield
    }) : () -> ()
    %add3A_36 = arith.constant 520 : i32
    %add3A_37 = arith.addi %mul3A_0, %add3A_36 : i32
    "tpu.region"() ({
      %run_scoped3A = tpu.sem_alloc : memref<!tpu.dma_semaphore, #tpu.memory_space<semaphore_mem>>
      %dma_start3A = arith.constant 0 : i32
      %dma_start3A_60 = tpu.memref_slice %arg11[%add3A_37, %dma_start3A] : memref<10240x128xf32, #tpu.memory_space<vmem_shared>> -> memref<40x128xf32, #tpu.memory_space<vmem_shared>>
      %dma_start3A_61 = arith.constant 0 : i32
      %dma_start3A_62 = tpu.memref_slice %arg11[%add3A_37, %dma_start3A_61] : memref<10240x128xf32, #tpu.memory_space<vmem_shared>> -> memref<40x128xf32, #tpu.memory_space<vmem_shared>>
      tpu.enqueue_dma source(%arg10 : memref<40x128xf32, #tpu.memory_space<vmem>>) target(%dma_start3A_62 : memref<40x128xf32, #tpu.memory_space<vmem_shared>>) target_semaphore(%run_scoped3A : memref<!tpu.dma_semaphore, #tpu.memory_space<semaphore_mem>>)
      %dma_wait3A = arith.constant 0 : i32
      %dma_wait3A_63 = tpu.memref_slice %arg11[%add3A_37, %dma_wait3A] : memref<10240x128xf32, #tpu.memory_space<vmem_shared>> -> memref<40x128xf32, #tpu.memory_space<vmem_shared>>
      %dma_wait3A_64 = arith.constant 0 : i32
      %dma_wait3A_65 = tpu.memref_slice %arg11[%add3A_37, %dma_wait3A_64] : memref<10240x128xf32, #tpu.memory_space<vmem_shared>> -> memref<40x128xf32, #tpu.memory_space<vmem_shared>>
      tpu.wait_dma2 semaphore(%run_scoped3A : memref<!tpu.dma_semaphore, #tpu.memory_space<semaphore_mem>>) src(%arg10 : memref<40x128xf32, #tpu.memory_space<vmem>>) dst(%dma_wait3A_65 : memref<40x128xf32, #tpu.memory_space<vmem_shared>>)
      tpu.yield
    }) : () -> ()
    %add3A_38 = arith.constant 560 : i32
    %add3A_39 = arith.addi %mul3A_0, %add3A_38 : i32
    "tpu.region"() ({
      %run_scoped3A = tpu.sem_alloc : memref<!tpu.dma_semaphore, #tpu.memory_space<semaphore_mem>>
      %dma_start3A = arith.constant 0 : i32
      %dma_start3A_60 = tpu.memref_slice %arg11[%add3A_39, %dma_start3A] : memref<10240x128xf32, #tpu.memory_space<vmem_shared>> -> memref<40x128xf32, #tpu.memory_space<vmem_shared>>
      %dma_start3A_61 = arith.constant 0 : i32
      %dma_start3A_62 = tpu.memref_slice %arg11[%add3A_39, %dma_start3A_61] : memref<10240x128xf32, #tpu.memory_space<vmem_shared>> -> memref<40x128xf32, #tpu.memory_space<vmem_shared>>
      tpu.enqueue_dma source(%arg10 : memref<40x128xf32, #tpu.memory_space<vmem>>) target(%dma_start3A_62 : memref<40x128xf32, #tpu.memory_space<vmem_shared>>) target_semaphore(%run_scoped3A : memref<!tpu.dma_semaphore, #tpu.memory_space<semaphore_mem>>)
      %dma_wait3A = arith.constant 0 : i32
      %dma_wait3A_63 = tpu.memref_slice %arg11[%add3A_39, %dma_wait3A] : memref<10240x128xf32, #tpu.memory_space<vmem_shared>> -> memref<40x128xf32, #tpu.memory_space<vmem_shared>>
      %dma_wait3A_64 = arith.constant 0 : i32
      %dma_wait3A_65 = tpu.memref_slice %arg11[%add3A_39, %dma_wait3A_64] : memref<10240x128xf32, #tpu.memory_space<vmem_shared>> -> memref<40x128xf32, #tpu.memory_space<vmem_shared>>
      tpu.wait_dma2 semaphore(%run_scoped3A : memref<!tpu.dma_semaphore, #tpu.memory_space<semaphore_mem>>) src(%arg10 : memref<40x128xf32, #tpu.memory_space<vmem>>) dst(%dma_wait3A_65 : memref<40x128xf32, #tpu.memory_space<vmem_shared>>)
      tpu.yield
    }) : () -> ()
    %add3A_40 = arith.constant 600 : i32
    %add3A_41 = arith.addi %mul3A_0, %add3A_40 : i32
    "tpu.region"() ({
      %run_scoped3A = tpu.sem_alloc : memref<!tpu.dma_semaphore, #tpu.memory_space<semaphore_mem>>
      %dma_start3A = arith.constant 0 : i32
      %dma_start3A_60 = tpu.memref_slice %arg11[%add3A_41, %dma_start3A] : memref<10240x128xf32, #tpu.memory_space<vmem_shared>> -> memref<40x128xf32, #tpu.memory_space<vmem_shared>>
      %dma_start3A_61 = arith.constant 0 : i32
      %dma_start3A_62 = tpu.memref_slice %arg11[%add3A_41, %dma_start3A_61] : memref<10240x128xf32, #tpu.memory_space<vmem_shared>> -> memref<40x128xf32, #tpu.memory_space<vmem_shared>>
      tpu.enqueue_dma source(%arg10 : memref<40x128xf32, #tpu.memory_space<vmem>>) target(%dma_start3A_62 : memref<40x128xf32, #tpu.memory_space<vmem_shared>>) target_semaphore(%run_scoped3A : memref<!tpu.dma_semaphore, #tpu.memory_space<semaphore_mem>>)
      %dma_wait3A = arith.constant 0 : i32
      %dma_wait3A_63 = tpu.memref_slice %arg11[%add3A_41, %dma_wait3A] : memref<10240x128xf32, #tpu.memory_space<vmem_shared>> -> memref<40x128xf32, #tpu.memory_space<vmem_shared>>
      %dma_wait3A_64 = arith.constant 0 : i32
      %dma_wait3A_65 = tpu.memref_slice %arg11[%add3A_41, %dma_wait3A_64] : memref<10240x128xf32, #tpu.memory_space<vmem_shared>> -> memref<40x128xf32, #tpu.memory_space<vmem_shared>>
      tpu.wait_dma2 semaphore(%run_scoped3A : memref<!tpu.dma_semaphore, #tpu.memory_space<semaphore_mem>>) src(%arg10 : memref<40x128xf32, #tpu.memory_space<vmem>>) dst(%dma_wait3A_65 : memref<40x128xf32, #tpu.memory_space<vmem_shared>>)
      tpu.yield
    }) : () -> ()
    %barrier3A = arith.constant 0 : index
    tpu.barrier barrier_id(%barrier3A)
    %scan3A_42 = arith.constant 0 : i32
    %scan3A_43 = arith.constant 0 : i32
    %scan3A_44 = arith.constant 4 : i32
    %scan3A_45 = arith.addi %scan3A_43, %scan3A_44 : i32
    %scan3A_46 = arith.constant 1 : i32
    %scan3A_47 = scf.for %scan3A_60 = %scan3A_43 to %scan3A_45 step %scan3A_46 iter_args(%scan3A_61 = %scan3A_42) -> (i32)  : i32 {
      %mul3A_62 = arith.constant 40 : i32
      %mul3A_63 = arith.muli %scan3A_60, %mul3A_62 : i32
      "tpu.region"() ({
        %run_scoped3A = tpu.sem_alloc : memref<!tpu.dma_semaphore, #tpu.memory_space<semaphore_mem>>
        %dma_start3A_98 = arith.constant 0 : i32
        %dma_start3A_99 = tpu.memref_slice %arg3[%add3A, %mul3A_63, %dma_start3A_98] : memref<32x160x128xi32, #tpu.memory_space<hbm>> -> memref<1x40x128xi32, #tpu.memory_space<hbm>>
        %dma_start3A_100 = tpu.memref_squeeze %dma_start3A_99 : memref<1x40x128xi32, #tpu.memory_space<hbm>> -> memref<40x128xi32, #tpu.memory_space<hbm>>
        %dma_start3A_101 = arith.constant 0 : i32
        %dma_start3A_102 = tpu.memref_slice %arg3[%add3A, %mul3A_63, %dma_start3A_101] : memref<32x160x128xi32, #tpu.memory_space<hbm>> -> memref<1x40x128xi32, #tpu.memory_space<hbm>>
        %dma_start3A_103 = tpu.memref_squeeze %dma_start3A_102 : memref<1x40x128xi32, #tpu.memory_space<hbm>> -> memref<40x128xi32, #tpu.memory_space<hbm>>
        tpu.enqueue_dma source(%dma_start3A_103 : memref<40x128xi32, #tpu.memory_space<hbm>>) target(%arg6 : memref<40x128xi32, #tpu.memory_space<vmem>>) target_semaphore(%run_scoped3A : memref<!tpu.dma_semaphore, #tpu.memory_space<semaphore_mem>>)
        %dma_wait3A_104 = arith.constant 0 : i32
        %dma_wait3A_105 = tpu.memref_slice %arg3[%add3A, %mul3A_63, %dma_wait3A_104] : memref<32x160x128xi32, #tpu.memory_space<hbm>> -> memref<1x40x128xi32, #tpu.memory_space<hbm>>
        %dma_wait3A_106 = tpu.memref_squeeze %dma_wait3A_105 : memref<1x40x128xi32, #tpu.memory_space<hbm>> -> memref<40x128xi32, #tpu.memory_space<hbm>>
        %dma_wait3A_107 = arith.constant 0 : i32
        %dma_wait3A_108 = tpu.memref_slice %arg3[%add3A, %mul3A_63, %dma_wait3A_107] : memref<32x160x128xi32, #tpu.memory_space<hbm>> -> memref<1x40x128xi32, #tpu.memory_space<hbm>>
        %dma_wait3A_109 = tpu.memref_squeeze %dma_wait3A_108 : memref<1x40x128xi32, #tpu.memory_space<hbm>> -> memref<40x128xi32, #tpu.memory_space<hbm>>
        tpu.wait_dma2 semaphore(%run_scoped3A : memref<!tpu.dma_semaphore, #tpu.memory_space<semaphore_mem>>) src(%dma_wait3A_109 : memref<40x128xi32, #tpu.memory_space<hbm>>) dst(%arg6 : memref<40x128xi32, #tpu.memory_space<vmem>>)
        tpu.yield
      }) : () -> ()
      %mul3A_64 = arith.constant 40 : i32
      %mul3A_65 = arith.muli %scan3A_60, %mul3A_64 : i32
      "tpu.region"() ({
        %run_scoped3A = tpu.sem_alloc : memref<!tpu.dma_semaphore, #tpu.memory_space<semaphore_mem>>
        %dma_start3A_98 = arith.constant 0 : i32
        %dma_start3A_99 = tpu.memref_slice %arg4[%add3A, %mul3A_65, %dma_start3A_98] : memref<32x160x128xi32, #tpu.memory_space<hbm>> -> memref<1x40x128xi32, #tpu.memory_space<hbm>>
        %dma_start3A_100 = tpu.memref_squeeze %dma_start3A_99 : memref<1x40x128xi32, #tpu.memory_space<hbm>> -> memref<40x128xi32, #tpu.memory_space<hbm>>
        %dma_start3A_101 = arith.constant 0 : i32
        %dma_start3A_102 = tpu.memref_slice %arg4[%add3A, %mul3A_65, %dma_start3A_101] : memref<32x160x128xi32, #tpu.memory_space<hbm>> -> memref<1x40x128xi32, #tpu.memory_space<hbm>>
        %dma_start3A_103 = tpu.memref_squeeze %dma_start3A_102 : memref<1x40x128xi32, #tpu.memory_space<hbm>> -> memref<40x128xi32, #tpu.memory_space<hbm>>
        tpu.enqueue_dma source(%dma_start3A_103 : memref<40x128xi32, #tpu.memory_space<hbm>>) target(%arg7 : memref<40x128xi32, #tpu.memory_space<vmem>>) target_semaphore(%run_scoped3A : memref<!tpu.dma_semaphore, #tpu.memory_space<semaphore_mem>>)
        %dma_wait3A_104 = arith.constant 0 : i32
        %dma_wait3A_105 = tpu.memref_slice %arg4[%add3A, %mul3A_65, %dma_wait3A_104] : memref<32x160x128xi32, #tpu.memory_space<hbm>> -> memref<1x40x128xi32, #tpu.memory_space<hbm>>
        %dma_wait3A_106 = tpu.memref_squeeze %dma_wait3A_105 : memref<1x40x128xi32, #tpu.memory_space<hbm>> -> memref<40x128xi32, #tpu.memory_space<hbm>>
        %dma_wait3A_107 = arith.constant 0 : i32
        %dma_wait3A_108 = tpu.memref_slice %arg4[%add3A, %mul3A_65, %dma_wait3A_107] : memref<32x160x128xi32, #tpu.memory_space<hbm>> -> memref<1x40x128xi32, #tpu.memory_space<hbm>>
        %dma_wait3A_109 = tpu.memref_squeeze %dma_wait3A_108 : memref<1x40x128xi32, #tpu.memory_space<hbm>> -> memref<40x128xi32, #tpu.memory_space<hbm>>
        tpu.wait_dma2 semaphore(%run_scoped3A : memref<!tpu.dma_semaphore, #tpu.memory_space<semaphore_mem>>) src(%dma_wait3A_109 : memref<40x128xi32, #tpu.memory_space<hbm>>) dst(%arg7 : memref<40x128xi32, #tpu.memory_space<vmem>>)
        tpu.yield
      }) : () -> ()
      %dma_start3A = arith.constant 0 : i32
      %dma_start3A_66 = arith.constant 0 : i32
      %dma_start3A_67 = tpu.memref_slice %arg6[%dma_start3A, %dma_start3A_66] : memref<40x128xi32, #tpu.memory_space<vmem>> -> memref<1x128xi32, #tpu.memory_space<vmem>>
      %dma_start3A_68 = tpu.memref_squeeze %dma_start3A_67 : memref<1x128xi32, #tpu.memory_space<vmem>> -> memref<128xi32, #tpu.memory_space<vmem>>
      %dma_start3A_69 = arith.constant 0 : i32
      %dma_start3A_70 = arith.constant 0 : i32
      %dma_start3A_71 = tpu.memref_slice %arg2[%dma_start3A_69, %dma_start3A_70] : memref<20480x128xf32, #tpu.memory_space<hbm>> -> memref<20480x128xf32, #tpu.memory_space<hbm>>
      tpu.enqueue_indirect_dma source(%dma_start3A_71 : memref<20480x128xf32, #tpu.memory_space<hbm>>) target(%arg8 : memref<128x128xf32, #tpu.memory_space<vmem>>) offsets(%dma_start3A_68 : memref<128xi32, #tpu.memory_space<vmem>>) semaphore(%arg12 : memref<!tpu.dma_semaphore, #tpu.memory_space<semaphore_mem>>)
      %dma_start3A_72 = arith.constant 1 : i32
      %dma_start3A_73 = arith.constant 0 : i32
      %dma_start3A_74 = tpu.memref_slice %arg6[%dma_start3A_72, %dma_start3A_73] : memref<40x128xi32, #tpu.memory_space<vmem>> -> memref<1x128xi32, #tpu.memory_space<vmem>>
      %dma_start3A_75 = tpu.memref_squeeze %dma_start3A_74 : memref<1x128xi32, #tpu.memory_space<vmem>> -> memref<128xi32, #tpu.memory_space<vmem>>
      %dma_start3A_76 = arith.constant 0 : i32
      %dma_start3A_77 = arith.constant 0 : i32
      %dma_start3A_78 = tpu.memref_slice %arg2[%dma_start3A_76, %dma_start3A_77] : memref<20480x128xf32, #tpu.memory_space<hbm>> -> memref<20480x128xf32, #tpu.memory_space<hbm>>
      tpu.enqueue_indirect_dma source(%dma_start3A_78 : memref<20480x128xf32, #tpu.memory_space<hbm>>) target(%arg9 : memref<128x128xf32, #tpu.memory_space<vmem>>) offsets(%dma_start3A_75 : memref<128xi32, #tpu.memory_space<vmem>>) semaphore(%arg13 : memref<!tpu.dma_semaphore, #tpu.memory_space<semaphore_mem>>)
      %scan3A_79 = arith.constant 0 : i32
      %scan3A_80 = arith.constant 0 : i32
      %scan3A_81 = arith.constant 20 : i32
      %scan3A_82 = arith.addi %scan3A_80, %scan3A_81 : i32
      %scan3A_83 = arith.constant 1 : i32
      %scan3A_84 = scf.for %scan3A_98 = %scan3A_80 to %scan3A_82 step %scan3A_83 iter_args(%scan3A_99 = %scan3A_79) -> (i32)  : i32 {
        %dma_wait3A_100 = arith.constant 0 : i32
        %dma_wait3A_101 = arith.constant 0 : i32
        %dma_wait3A_102 = tpu.memref_slice %arg2[%dma_wait3A_100, %dma_wait3A_101] : memref<20480x128xf32, #tpu.memory_space<hbm>> -> memref<128x128xf32, #tpu.memory_space<hbm>>
        %dma_wait3A_103 = arith.constant 0 : i32
        %dma_wait3A_104 = arith.constant 0 : i32
        %dma_wait3A_105 = tpu.memref_slice %arg2[%dma_wait3A_103, %dma_wait3A_104] : memref<20480x128xf32, #tpu.memory_space<hbm>> -> memref<128x128xf32, #tpu.memory_space<hbm>>
        tpu.wait_dma2 semaphore(%arg12 : memref<!tpu.dma_semaphore, #tpu.memory_space<semaphore_mem>>) src(%dma_wait3A_105 : memref<128x128xf32, #tpu.memory_space<hbm>>) dst(%arg8 : memref<128x128xf32, #tpu.memory_space<vmem>>)
        %mul3A_106 = arith.constant 2 : i32
        %mul3A_107 = arith.muli %mul3A_106, %scan3A_98 : i32
        %dma_start3A_108 = arith.constant 0 : i32
        %dma_start3A_109 = tpu.memref_slice %arg7[%mul3A_107, %dma_start3A_108] : memref<40x128xi32, #tpu.memory_space<vmem>> -> memref<1x128xi32, #tpu.memory_space<vmem>>
        %dma_start3A_110 = tpu.memref_squeeze %dma_start3A_109 : memref<1x128xi32, #tpu.memory_space<vmem>> -> memref<128xi32, #tpu.memory_space<vmem>>
        %dma_start3A_111 = arith.constant 0 : i32
        %dma_start3A_112 = arith.constant 0 : i32
        %dma_start3A_113 = tpu.memref_slice %arg11[%dma_start3A_111, %dma_start3A_112] : memref<10240x128xf32, #tpu.memory_space<vmem_shared>> -> memref<10240x128xf32, #tpu.memory_space<vmem_shared>>
        tpu.enqueue_indirect_dma source(%arg8 : memref<128x128xf32, #tpu.memory_space<vmem>>) target(%dma_start3A_113 : memref<10240x128xf32, #tpu.memory_space<vmem_shared>>) offsets(%dma_start3A_110 : memref<128xi32, #tpu.memory_space<vmem>>) semaphore(%arg14 : memref<!tpu.dma_semaphore, #tpu.memory_space<semaphore_mem>>) {add = true}
        %mul3A_114 = arith.constant 2 : i32
        %mul3A_115 = arith.muli %mul3A_114, %scan3A_98 : i32
        %add3A_116 = arith.constant 2 : i32
        %add3A_117 = arith.addi %mul3A_115, %add3A_116 : i32
        %lt3A = arith.constant 40 : i32
        %lt3A_118 = arith.cmpi slt, %add3A_117, %lt3A : i32
        %convert_element_type3A = arith.extui %lt3A_118 : i1 to i32
        %cond3A = arith.constant 0 : i32
        %cond3A_119 = arith.cmpi ne, %convert_element_type3A, %cond3A : i32
        scf.if %cond3A_119 {
          %dma_wait3A_146 = arith.constant 0 : i32
          %dma_wait3A_147 = arith.constant 0 : i32
          %dma_wait3A_148 = tpu.memref_slice %arg2[%dma_wait3A_146, %dma_wait3A_147] : memref<20480x128xf32, #tpu.memory_space<hbm>> -> memref<128x128xf32, #tpu.memory_space<hbm>>
          %dma_wait3A_149 = arith.constant 0 : i32
          %dma_wait3A_150 = arith.constant 0 : i32
          %dma_wait3A_151 = tpu.memref_slice %arg2[%dma_wait3A_149, %dma_wait3A_150] : memref<20480x128xf32, #tpu.memory_space<hbm>> -> memref<128x128xf32, #tpu.memory_space<hbm>>
          tpu.wait_dma2 semaphore(%arg14 : memref<!tpu.dma_semaphore, #tpu.memory_space<semaphore_mem>>) src(%dma_wait3A_151 : memref<128x128xf32, #tpu.memory_space<hbm>>) dst(%arg8 : memref<128x128xf32, #tpu.memory_space<vmem>>)
          %mul3A_152 = arith.constant 2 : i32
          %mul3A_153 = arith.muli %mul3A_152, %scan3A_98 : i32
          %add3A_154 = arith.constant 2 : i32
          %add3A_155 = arith.addi %mul3A_153, %add3A_154 : i32
          %dma_start3A_156 = arith.constant 0 : i32
          %dma_start3A_157 = tpu.memref_slice %arg6[%add3A_155, %dma_start3A_156] : memref<40x128xi32, #tpu.memory_space<vmem>> -> memref<1x128xi32, #tpu.memory_space<vmem>>
          %dma_start3A_158 = tpu.memref_squeeze %dma_start3A_157 : memref<1x128xi32, #tpu.memory_space<vmem>> -> memref<128xi32, #tpu.memory_space<vmem>>
          %dma_start3A_159 = arith.constant 0 : i32
          %dma_start3A_160 = arith.constant 0 : i32
          %dma_start3A_161 = tpu.memref_slice %arg2[%dma_start3A_159, %dma_start3A_160] : memref<20480x128xf32, #tpu.memory_space<hbm>> -> memref<20480x128xf32, #tpu.memory_space<hbm>>
          tpu.enqueue_indirect_dma source(%dma_start3A_161 : memref<20480x128xf32, #tpu.memory_space<hbm>>) target(%arg8 : memref<128x128xf32, #tpu.memory_space<vmem>>) offsets(%dma_start3A_158 : memref<128xi32, #tpu.memory_space<vmem>>) semaphore(%arg12 : memref<!tpu.dma_semaphore, #tpu.memory_space<semaphore_mem>>)
        } else {
        }
        %dma_wait3A_120 = arith.constant 0 : i32
        %dma_wait3A_121 = arith.constant 0 : i32
        %dma_wait3A_122 = tpu.memref_slice %arg2[%dma_wait3A_120, %dma_wait3A_121] : memref<20480x128xf32, #tpu.memory_space<hbm>> -> memref<128x128xf32, #tpu.memory_space<hbm>>
        %dma_wait3A_123 = arith.constant 0 : i32
        %dma_wait3A_124 = arith.constant 0 : i32
        %dma_wait3A_125 = tpu.memref_slice %arg2[%dma_wait3A_123, %dma_wait3A_124] : memref<20480x128xf32, #tpu.memory_space<hbm>> -> memref<128x128xf32, #tpu.memory_space<hbm>>
        tpu.wait_dma2 semaphore(%arg13 : memref<!tpu.dma_semaphore, #tpu.memory_space<semaphore_mem>>) src(%dma_wait3A_125 : memref<128x128xf32, #tpu.memory_space<hbm>>) dst(%arg9 : memref<128x128xf32, #tpu.memory_space<vmem>>)
        %mul3A_126 = arith.constant 2 : i32
        %mul3A_127 = arith.muli %mul3A_126, %scan3A_98 : i32
        %add3A_128 = arith.constant 1 : i32
        %add3A_129 = arith.addi %mul3A_127, %add3A_128 : i32
        %dma_start3A_130 = arith.constant 0 : i32
        %dma_start3A_131 = tpu.memref_slice %arg7[%add3A_129, %dma_start3A_130] : memref<40x128xi32, #tpu.memory_space<vmem>> -> memref<1x128xi32, #tpu.memory_space<vmem>>
        %dma_start3A_132 = tpu.memref_squeeze %dma_start3A_131 : memref<1x128xi32, #tpu.memory_space<vmem>> -> memref<128xi32, #tpu.memory_space<vmem>>
        %dma_start3A_133 = arith.constant 0 : i32
        %dma_start3A_134 = arith.constant 0 : i32
        %dma_start3A_135 = tpu.memref_slice %arg11[%dma_start3A_133, %dma_start3A_134] : memref<10240x128xf32, #tpu.memory_space<vmem_shared>> -> memref<10240x128xf32, #tpu.memory_space<vmem_shared>>
        tpu.enqueue_indirect_dma source(%arg9 : memref<128x128xf32, #tpu.memory_space<vmem>>) target(%dma_start3A_135 : memref<10240x128xf32, #tpu.memory_space<vmem_shared>>) offsets(%dma_start3A_132 : memref<128xi32, #tpu.memory_space<vmem>>) semaphore(%arg15 : memref<!tpu.dma_semaphore, #tpu.memory_space<semaphore_mem>>) {add = true}
        %mul3A_136 = arith.constant 2 : i32
        %mul3A_137 = arith.muli %mul3A_136, %scan3A_98 : i32
        %add3A_138 = arith.constant 3 : i32
        %add3A_139 = arith.addi %mul3A_137, %add3A_138 : i32
        %lt3A_140 = arith.constant 40 : i32
        %lt3A_141 = arith.cmpi slt, %add3A_139, %lt3A_140 : i32
        %convert_element_type3A_142 = arith.extui %lt3A_141 : i1 to i32
        %cond3A_143 = arith.constant 0 : i32
        %cond3A_144 = arith.cmpi ne, %convert_element_type3A_142, %cond3A_143 : i32
        scf.if %cond3A_144 {
          %dma_wait3A_146 = arith.constant 0 : i32
          %dma_wait3A_147 = arith.constant 0 : i32
          %dma_wait3A_148 = tpu.memref_slice %arg2[%dma_wait3A_146, %dma_wait3A_147] : memref<20480x128xf32, #tpu.memory_space<hbm>> -> memref<128x128xf32, #tpu.memory_space<hbm>>
          %dma_wait3A_149 = arith.constant 0 : i32
          %dma_wait3A_150 = arith.constant 0 : i32
          %dma_wait3A_151 = tpu.memref_slice %arg2[%dma_wait3A_149, %dma_wait3A_150] : memref<20480x128xf32, #tpu.memory_space<hbm>> -> memref<128x128xf32, #tpu.memory_space<hbm>>
          tpu.wait_dma2 semaphore(%arg15 : memref<!tpu.dma_semaphore, #tpu.memory_space<semaphore_mem>>) src(%dma_wait3A_151 : memref<128x128xf32, #tpu.memory_space<hbm>>) dst(%arg9 : memref<128x128xf32, #tpu.memory_space<vmem>>)
          %mul3A_152 = arith.constant 2 : i32
          %mul3A_153 = arith.muli %mul3A_152, %scan3A_98 : i32
          %add3A_154 = arith.constant 3 : i32
          %add3A_155 = arith.addi %mul3A_153, %add3A_154 : i32
          %dma_start3A_156 = arith.constant 0 : i32
          %dma_start3A_157 = tpu.memref_slice %arg6[%add3A_155, %dma_start3A_156] : memref<40x128xi32, #tpu.memory_space<vmem>> -> memref<1x128xi32, #tpu.memory_space<vmem>>
          %dma_start3A_158 = tpu.memref_squeeze %dma_start3A_157 : memref<1x128xi32, #tpu.memory_space<vmem>> -> memref<128xi32, #tpu.memory_space<vmem>>
          %dma_start3A_159 = arith.constant 0 : i32
          %dma_start3A_160 = arith.constant 0 : i32
          %dma_start3A_161 = tpu.memref_slice %arg2[%dma_start3A_159, %dma_start3A_160] : memref<20480x128xf32, #tpu.memory_space<hbm>> -> memref<20480x128xf32, #tpu.memory_space<hbm>>
          tpu.enqueue_indirect_dma source(%dma_start3A_161 : memref<20480x128xf32, #tpu.memory_space<hbm>>) target(%arg9 : memref<128x128xf32, #tpu.memory_space<vmem>>) offsets(%dma_start3A_158 : memref<128xi32, #tpu.memory_space<vmem>>) semaphore(%arg13 : memref<!tpu.dma_semaphore, #tpu.memory_space<semaphore_mem>>)
        } else {
        }
        %scan3A_145 = arith.constant 0 : i32
        scf.yield %scan3A_145 : i32
      }
      %scan3A_85 = arith.constant 20 : i32
      %dma_wait3A = arith.constant 0 : i32
      %dma_wait3A_86 = arith.constant 0 : i32
      %dma_wait3A_87 = tpu.memref_slice %arg2[%dma_wait3A, %dma_wait3A_86] : memref<20480x128xf32, #tpu.memory_space<hbm>> -> memref<128x128xf32, #tpu.memory_space<hbm>>
      %dma_wait3A_88 = arith.constant 0 : i32
      %dma_wait3A_89 = arith.constant 0 : i32
      %dma_wait3A_90 = tpu.memref_slice %arg2[%dma_wait3A_88, %dma_wait3A_89] : memref<20480x128xf32, #tpu.memory_space<hbm>> -> memref<128x128xf32, #tpu.memory_space<hbm>>
      tpu.wait_dma2 semaphore(%arg14 : memref<!tpu.dma_semaphore, #tpu.memory_space<semaphore_mem>>) src(%dma_wait3A_90 : memref<128x128xf32, #tpu.memory_space<hbm>>) dst(%arg8 : memref<128x128xf32, #tpu.memory_space<vmem>>)
      %dma_wait3A_91 = arith.constant 0 : i32
      %dma_wait3A_92 = arith.constant 0 : i32
      %dma_wait3A_93 = tpu.memref_slice %arg2[%dma_wait3A_91, %dma_wait3A_92] : memref<20480x128xf32, #tpu.memory_space<hbm>> -> memref<128x128xf32, #tpu.memory_space<hbm>>
      %dma_wait3A_94 = arith.constant 0 : i32
      %dma_wait3A_95 = arith.constant 0 : i32
      %dma_wait3A_96 = tpu.memref_slice %arg2[%dma_wait3A_94, %dma_wait3A_95] : memref<20480x128xf32, #tpu.memory_space<hbm>> -> memref<128x128xf32, #tpu.memory_space<hbm>>
      tpu.wait_dma2 semaphore(%arg15 : memref<!tpu.dma_semaphore, #tpu.memory_space<semaphore_mem>>) src(%dma_wait3A_96 : memref<128x128xf32, #tpu.memory_space<hbm>>) dst(%arg9 : memref<128x128xf32, #tpu.memory_space<vmem>>)
      %scan3A_97 = arith.constant 0 : i32
      scf.yield %scan3A_97 : i32
    }
    %scan3A_48 = arith.constant 4 : i32
    %barrier3A_49 = arith.constant 0 : index
    tpu.barrier barrier_id(%barrier3A_49)
    %mul3A_50 = arith.constant 10240 : i32
    %mul3A_51 = arith.muli %arg0, %mul3A_50 : i32
    %add3A_52 = arith.addi %mul3A_51, %mul3A_0 : i32
    %scan3A_53 = arith.constant 0 : i32
    %scan3A_54 = arith.constant 0 : i32
    %scan3A_55 = arith.constant 16 : i32
    %scan3A_56 = arith.addi %scan3A_54, %scan3A_55 : i32
    %scan3A_57 = arith.constant 1 : i32
    %scan3A_58 = scf.for %scan3A_60 = %scan3A_54 to %scan3A_56 step %scan3A_57 iter_args(%scan3A_61 = %scan3A_53) -> (i32)  : i32 {
      %mul3A_62 = arith.constant 40 : i32
      %mul3A_63 = arith.muli %scan3A_60, %mul3A_62 : i32
      %add3A_64 = arith.addi %mul3A_0, %mul3A_63 : i32
      "tpu.region"() ({
        %run_scoped3A = tpu.sem_alloc : memref<!tpu.dma_semaphore, #tpu.memory_space<semaphore_mem>>
        %dma_start3A = arith.constant 0 : i32
        %dma_start3A_69 = tpu.memref_slice %arg11[%add3A_64, %dma_start3A] : memref<10240x128xf32, #tpu.memory_space<vmem_shared>> -> memref<40x128xf32, #tpu.memory_space<vmem_shared>>
        %dma_start3A_70 = arith.constant 0 : i32
        %dma_start3A_71 = tpu.memref_slice %arg11[%add3A_64, %dma_start3A_70] : memref<10240x128xf32, #tpu.memory_space<vmem_shared>> -> memref<40x128xf32, #tpu.memory_space<vmem_shared>>
        tpu.enqueue_dma source(%dma_start3A_71 : memref<40x128xf32, #tpu.memory_space<vmem_shared>>) target(%arg10 : memref<40x128xf32, #tpu.memory_space<vmem>>) target_semaphore(%run_scoped3A : memref<!tpu.dma_semaphore, #tpu.memory_space<semaphore_mem>>)
        %dma_wait3A = arith.constant 0 : i32
        %dma_wait3A_72 = tpu.memref_slice %arg11[%add3A_64, %dma_wait3A] : memref<10240x128xf32, #tpu.memory_space<vmem_shared>> -> memref<40x128xf32, #tpu.memory_space<vmem_shared>>
        %dma_wait3A_73 = arith.constant 0 : i32
        %dma_wait3A_74 = tpu.memref_slice %arg11[%add3A_64, %dma_wait3A_73] : memref<10240x128xf32, #tpu.memory_space<vmem_shared>> -> memref<40x128xf32, #tpu.memory_space<vmem_shared>>
        tpu.wait_dma2 semaphore(%run_scoped3A : memref<!tpu.dma_semaphore, #tpu.memory_space<semaphore_mem>>) src(%dma_wait3A_74 : memref<40x128xf32, #tpu.memory_space<vmem_shared>>) dst(%arg10 : memref<40x128xf32, #tpu.memory_space<vmem>>)
        tpu.yield
      }) : () -> ()
      %mul3A_65 = arith.constant 40 : i32
      %mul3A_66 = arith.muli %scan3A_60, %mul3A_65 : i32
      %add3A_67 = arith.addi %add3A_52, %mul3A_66 : i32
      "tpu.region"() ({
        %run_scoped3A = tpu.sem_alloc : memref<!tpu.dma_semaphore, #tpu.memory_space<semaphore_mem>>
        %dma_start3A = arith.constant 0 : i32
        %dma_start3A_69 = tpu.memref_slice %arg5[%add3A_67, %dma_start3A] : memref<20480x128xf32, #tpu.memory_space<hbm>> -> memref<40x128xf32, #tpu.memory_space<hbm>>
        %dma_start3A_70 = arith.constant 0 : i32
        %dma_start3A_71 = tpu.memref_slice %arg5[%add3A_67, %dma_start3A_70] : memref<20480x128xf32, #tpu.memory_space<hbm>> -> memref<40x128xf32, #tpu.memory_space<hbm>>
        tpu.enqueue_dma source(%arg10 : memref<40x128xf32, #tpu.memory_space<vmem>>) target(%dma_start3A_71 : memref<40x128xf32, #tpu.memory_space<hbm>>) target_semaphore(%run_scoped3A : memref<!tpu.dma_semaphore, #tpu.memory_space<semaphore_mem>>)
        %dma_wait3A = arith.constant 0 : i32
        %dma_wait3A_72 = tpu.memref_slice %arg5[%add3A_67, %dma_wait3A] : memref<20480x128xf32, #tpu.memory_space<hbm>> -> memref<40x128xf32, #tpu.memory_space<hbm>>
        %dma_wait3A_73 = arith.constant 0 : i32
        %dma_wait3A_74 = tpu.memref_slice %arg5[%add3A_67, %dma_wait3A_73] : memref<20480x128xf32, #tpu.memory_space<hbm>> -> memref<40x128xf32, #tpu.memory_space<hbm>>
        tpu.wait_dma2 semaphore(%run_scoped3A : memref<!tpu.dma_semaphore, #tpu.memory_space<semaphore_mem>>) src(%arg10 : memref<40x128xf32, #tpu.memory_space<vmem>>) dst(%dma_wait3A_74 : memref<40x128xf32, #tpu.memory_space<hbm>>)
        tpu.yield
      }) : () -> ()
      %scan3A_68 = arith.constant 0 : i32
      scf.yield %scan3A_68 : i32
    }
    %scan3A_59 = arith.constant 16 : i32
    return
  }
}

module attributes {stable_mosaic.version = 14 : i64} {
  func.func @_tc_l1_body(%arg0: i32, %arg1: i32, %arg2: memref<256x128xf32, #tpu.memory_space<vmem>>, %arg3: memref<128x128xf32, #tpu.memory_space<vmem>>, %arg4: memref<256x128xf32, #tpu.memory_space<vmem>>, %arg5: memref<256x128xf32, #tpu.memory_space<vmem>>, %arg6: memref<256x128xf32, #tpu.memory_space<vmem>>, %arg7: memref<256x128xf32, #tpu.memory_space<vmem>>) attributes {dimension_semantics = [#tpu.dimension_semantics<arbitrary>, #tpu.dimension_semantics<arbitrary>], iteration_bounds = array<i64: 2, 40>, scalar_prefetch = 0 : i64, scratch_operands = 0 : i64, tpu.core_type = #tpu.core_type<tc>, window_params = [{transform_indices = @transform_0, window_bounds = array<i64: 256, 128>}, {transform_indices = @transform_1, window_bounds = array<i64: 128, 128>}, {transform_indices = @transform_2, window_bounds = array<i64: 256, 128>}, {transform_indices = @transform_3, window_bounds = array<i64: 256, 128>}, {transform_indices = @transform_4, window_bounds = array<i64: 256, 128>}, {transform_indices = @transform_5, window_bounds = array<i64: 256, 128>}]} {
    %get3A = arith.constant 0 : index
    %get3A_0 = arith.constant 0 : index
    %get3A_1 = vector.load %arg4[%get3A, %get3A_0] : memref<256x128xf32, #tpu.memory_space<vmem>>, vector<256x128xf32>
    %get3A_2 = arith.constant 0 : index
    %get3A_3 = arith.constant 0 : index
    %get3A_4 = vector.load %arg5[%get3A_2, %get3A_3] : memref<256x128xf32, #tpu.memory_space<vmem>>, vector<256x128xf32>
    %add3A = arith.addf %get3A_1, %get3A_4 : vector<256x128xf32>
    %add3A_5 = arith.constant 1.000000e+00 : f32
    %add3A_6 = vector.broadcast %add3A_5 : f32 to vector<256x128xf32>
    %add3A_7 = arith.addf %add3A, %add3A_6 : vector<256x128xf32>
    %rsqrt3A = math.rsqrt %add3A_7 : vector<256x128xf32>
    %get3A_8 = arith.constant 0 : index
    %get3A_9 = arith.constant 0 : index
    %get3A_10 = vector.load %arg2[%get3A_8, %get3A_9] : memref<256x128xf32, #tpu.memory_space<vmem>>, vector<256x128xf32>
    %get3A_11 = arith.constant 0 : index
    %get3A_12 = arith.constant 0 : index
    %get3A_13 = vector.load %arg3[%get3A_11, %get3A_12] : memref<128x128xf32, #tpu.memory_space<vmem>>, vector<128x128xf32>
    %dot_general3A = arith.constant dense<0.000000e+00> : vector<256x128xf32>
    %dot_general3A_14 = tpu.matmul %get3A_10, %get3A_13, %dot_general3A {dimension_numbers = #tpu.dot_dimension_numbers<[1], [0], [0], [1], [0, 0, 1, 1], [], []>, transpose_lhs_hint = false} : vector<256x128xf32>, vector<128x128xf32>, vector<256x128xf32> -> vector<256x128xf32>
    %mul3A = arith.mulf %dot_general3A_14, %rsqrt3A : vector<256x128xf32>
    %swap3A = arith.constant 0 : index
    %swap3A_15 = arith.constant 0 : index
    %swap3A_16 = vector.load %arg6[%swap3A, %swap3A_15] : memref<256x128xf32, #tpu.memory_space<vmem>>, vector<256x128xf32>
    tpu.vector_store %arg6[%swap3A, %swap3A_15], %mul3A {strides = array<i32>} : memref<256x128xf32, #tpu.memory_space<vmem>>, vector<256x128xf32>,
    %swap3A_17 = arith.constant 0 : index
    %swap3A_18 = arith.constant 0 : index
    %swap3A_19 = vector.load %arg7[%swap3A_17, %swap3A_18] : memref<256x128xf32, #tpu.memory_space<vmem>>, vector<256x128xf32>
    tpu.vector_store %arg7[%swap3A_17, %swap3A_18], %rsqrt3A {strides = array<i32>} : memref<256x128xf32, #tpu.memory_space<vmem>>, vector<256x128xf32>,
    return
  }
  func.func @transform_0(%arg0: i32, %arg1: i32) -> (i32, i32) {
    %c0_i32 = arith.constant 0 : i32
    %c0_i32_0 = arith.constant 0 : i32
    return %arg1, %c0_i32 : i32, i32
  }
  func.func @transform_1(%arg0: i32, %arg1: i32) -> (i32, i32) {
    %c0_i32 = arith.constant 0 : i32
    %c0_i32_0 = arith.constant 0 : i32
    return %c0_i32, %arg0 : i32, i32
  }
  func.func @transform_2(%arg0: i32, %arg1: i32) -> (i32, i32) {
    %c0_i32 = arith.constant 0 : i32
    %c0_i32_0 = arith.constant 0 : i32
    return %arg1, %c0_i32 : i32, i32
  }
  func.func @transform_3(%arg0: i32, %arg1: i32) -> (i32, i32) {
    %c0_i32 = arith.constant 0 : i32
    %c0_i32_0 = arith.constant 0 : i32
    return %arg1, %c0_i32 : i32, i32
  }
  func.func @transform_4(%arg0: i32, %arg1: i32) -> (i32, i32) {
    %mul3A = arith.constant 40 : i32
    %mul3A_0 = arith.muli %arg0, %mul3A : i32
    %add3A = arith.addi %mul3A_0, %arg1 : i32
    %c0_i32 = arith.constant 0 : i32
    %c0_i32_1 = arith.constant 0 : i32
    return %add3A, %c0_i32 : i32, i32
  }
  func.func @transform_5(%arg0: i32, %arg1: i32) -> (i32, i32) {
    %c0_i32 = arith.constant 0 : i32
    %c0_i32_0 = arith.constant 0 : i32
    return %arg1, %c0_i32 : i32, i32
  }
}

module attributes {stable_mosaic.version = 14 : i64} {
  func.func @_tc_mid_body(%arg0: i32, %arg1: i32, %arg2: memref<256x128xf32, #tpu.memory_space<vmem>>, %arg3: memref<256x128xf32, #tpu.memory_space<vmem>>, %arg4: memref<256x128xf32, #tpu.memory_space<vmem>>, %arg5: memref<256x128xf32, #tpu.memory_space<vmem>>, %arg6: memref<256x128xf32, #tpu.memory_space<vmem>>, %arg7: memref<1x256xf32, #tpu.memory_space<vmem>>, %arg8: memref<256x128xf32, #tpu.memory_space<vmem>>, %arg9: memref<256x128xf32, #tpu.memory_space<vmem>>) attributes {dimension_semantics = [#tpu.dimension_semantics<arbitrary>, #tpu.dimension_semantics<arbitrary>], iteration_bounds = array<i64: 2, 40>, scalar_prefetch = 0 : i64, scratch_operands = 0 : i64, tpu.core_type = #tpu.core_type<tc>, window_params = [{transform_indices = @transform_0, window_bounds = array<i64: 256, 128>}, {transform_indices = @transform_1, window_bounds = array<i64: 256, 128>}, {transform_indices = @transform_2, window_bounds = array<i64: 256, 128>}, {transform_indices = @transform_3, window_bounds = array<i64: 256, 128>}, {transform_indices = @transform_4, window_bounds = array<i64: 256, 128>}, {pipeline_mode = #tpu.pipeline_mode<synchronous>, transform_indices = @transform_5, window_bounds = array<i64: 1, 256>}, {transform_indices = @transform_6, window_bounds = array<i64: 256, 128>}, {transform_indices = @transform_7, window_bounds = array<i64: 256, 128>}]} {
    %get3A = arith.constant 0 : index
    %get3A_0 = arith.constant 0 : index
    %get3A_1 = vector.load %arg6[%get3A, %get3A_0] : memref<256x128xf32, #tpu.memory_space<vmem>>, vector<256x128xf32>
    %get3A_2 = arith.constant 0 : index
    %get3A_3 = arith.constant 0 : index
    %get3A_4 = vector.load %arg7[%get3A_2, %get3A_3] : memref<1x256xf32, #tpu.memory_space<vmem>>, vector<1x256xf32>
    %get3A_5 = arith.constant 0 : index
    %get3A_6 = arith.constant 0 : index
    %get3A_7 = vector.load %arg2[%get3A_5, %get3A_6] : memref<256x128xf32, #tpu.memory_space<vmem>>, vector<256x128xf32>
    %get3A_8 = arith.constant 0 : index
    %get3A_9 = arith.constant 0 : index
    %get3A_10 = vector.load %arg4[%get3A_8, %get3A_9] : memref<256x128xf32, #tpu.memory_space<vmem>>, vector<256x128xf32>
    %add3A = arith.addf %get3A_7, %get3A_10 : vector<256x128xf32>
    %mul3A = arith.mulf %get3A_1, %add3A : vector<256x128xf32>
    %slice3A = vector.extract_strided_slice %get3A_4 {offsets = [0, 0], sizes = [1, 128], strides = [1, 1]} : vector<1x256xf32> to vector<1x128xf32>
    %add3A_11 = vector.broadcast %slice3A : vector<1x128xf32> to vector<256x128xf32>
    %add3A_12 = arith.addf %mul3A, %add3A_11 : vector<256x128xf32>
    %max3A = arith.constant 0.000000e+00 : f32
    %max3A_13 = vector.broadcast %max3A : f32 to vector<256x128xf32>
    %max3A_14 = arith.maximumf %add3A_12, %max3A_13 : vector<256x128xf32>
    %get3A_15 = arith.constant 0 : index
    %get3A_16 = arith.constant 0 : index
    %get3A_17 = vector.load %arg3[%get3A_15, %get3A_16] : memref<256x128xf32, #tpu.memory_space<vmem>>, vector<256x128xf32>
    %get3A_18 = arith.constant 0 : index
    %get3A_19 = arith.constant 0 : index
    %get3A_20 = vector.load %arg5[%get3A_18, %get3A_19] : memref<256x128xf32, #tpu.memory_space<vmem>>, vector<256x128xf32>
    %add3A_21 = arith.addf %get3A_17, %get3A_20 : vector<256x128xf32>
    %mul3A_22 = arith.mulf %get3A_1, %add3A_21 : vector<256x128xf32>
    %slice3A_23 = vector.extract_strided_slice %get3A_4 {offsets = [0, 128], sizes = [1, 128], strides = [1, 1]} : vector<1x256xf32> to vector<1x128xf32>
    %add3A_24 = vector.broadcast %slice3A_23 : vector<1x128xf32> to vector<256x128xf32>
    %add3A_25 = arith.addf %mul3A_22, %add3A_24 : vector<256x128xf32>
    %max3A_26 = arith.constant 0.000000e+00 : f32
    %max3A_27 = vector.broadcast %max3A_26 : f32 to vector<256x128xf32>
    %max3A_28 = arith.maximumf %add3A_25, %max3A_27 : vector<256x128xf32>
    %concatenate3A = tpu.concatenate %max3A_14, %max3A_28 in 1 : vector<256x128xf32>, vector<256x128xf32> -> vector<256x256xf32>
    %get3A_29 = arith.constant 0 : index
    %get3A_30 = arith.constant 0 : index
    %get3A_31 = vector.load %arg8[%get3A_29, %get3A_30] : memref<256x128xf32, #tpu.memory_space<vmem>>, vector<256x128xf32>
    %dot_general3A = arith.constant dense<0.000000e+00> : vector<256x128xf32>
    %dot_general3A_32 = tpu.matmul %concatenate3A, %get3A_31, %dot_general3A {dimension_numbers = #tpu.dot_dimension_numbers<[1], [0], [0], [1], [0, 0, 1, 1], [], []>, transpose_lhs_hint = false} : vector<256x256xf32>, vector<256x128xf32>, vector<256x128xf32> -> vector<256x128xf32>
    %mul3A_33 = arith.mulf %dot_general3A_32, %get3A_1 : vector<256x128xf32>
    %swap3A = arith.constant 0 : index
    %swap3A_34 = arith.constant 0 : index
    %swap3A_35 = vector.load %arg9[%swap3A, %swap3A_34] : memref<256x128xf32, #tpu.memory_space<vmem>>, vector<256x128xf32>
    tpu.vector_store %arg9[%swap3A, %swap3A_34], %mul3A_33 {strides = array<i32>} : memref<256x128xf32, #tpu.memory_space<vmem>>, vector<256x128xf32>,
    return
  }
  func.func @transform_0(%arg0: i32, %arg1: i32) -> (i32, i32) {
    %c0_i32 = arith.constant 0 : i32
    %c0_i32_0 = arith.constant 0 : i32
    return %arg1, %c0_i32 : i32, i32
  }
  func.func @transform_1(%arg0: i32, %arg1: i32) -> (i32, i32) {
    %add3A = arith.constant 40 : i32
    %add3A_0 = arith.addi %add3A, %arg1 : i32
    %c0_i32 = arith.constant 0 : i32
    %c0_i32_1 = arith.constant 0 : i32
    return %add3A_0, %c0_i32 : i32, i32
  }
  func.func @transform_2(%arg0: i32, %arg1: i32) -> (i32, i32) {
    %c0_i32 = arith.constant 0 : i32
    %c0_i32_0 = arith.constant 0 : i32
    return %arg1, %c0_i32 : i32, i32
  }
  func.func @transform_3(%arg0: i32, %arg1: i32) -> (i32, i32) {
    %add3A = arith.constant 40 : i32
    %add3A_0 = arith.addi %add3A, %arg1 : i32
    %c0_i32 = arith.constant 0 : i32
    %c0_i32_1 = arith.constant 0 : i32
    return %add3A_0, %c0_i32 : i32, i32
  }
  func.func @transform_4(%arg0: i32, %arg1: i32) -> (i32, i32) {
    %c0_i32 = arith.constant 0 : i32
    %c0_i32_0 = arith.constant 0 : i32
    return %arg1, %c0_i32 : i32, i32
  }
  func.func @transform_5(%arg0: i32, %arg1: i32) -> (i32, i32) {
    %c0_i32 = arith.constant 0 : i32
    %c0_i32_0 = arith.constant 0 : i32
    %c0_i32_1 = arith.constant 0 : i32
    return %c0_i32, %c0_i32_0 : i32, i32
  }
  func.func @transform_6(%arg0: i32, %arg1: i32) -> (i32, i32) {
    %c0_i32 = arith.constant 0 : i32
    %c0_i32_0 = arith.constant 0 : i32
    return %c0_i32, %arg0 : i32, i32
  }
  func.func @transform_7(%arg0: i32, %arg1: i32) -> (i32, i32) {
    %mul3A = arith.constant 40 : i32
    %mul3A_0 = arith.muli %arg0, %mul3A : i32
    %add3A = arith.addi %mul3A_0, %arg1 : i32
    %c0_i32 = arith.constant 0 : i32
    %c0_i32_1 = arith.constant 0 : i32
    return %add3A, %c0_i32 : i32, i32
  }
}

module attributes {stable_mosaic.version = 14 : i64} {
  func.func @_tc_mid_body(%arg0: i32, %arg1: i32, %arg2: memref<256x128xf32, #tpu.memory_space<vmem>>, %arg3: memref<256x128xf32, #tpu.memory_space<vmem>>, %arg4: memref<256x128xf32, #tpu.memory_space<vmem>>, %arg5: memref<256x128xf32, #tpu.memory_space<vmem>>, %arg6: memref<256x128xf32, #tpu.memory_space<vmem>>, %arg7: memref<1x256xf32, #tpu.memory_space<vmem>>, %arg8: memref<256x128xf32, #tpu.memory_space<vmem>>, %arg9: memref<256x128xf32, #tpu.memory_space<vmem>>) attributes {dimension_semantics = [#tpu.dimension_semantics<arbitrary>, #tpu.dimension_semantics<arbitrary>], iteration_bounds = array<i64: 2, 40>, scalar_prefetch = 0 : i64, scratch_operands = 0 : i64, tpu.core_type = #tpu.core_type<tc>, window_params = [{transform_indices = @transform_0, window_bounds = array<i64: 256, 128>}, {transform_indices = @transform_1, window_bounds = array<i64: 256, 128>}, {transform_indices = @transform_2, window_bounds = array<i64: 256, 128>}, {transform_indices = @transform_3, window_bounds = array<i64: 256, 128>}, {transform_indices = @transform_4, window_bounds = array<i64: 256, 128>}, {pipeline_mode = #tpu.pipeline_mode<synchronous>, transform_indices = @transform_5, window_bounds = array<i64: 1, 256>}, {pipeline_mode = #tpu.pipeline_mode<synchronous>, transform_indices = @transform_6, window_bounds = array<i64: 256, 128>}, {transform_indices = @transform_7, window_bounds = array<i64: 256, 128>}]} {
    %get3A = arith.constant 0 : index
    %get3A_0 = arith.constant 0 : index
    %get3A_1 = vector.load %arg6[%get3A, %get3A_0] : memref<256x128xf32, #tpu.memory_space<vmem>>, vector<256x128xf32>
    %get3A_2 = arith.constant 0 : index
    %get3A_3 = arith.constant 0 : index
    %get3A_4 = vector.load %arg7[%get3A_2, %get3A_3] : memref<1x256xf32, #tpu.memory_space<vmem>>, vector<1x256xf32>
    %get3A_5 = arith.constant 0 : index
    %get3A_6 = arith.constant 0 : index
    %get3A_7 = vector.load %arg2[%get3A_5, %get3A_6] : memref<256x128xf32, #tpu.memory_space<vmem>>, vector<256x128xf32>
    %get3A_8 = arith.constant 0 : index
    %get3A_9 = arith.constant 0 : index
    %get3A_10 = vector.load %arg4[%get3A_8, %get3A_9] : memref<256x128xf32, #tpu.memory_space<vmem>>, vector<256x128xf32>
    %add3A = arith.addf %get3A_7, %get3A_10 : vector<256x128xf32>
    %mul3A = arith.mulf %get3A_1, %add3A : vector<256x128xf32>
    %slice3A = vector.extract_strided_slice %get3A_4 {offsets = [0, 0], sizes = [1, 128], strides = [1, 1]} : vector<1x256xf32> to vector<1x128xf32>
    %add3A_11 = vector.broadcast %slice3A : vector<1x128xf32> to vector<256x128xf32>
    %add3A_12 = arith.addf %mul3A, %add3A_11 : vector<256x128xf32>
    %max3A = arith.constant 0.000000e+00 : f32
    %max3A_13 = vector.broadcast %max3A : f32 to vector<256x128xf32>
    %max3A_14 = arith.maximumf %add3A_12, %max3A_13 : vector<256x128xf32>
    %get3A_15 = arith.constant 0 : index
    %get3A_16 = arith.constant 0 : index
    %get3A_17 = vector.load %arg3[%get3A_15, %get3A_16] : memref<256x128xf32, #tpu.memory_space<vmem>>, vector<256x128xf32>
    %get3A_18 = arith.constant 0 : index
    %get3A_19 = arith.constant 0 : index
    %get3A_20 = vector.load %arg5[%get3A_18, %get3A_19] : memref<256x128xf32, #tpu.memory_space<vmem>>, vector<256x128xf32>
    %add3A_21 = arith.addf %get3A_17, %get3A_20 : vector<256x128xf32>
    %mul3A_22 = arith.mulf %get3A_1, %add3A_21 : vector<256x128xf32>
    %slice3A_23 = vector.extract_strided_slice %get3A_4 {offsets = [0, 128], sizes = [1, 128], strides = [1, 1]} : vector<1x256xf32> to vector<1x128xf32>
    %add3A_24 = vector.broadcast %slice3A_23 : vector<1x128xf32> to vector<256x128xf32>
    %add3A_25 = arith.addf %mul3A_22, %add3A_24 : vector<256x128xf32>
    %max3A_26 = arith.constant 0.000000e+00 : f32
    %max3A_27 = vector.broadcast %max3A_26 : f32 to vector<256x128xf32>
    %max3A_28 = arith.maximumf %add3A_25, %max3A_27 : vector<256x128xf32>
    %concatenate3A = tpu.concatenate %max3A_14, %max3A_28 in 1 : vector<256x128xf32>, vector<256x128xf32> -> vector<256x256xf32>
    %get3A_29 = arith.constant 0 : index
    %get3A_30 = arith.constant 0 : index
    %get3A_31 = vector.load %arg8[%get3A_29, %get3A_30] : memref<256x128xf32, #tpu.memory_space<vmem>>, vector<256x128xf32>
    %dot_general3A = arith.constant dense<0.000000e+00> : vector<256x128xf32>
    %dot_general3A_32 = tpu.matmul %concatenate3A, %get3A_31, %dot_general3A {dimension_numbers = #tpu.dot_dimension_numbers<[1], [0], [0], [1], [0, 0, 1, 1], [], []>, transpose_lhs_hint = false} : vector<256x256xf32>, vector<256x128xf32>, vector<256x128xf32> -> vector<256x128xf32>
    %mul3A_33 = arith.mulf %dot_general3A_32, %get3A_1 : vector<256x128xf32>
    %swap3A = arith.constant 0 : index
    %swap3A_34 = arith.constant 0 : index
    %swap3A_35 = vector.load %arg9[%swap3A, %swap3A_34] : memref<256x128xf32, #tpu.memory_space<vmem>>, vector<256x128xf32>
    tpu.vector_store %arg9[%swap3A, %swap3A_34], %mul3A_33 {strides = array<i32>} : memref<256x128xf32, #tpu.memory_space<vmem>>, vector<256x128xf32>,
    return
  }
  func.func @transform_0(%arg0: i32, %arg1: i32) -> (i32, i32) {
    %c0_i32 = arith.constant 0 : i32
    %c0_i32_0 = arith.constant 0 : i32
    return %arg1, %c0_i32 : i32, i32
  }
  func.func @transform_1(%arg0: i32, %arg1: i32) -> (i32, i32) {
    %add3A = arith.constant 40 : i32
    %add3A_0 = arith.addi %add3A, %arg1 : i32
    %c0_i32 = arith.constant 0 : i32
    %c0_i32_1 = arith.constant 0 : i32
    return %add3A_0, %c0_i32 : i32, i32
  }
  func.func @transform_2(%arg0: i32, %arg1: i32) -> (i32, i32) {
    %c0_i32 = arith.constant 0 : i32
    %c0_i32_0 = arith.constant 0 : i32
    return %arg1, %c0_i32 : i32, i32
  }
  func.func @transform_3(%arg0: i32, %arg1: i32) -> (i32, i32) {
    %add3A = arith.constant 40 : i32
    %add3A_0 = arith.addi %add3A, %arg1 : i32
    %c0_i32 = arith.constant 0 : i32
    %c0_i32_1 = arith.constant 0 : i32
    return %add3A_0, %c0_i32 : i32, i32
  }
  func.func @transform_4(%arg0: i32, %arg1: i32) -> (i32, i32) {
    %c0_i32 = arith.constant 0 : i32
    %c0_i32_0 = arith.constant 0 : i32
    return %arg1, %c0_i32 : i32, i32
  }
  func.func @transform_5(%arg0: i32, %arg1: i32) -> (i32, i32) {
    %c0_i32 = arith.constant 0 : i32
    %c0_i32_0 = arith.constant 0 : i32
    %c0_i32_1 = arith.constant 0 : i32
    return %c0_i32, %c0_i32_0 : i32, i32
  }
  func.func @transform_6(%arg0: i32, %arg1: i32) -> (i32, i32) {
    %c0_i32 = arith.constant 0 : i32
    %c0_i32_0 = arith.constant 0 : i32
    %c0_i32_1 = arith.constant 0 : i32
    return %c0_i32, %c0_i32_0 : i32, i32
  }
  func.func @transform_7(%arg0: i32, %arg1: i32) -> (i32, i32) {
    %mul3A = arith.constant 40 : i32
    %mul3A_0 = arith.muli %arg0, %mul3A : i32
    %add3A = arith.addi %mul3A_0, %arg1 : i32
    %c0_i32 = arith.constant 0 : i32
    %c0_i32_1 = arith.constant 0 : i32
    return %add3A, %c0_i32 : i32, i32
  }
}

module attributes {stable_mosaic.version = 14 : i64} {
  func.func @_tc_out_body(%arg0: i32, %arg1: memref<256x128xf32, #tpu.memory_space<vmem>>, %arg2: memref<256x128xf32, #tpu.memory_space<vmem>>, %arg3: memref<256x128xf32, #tpu.memory_space<vmem>>, %arg4: memref<256x128xf32, #tpu.memory_space<vmem>>, %arg5: memref<1x128xf32, #tpu.memory_space<vmem>>, %arg6: memref<256x128xf32, #tpu.memory_space<vmem>>) attributes {dimension_semantics = [#tpu.dimension_semantics<arbitrary>], iteration_bounds = array<i64: 40>, scalar_prefetch = 0 : i64, scratch_operands = 0 : i64, tpu.core_type = #tpu.core_type<tc>, window_params = [{transform_indices = @transform_0, window_bounds = array<i64: 256, 128>}, {transform_indices = @transform_1, window_bounds = array<i64: 256, 128>}, {transform_indices = @transform_2, window_bounds = array<i64: 256, 128>}, {transform_indices = @transform_3, window_bounds = array<i64: 256, 128>}, {pipeline_mode = #tpu.pipeline_mode<synchronous>, transform_indices = @transform_4, window_bounds = array<i64: 1, 128>}, {transform_indices = @transform_5, window_bounds = array<i64: 256, 128>}]} {
    %get3A = arith.constant 0 : index
    %get3A_0 = arith.constant 0 : index
    %get3A_1 = vector.load %arg4[%get3A, %get3A_0] : memref<256x128xf32, #tpu.memory_space<vmem>>, vector<256x128xf32>
    %get3A_2 = arith.constant 0 : index
    %get3A_3 = arith.constant 0 : index
    %get3A_4 = vector.load %arg1[%get3A_2, %get3A_3] : memref<256x128xf32, #tpu.memory_space<vmem>>, vector<256x128xf32>
    %get3A_5 = arith.constant 0 : index
    %get3A_6 = arith.constant 0 : index
    %get3A_7 = vector.load %arg2[%get3A_5, %get3A_6] : memref<256x128xf32, #tpu.memory_space<vmem>>, vector<256x128xf32>
    %add3A = arith.addf %get3A_4, %get3A_7 : vector<256x128xf32>
    %get3A_8 = arith.constant 0 : index
    %get3A_9 = arith.constant 0 : index
    %get3A_10 = vector.load %arg3[%get3A_8, %get3A_9] : memref<256x128xf32, #tpu.memory_space<vmem>>, vector<256x128xf32>
    %add3A_11 = arith.addf %add3A, %get3A_10 : vector<256x128xf32>
    %mul3A = arith.mulf %get3A_1, %add3A_11 : vector<256x128xf32>
    %get3A_12 = arith.constant 0 : index
    %get3A_13 = arith.constant 0 : index
    %get3A_14 = vector.load %arg5[%get3A_12, %get3A_13] : memref<1x128xf32, #tpu.memory_space<vmem>>, vector<1x128xf32>
    %add3A_15 = vector.broadcast %get3A_14 : vector<1x128xf32> to vector<256x128xf32>
    %add3A_16 = arith.addf %mul3A, %add3A_15 : vector<256x128xf32>
    %swap3A = arith.constant 0 : index
    %swap3A_17 = arith.constant 0 : index
    %swap3A_18 = vector.load %arg6[%swap3A, %swap3A_17] : memref<256x128xf32, #tpu.memory_space<vmem>>, vector<256x128xf32>
    tpu.vector_store %arg6[%swap3A, %swap3A_17], %add3A_16 {strides = array<i32>} : memref<256x128xf32, #tpu.memory_space<vmem>>, vector<256x128xf32>,
    return
  }
  func.func @transform_0(%arg0: i32) -> (i32, i32) {
    %c0_i32 = arith.constant 0 : i32
    %c0_i32_0 = arith.constant 0 : i32
    return %arg0, %c0_i32 : i32, i32
  }
  func.func @transform_1(%arg0: i32) -> (i32, i32) {
    %add3A = arith.constant 40 : i32
    %add3A_0 = arith.addi %add3A, %arg0 : i32
    %c0_i32 = arith.constant 0 : i32
    %c0_i32_1 = arith.constant 0 : i32
    return %add3A_0, %c0_i32 : i32, i32
  }
  func.func @transform_2(%arg0: i32) -> (i32, i32) {
    %c0_i32 = arith.constant 0 : i32
    %c0_i32_0 = arith.constant 0 : i32
    return %arg0, %c0_i32 : i32, i32
  }
  func.func @transform_3(%arg0: i32) -> (i32, i32) {
    %c0_i32 = arith.constant 0 : i32
    %c0_i32_0 = arith.constant 0 : i32
    return %arg0, %c0_i32 : i32, i32
  }
  func.func @transform_4(%arg0: i32) -> (i32, i32) {
    %c0_i32 = arith.constant 0 : i32
    %c0_i32_0 = arith.constant 0 : i32
    %c0_i32_1 = arith.constant 0 : i32
    return %c0_i32, %c0_i32_0 : i32, i32
  }
  func.func @transform_5(%arg0: i32) -> (i32, i32) {
    %c0_i32 = arith.constant 0 : i32
    %c0_i32_0 = arith.constant 0 : i32
    return %arg0, %c0_i32 : i32, i32
  }
}

</mosaic_0001>

<sc_bundles>
// kernel: _run.10.cloned.1.call-start
scs
__scs_entry_jumppad:
0x0: {  	(pc) =	sbr.rel $0x88, $3  }
0x1: {  	(tag) =	ssettag $0x0;
	lr =	simm.s32 $0x1  }
0x2: {  	[smem:$0x3F98] =	sst lr;
	_ =	strace $0xD0000000  }
0x3: {  	_ = 	snop  }
0x4: {  	_ = 	snop  }
0x5: {  	_ = 	snop  }
0x6: {  	_ = 	snop  }
0x7: {  	_ = 	snop  }
__scs_overlays_trampoline_lowered:
0x8: {  	[smem:$0x3FA7] =	sst s0  }
0x9: {  	[smem:$0x3FA8] =	sst s1  }
0xa: {  	[smem:$0x3FA9] =	sst s2  }
0xb: {  	[smem:$0x3FAA] =	sst s3  }
0xc: {  	[smem:$0x3FAB] =	sst s4  }
0xd: {  	[smem:$0x3FAC] =	sst s5  }
0xe: {  	[smem:$0x3FAD] =	sst s6  }
0xf: {  	[smem:$0x3FAE] =	sst s7  }
0x10: {  	[smem:$0x3FAF] =	sst s8  }
0x11: {  	[smem:$0x3FB0] =	sst s9;
	s0 =	simm.s32 @!p0 $0x0  }
0x12: {  	s1 =	sld [smem:$0x3F96];
	s0 =	simm.s32 @p0 $0x1  }
0x13: {  	[smem:$0x3FB1] =	sst s0;
	s0 =	simm.s32 @!p1 $0x0  }
0x14: {  	s2 =	sld [smem:$0x3F95];
	s0 =	simm.s32 @p1 $0x1  }
0x15: {  	[smem:$0x3FB2] =	sst s0;
	s0 =	simm.s32 @!p2 $0x0  }
0x16: {  	s3 =	sld [smem:$0x3FDB];
	s0 =	simm.s32 @p2 $0x1  }
0x17: {  	s4 =	simm.s32 $0x1BF5;
	[smem:$0x3FB4] =	sst s0  }
0x18: {  	s0 =	sld [smem:$0x3F97];
	_ =	swait.ge [sflag:s4], $0x0  }
0x19: {  	s7 =	sld [smem:$0x3F98]  }
0x1a: {  	s8 =	sadd.s32 $0xFFFFE003, lr  }
0x1b: {  	s9 =	sadd.s32 $0xFFFFFEF7, lr;
	s5 =	simm.s32 $0xFFFFFFFF;
	p2 =	slt.u32 s8, $0xFFFFF086  }
0x1c: {  	p1 =	slt.u32 s9, $0xF7A;
	s5 =	simm.s32 @!p2 $0x0  }
0x1d: {  	s5 =	simm.s32 @p1 $0x1;
	p0 =	seq.s32 s7, s2  }
0x1e: {  	s7 =	smul.u32 @!p0 $0xF7A, s2;
	p2 =	seq.s32 @!p0 s5, $0x0  }
0x1f: {  	s9 =	smul.u32 $0xF7A, s1;
	s8 =	simm.s32 @!p0 $0x1BF5;
	p2 =	por !p2, p0  }
0x20: {  	[sflag:s8] =	ssyncset.s32 @!p0 $0xFFFFF086;
	s6 =	sadd.s32 @!p0 s3, s7;
	s7 =	simm.s32 @!p0 $0x108  }
0x21: {  	s3 =	sadd.s32 s3, s9;
	s6 =	sadd.s32 @!p0 $0x88, s6;
	s7 =	simm.s32 @p2 $0x1082  }
0x22: {  	[simem:s7], [sflag:s8] =	dma.local @!p0 [hbm:s6], $0xF7A  }
0x23: {  	s9 =	sor.u32 $0xD0000000, s2;
	s6 =	simm.s32 $0x108;
	_ =	swait.ge @!p0 [sflag:s8], $0x0  }
0x24: {  	s3 =	sadd.s32 $0x88, s3;
	s6 =	simm.s32 @!p1 $0x1082;
	[sflag:s4] =	ssyncset.s32 $0xFFFFF086  }
0x25: {  	[simem:s6], [sflag:s4] =	dma.local [hbm:s3], $0xF7A  }
0x26: {  	[smem:$0x3F98] =	sst s1;
	(tag) =	ssettag s2;
	_ =	strace s9  }
0x27: {  	s1 =	sld [smem:$0x3FA8]  }
0x28: {  	s2 =	sld [smem:$0x3FA9]  }
0x29: {  	s4 =	sld [smem:$0x3FAB]  }
0x2a: {  	p0 =	seq.s32 s5, $0x0;
	s5 =	sld [smem:$0x3FAC]  }
0x2b: {  	s6 =	sld [smem:$0x3FAD]  }
0x2c: {  	s7 =	sld [smem:$0x3FAE]  }
0x2d: {  	s3 =	simm.s32 $0x108;
	s8 =	sld [smem:$0x3FAF]  }
0x2e: {  	s3 =	simm.s32 @!p0 $0x1082;
	s9 =	sld [smem:$0x3FB0]  }
0x2f: {  	lr =	sadd.s32 s0, s3;
	s0 =	sld [smem:$0x3FA7]  }
0x30: {  	s3 =	sld [smem:$0x3FAA]  }
0x31: {  	[smem:$0x3FB3] =	sst s10  }
0x32: {  	s10 =	sld [smem:$0x3FB1];
	_ =	sdelay $0x3  }
0x33: {  	p0 =	seq.s32 s10, $0x1;
	s10 =	sld [smem:$0x3FB3];
	_ =	sdelay $0x3  }
0x34: {  	[smem:$0x3FB3] =	sst s10  }
0x35: {  	s10 =	sld [smem:$0x3FB2];
	_ =	sdelay $0x3  }
0x36: {  	p1 =	seq.s32 s10, $0x1;
	s10 =	sld [smem:$0x3FB3];
	_ =	sdelay $0x3  }
0x37: {  	[smem:$0x3FB3] =	sst s10  }
0x38: {  	s10 =	sld [smem:$0x3FB4]  }
0x39: {  	_ = 	snop;
	(pc) =	sbr.ind lr, $3  }
0x3a: {  	_ = 	snop  }
0x3b: {  	_ = 	snop  }
0x3c: {  	p2 =	seq.s32 s10, $0x1;
	s10 =	sld [smem:$0x3FB3]  }
0x3d: {  	_ =	shalt  }
0x3e: {  	_ =	shalt  }
0x3f: {  	_ =	shalt  }
0x40: {  	_ =	shalt  }
0x41: {  	_ =	shalt  }
0x42: {  	_ =	shalt  }
0x43: {  	_ =	shalt  }
0x44: {  	_ =	shalt  }
0x45: {  	_ =	shalt  }
0x46: {  	_ =	shalt  }
0x47: {  	_ =	shalt  }
0x48: {  	_ =	shalt  }
0x49: {  	_ =	shalt  }
0x4a: {  	_ =	shalt  }
0x4b: {  	_ =	shalt  }
0x4c: {  	_ =	shalt  }
0x4d: {  	_ =	shalt  }
0x4e: {  	_ =	shalt  }
0x4f: {  	_ =	shalt  }
0x50: {  	_ =	shalt  }
0x51: {  	_ =	shalt  }
0x52: {  	_ =	shalt  }
0x53: {  	_ =	shalt  }
0x54: {  	_ =	shalt  }
0x55: {  	_ =	shalt  }
0x56: {  	_ =	shalt  }
0x57: {  	_ =	shalt  }
0x58: {  	_ =	shalt  }
0x59: {  	_ =	shalt  }
0x5a: {  	_ =	shalt  }
0x5b: {  	_ =	shalt  }
0x5c: {  	_ =	shalt  }
0x5d: {  	_ =	shalt  }
0x5e: {  	_ =	shalt  }
0x5f: {  	_ =	shalt  }
0x60: {  	_ =	shalt  }
0x61: {  	_ =	shalt  }
0x62: {  	_ =	shalt  }
0x63: {  	_ =	shalt  }
0x64: {  	_ =	shalt  }
0x65: {  	_ =	shalt  }
0x66: {  	_ =	shalt  }
0x67: {  	_ =	shalt  }
0x68: {  	_ =	shalt  }
0x69: {  	_ =	shalt  }
0x6a: {  	_ =	shalt  }
0x6b: {  	_ =	shalt  }
0x6c: {  	_ =	shalt  }
0x6d: {  	_ =	shalt  }
0x6e: {  	_ =	shalt  }
0x6f: {  	_ =	shalt  }
0x70: {  	_ =	shalt  }
0x71: {  	_ =	shalt  }
0x72: {  	_ =	shalt  }
0x73: {  	_ =	shalt  }
0x74: {  	_ =	shalt  }
0x75: {  	_ =	shalt  }
0x76: {  	_ =	shalt  }
0x77: {  	_ =	shalt  }
0x78: {  	_ =	shalt  }
0x79: {  	_ =	shalt  }
0x7a: {  	_ =	shalt  }
0x7b: {  	_ =	shalt  }
0x7c: {  	_ =	shalt  }
0x7d: {  	_ =	shalt  }
0x7e: {  	_ =	shalt  }
0x7f: {  	_ =	shalt  }
0x80: {  	_ =	shalt  }
0x81: {  	_ =	shalt  }
0x82: {  	_ =	shalt  }
0x83: {  	_ =	shalt  }
0x84: {  	_ =	shalt  }
0x85: {  	_ =	shalt  }
0x86: {  	_ =	shalt  }
0x87: {  	_ =	shalt  }
.Lfunc_end0:
.L_simem_size_0:
called_computation_lowered:
.L_overlay_start_0:
0x88: {  	s2 =	sld [smem:$0x3FD9]  }
0x89: {  	s3 =	sld [smem:$0x3FFE];
	_ =	sdelay $0x1  }
0x8a: {  	s1 =	srdreg.scid  }
0x8b: {  	s0 =	sand.u32 $0x1, s1  }
0x8c: {  	s17 =	sshll.u32 s0, $0xA;
	s2 =	sadd.s32 s3, s2  }
0x8d: {  	s2 =	sadd.s32 s2, s17  }
0x8e: {  	[smem:$0x3FBF] =	sst s2  }
0x8f: {  	_ = 	snop  }
0x90: {  	s2 =	sld [smem:$0x3FD0];
	(tm) =	ssettm $0x1  }
0x91: {  	s18 =	sld [smem:$0x3FFB];
	_ =	sdelay $0x3  }
0x92: {  	_ =	strace s18  }
0x93: {  	s3 =	sld [smem:$0x3FFC];
	_ =	sdelay $0x3  }
0x94: {  	_ =	strace s3  }
0x95: {  	s3 =	sld [smem:$0x3FFD];
	_ =	sdelay $0x3  }
0x96: {  	_ =	strace s3  }
0x97: {  	_ =	strace $0x8FFFFFFF  }
0x98: {  	s19 =	sld [smem:$0x3FDB];
	_ =	sdelay $0x1  }
0x99: {  	s4 =	simm.s32 $_scs_section_size  }
0x9a: {  	s5 =	simm.s32 $_size__tile_overlayer_lowered;
	s6 =	simm.s32 $_tile_overlayer_lowered  }
0x9b: {  	s22 =	simm.s32 $0x1BFF;
	s21 =	sshll.u32 s6, $0x1;
	s3 =	sadd.s32 s4, s19  }
0x9c: {  	s7 =	simm.s32 $0x0;
	s20 =	sshll.u32 s5, $0x1;
	s5 =	sadd.s32 s21, s3  }
0x9d: {  	[timem:s7], [sflag:s22] =	dma.local [hbm:s5], s20  }
0x9e: {  	_ =	swait.ge [sflag:s22], s20  }
0x9f: {  	s4 =	ssub.s32 $0x0, s20;
	[sflag:s22] =	ssyncset.done $0x0  }
0xa0: {  	[sflag:s22] =	ssyncadd.s32 s4;
	_ =	sdelay $0x1  }
0xa1: {  	s23 =	simm.s32 $0x1B8B  }
0xa2: {  	_ =	swait.ge [sflag:s23], $0x1  }
0xa3: {  	[sflag:s23] =	ssyncset.done $0x0  }
0xa4: {  	s25 =	simm.s32 $0x1B8E;
	s24 =	sld [smem:$0x3FFE];
	[sflag:s23] =	ssyncadd.s32 $0xFFFFFFFF  }
0xa5: {  	s26 =	simm.s32 $execute0_lowered;
	[smem:$0x3FD2] =	sst s25  }
0xa6: {  	s5 =	sshll.u32 s26, $0x1;
	_ =	strace $0x80000046;
	[dreg:$0x1] =	wrdreg $0xFFFFFFFF  }
0xa7: {  	s28 =	simm.s32 $_size_execute0_lowered;
	s3 =	sadd.s32 s3, s5;
	[dreg:$0x0] =	wrdreg $0x0  }
0xa8: {  	s5 =	sshll.u32 s28, $0x1;
	[dreg:$0x2] =	wrdreg s3  }
0xa9: {  	[dreg:$0x3] =	wrdreg s5  }
0xaa: {  	[dreg:$0x4] =	wrdreg $0xC0  }
0xab: {  	_ =	task [dreg:s7], $0x5FFFF  }
0xac: {  	[dreg:$0x1] =	wrdreg $0xFFFFFFFF  }
0xad: {  	[dreg:$0x0] =	wrdreg $0x60  }
0xae: {  	[dreg:$0x2] =	wrdreg s2  }
0xaf: {  	[dreg:$0x3] =	wrdreg s24  }
0xb0: {  	[dreg:$0x4] =	wrdreg $0x68000  }
0xb1: {  	[dreg:$0x5] =	wrdreg $0x9  }
0xb2: {  	_ =	task.clear_ibuf [dreg:s7], $0x6FFFF;
	_ =	strace $0x90000046  }
0xb3: {  	s29 =	simm.s32 $0x9;
	_ =	strace $0x80000048  }
0xb4: {  	_ =	swait.ge [sflag:s29], $0x1  }
0xb5: {  	[sflag:s29] =	ssyncadd.s32 $0xFFFFFFFF  }
0xb6: {  	_ =	strace $0x90000048  }
0xb7: {  	_ =	sfence  }
0xb8: {  	s30 =	sld [smem:$0x0];
	_ =	sdelay $0x2  }
0xb9: {  	s31 =	sshll.u32 s1, $0xD;
	s1 =	sshrl.u32 s1, $0x2  }
0xba: {  	s3 =	sand.u32 $0x4000, s31;
	s1 =	sadd.s32 s1, s30  }
0xbb: {  	s0 =	sor.u32 s3, s0;
	s1 =	sshll.u32 s1, $0x11  }
0xbc: {  	s0 =	sor.u32 s1, s0  }
0xbd: {  	s0 =	sadd.s32 $0x8F2B, s0  }
0xbe: {  	[sflag:s0] =	ssyncadd.remote.s32 $0x1  }
0xbf: {  	_ =	sfence.sel $0xFFFF  }
0xc0: {  	[dreg:$0x0] =	wrdreg $0xFFFFFFFF;
	(pc) =	sbr.abs _section_cstart, $3  }
0xc1: {  	[dreg:$0x1] =	wrdreg $0xFFFFFFFF  }
0xc2: {  	_ =	task.clear_ibuf [dreg:s7], $0x2FFFF;
	_ =	strace $0x9FFFFFFF  }
0xc3: {  	(tm) =	ssettm $0x7FFFFFFF  }
tec
execute0_lowered:
.L_overlay_start_1:
0x0: {  	(tag) =	ssettag $0x1  }
0x1: {  	s0 =	rddreg [dreg:$0x0]  }
0x2: {  	s1 =	rddreg [dreg:$0x1]  }
0x3: {  	s2 =	rddreg [dreg:$0x2]  }
0x4: {  	s4 =	srdreg.scid;
	s18 =	stileid.u32  }
0x5: {  	s3 =	simm.s32 $0x0;
	s24 =	simm.s32 $0x5400;
	s28 =	simm.s32 $0x1400  }
0x6: {  	s29 =	simm.s32 $0x1;
	s30 =	simm.s32 $0x2;
	s5 =	smul.u32 $0x50000, s18  }
0x7: {  	s4 =	sand.u32 $0x1, s4;
	[smem:$0x7FF] =	sst s3;
	s23 =	smul.u32 $0x2800, s18  }
0x8: {  	s31 =	simm.s32 $0x0;
	s6 =	smul.u32 $0x28000, s4;
	_ =	strace $0x80000047  }
0x9: {  	s7 =	ssub.s32 $0x2, s4;
	s4 =	sshll.u32 s4, $0x4;
	s5 =	sshrl.u32 s5, $0x2  }
0xa: {  	s25 =	sshrl.u32 s7, $0x1;
	s4 =	sor.u32 s18, s4;
	s22 =	sadd.s32 s6, s1  }
0xb: {  	s1 =	sadd.s32 s5, s2;
	s20 =	ssub.s32 s7, s25;
	s4 =	smul.u32 $0x2800, s4  }
0xc: {  	s25 =	simm.s32 $0x3;
	s5 =	sadd.s32 $0x1400, s1;
	s6 =	sadd.s32 $0x2800, s1  }
0xd: {  	s7 =	sadd.s32 $0x3C00, s1;
	s8 =	sadd.s32 $0x5000, s1;
	s9 =	sadd.s32 $0x6400, s1  }
0xe: {  	s10 =	sadd.s32 $0x7800, s1;
	s11 =	sadd.s32 $0x8C00, s1;
	s12 =	sadd.s32 $0xA000, s1  }
0xf: {  	s13 =	sadd.s32 $0xB400, s1;
	s14 =	sadd.s32 $0xC800, s1;
	s15 =	sadd.s32 $0xDC00, s1  }
0x10: {  	s16 =	sadd.s32 $0xF000, s1;
	s17 =	sadd.s32 $0x10400, s1;
	s18 =	sadd.s32 $0x11800, s1  }
0x11: {  	s19 =	sadd.s32 $0x12C00, s1;
	s20 =	smax.u32 s20, $0x1;
	s4 =	sshrl.u32 s4, $0x3  }
0x12: {  	s26 =	sadd.s32 s23, s22;
	[dreg:$0x4] =	wrdreg s5;
	s21 =	sadd.s32 s0, s4  }
0x13: {  	v0 =	vimm.f32 $0.0e+00;
	v1 =	vimm.f32 $1.000000000e+00;
	s23 =	sadd.s32 $0x3800, s26;
	s26 =	simm.s32 $0x80;
	s22 =	sadd.s32 $0x280, s21  }
.LBB2_1:
0x14: {  	s0 =	simm.s32 $0x0;
	s4 =	simm.s32 $0x200  }
.LBB2_2:
0x15: {  	p0 =	sne.s32 s4, $0x4E00;
	[tilespmem:s0+$0x5470] =	vst v0  }
0x16: {  	[tilespmem:s0+$0x5400] =	vst v0  }
0x17: {  	[tilespmem:s0+$0x5410] =	vst v0  }
.Ltmp0:
0x18: {  	[tilespmem:s0+$0x5420] =	vst v0;
	(pc) =	sbr.rel @p0 .LBB2_2-.Ltmp0, $4  }
0x19: {  	[tilespmem:s0+$0x5430] =	vst v0  }
0x1a: {  	[tilespmem:s0+$0x5440] =	vst v0  }
0x1b: {  	[tilespmem:s0+$0x5450] =	vst v0  }
0x1c: {  	[tilespmem:s0+$0x5460] =	vst v0;
	s0 =	sshra.s32 s4, $0x2;
	s4 =	sadd.s32 $0x200, s4  }
0x1d: {  	[tilespmem:s0+$0x5470] =	vst v0  }
0x1e: {  	[tilespmem:s0+$0x5400] =	vst v0  }
0x1f: {  	[tilespmem:s0+$0x5410] =	vst v0  }
0x20: {  	[tilespmem:s0+$0x5420] =	vst v0  }
0x21: {  	[tilespmem:s0+$0x5430] =	vst v0  }
0x22: {  	[tilespmem:s0+$0x5440] =	vst v0  }
0x23: {  	[tilespmem:s0+$0x5450] =	vst v0  }
0x24: {  	[tilespmem:s0+$0x5460] =	vst v0  }
0x25: {  	[spmem:s1] =	stream.linear.scatter [tilespmem:s24], [sflag:$0x3], $0x1400, $0x38;
	[tilespmem:$0x1A800] =	vst v63  }
0x26: {  	_ =	swait.ge [sflag:s25], $0x1400  }
0x27: {  	[sflag:s25] =	ssyncset.done $0x0  }
0x28: {  	s5 =	rddreg [dreg:$0x4];
	[sflag:s25] =	ssyncadd.s32 $0xFFFFEC00  }
0x29: {  	[spmem:s5] =	stream.linear.scatter [tilespmem:s24], [sflag:$0x3], $0x1400, $0x38;
	[tilespmem:$0x1A800] =	vst v63  }
0x2a: {  	_ =	swait.ge [sflag:s25], $0x1400  }
0x2b: {  	[sflag:s25] =	ssyncset.done $0x0  }
0x2c: {  	[sflag:s25] =	ssyncadd.s32 $0xFFFFEC00  }
0x2d: {  	[spmem:s6] =	stream.linear.scatter [tilespmem:s24], [sflag:$0x3], $0x1400, $0x38;
	[tilespmem:$0x1A800] =	vst v63  }
0x2e: {  	_ =	swait.ge [sflag:s25], $0x1400  }
0x2f: {  	[sflag:s25] =	ssyncset.done $0x0  }
0x30: {  	[sflag:s25] =	ssyncadd.s32 $0xFFFFEC00  }
0x31: {  	[spmem:s7] =	stream.linear.scatter [tilespmem:s24], [sflag:$0x3], $0x1400, $0x38;
	[tilespmem:$0x1A800] =	vst v63  }
0x32: {  	_ =	swait.ge [sflag:s25], $0x1400  }
0x33: {  	[sflag:s25] =	ssyncset.done $0x0  }
0x34: {  	[sflag:s25] =	ssyncadd.s32 $0xFFFFEC00  }
0x35: {  	[spmem:s8] =	stream.linear.scatter [tilespmem:s24], [sflag:$0x3], $0x1400, $0x38;
	[tilespmem:$0x1A800] =	vst v63  }
0x36: {  	_ =	swait.ge [sflag:s25], $0x1400  }
0x37: {  	[sflag:s25] =	ssyncset.done $0x0  }
0x38: {  	[sflag:s25] =	ssyncadd.s32 $0xFFFFEC00  }
0x39: {  	[spmem:s9] =	stream.linear.scatter [tilespmem:s24], [sflag:$0x3], $0x1400, $0x38;
	[tilespmem:$0x1A800] =	vst v63  }
0x3a: {  	_ =	swait.ge [sflag:s25], $0x1400  }
0x3b: {  	[sflag:s25] =	ssyncset.done $0x0  }
0x3c: {  	[sflag:s25] =	ssyncadd.s32 $0xFFFFEC00  }
0x3d: {  	[spmem:s10] =	stream.linear.scatter [tilespmem:s24], [sflag:$0x3], $0x1400, $0x38;
	[tilespmem:$0x1A800] =	vst v63  }
0x3e: {  	_ =	swait.ge [sflag:s25], $0x1400  }
0x3f: {  	[sflag:s25] =	ssyncset.done $0x0  }
0x40: {  	[sflag:s25] =	ssyncadd.s32 $0xFFFFEC00  }
0x41: {  	[spmem:s11] =	stream.linear.scatter [tilespmem:s24], [sflag:$0x3], $0x1400, $0x38;
	[tilespmem:$0x1A800] =	vst v63  }
0x42: {  	_ =	swait.ge [sflag:s25], $0x1400  }
0x43: {  	[sflag:s25] =	ssyncset.done $0x0  }
0x44: {  	[sflag:s25] =	ssyncadd.s32 $0xFFFFEC00  }
0x45: {  	[spmem:s12] =	stream.linear.scatter [tilespmem:s24], [sflag:$0x3], $0x1400, $0x38;
	[tilespmem:$0x1A800] =	vst v63  }
0x46: {  	_ =	swait.ge [sflag:s25], $0x1400  }
0x47: {  	[sflag:s25] =	ssyncset.done $0x0  }
0x48: {  	[sflag:s25] =	ssyncadd.s32 $0xFFFFEC00  }
0x49: {  	[spmem:s13] =	stream.linear.scatter [tilespmem:s24], [sflag:$0x3], $0x1400, $0x38;
	[tilespmem:$0x1A800] =	vst v63  }
0x4a: {  	_ =	swait.ge [sflag:s25], $0x1400  }
0x4b: {  	[sflag:s25] =	ssyncset.done $0x0  }
0x4c: {  	[sflag:s25] =	ssyncadd.s32 $0xFFFFEC00  }
0x4d: {  	[spmem:s14] =	stream.linear.scatter [tilespmem:s24], [sflag:$0x3], $0x1400, $0x38;
	[tilespmem:$0x1A800] =	vst v63  }
0x4e: {  	_ =	swait.ge [sflag:s25], $0x1400  }
0x4f: {  	[sflag:s25] =	ssyncset.done $0x0  }
0x50: {  	[sflag:s25] =	ssyncadd.s32 $0xFFFFEC00  }
0x51: {  	[spmem:s15] =	stream.linear.scatter [tilespmem:s24], [sflag:$0x3], $0x1400, $0x38;
	[tilespmem:$0x1A800] =	vst v63  }
0x52: {  	_ =	swait.ge [sflag:s25], $0x1400  }
0x53: {  	[sflag:s25] =	ssyncset.done $0x0  }
0x54: {  	[sflag:s25] =	ssyncadd.s32 $0xFFFFEC00  }
0x55: {  	[spmem:s16] =	stream.linear.scatter [tilespmem:s24], [sflag:$0x3], $0x1400, $0x38;
	[tilespmem:$0x1A800] =	vst v63  }
0x56: {  	_ =	swait.ge [sflag:s25], $0x1400  }
0x57: {  	[sflag:s25] =	ssyncset.done $0x0  }
0x58: {  	[sflag:s25] =	ssyncadd.s32 $0xFFFFEC00  }
0x59: {  	[spmem:s17] =	stream.linear.scatter [tilespmem:s24], [sflag:$0x3], $0x1400, $0x38;
	[tilespmem:$0x1A800] =	vst v63  }
0x5a: {  	_ =	swait.ge [sflag:s25], $0x1400  }
0x5b: {  	[sflag:s25] =	ssyncset.done $0x0  }
0x5c: {  	[sflag:s25] =	ssyncadd.s32 $0xFFFFEC00  }
0x5d: {  	[spmem:s18] =	stream.linear.scatter [tilespmem:s24], [sflag:$0x3], $0x1400, $0x38;
	[tilespmem:$0x1A800] =	vst v63  }
0x5e: {  	_ =	swait.ge [sflag:s25], $0x1400  }
0x5f: {  	[sflag:s25] =	ssyncset.done $0x0  }
0x60: {  	[sflag:s25] =	ssyncadd.s32 $0xFFFFEC00  }
0x61: {  	[spmem:s19] =	stream.linear.scatter [tilespmem:s24], [sflag:$0x3], $0x1400, $0x38;
	[tilespmem:$0x1A800] =	vst v63  }
0x62: {  	_ =	swait.ge [sflag:s25], $0x1400  }
0x63: {  	[sflag:s25] =	ssyncset.done $0x0  }
0x64: {  	s0 =	simm.s32 $0x0;
	s4 =	simm.s32 $0x200;
	[sflag:s25] =	ssyncadd.s32 $0xFFFFEC00  }
.LBB2_4:
0x65: {  	p0 =	sne.s32 s4, $0xFE00;
	[tilespmem:s0+$0x1470] =	vst v1  }
0x66: {  	[tilespmem:s0+$0x1400] =	vst v1  }
0x67: {  	[tilespmem:s0+$0x1410] =	vst v1  }
.Ltmp1:
0x68: {  	[tilespmem:s0+$0x1420] =	vst v1;
	(pc) =	sbr.rel @p0 .LBB2_4-.Ltmp1, $4  }
0x69: {  	[tilespmem:s0+$0x1430] =	vst v1  }
0x6a: {  	[tilespmem:s0+$0x1440] =	vst v1  }
0x6b: {  	[tilespmem:s0+$0x1450] =	vst v1  }
0x6c: {  	[tilespmem:s0+$0x1460] =	vst v1;
	s0 =	sshra.s32 s4, $0x2;
	s4 =	sadd.s32 $0x200, s4  }
0x6d: {  	[tilespmem:s0+$0x1470] =	vst v1  }
0x6e: {  	[tilespmem:s0+$0x1400] =	vst v1  }
0x6f: {  	[tilespmem:s0+$0x1410] =	vst v1  }
0x70: {  	[tilespmem:s0+$0x1420] =	vst v1  }
0x71: {  	[tilespmem:s0+$0x1430] =	vst v1  }
0x72: {  	[tilespmem:s0+$0x1440] =	vst v1  }
0x73: {  	[tilespmem:s0+$0x1450] =	vst v1  }
0x74: {  	[tilespmem:s0+$0x1460] =	vst v1  }
0x75: {  	[bflag:$0x0] =	sbarrier.arrive $0xFFFF  }
0x76: {  	[tilespmem:s3], [sflag:$0x3] =	stream.linear.gather [hbm4b:s21+s3], $0x1400, $0x38;
	[tilespmem:$0x1A800] =	vst v63  }
0x77: {  	_ =	swait.ge [sflag:s25], $0x1400  }
0x78: {  	[sflag:s25] =	ssyncset.done $0x0  }
0x79: {  	[sflag:s25] =	ssyncadd.s32 $0xFFFFEC00  }
0x7a: {  	[spmem:s2] =	stream.indirect.scatter.add.f32 [tilespmem:s28], [sflag:$0x1], $0x80, s3, s26, $0xb8;
	[tilespmem:$0x1A800] =	vst v63  }
0x7b: {  	_ = 	snop  }
0x7c: {  	[spmem:s2] =	stream.indirect.scatter.add.f32 [tilespmem:s28], [sflag:$0x2], $0x80, s26, s26, $0xb8;
	[tilespmem:$0x1A800] =	vst v63  }
0x7d: {  	_ =	swait.ge [sflag:s29], $0x4000  }
0x7e: {  	[sflag:s29] =	ssyncset.done $0x0  }
0x7f: {  	s5 =	simm.s32 $0x100;
	[sflag:s29] =	ssyncadd.s32 $0xFFFFC000  }
0x80: {  	[spmem:s2] =	stream.indirect.scatter.add.f32 [tilespmem:s28], [sflag:$0x1], $0x80, s5, s26, $0xb8;
	[tilespmem:$0x1A800] =	vst v63  }
0x81: {  	_ =	swait.ge [sflag:s30], $0x4000  }
0x82: {  	[sflag:s30] =	ssyncset.done $0x0  }
0x83: {  	s0 =	simm.s32 $0xFFFFB800;
	s4 =	simm.s32 $0x180;
	[sflag:s30] =	ssyncadd.s32 $0xFFFFC000  }
.LBB2_6:
0x84: {  	[spmem:s2] =	stream.indirect.scatter.add.f32 [tilespmem:s28], [sflag:$0x2], $0x80, s4, s26, $0xb8;
	[tilespmem:$0x1A800] =	vst v63  }
0x85: {  	s4 =	smov.u32 s0  }
0x86: {  	p0 =	sne.s32 s0, $0xFFFFFC00;
	s0 =	sadd.s32 $0x400, s0;
	_ =	swait.ge [sflag:s29], $0x4000  }
0x87: {  	s4 =	sshra.s32 s4, $0x2;
	[sflag:s29] =	ssyncset.done $0x0  }
.Ltmp2:
0x88: {  	s5 =	sadd.s32 $0x1400, s4;
	[sflag:s29] =	ssyncadd.s32 $0xFFFFC000;
	(pc) =	sbr.rel @p0 .LBB2_6-.Ltmp2, $4  }
0x89: {  	[spmem:s2] =	stream.indirect.scatter.add.f32 [tilespmem:s28], [sflag:$0x1], $0x80, s5, s26, $0xb8;
	[tilespmem:$0x1A800] =	vst v63  }
0x8a: {  	_ =	swait.ge [sflag:s30], $0x4000  }
0x8b: {  	[sflag:s30] =	ssyncset.done $0x0  }
0x8c: {  	s4 =	sadd.s32 $0x1480, s4;
	[sflag:s30] =	ssyncadd.s32 $0xFFFFC000  }
0x8d: {  	[spmem:s2] =	stream.indirect.scatter.add.f32 [tilespmem:s28], [sflag:$0x2], $0x80, s4, s26, $0xb8;
	[tilespmem:$0x1A800] =	vst v63  }
0x8e: {  	_ =	swait.ge [sflag:s29], $0x4000  }
0x8f: {  	[sflag:s29] =	ssyncset.done $0x0  }
0x90: {  	[sflag:s29] =	ssyncadd.s32 $0xFFFFC000  }
0x91: {  	_ =	swait.ge [sflag:s30], $0x4000  }
0x92: {  	[sflag:s30] =	ssyncset.done $0x0  }
0x93: {  	[sflag:s30] =	ssyncadd.s32 $0xFFFFC000  }
0x94: {  	[tilespmem:s3], [sflag:$0x3] =	stream.linear.gather [hbm4b:s22+s3], $0x1400, $0x38;
	[tilespmem:$0x1A800] =	vst v63  }
0x95: {  	_ =	swait.ge [sflag:s25], $0x1400  }
0x96: {  	[sflag:s25] =	ssyncset.done $0x0  }
0x97: {  	[sflag:s25] =	ssyncadd.s32 $0xFFFFEC00  }
0x98: {  	[spmem:s2] =	stream.indirect.scatter.add.f32 [tilespmem:s28], [sflag:$0x1], $0x80, s3, s26, $0xb8;
	[tilespmem:$0x1A800] =	vst v63  }
0x99: {  	_ = 	snop  }
0x9a: {  	[spmem:s2] =	stream.indirect.scatter.add.f32 [tilespmem:s28], [sflag:$0x2], $0x80, s26, s26, $0xb8;
	[tilespmem:$0x1A800] =	vst v63  }
0x9b: {  	_ =	swait.ge [sflag:s29], $0x4000  }
0x9c: {  	[sflag:s29] =	ssyncset.done $0x0  }
0x9d: {  	s0 =	simm.s32 $0x100;
	[sflag:s29] =	ssyncadd.s32 $0xFFFFC000  }
0x9e: {  	[spmem:s2] =	stream.indirect.scatter.add.f32 [tilespmem:s28], [sflag:$0x1], $0x80, s0, s26, $0xb8;
	[tilespmem:$0x1A800] =	vst v63  }
0x9f: {  	_ =	swait.ge [sflag:s30], $0x4000  }
0xa0: {  	[sflag:s30] =	ssyncset.done $0x0  }
0xa1: {  	s4 =	simm.s32 $0x180;
	s0 =	simm.s32 $0xFFFFB800;
	[sflag:s30] =	ssyncadd.s32 $0xFFFFC000  }
.LBB2_8:
0xa2: {  	[spmem:s2] =	stream.indirect.scatter.add.f32 [tilespmem:s28], [sflag:$0x2], $0x80, s4, s26, $0xb8;
	[tilespmem:$0x1A800] =	vst v63  }
0xa3: {  	s4 =	smov.u32 s0  }
0xa4: {  	p0 =	sne.s32 s0, $0xFFFFFC00;
	s0 =	sadd.s32 $0x400, s0;
	_ =	swait.ge [sflag:s29], $0x4000  }
0xa5: {  	s4 =	sshra.s32 s4, $0x2;
	[sflag:s29] =	ssyncset.done $0x0  }
.Ltmp3:
0xa6: {  	s5 =	sadd.s32 $0x1400, s4;
	[sflag:s29] =	ssyncadd.s32 $0xFFFFC000;
	(pc) =	sbr.rel @p0 .LBB2_8-.Ltmp3, $4  }
0xa7: {  	[spmem:s2] =	stream.indirect.scatter.add.f32 [tilespmem:s28], [sflag:$0x1], $0x80, s5, s26, $0xb8;
	[tilespmem:$0x1A800] =	vst v63  }
0xa8: {  	_ =	swait.ge [sflag:s30], $0x4000  }
0xa9: {  	[sflag:s30] =	ssyncset.done $0x0  }
0xaa: {  	s4 =	sadd.s32 $0x1480, s4;
	[sflag:s30] =	ssyncadd.s32 $0xFFFFC000  }
0xab: {  	[spmem:s2] =	stream.indirect.scatter.add.f32 [tilespmem:s28], [sflag:$0x2], $0x80, s4, s26, $0xb8;
	[tilespmem:$0x1A800] =	vst v63  }
0xac: {  	_ =	swait.ge [sflag:s29], $0x4000  }
0xad: {  	[sflag:s29] =	ssyncset.done $0x0  }
0xae: {  	[sflag:s29] =	ssyncadd.s32 $0xFFFFC000  }
0xaf: {  	_ =	swait.ge [sflag:s30], $0x4000  }
0xb0: {  	[sflag:s30] =	ssyncset.done $0x0  }
0xb1: {  	[sflag:s30] =	ssyncadd.s32 $0xFFFFC000  }
0xb2: {  	[bflag:$0x0] =	sbarrier.arrive $0xFFFF  }
0xb3: {  	[tilespmem:s24], [sflag:$0x3] =	stream.linear.gather [spmem:s1], $0x1400, $0x38;
	[tilespmem:$0x1A800] =	vst v63  }
0xb4: {  	_ =	swait.ge [sflag:s25], $0x1400  }
0xb5: {  	[sflag:s25] =	ssyncset.done $0x0  }
0xb6: {  	s0 =	sadd.s32 $0x0, s23;
	[sflag:s25] =	ssyncadd.s32 $0xFFFFEC00  }
0xb7: {  	[hbm4b:s0+s3] =	stream.linear.scatter [tilespmem:s24], [sflag:$0x3], $0x1400, $0x38;
	[tilespmem:$0x1A800] =	vst v63  }
0xb8: {  	_ =	swait.ge [sflag:s25], $0x1400  }
0xb9: {  	s4 =	smov.u32 s1;
	s0 =	simm.s32 $0x280;
	[sflag:s25] =	ssyncset.done $0x0  }
.LBB2_10:
0xba: {  	p0 =	sne.s32 s0, $0x2580;
	[sflag:s25] =	ssyncadd.s32 $0xFFFFEC00;
	s4 =	sadd.s32 $0x1400, s4  }
0xbb: {  	[tilespmem:s24], [sflag:$0x3] =	stream.linear.gather [spmem:s4], $0x1400, $0x38;
	[tilespmem:$0x1A800] =	vst v63  }
0xbc: {  	s5 =	smov.u32 s0;
	s0 =	sadd.s32 $0x280, s0;
	_ =	swait.ge [sflag:s25], $0x1400  }
.Ltmp4:
0xbd: {  	[sflag:s25] =	ssyncset.done $0x0;
	(pc) =	sbr.rel @p0 .LBB2_10-.Ltmp4, $4  }
0xbe: {  	s5 =	sadd.s32 s5, s23;
	[sflag:s25] =	ssyncadd.s32 $0xFFFFEC00  }
0xbf: {  	[hbm4b:s5+s3] =	stream.linear.scatter [tilespmem:s24], [sflag:$0x3], $0x1400, $0x38;
	[tilespmem:$0x1A800] =	vst v63  }
0xc0: {  	_ =	swait.ge [sflag:s25], $0x1400  }
0xc1: {  	[sflag:s25] =	ssyncset.done $0x0  }
0xc2: {  	s31 =	sadd.s32 $0x1, s31  }
0xc3: {  	p0 =	sne.s32 s31, s20  }
.Ltmp5:
0xc4: {  	_ = 	snop;
	(pc) =	sbr.rel @p0 .LBB2_1-.Ltmp5, $2  }
0xc5: {  	_ =	sdelay $0x2  }
0xc6: {  	[sflag:s25] =	ssyncadd.s32 $0xFFFFEC00  }
0xc7: {  	_ =	sfence.sel $0x180000  }
0xc8: {  	[bflag:$0x0] =	sbarrier.arrive $0xFFFF  }
0xc9: {  	_ =	strace $0x90000047  }
0xca: {  	s0 =	stileid.u32;
	[bflag:$0x2] =	sbarrier.arrive $0xFFFF  }
0xcb: {  	p0 =	sne.s32 s0, $0x0;
	s0 =	rddreg [dreg:$0x3]  }
0xcc: {  	s0 =	sadd.s32 @!p0 $0x100000, s0  }
0xcd: {  	[sflag:s0] =	ssyncadd.tile.s32 @!p0 $0x1;
	_ =	shalt  }
.Lfunc_end2:
_tile_overlayer_lowered:
.L_overlay_start_2:
0xce: {  	(tag) =	ssettag $0x2  }
0xcf: {  	s0 =	rddreg [dreg:$0x0];
	s2 =	stileid.u32  }
0xd0: {  	s1 =	rddreg [dreg:$0x1];
	p0 =	sne.s32 s2, $0x0  }
0xd1: {  	s3 =	rddreg [dreg:$0x2];
	[bflag:$0x3] =	sbarrier.arrive $0xFFFF;
	s2 =	simm.s32 @!p0 $0x1C03  }
0xd2: {  	[timem:s3], [sflag:s2] =	dma.local @!p0 [hbm:s0], s1  }
0xd3: {  	s0 =	simm.s32 @!p0 $0x3  }
0xd4: {  	_ =	swait.ge @!p0 [sflag:s0], s1  }
0xd5: {  	s1 =	ssub.s32 @!p0 $0x0, s1;
	[sflag:s0] =	ssyncset.done @!p0 $0x0  }
0xd6: {  	[sflag:s0] =	ssyncadd.s32 @!p0 s1  }
0xd7: {  	[bflag:$0x3] =	sbarrier.arrive $0xFFFF  }
0xd8: {  	_ =	shalt  }

// kernel: _run.13.cloned.1.call-start
scs
__scs_entry_jumppad:
0x0: {  	(pc) =	sbr.rel $0x88, $3  }
0x1: {  	(tag) =	ssettag $0x0;
	lr =	simm.s32 $0x1  }
0x2: {  	[smem:$0x3F98] =	sst lr;
	_ =	strace $0xD0000000  }
0x3: {  	_ = 	snop  }
0x4: {  	_ = 	snop  }
0x5: {  	_ = 	snop  }
0x6: {  	_ = 	snop  }
0x7: {  	_ = 	snop  }
__scs_overlays_trampoline_lowered:
0x8: {  	[smem:$0x3FA7] =	sst s0  }
0x9: {  	[smem:$0x3FA8] =	sst s1  }
0xa: {  	[smem:$0x3FA9] =	sst s2  }
0xb: {  	[smem:$0x3FAA] =	sst s3  }
0xc: {  	[smem:$0x3FAB] =	sst s4  }
0xd: {  	[smem:$0x3FAC] =	sst s5  }
0xe: {  	[smem:$0x3FAD] =	sst s6  }
0xf: {  	[smem:$0x3FAE] =	sst s7  }
0x10: {  	[smem:$0x3FAF] =	sst s8  }
0x11: {  	[smem:$0x3FB0] =	sst s9;
	s0 =	simm.s32 @!p0 $0x0  }
0x12: {  	s1 =	sld [smem:$0x3F96];
	s0 =	simm.s32 @p0 $0x1  }
0x13: {  	[smem:$0x3FB1] =	sst s0;
	s0 =	simm.s32 @!p1 $0x0  }
0x14: {  	s2 =	sld [smem:$0x3F95];
	s0 =	simm.s32 @p1 $0x1  }
0x15: {  	[smem:$0x3FB2] =	sst s0;
	s0 =	simm.s32 @!p2 $0x0  }
0x16: {  	s3 =	sld [smem:$0x3FDB];
	s0 =	simm.s32 @p2 $0x1  }
0x17: {  	s4 =	simm.s32 $0x1BF5;
	[smem:$0x3FB4] =	sst s0  }
0x18: {  	s0 =	sld [smem:$0x3F97];
	_ =	swait.ge [sflag:s4], $0x0  }
0x19: {  	s7 =	sld [smem:$0x3F98]  }
0x1a: {  	s8 =	sadd.s32 $0xFFFFE003, lr  }
0x1b: {  	s9 =	sadd.s32 $0xFFFFFEF7, lr;
	s5 =	simm.s32 $0xFFFFFFFF;
	p2 =	slt.u32 s8, $0xFFFFF086  }
0x1c: {  	p1 =	slt.u32 s9, $0xF7A;
	s5 =	simm.s32 @!p2 $0x0  }
0x1d: {  	s5 =	simm.s32 @p1 $0x1;
	p0 =	seq.s32 s7, s2  }
0x1e: {  	s7 =	smul.u32 @!p0 $0xF7A, s2;
	p2 =	seq.s32 @!p0 s5, $0x0  }
0x1f: {  	s9 =	smul.u32 $0xF7A, s1;
	s8 =	simm.s32 @!p0 $0x1BF5;
	p2 =	por !p2, p0  }
0x20: {  	[sflag:s8] =	ssyncset.s32 @!p0 $0xFFFFF086;
	s6 =	sadd.s32 @!p0 s3, s7;
	s7 =	simm.s32 @!p0 $0x108  }
0x21: {  	s3 =	sadd.s32 s3, s9;
	s6 =	sadd.s32 @!p0 $0x88, s6;
	s7 =	simm.s32 @p2 $0x1082  }
0x22: {  	[simem:s7], [sflag:s8] =	dma.local @!p0 [hbm:s6], $0xF7A  }
0x23: {  	s9 =	sor.u32 $0xD0000000, s2;
	s6 =	simm.s32 $0x108;
	_ =	swait.ge @!p0 [sflag:s8], $0x0  }
0x24: {  	s3 =	sadd.s32 $0x88, s3;
	s6 =	simm.s32 @!p1 $0x1082;
	[sflag:s4] =	ssyncset.s32 $0xFFFFF086  }
0x25: {  	[simem:s6], [sflag:s4] =	dma.local [hbm:s3], $0xF7A  }
0x26: {  	[smem:$0x3F98] =	sst s1;
	(tag) =	ssettag s2;
	_ =	strace s9  }
0x27: {  	s1 =	sld [smem:$0x3FA8]  }
0x28: {  	s2 =	sld [smem:$0x3FA9]  }
0x29: {  	s4 =	sld [smem:$0x3FAB]  }
0x2a: {  	p0 =	seq.s32 s5, $0x0;
	s5 =	sld [smem:$0x3FAC]  }
0x2b: {  	s6 =	sld [smem:$0x3FAD]  }
0x2c: {  	s7 =	sld [smem:$0x3FAE]  }
0x2d: {  	s3 =	simm.s32 $0x108;
	s8 =	sld [smem:$0x3FAF]  }
0x2e: {  	s3 =	simm.s32 @!p0 $0x1082;
	s9 =	sld [smem:$0x3FB0]  }
0x2f: {  	lr =	sadd.s32 s0, s3;
	s0 =	sld [smem:$0x3FA7]  }
0x30: {  	s3 =	sld [smem:$0x3FAA]  }
0x31: {  	[smem:$0x3FB3] =	sst s10  }
0x32: {  	s10 =	sld [smem:$0x3FB1];
	_ =	sdelay $0x3  }
0x33: {  	p0 =	seq.s32 s10, $0x1;
	s10 =	sld [smem:$0x3FB3];
	_ =	sdelay $0x3  }
0x34: {  	[smem:$0x3FB3] =	sst s10  }
0x35: {  	s10 =	sld [smem:$0x3FB2];
	_ =	sdelay $0x3  }
0x36: {  	p1 =	seq.s32 s10, $0x1;
	s10 =	sld [smem:$0x3FB3];
	_ =	sdelay $0x3  }
0x37: {  	[smem:$0x3FB3] =	sst s10  }
0x38: {  	s10 =	sld [smem:$0x3FB4]  }
0x39: {  	_ = 	snop;
	(pc) =	sbr.ind lr, $3  }
0x3a: {  	_ = 	snop  }
0x3b: {  	_ = 	snop  }
0x3c: {  	p2 =	seq.s32 s10, $0x1;
	s10 =	sld [smem:$0x3FB3]  }
0x3d: {  	_ =	shalt  }
0x3e: {  	_ =	shalt  }
0x3f: {  	_ =	shalt  }
0x40: {  	_ =	shalt  }
0x41: {  	_ =	shalt  }
0x42: {  	_ =	shalt  }
0x43: {  	_ =	shalt  }
0x44: {  	_ =	shalt  }
0x45: {  	_ =	shalt  }
0x46: {  	_ =	shalt  }
0x47: {  	_ =	shalt  }
0x48: {  	_ =	shalt  }
0x49: {  	_ =	shalt  }
0x4a: {  	_ =	shalt  }
0x4b: {  	_ =	shalt  }
0x4c: {  	_ =	shalt  }
0x4d: {  	_ =	shalt  }
0x4e: {  	_ =	shalt  }
0x4f: {  	_ =	shalt  }
0x50: {  	_ =	shalt  }
0x51: {  	_ =	shalt  }
0x52: {  	_ =	shalt  }
0x53: {  	_ =	shalt  }
0x54: {  	_ =	shalt  }
0x55: {  	_ =	shalt  }
0x56: {  	_ =	shalt  }
0x57: {  	_ =	shalt  }
0x58: {  	_ =	shalt  }
0x59: {  	_ =	shalt  }
0x5a: {  	_ =	shalt  }
0x5b: {  	_ =	shalt  }
0x5c: {  	_ =	shalt  }
0x5d: {  	_ =	shalt  }
0x5e: {  	_ =	shalt  }
0x5f: {  	_ =	shalt  }
0x60: {  	_ =	shalt  }
0x61: {  	_ =	shalt  }
0x62: {  	_ =	shalt  }
0x63: {  	_ =	shalt  }
0x64: {  	_ =	shalt  }
0x65: {  	_ =	shalt  }
0x66: {  	_ =	shalt  }
0x67: {  	_ =	shalt  }
0x68: {  	_ =	shalt  }
0x69: {  	_ =	shalt  }
0x6a: {  	_ =	shalt  }
0x6b: {  	_ =	shalt  }
0x6c: {  	_ =	shalt  }
0x6d: {  	_ =	shalt  }
0x6e: {  	_ =	shalt  }
0x6f: {  	_ =	shalt  }
0x70: {  	_ =	shalt  }
0x71: {  	_ =	shalt  }
0x72: {  	_ =	shalt  }
0x73: {  	_ =	shalt  }
0x74: {  	_ =	shalt  }
0x75: {  	_ =	shalt  }
0x76: {  	_ =	shalt  }
0x77: {  	_ =	shalt  }
0x78: {  	_ =	shalt  }
0x79: {  	_ =	shalt  }
0x7a: {  	_ =	shalt  }
0x7b: {  	_ =	shalt  }
0x7c: {  	_ =	shalt  }
0x7d: {  	_ =	shalt  }
0x7e: {  	_ =	shalt  }
0x7f: {  	_ =	shalt  }
0x80: {  	_ =	shalt  }
0x81: {  	_ =	shalt  }
0x82: {  	_ =	shalt  }
0x83: {  	_ =	shalt  }
0x84: {  	_ =	shalt  }
0x85: {  	_ =	shalt  }
0x86: {  	_ =	shalt  }
0x87: {  	_ =	shalt  }
.Lfunc_end0:
.L_simem_size_0:
called_computation.1_lowered:
.L_overlay_start_0:
0x88: {  	s2 =	sld [smem:$0x3FD9]  }
0x89: {  	s3 =	sld [smem:$0x3FFE];
	_ =	sdelay $0x1  }
0x8a: {  	s1 =	srdreg.scid  }
0x8b: {  	s0 =	sand.u32 $0x1, s1  }
0x8c: {  	s16 =	sshll.u32 s0, $0xA;
	s2 =	sadd.s32 s3, s2  }
0x8d: {  	s2 =	sadd.s32 s2, s16  }
0x8e: {  	[smem:$0x3FBF] =	sst s2  }
0x8f: {  	_ = 	snop  }
0x90: {  	(tm) =	ssettm $0x1  }
0x91: {  	s17 =	sld [smem:$0x3FFB];
	_ =	sdelay $0x3  }
0x92: {  	_ =	strace s17  }
0x93: {  	s2 =	sld [smem:$0x3FFC];
	_ =	sdelay $0x3  }
0x94: {  	_ =	strace s2  }
0x95: {  	s2 =	sld [smem:$0x3FFD];
	_ =	sdelay $0x3  }
0x96: {  	_ =	strace s2  }
0x97: {  	_ =	strace $0x8FFFFFFF  }
0x98: {  	s18 =	sld [smem:$0x3FDB];
	_ =	sdelay $0x1  }
0x99: {  	s19 =	simm.s32 $_scs_section_size  }
0x9a: {  	s4 =	simm.s32 $_size__tile_overlayer_lowered;
	s5 =	simm.s32 $_tile_overlayer_lowered  }
0x9b: {  	s22 =	simm.s32 $0x1BFF;
	s21 =	sshll.u32 s5, $0x1;
	s2 =	sadd.s32 s19, s18  }
0x9c: {  	s6 =	simm.s32 $0x0;
	s20 =	sshll.u32 s4, $0x1;
	s4 =	sadd.s32 s21, s2  }
0x9d: {  	[timem:s6], [sflag:s22] =	dma.local [hbm:s4], s20  }
0x9e: {  	_ =	swait.ge [sflag:s22], s20  }
0x9f: {  	s3 =	ssub.s32 $0x0, s20;
	[sflag:s22] =	ssyncset.done $0x0  }
0xa0: {  	[sflag:s22] =	ssyncadd.s32 s3;
	_ =	sdelay $0x1  }
0xa1: {  	s23 =	simm.s32 $0x1B8B  }
0xa2: {  	_ =	swait.ge [sflag:s23], $0x1  }
0xa3: {  	[sflag:s23] =	ssyncset.done $0x0  }
0xa4: {  	s25 =	simm.s32 $0x1B8E;
	s24 =	sld [smem:$0x3FFE];
	[sflag:s23] =	ssyncadd.s32 $0xFFFFFFFF  }
0xa5: {  	s26 =	simm.s32 $execute0_lowered;
	[smem:$0x3FD2] =	sst s25  }
0xa6: {  	s4 =	sshll.u32 s26, $0x1;
	_ =	strace $0x80000049;
	[dreg:$0x1] =	wrdreg $0xFFFFFFFF  }
0xa7: {  	s28 =	simm.s32 $_size_execute0_lowered;
	s2 =	sadd.s32 s2, s4;
	[dreg:$0x0] =	wrdreg $0x0  }
0xa8: {  	s4 =	sshll.u32 s28, $0x1;
	[dreg:$0x2] =	wrdreg s2  }
0xa9: {  	[dreg:$0x3] =	wrdreg s4  }
0xaa: {  	[dreg:$0x4] =	wrdreg $0xC0  }
0xab: {  	_ =	task [dreg:s6], $0x5FFFF  }
0xac: {  	[dreg:$0x1] =	wrdreg $0xFFFFFFFF  }
0xad: {  	[dreg:$0x0] =	wrdreg $0x60  }
0xae: {  	[dreg:$0x2] =	wrdreg s24  }
0xaf: {  	[dreg:$0x3] =	wrdreg $0xBC000  }
0xb0: {  	[dreg:$0x4] =	wrdreg $0x9  }
0xb1: {  	_ =	task.clear_ibuf [dreg:s6], $0x5FFFF;
	_ =	strace $0x90000049  }
0xb2: {  	s29 =	simm.s32 $0x9;
	_ =	strace $0x8000004B  }
0xb3: {  	_ =	swait.ge [sflag:s29], $0x1  }
0xb4: {  	[sflag:s29] =	ssyncadd.s32 $0xFFFFFFFF  }
0xb5: {  	_ =	strace $0x9000004B  }
0xb6: {  	_ =	sfence  }
0xb7: {  	s30 =	sld [smem:$0x0];
	_ =	sdelay $0x2  }
0xb8: {  	s31 =	sshll.u32 s1, $0xD;
	s1 =	sshrl.u32 s1, $0x2  }
0xb9: {  	s3 =	sand.u32 $0x4000, s31;
	s1 =	sadd.s32 s1, s30  }
0xba: {  	s0 =	sor.u32 s3, s0;
	s1 =	sshll.u32 s1, $0x11  }
0xbb: {  	s0 =	sor.u32 s1, s0  }
0xbc: {  	s0 =	sadd.s32 $0x8F2B, s0  }
0xbd: {  	[sflag:s0] =	ssyncadd.remote.s32 $0x1  }
0xbe: {  	_ =	sfence.sel $0xFFFF  }
0xbf: {  	[dreg:$0x0] =	wrdreg $0xFFFFFFFF;
	(pc) =	sbr.abs _section_cstart, $3  }
0xc0: {  	[dreg:$0x1] =	wrdreg $0xFFFFFFFF  }
0xc1: {  	_ =	task.clear_ibuf [dreg:s6], $0x2FFFF;
	_ =	strace $0x9FFFFFFF  }
0xc2: {  	(tm) =	ssettm $0x7FFFFFFF  }
0xc3: {  	_ =	shalt  }
tec
execute0_lowered:
.L_overlay_start_1:
0x0: {  	(tag) =	ssettag $0x1  }
0x1: {  	s0 =	rddreg [dreg:$0x0]  }
0x2: {  	s1 =	rddreg [dreg:$0x1]  }
0x3: {  	s2 =	simm.s32 $0x0;
	s3 =	srdreg.scid;
	s10 =	stileid.u32  }
0x4: {  	s28 =	simm.s32 $0x5;
	s29 =	simm.s32 $0x1400;
	s30 =	simm.s32 $0x80  }
0x5: {  	s31 =	simm.s32 $0x2800;
	s3 =	sand.u32 $0x1, s3;
	s8 =	smul.u32 $0x50000, s10  }
0x6: {  	s11 =	simm.s32 $0x2700;
	s12 =	simm.s32 $0x2780;
	s7 =	smul.u32 $0x28000, s3  }
0x7: {  	s4 =	sadd.s32 $0x3800, s0;
	s5 =	sadd.s32 $0x53800, s0;
	s8 =	sshrl.u32 s8, $0x2  }
0x8: {  	s6 =	sadd.s32 $0x67800, s0;
	s0 =	sadd.s32 s7, s0;
	s7 =	sadd.s32 s8, s1  }
0x9: {  	s13 =	simm.s32 $0x0;
	[smem:$0x7FF] =	sst s2;
	s8 =	sadd.s32 $0x1400, s7  }
0xa: {  	_ =	strace $0x8000004A;
	s16 =	sadd.s32 $0x2800, s7;
	[dreg:$0x3] =	wrdreg s8  }
0xb: {  	s26 =	smul.u32 $0x2800, s10;
	s17 =	sadd.s32 $0x3C00, s7;
	[dreg:$0x4] =	wrdreg s16  }
0xc: {  	s15 =	ssub.s32 $0x2, s3;
	s18 =	sadd.s32 $0x5000, s7;
	[dreg:$0x5] =	wrdreg s17  }
0xd: {  	s3 =	sshll.u32 s3, $0x4;
	s19 =	sadd.s32 $0x6400, s7;
	[dreg:$0x6] =	wrdreg s18  }
0xe: {  	s9 =	sshrl.u32 s15, $0x1;
	s20 =	sadd.s32 $0x7800, s7;
	[dreg:$0x7] =	wrdreg s19  }
0xf: {  	s3 =	sor.u32 s10, s3;
	s21 =	sadd.s32 $0x8C00, s7;
	[dreg:$0x8] =	wrdreg s20  }
0x10: {  	s10 =	simm.s32 $0x4;
	s22 =	sadd.s32 $0xA000, s7;
	[dreg:$0x9] =	wrdreg s21  }
0x11: {  	s9 =	ssub.s32 s15, s9;
	s23 =	sadd.s32 $0xB400, s7;
	[dreg:$0xa] =	wrdreg s22  }
0x12: {  	s24 =	sadd.s32 $0xC800, s7;
	s25 =	sadd.s32 $0xDC00, s7;
	[dreg:$0xb] =	wrdreg s23  }
0x13: {  	s0 =	sadd.s32 s26, s0;
	s26 =	simm.s32 $0xA800;
	[dreg:$0xc] =	wrdreg s24  }
0x14: {  	[dreg:$0xd] =	wrdreg s25;
	s19 =	sadd.s32 $0xF000, s7;
	s20 =	sadd.s32 $0x10400, s7  }
0x15: {  	s21 =	sadd.s32 $0x11800, s7;
	s22 =	sadd.s32 $0x12C00, s7;
	s23 =	smul.u32 $0x5000, s3  }
0x16: {  	s24 =	smax.u32 s9, $0x1;
	s25 =	sadd.s32 $0x7B800, s0;
	s0 =	simm.s32 $0x6800  }
0x17: {  	v0 =	vimm.f32 $0.0e+00;
	s3 =	simm.s32 $0x1;
	s8 =	simm.s32 $0x3;
	s9 =	simm.s32 $0x2  }
.LBB2_1:
0x18: {  	s14 =	simm.s32 $0x0;
	s15 =	simm.s32 $0x200  }
.LBB2_2:
0x19: {  	p0 =	sne.s32 s15, $0x4E00;
	[tilespmem:s14+$0xA870] =	vst v0  }
0x1a: {  	[tilespmem:s14+$0xA800] =	vst v0  }
0x1b: {  	[tilespmem:s14+$0xA810] =	vst v0  }
.Ltmp0:
0x1c: {  	[tilespmem:s14+$0xA820] =	vst v0;
	(pc) =	sbr.rel @p0 .LBB2_2-.Ltmp0, $4  }
0x1d: {  	[tilespmem:s14+$0xA830] =	vst v0  }
0x1e: {  	[tilespmem:s14+$0xA840] =	vst v0  }
0x1f: {  	[tilespmem:s14+$0xA850] =	vst v0  }
0x20: {  	[tilespmem:s14+$0xA860] =	vst v0;
	s14 =	sshra.s32 s15, $0x2;
	s15 =	sadd.s32 $0x200, s15  }
0x21: {  	[tilespmem:s14+$0xA870] =	vst v0  }
0x22: {  	[tilespmem:s14+$0xA800] =	vst v0  }
0x23: {  	[tilespmem:s14+$0xA810] =	vst v0  }
0x24: {  	[tilespmem:s14+$0xA820] =	vst v0  }
0x25: {  	[tilespmem:s14+$0xA830] =	vst v0  }
0x26: {  	[tilespmem:s14+$0xA840] =	vst v0  }
0x27: {  	[tilespmem:s14+$0xA850] =	vst v0  }
0x28: {  	[tilespmem:s14+$0xA860] =	vst v0  }
0x29: {  	[spmem:s7] =	stream.linear.scatter [tilespmem:s26], [sflag:$0x5], $0x1400, $0x38;
	[tilespmem:$0x1FC00] =	vst v63  }
0x2a: {  	_ =	swait.ge [sflag:s28], $0x1400  }
0x2b: {  	[sflag:s28] =	ssyncset.done $0x0  }
0x2c: {  	s16 =	rddreg [dreg:$0x3];
	[sflag:s28] =	ssyncadd.s32 $0xFFFFEC00  }
0x2d: {  	[spmem:s16] =	stream.linear.scatter [tilespmem:s26], [sflag:$0x5], $0x1400, $0x38;
	[tilespmem:$0x1FC00] =	vst v63  }
0x2e: {  	_ =	swait.ge [sflag:s28], $0x1400  }
0x2f: {  	[sflag:s28] =	ssyncset.done $0x0  }
0x30: {  	s17 =	rddreg [dreg:$0x4];
	[sflag:s28] =	ssyncadd.s32 $0xFFFFEC00  }
0x31: {  	[spmem:s17] =	stream.linear.scatter [tilespmem:s26], [sflag:$0x5], $0x1400, $0x38;
	[tilespmem:$0x1FC00] =	vst v63  }
0x32: {  	_ =	swait.ge [sflag:s28], $0x1400  }
0x33: {  	[sflag:s28] =	ssyncset.done $0x0  }
0x34: {  	s18 =	rddreg [dreg:$0x5];
	[sflag:s28] =	ssyncadd.s32 $0xFFFFEC00  }
0x35: {  	[spmem:s18] =	stream.linear.scatter [tilespmem:s26], [sflag:$0x5], $0x1400, $0x38;
	[tilespmem:$0x1FC00] =	vst v63  }
0x36: {  	_ =	swait.ge [sflag:s28], $0x1400  }
0x37: {  	[sflag:s28] =	ssyncset.done $0x0  }
0x38: {  	s15 =	rddreg [dreg:$0x6];
	[sflag:s28] =	ssyncadd.s32 $0xFFFFEC00  }
0x39: {  	[spmem:s15] =	stream.linear.scatter [tilespmem:s26], [sflag:$0x5], $0x1400, $0x38;
	[tilespmem:$0x1FC00] =	vst v63  }
0x3a: {  	_ =	swait.ge [sflag:s28], $0x1400  }
0x3b: {  	[sflag:s28] =	ssyncset.done $0x0  }
0x3c: {  	s16 =	rddreg [dreg:$0x7];
	[sflag:s28] =	ssyncadd.s32 $0xFFFFEC00  }
0x3d: {  	[spmem:s16] =	stream.linear.scatter [tilespmem:s26], [sflag:$0x5], $0x1400, $0x38;
	[tilespmem:$0x1FC00] =	vst v63  }
0x3e: {  	_ =	swait.ge [sflag:s28], $0x1400  }
0x3f: {  	[sflag:s28] =	ssyncset.done $0x0  }
0x40: {  	s17 =	rddreg [dreg:$0x8];
	[sflag:s28] =	ssyncadd.s32 $0xFFFFEC00  }
0x41: {  	[spmem:s17] =	stream.linear.scatter [tilespmem:s26], [sflag:$0x5], $0x1400, $0x38;
	[tilespmem:$0x1FC00] =	vst v63  }
0x42: {  	_ =	swait.ge [sflag:s28], $0x1400  }
0x43: {  	[sflag:s28] =	ssyncset.done $0x0  }
0x44: {  	s18 =	rddreg [dreg:$0x9];
	[sflag:s28] =	ssyncadd.s32 $0xFFFFEC00  }
0x45: {  	[spmem:s18] =	stream.linear.scatter [tilespmem:s26], [sflag:$0x5], $0x1400, $0x38;
	[tilespmem:$0x1FC00] =	vst v63  }
0x46: {  	_ =	swait.ge [sflag:s28], $0x1400  }
0x47: {  	[sflag:s28] =	ssyncset.done $0x0  }
0x48: {  	s15 =	rddreg [dreg:$0xa];
	[sflag:s28] =	ssyncadd.s32 $0xFFFFEC00  }
0x49: {  	[spmem:s15] =	stream.linear.scatter [tilespmem:s26], [sflag:$0x5], $0x1400, $0x38;
	[tilespmem:$0x1FC00] =	vst v63  }
0x4a: {  	_ =	swait.ge [sflag:s28], $0x1400  }
0x4b: {  	[sflag:s28] =	ssyncset.done $0x0  }
0x4c: {  	s16 =	rddreg [dreg:$0xb];
	[sflag:s28] =	ssyncadd.s32 $0xFFFFEC00  }
0x4d: {  	[spmem:s16] =	stream.linear.scatter [tilespmem:s26], [sflag:$0x5], $0x1400, $0x38;
	[tilespmem:$0x1FC00] =	vst v63  }
0x4e: {  	_ =	swait.ge [sflag:s28], $0x1400  }
0x4f: {  	[sflag:s28] =	ssyncset.done $0x0  }
0x50: {  	s17 =	rddreg [dreg:$0xc];
	[sflag:s28] =	ssyncadd.s32 $0xFFFFEC00  }
0x51: {  	[spmem:s17] =	stream.linear.scatter [tilespmem:s26], [sflag:$0x5], $0x1400, $0x38;
	[tilespmem:$0x1FC00] =	vst v63  }
0x52: {  	_ =	swait.ge [sflag:s28], $0x1400  }
0x53: {  	[sflag:s28] =	ssyncset.done $0x0  }
0x54: {  	s18 =	rddreg [dreg:$0xd];
	[sflag:s28] =	ssyncadd.s32 $0xFFFFEC00  }
0x55: {  	[spmem:s18] =	stream.linear.scatter [tilespmem:s26], [sflag:$0x5], $0x1400, $0x38;
	[tilespmem:$0x1FC00] =	vst v63  }
0x56: {  	_ =	swait.ge [sflag:s28], $0x1400  }
0x57: {  	[sflag:s28] =	ssyncset.done $0x0  }
0x58: {  	[sflag:s28] =	ssyncadd.s32 $0xFFFFEC00  }
0x59: {  	[spmem:s19] =	stream.linear.scatter [tilespmem:s26], [sflag:$0x5], $0x1400, $0x38;
	[tilespmem:$0x1FC00] =	vst v63  }
0x5a: {  	_ =	swait.ge [sflag:s28], $0x1400  }
0x5b: {  	[sflag:s28] =	ssyncset.done $0x0  }
0x5c: {  	[sflag:s28] =	ssyncadd.s32 $0xFFFFEC00  }
0x5d: {  	[spmem:s20] =	stream.linear.scatter [tilespmem:s26], [sflag:$0x5], $0x1400, $0x38;
	[tilespmem:$0x1FC00] =	vst v63  }
0x5e: {  	_ =	swait.ge [sflag:s28], $0x1400  }
0x5f: {  	[sflag:s28] =	ssyncset.done $0x0  }
0x60: {  	[sflag:s28] =	ssyncadd.s32 $0xFFFFEC00  }
0x61: {  	[spmem:s21] =	stream.linear.scatter [tilespmem:s26], [sflag:$0x5], $0x1400, $0x38;
	[tilespmem:$0x1FC00] =	vst v63  }
0x62: {  	_ =	swait.ge [sflag:s28], $0x1400  }
0x63: {  	[sflag:s28] =	ssyncset.done $0x0  }
0x64: {  	[sflag:s28] =	ssyncadd.s32 $0xFFFFEC00  }
0x65: {  	[spmem:s22] =	stream.linear.scatter [tilespmem:s26], [sflag:$0x5], $0x1400, $0x38;
	[tilespmem:$0x1FC00] =	vst v63  }
0x66: {  	_ =	swait.ge [sflag:s28], $0x1400  }
0x67: {  	[sflag:s28] =	ssyncset.done $0x0  }
0x68: {  	[sflag:s28] =	ssyncadd.s32 $0xFFFFEC00  }
0x69: {  	s14 =	simm.s32 $0x0;
	s15 =	simm.s32 $0x0;
	[bflag:$0x0] =	sbarrier.arrive $0xFFFF  }
.LBB2_4:
0x6a: {  	s16 =	smul.u32 $0x1400, s15;
	_ =	sdelay $0x1  }
0x6b: {  	s16 =	sadd.s32 s23, s16  }
0x6c: {  	s16 =	sshrl.u32 s16, $0x3  }
0x6d: {  	s17 =	sadd.s32 s5, s16  }
0x6e: {  	[tilespmem:s14], [sflag:$0x5] =	stream.linear.gather [hbm4b:s17+s14], $0x1400, $0x38;
	[tilespmem:$0x1FC00] =	vst v63  }
0x6f: {  	_ =	swait.ge [sflag:s28], $0x1400  }
0x70: {  	[sflag:s28] =	ssyncset.done $0x0  }
0x71: {  	s16 =	sadd.s32 s6, s16;
	[sflag:s28] =	ssyncadd.s32 $0xFFFFEC00  }
0x72: {  	[tilespmem:s29], [sflag:$0x5] =	stream.linear.gather [hbm4b:s16+s14], $0x1400, $0x38;
	[tilespmem:$0x1FC00] =	vst v63  }
0x73: {  	_ =	swait.ge [sflag:s28], $0x1400  }
0x74: {  	[sflag:s28] =	ssyncset.done $0x0  }
0x75: {  	[sflag:s28] =	ssyncadd.s32 $0xFFFFEC00  }
0x76: {  	[tilespmem:s31], [sflag:$0x1] =	stream.indirect.gather [hbm4b:s4+s30], $0x80, s14, s30, $0xb8;
	[tilespmem:$0x1FC00] =	vst v63  }
0x77: {  	_ = 	snop  }
0x78: {  	[tilespmem:s0], [sflag:$0x2] =	stream.indirect.gather [hbm4b:s4+s30], $0x80, s30, s30, $0xb8;
	[tilespmem:$0x1FC00] =	vst v63  }
0x79: {  	_ =	swait.ge [sflag:s3], $0x4000  }
0x7a: {  	[sflag:s3] =	ssyncset.done $0x0  }
0x7b: {  	s18 =	simm.s32 $0x1400;
	[sflag:s3] =	ssyncadd.s32 $0xFFFFC000  }
0x7c: {  	[spmem:s1] =	stream.indirect.scatter.add.f32 [tilespmem:s31], [sflag:$0x3], $0x80, s18, s30, $0xb8;
	[tilespmem:$0x1FC00] =	vst v63  }
0x7d: {  	_ =	swait.ge [sflag:s8], $0x4000  }
0x7e: {  	[sflag:s8] =	ssyncset.done $0x0  }
0x7f: {  	s17 =	simm.s32 $0x100;
	[sflag:s8] =	ssyncadd.s32 $0xFFFFC000  }
0x80: {  	[tilespmem:s31], [sflag:$0x1] =	stream.indirect.gather [hbm4b:s4+s30], $0x80, s17, s30, $0xb8;
	[tilespmem:$0x1FC00] =	vst v63  }
0x81: {  	_ =	swait.ge [sflag:s9], $0x4000  }
0x82: {  	[sflag:s9] =	ssyncset.done $0x0  }
0x83: {  	s18 =	simm.s32 $0x1480;
	[sflag:s9] =	ssyncadd.s32 $0xFFFFC000  }
0x84: {  	[spmem:s1] =	stream.indirect.scatter.add.f32 [tilespmem:s0], [sflag:$0x4], $0x80, s18, s30, $0xb8;
	[tilespmem:$0x1FC00] =	vst v63  }
0x85: {  	_ =	swait.ge [sflag:s10], $0x4000  }
0x86: {  	[sflag:s10] =	ssyncset.done $0x0  }
0x87: {  	s16 =	simm.s32 $0x400;
	s17 =	simm.s32 $0x180;
	[sflag:s10] =	ssyncadd.s32 $0xFFFFC000  }
.LBB2_5:
0x88: {  	[tilespmem:s0], [sflag:$0x2] =	stream.indirect.gather [hbm4b:s4+s30], $0x80, s17, s30, $0xb8;
	[tilespmem:$0x1FC00] =	vst v63  }
0x89: {  	s17 =	smov.u32 s16  }
0x8a: {  	p0 =	sne.s32 s16, $0x4800;
	s16 =	sadd.s32 $0x400, s16;
	_ =	swait.ge [sflag:s3], $0x4000  }
0x8b: {  	s17 =	sshra.s32 s17, $0x2;
	[sflag:s3] =	ssyncset.done $0x0  }
0x8c: {  	s18 =	sadd.s32 $0x1400, s17;
	[sflag:s3] =	ssyncadd.s32 $0xFFFFC000  }
0x8d: {  	[spmem:s1] =	stream.indirect.scatter.add.f32 [tilespmem:s31], [sflag:$0x3], $0x80, s18, s30, $0xb8;
	[tilespmem:$0x1FC00] =	vst v63  }
0x8e: {  	_ =	swait.ge [sflag:s8], $0x4000  }
0x8f: {  	[sflag:s8] =	ssyncset.done $0x0  }
0x90: {  	s18 =	sadd.s32 $0x100, s17;
	[sflag:s8] =	ssyncadd.s32 $0xFFFFC000  }
0x91: {  	[tilespmem:s31], [sflag:$0x1] =	stream.indirect.gather [hbm4b:s4+s30], $0x80, s18, s30, $0xb8;
	[tilespmem:$0x1FC00] =	vst v63  }
0x92: {  	_ =	swait.ge [sflag:s9], $0x4000  }
0x93: {  	[sflag:s9] =	ssyncset.done $0x0  }
.Ltmp1:
0x94: {  	s18 =	sadd.s32 $0x1480, s17;
	[sflag:s9] =	ssyncadd.s32 $0xFFFFC000;
	(pc) =	sbr.rel @p0 .LBB2_5-.Ltmp1, $4  }
0x95: {  	[spmem:s1] =	stream.indirect.scatter.add.f32 [tilespmem:s0], [sflag:$0x4], $0x80, s18, s30, $0xb8;
	[tilespmem:$0x1FC00] =	vst v63  }
0x96: {  	_ =	swait.ge [sflag:s10], $0x4000  }
0x97: {  	[sflag:s10] =	ssyncset.done $0x0  }
0x98: {  	s17 =	sadd.s32 $0x180, s17;
	[sflag:s10] =	ssyncadd.s32 $0xFFFFC000  }
0x99: {  	[tilespmem:s0], [sflag:$0x2] =	stream.indirect.gather [hbm4b:s4+s30], $0x80, s17, s30, $0xb8;
	[tilespmem:$0x1FC00] =	vst v63  }
0x9a: {  	_ =	swait.ge [sflag:s3], $0x4000  }
0x9b: {  	[sflag:s3] =	ssyncset.done $0x0  }
0x9c: {  	[sflag:s3] =	ssyncadd.s32 $0xFFFFC000  }
0x9d: {  	[spmem:s1] =	stream.indirect.scatter.add.f32 [tilespmem:s31], [sflag:$0x3], $0x80, s11, s30, $0xb8;
	[tilespmem:$0x1FC00] =	vst v63  }
0x9e: {  	_ =	swait.ge [sflag:s9], $0x4000  }
0x9f: {  	[sflag:s9] =	ssyncset.done $0x0  }
0xa0: {  	s15 =	sadd.s32 $0x1, s15;
	[sflag:s9] =	ssyncadd.s32 $0xFFFFC000  }
0xa1: {  	[spmem:s1] =	stream.indirect.scatter.add.f32 [tilespmem:s0], [sflag:$0x4], $0x80, s12, s30, $0xb8;
	[tilespmem:$0x1FC00] =	vst v63  }
0xa2: {  	p0 =	sne.s32 s15, $0x4;
	_ =	swait.ge [sflag:s8], $0x4000  }
.Ltmp2:
0xa3: {  	[sflag:s8] =	ssyncset.done $0x0;
	(pc) =	sbr.rel @p0 .LBB2_4-.Ltmp2, $4  }
0xa4: {  	[sflag:s8] =	ssyncadd.s32 $0xFFFFC000  }
0xa5: {  	_ =	swait.ge [sflag:s10], $0x4000  }
0xa6: {  	[sflag:s10] =	ssyncset.done $0x0  }
0xa7: {  	[sflag:s10] =	ssyncadd.s32 $0xFFFFC000  }
0xa8: {  	[bflag:$0x0] =	sbarrier.arrive $0xFFFF  }
0xa9: {  	[tilespmem:s26], [sflag:$0x5] =	stream.linear.gather [spmem:s7], $0x1400, $0x38;
	[tilespmem:$0x1FC00] =	vst v63  }
0xaa: {  	_ =	swait.ge [sflag:s28], $0x1400  }
0xab: {  	[sflag:s28] =	ssyncset.done $0x0  }
0xac: {  	s14 =	sadd.s32 $0x0, s25;
	[sflag:s28] =	ssyncadd.s32 $0xFFFFEC00  }
0xad: {  	[hbm4b:s14+s2] =	stream.linear.scatter [tilespmem:s26], [sflag:$0x5], $0x1400, $0x38;
	[tilespmem:$0x1FC00] =	vst v63  }
0xae: {  	_ =	swait.ge [sflag:s28], $0x1400  }
0xaf: {  	s15 =	smov.u32 s7;
	s14 =	simm.s32 $0x280;
	[sflag:s28] =	ssyncset.done $0x0  }
.LBB2_8:
0xb0: {  	p0 =	sne.s32 s14, $0x2580;
	[sflag:s28] =	ssyncadd.s32 $0xFFFFEC00;
	s15 =	sadd.s32 $0x1400, s15  }
0xb1: {  	[tilespmem:s26], [sflag:$0x5] =	stream.linear.gather [spmem:s15], $0x1400, $0x38;
	[tilespmem:$0x1FC00] =	vst v63  }
0xb2: {  	s16 =	smov.u32 s14;
	s14 =	sadd.s32 $0x280, s14;
	_ =	swait.ge [sflag:s28], $0x1400  }
.Ltmp3:
0xb3: {  	[sflag:s28] =	ssyncset.done $0x0;
	(pc) =	sbr.rel @p0 .LBB2_8-.Ltmp3, $4  }
0xb4: {  	s16 =	sadd.s32 s16, s25;
	[sflag:s28] =	ssyncadd.s32 $0xFFFFEC00  }
0xb5: {  	[hbm4b:s16+s2] =	stream.linear.scatter [tilespmem:s26], [sflag:$0x5], $0x1400, $0x38;
	[tilespmem:$0x1FC00] =	vst v63  }
0xb6: {  	_ =	swait.ge [sflag:s28], $0x1400  }
0xb7: {  	[sflag:s28] =	ssyncset.done $0x0  }
0xb8: {  	s13 =	sadd.s32 $0x1, s13  }
0xb9: {  	p0 =	sne.s32 s13, s24  }
.Ltmp4:
0xba: {  	_ = 	snop;
	(pc) =	sbr.rel @p0 .LBB2_1-.Ltmp4, $2  }
0xbb: {  	_ =	sdelay $0x2  }
0xbc: {  	[sflag:s28] =	ssyncadd.s32 $0xFFFFEC00  }
0xbd: {  	_ =	sfence.sel $0x180000  }
0xbe: {  	[bflag:$0x0] =	sbarrier.arrive $0xFFFF  }
0xbf: {  	_ =	strace $0x9000004A  }
0xc0: {  	s0 =	stileid.u32;
	[bflag:$0x2] =	sbarrier.arrive $0xFFFF  }
0xc1: {  	p0 =	sne.s32 s0, $0x0;
	s0 =	rddreg [dreg:$0x2]  }
0xc2: {  	s0 =	sadd.s32 @!p0 $0x100000, s0  }
0xc3: {  	[sflag:s0] =	ssyncadd.tile.s32 @!p0 $0x1;
	_ =	shalt  }
.Lfunc_end2:
_tile_overlayer_lowered:
.L_overlay_start_2:
0xc4: {  	(tag) =	ssettag $0x2  }
0xc5: {  	s0 =	rddreg [dreg:$0x0];
	s2 =	stileid.u32  }
0xc6: {  	s1 =	rddreg [dreg:$0x1];
	p0 =	sne.s32 s2, $0x0  }
0xc7: {  	s3 =	rddreg [dreg:$0x2];
	[bflag:$0x3] =	sbarrier.arrive $0xFFFF;
	s2 =	simm.s32 @!p0 $0x1C05  }
0xc8: {  	[timem:s3], [sflag:s2] =	dma.local @!p0 [hbm:s0], s1  }
0xc9: {  	s0 =	simm.s32 @!p0 $0x5  }
0xca: {  	_ =	swait.ge @!p0 [sflag:s0], s1  }
0xcb: {  	s1 =	ssub.s32 @!p0 $0x0, s1;
	[sflag:s0] =	ssyncset.done @!p0 $0x0  }
0xcc: {  	[sflag:s0] =	ssyncadd.s32 @!p0 s1  }
0xcd: {  	[bflag:$0x3] =	sbarrier.arrive $0xFFFF  }
0xce: {  	_ =	shalt  }

// kernel: _run.16.cloned.1.call-start
scs
__scs_entry_jumppad:
0x0: {  	(pc) =	sbr.rel $0x88, $3  }
0x1: {  	(tag) =	ssettag $0x0;
	lr =	simm.s32 $0x1  }
0x2: {  	[smem:$0x3F98] =	sst lr;
	_ =	strace $0xD0000000  }
0x3: {  	_ = 	snop  }
0x4: {  	_ = 	snop  }
0x5: {  	_ = 	snop  }
0x6: {  	_ = 	snop  }
0x7: {  	_ = 	snop  }
__scs_overlays_trampoline_lowered:
0x8: {  	[smem:$0x3FA7] =	sst s0  }
0x9: {  	[smem:$0x3FA8] =	sst s1  }
0xa: {  	[smem:$0x3FA9] =	sst s2  }
0xb: {  	[smem:$0x3FAA] =	sst s3  }
0xc: {  	[smem:$0x3FAB] =	sst s4  }
0xd: {  	[smem:$0x3FAC] =	sst s5  }
0xe: {  	[smem:$0x3FAD] =	sst s6  }
0xf: {  	[smem:$0x3FAE] =	sst s7  }
0x10: {  	[smem:$0x3FAF] =	sst s8  }
0x11: {  	[smem:$0x3FB0] =	sst s9;
	s0 =	simm.s32 @!p0 $0x0  }
0x12: {  	s1 =	sld [smem:$0x3F96];
	s0 =	simm.s32 @p0 $0x1  }
0x13: {  	[smem:$0x3FB1] =	sst s0;
	s0 =	simm.s32 @!p1 $0x0  }
0x14: {  	s2 =	sld [smem:$0x3F95];
	s0 =	simm.s32 @p1 $0x1  }
0x15: {  	[smem:$0x3FB2] =	sst s0;
	s0 =	simm.s32 @!p2 $0x0  }
0x16: {  	s3 =	sld [smem:$0x3FDB];
	s0 =	simm.s32 @p2 $0x1  }
0x17: {  	s4 =	simm.s32 $0x1BF5;
	[smem:$0x3FB4] =	sst s0  }
0x18: {  	s0 =	sld [smem:$0x3F97];
	_ =	swait.ge [sflag:s4], $0x0  }
0x19: {  	s7 =	sld [smem:$0x3F98]  }
0x1a: {  	s8 =	sadd.s32 $0xFFFFE003, lr  }
0x1b: {  	s9 =	sadd.s32 $0xFFFFFEF7, lr;
	s5 =	simm.s32 $0xFFFFFFFF;
	p2 =	slt.u32 s8, $0xFFFFF086  }
0x1c: {  	p1 =	slt.u32 s9, $0xF7A;
	s5 =	simm.s32 @!p2 $0x0  }
0x1d: {  	s5 =	simm.s32 @p1 $0x1;
	p0 =	seq.s32 s7, s2  }
0x1e: {  	s7 =	smul.u32 @!p0 $0xF7A, s2;
	p2 =	seq.s32 @!p0 s5, $0x0  }
0x1f: {  	s9 =	smul.u32 $0xF7A, s1;
	s8 =	simm.s32 @!p0 $0x1BF5;
	p2 =	por !p2, p0  }
0x20: {  	[sflag:s8] =	ssyncset.s32 @!p0 $0xFFFFF086;
	s6 =	sadd.s32 @!p0 s3, s7;
	s7 =	simm.s32 @!p0 $0x108  }
0x21: {  	s3 =	sadd.s32 s3, s9;
	s6 =	sadd.s32 @!p0 $0x88, s6;
	s7 =	simm.s32 @p2 $0x1082  }
0x22: {  	[simem:s7], [sflag:s8] =	dma.local @!p0 [hbm:s6], $0xF7A  }
0x23: {  	s9 =	sor.u32 $0xD0000000, s2;
	s6 =	simm.s32 $0x108;
	_ =	swait.ge @!p0 [sflag:s8], $0x0  }
0x24: {  	s3 =	sadd.s32 $0x88, s3;
	s6 =	simm.s32 @!p1 $0x1082;
	[sflag:s4] =	ssyncset.s32 $0xFFFFF086  }
0x25: {  	[simem:s6], [sflag:s4] =	dma.local [hbm:s3], $0xF7A  }
0x26: {  	[smem:$0x3F98] =	sst s1;
	(tag) =	ssettag s2;
	_ =	strace s9  }
0x27: {  	s1 =	sld [smem:$0x3FA8]  }
0x28: {  	s2 =	sld [smem:$0x3FA9]  }
0x29: {  	s4 =	sld [smem:$0x3FAB]  }
0x2a: {  	p0 =	seq.s32 s5, $0x0;
	s5 =	sld [smem:$0x3FAC]  }
0x2b: {  	s6 =	sld [smem:$0x3FAD]  }
0x2c: {  	s7 =	sld [smem:$0x3FAE]  }
0x2d: {  	s3 =	simm.s32 $0x108;
	s8 =	sld [smem:$0x3FAF]  }
0x2e: {  	s3 =	simm.s32 @!p0 $0x1082;
	s9 =	sld [smem:$0x3FB0]  }
0x2f: {  	lr =	sadd.s32 s0, s3;
	s0 =	sld [smem:$0x3FA7]  }
0x30: {  	s3 =	sld [smem:$0x3FAA]  }
0x31: {  	[smem:$0x3FB3] =	sst s10  }
0x32: {  	s10 =	sld [smem:$0x3FB1];
	_ =	sdelay $0x3  }
0x33: {  	p0 =	seq.s32 s10, $0x1;
	s10 =	sld [smem:$0x3FB3];
	_ =	sdelay $0x3  }
0x34: {  	[smem:$0x3FB3] =	sst s10  }
0x35: {  	s10 =	sld [smem:$0x3FB2];
	_ =	sdelay $0x3  }
0x36: {  	p1 =	seq.s32 s10, $0x1;
	s10 =	sld [smem:$0x3FB3];
	_ =	sdelay $0x3  }
0x37: {  	[smem:$0x3FB3] =	sst s10  }
0x38: {  	s10 =	sld [smem:$0x3FB4]  }
0x39: {  	_ = 	snop;
	(pc) =	sbr.ind lr, $3  }
0x3a: {  	_ = 	snop  }
0x3b: {  	_ = 	snop  }
0x3c: {  	p2 =	seq.s32 s10, $0x1;
	s10 =	sld [smem:$0x3FB3]  }
0x3d: {  	_ =	shalt  }
0x3e: {  	_ =	shalt  }
0x3f: {  	_ =	shalt  }
0x40: {  	_ =	shalt  }
0x41: {  	_ =	shalt  }
0x42: {  	_ =	shalt  }
0x43: {  	_ =	shalt  }
0x44: {  	_ =	shalt  }
0x45: {  	_ =	shalt  }
0x46: {  	_ =	shalt  }
0x47: {  	_ =	shalt  }
0x48: {  	_ =	shalt  }
0x49: {  	_ =	shalt  }
0x4a: {  	_ =	shalt  }
0x4b: {  	_ =	shalt  }
0x4c: {  	_ =	shalt  }
0x4d: {  	_ =	shalt  }
0x4e: {  	_ =	shalt  }
0x4f: {  	_ =	shalt  }
0x50: {  	_ =	shalt  }
0x51: {  	_ =	shalt  }
0x52: {  	_ =	shalt  }
0x53: {  	_ =	shalt  }
0x54: {  	_ =	shalt  }
0x55: {  	_ =	shalt  }
0x56: {  	_ =	shalt  }
0x57: {  	_ =	shalt  }
0x58: {  	_ =	shalt  }
0x59: {  	_ =	shalt  }
0x5a: {  	_ =	shalt  }
0x5b: {  	_ =	shalt  }
0x5c: {  	_ =	shalt  }
0x5d: {  	_ =	shalt  }
0x5e: {  	_ =	shalt  }
0x5f: {  	_ =	shalt  }
0x60: {  	_ =	shalt  }
0x61: {  	_ =	shalt  }
0x62: {  	_ =	shalt  }
0x63: {  	_ =	shalt  }
0x64: {  	_ =	shalt  }
0x65: {  	_ =	shalt  }
0x66: {  	_ =	shalt  }
0x67: {  	_ =	shalt  }
0x68: {  	_ =	shalt  }
0x69: {  	_ =	shalt  }
0x6a: {  	_ =	shalt  }
0x6b: {  	_ =	shalt  }
0x6c: {  	_ =	shalt  }
0x6d: {  	_ =	shalt  }
0x6e: {  	_ =	shalt  }
0x6f: {  	_ =	shalt  }
0x70: {  	_ =	shalt  }
0x71: {  	_ =	shalt  }
0x72: {  	_ =	shalt  }
0x73: {  	_ =	shalt  }
0x74: {  	_ =	shalt  }
0x75: {  	_ =	shalt  }
0x76: {  	_ =	shalt  }
0x77: {  	_ =	shalt  }
0x78: {  	_ =	shalt  }
0x79: {  	_ =	shalt  }
0x7a: {  	_ =	shalt  }
0x7b: {  	_ =	shalt  }
0x7c: {  	_ =	shalt  }
0x7d: {  	_ =	shalt  }
0x7e: {  	_ =	shalt  }
0x7f: {  	_ =	shalt  }
0x80: {  	_ =	shalt  }
0x81: {  	_ =	shalt  }
0x82: {  	_ =	shalt  }
0x83: {  	_ =	shalt  }
0x84: {  	_ =	shalt  }
0x85: {  	_ =	shalt  }
0x86: {  	_ =	shalt  }
0x87: {  	_ =	shalt  }
.Lfunc_end0:
.L_simem_size_0:
called_computation.2_lowered:
.L_overlay_start_0:
0x88: {  	s2 =	sld [smem:$0x3FD9]  }
0x89: {  	s3 =	sld [smem:$0x3FFE];
	_ =	sdelay $0x1  }
0x8a: {  	s1 =	srdreg.scid  }
0x8b: {  	s0 =	sand.u32 $0x1, s1  }
0x8c: {  	s16 =	sshll.u32 s0, $0xA;
	s2 =	sadd.s32 s3, s2  }
0x8d: {  	s2 =	sadd.s32 s2, s16  }
0x8e: {  	[smem:$0x3FBF] =	sst s2  }
0x8f: {  	_ = 	snop  }
0x90: {  	(tm) =	ssettm $0x1  }
0x91: {  	s17 =	sld [smem:$0x3FFB];
	_ =	sdelay $0x3  }
0x92: {  	_ =	strace s17  }
0x93: {  	s2 =	sld [smem:$0x3FFC];
	_ =	sdelay $0x3  }
0x94: {  	_ =	strace s2  }
0x95: {  	s2 =	sld [smem:$0x3FFD];
	_ =	sdelay $0x3  }
0x96: {  	_ =	strace s2  }
0x97: {  	_ =	strace $0x8FFFFFFF  }
0x98: {  	s18 =	sld [smem:$0x3FDB];
	_ =	sdelay $0x1  }
0x99: {  	s19 =	simm.s32 $_scs_section_size  }
0x9a: {  	s4 =	simm.s32 $_size__tile_overlayer_lowered;
	s5 =	simm.s32 $_tile_overlayer_lowered  }
0x9b: {  	s22 =	simm.s32 $0x1BFF;
	s21 =	sshll.u32 s5, $0x1;
	s2 =	sadd.s32 s19, s18  }
0x9c: {  	s6 =	simm.s32 $0x0;
	s20 =	sshll.u32 s4, $0x1;
	s4 =	sadd.s32 s21, s2  }
0x9d: {  	[timem:s6], [sflag:s22] =	dma.local [hbm:s4], s20  }
0x9e: {  	_ =	swait.ge [sflag:s22], s20  }
0x9f: {  	s3 =	ssub.s32 $0x0, s20;
	[sflag:s22] =	ssyncset.done $0x0  }
0xa0: {  	[sflag:s22] =	ssyncadd.s32 s3;
	_ =	sdelay $0x1  }
0xa1: {  	s23 =	simm.s32 $0x1B8B  }
0xa2: {  	_ =	swait.ge [sflag:s23], $0x1  }
0xa3: {  	[sflag:s23] =	ssyncset.done $0x0  }
0xa4: {  	s25 =	simm.s32 $0x1B8E;
	s24 =	sld [smem:$0x3FFE];
	[sflag:s23] =	ssyncadd.s32 $0xFFFFFFFF  }
0xa5: {  	s26 =	simm.s32 $execute0_lowered;
	[smem:$0x3FD2] =	sst s25  }
0xa6: {  	s4 =	sshll.u32 s26, $0x1;
	_ =	strace $0x8000004C;
	[dreg:$0x1] =	wrdreg $0xFFFFFFFF  }
0xa7: {  	s28 =	simm.s32 $_size_execute0_lowered;
	s2 =	sadd.s32 s2, s4;
	[dreg:$0x0] =	wrdreg $0x0  }
0xa8: {  	s4 =	sshll.u32 s28, $0x1;
	[dreg:$0x2] =	wrdreg s2  }
0xa9: {  	[dreg:$0x3] =	wrdreg s4  }
0xaa: {  	[dreg:$0x4] =	wrdreg $0xC0  }
0xab: {  	_ =	task [dreg:s6], $0x5FFFF  }
0xac: {  	[dreg:$0x1] =	wrdreg $0xFFFFFFFF  }
0xad: {  	[dreg:$0x0] =	wrdreg $0x60  }
0xae: {  	[dreg:$0x2] =	wrdreg s24  }
0xaf: {  	[dreg:$0x3] =	wrdreg $0xBC000  }
0xb0: {  	[dreg:$0x4] =	wrdreg $0x9  }
0xb1: {  	_ =	task.clear_ibuf [dreg:s6], $0x5FFFF;
	_ =	strace $0x9000004C  }
0xb2: {  	s29 =	simm.s32 $0x9;
	_ =	strace $0x8000004E  }
0xb3: {  	_ =	swait.ge [sflag:s29], $0x1  }
0xb4: {  	[sflag:s29] =	ssyncadd.s32 $0xFFFFFFFF  }
0xb5: {  	_ =	strace $0x9000004E  }
0xb6: {  	_ =	sfence  }
0xb7: {  	s30 =	sld [smem:$0x0];
	_ =	sdelay $0x2  }
0xb8: {  	s31 =	sshll.u32 s1, $0xD;
	s1 =	sshrl.u32 s1, $0x2  }
0xb9: {  	s3 =	sand.u32 $0x4000, s31;
	s1 =	sadd.s32 s1, s30  }
0xba: {  	s0 =	sor.u32 s3, s0;
	s1 =	sshll.u32 s1, $0x11  }
0xbb: {  	s0 =	sor.u32 s1, s0  }
0xbc: {  	s0 =	sadd.s32 $0x8F2B, s0  }
0xbd: {  	[sflag:s0] =	ssyncadd.remote.s32 $0x1  }
0xbe: {  	_ =	sfence.sel $0xFFFF  }
0xbf: {  	[dreg:$0x0] =	wrdreg $0xFFFFFFFF;
	(pc) =	sbr.abs _section_cstart, $3  }
0xc0: {  	[dreg:$0x1] =	wrdreg $0xFFFFFFFF  }
0xc1: {  	_ =	task.clear_ibuf [dreg:s6], $0x2FFFF;
	_ =	strace $0x9FFFFFFF  }
0xc2: {  	(tm) =	ssettm $0x7FFFFFFF  }
0xc3: {  	_ =	shalt  }
tec
execute0_lowered:
.L_overlay_start_1:
0x0: {  	(tag) =	ssettag $0x1  }
0x1: {  	s0 =	rddreg [dreg:$0x0]  }
0x2: {  	s1 =	rddreg [dreg:$0x1]  }
0x3: {  	s2 =	simm.s32 $0x0;
	s3 =	srdreg.scid;
	s10 =	stileid.u32  }
0x4: {  	s28 =	simm.s32 $0x5;
	s29 =	simm.s32 $0x1400;
	s30 =	simm.s32 $0x80  }
0x5: {  	s31 =	simm.s32 $0x2800;
	s3 =	sand.u32 $0x1, s3;
	s8 =	smul.u32 $0x50000, s10  }
0x6: {  	s11 =	simm.s32 $0x2700;
	s12 =	simm.s32 $0x2780;
	s7 =	smul.u32 $0x28000, s3  }
0x7: {  	s4 =	sadd.s32 $0x3800, s0;
	s5 =	sadd.s32 $0x53800, s0;
	s8 =	sshrl.u32 s8, $0x2  }
0x8: {  	s6 =	sadd.s32 $0x67800, s0;
	s0 =	sadd.s32 s7, s0;
	s7 =	sadd.s32 s8, s1  }
0x9: {  	s13 =	simm.s32 $0x0;
	[smem:$0x7FF] =	sst s2;
	s8 =	sadd.s32 $0x1400, s7  }
0xa: {  	_ =	strace $0x8000004D;
	s16 =	sadd.s32 $0x2800, s7;
	[dreg:$0x3] =	wrdreg s8  }
0xb: {  	s26 =	smul.u32 $0x2800, s10;
	s17 =	sadd.s32 $0x3C00, s7;
	[dreg:$0x4] =	wrdreg s16  }
0xc: {  	s15 =	ssub.s32 $0x2, s3;
	s18 =	sadd.s32 $0x5000, s7;
	[dreg:$0x5] =	wrdreg s17  }
0xd: {  	s3 =	sshll.u32 s3, $0x4;
	s19 =	sadd.s32 $0x6400, s7;
	[dreg:$0x6] =	wrdreg s18  }
0xe: {  	s9 =	sshrl.u32 s15, $0x1;
	s20 =	sadd.s32 $0x7800, s7;
	[dreg:$0x7] =	wrdreg s19  }
0xf: {  	s3 =	sor.u32 s10, s3;
	s21 =	sadd.s32 $0x8C00, s7;
	[dreg:$0x8] =	wrdreg s20  }
0x10: {  	s10 =	simm.s32 $0x4;
	s22 =	sadd.s32 $0xA000, s7;
	[dreg:$0x9] =	wrdreg s21  }
0x11: {  	s9 =	ssub.s32 s15, s9;
	s23 =	sadd.s32 $0xB400, s7;
	[dreg:$0xa] =	wrdreg s22  }
0x12: {  	s24 =	sadd.s32 $0xC800, s7;
	s25 =	sadd.s32 $0xDC00, s7;
	[dreg:$0xb] =	wrdreg s23  }
0x13: {  	s0 =	sadd.s32 s26, s0;
	s26 =	simm.s32 $0xA800;
	[dreg:$0xc] =	wrdreg s24  }
0x14: {  	[dreg:$0xd] =	wrdreg s25;
	s19 =	sadd.s32 $0xF000, s7;
	s20 =	sadd.s32 $0x10400, s7  }
0x15: {  	s21 =	sadd.s32 $0x11800, s7;
	s22 =	sadd.s32 $0x12C00, s7;
	s23 =	smul.u32 $0x5000, s3  }
0x16: {  	s24 =	smax.u32 s9, $0x1;
	s25 =	sadd.s32 $0x7B800, s0;
	s0 =	simm.s32 $0x6800  }
0x17: {  	v0 =	vimm.f32 $0.0e+00;
	s3 =	simm.s32 $0x1;
	s8 =	simm.s32 $0x3;
	s9 =	simm.s32 $0x2  }
.LBB2_1:
0x18: {  	s14 =	simm.s32 $0x0;
	s15 =	simm.s32 $0x200  }
.LBB2_2:
0x19: {  	p0 =	sne.s32 s15, $0x4E00;
	[tilespmem:s14+$0xA870] =	vst v0  }
0x1a: {  	[tilespmem:s14+$0xA800] =	vst v0  }
0x1b: {  	[tilespmem:s14+$0xA810] =	vst v0  }
.Ltmp0:
0x1c: {  	[tilespmem:s14+$0xA820] =	vst v0;
	(pc) =	sbr.rel @p0 .LBB2_2-.Ltmp0, $4  }
0x1d: {  	[tilespmem:s14+$0xA830] =	vst v0  }
0x1e: {  	[tilespmem:s14+$0xA840] =	vst v0  }
0x1f: {  	[tilespmem:s14+$0xA850] =	vst v0  }
0x20: {  	[tilespmem:s14+$0xA860] =	vst v0;
	s14 =	sshra.s32 s15, $0x2;
	s15 =	sadd.s32 $0x200, s15  }
0x21: {  	[tilespmem:s14+$0xA870] =	vst v0  }
0x22: {  	[tilespmem:s14+$0xA800] =	vst v0  }
0x23: {  	[tilespmem:s14+$0xA810] =	vst v0  }
0x24: {  	[tilespmem:s14+$0xA820] =	vst v0  }
0x25: {  	[tilespmem:s14+$0xA830] =	vst v0  }
0x26: {  	[tilespmem:s14+$0xA840] =	vst v0  }
0x27: {  	[tilespmem:s14+$0xA850] =	vst v0  }
0x28: {  	[tilespmem:s14+$0xA860] =	vst v0  }
0x29: {  	[spmem:s7] =	stream.linear.scatter [tilespmem:s26], [sflag:$0x5], $0x1400, $0x38;
	[tilespmem:$0x1FC00] =	vst v63  }
0x2a: {  	_ =	swait.ge [sflag:s28], $0x1400  }
0x2b: {  	[sflag:s28] =	ssyncset.done $0x0  }
0x2c: {  	s16 =	rddreg [dreg:$0x3];
	[sflag:s28] =	ssyncadd.s32 $0xFFFFEC00  }
0x2d: {  	[spmem:s16] =	stream.linear.scatter [tilespmem:s26], [sflag:$0x5], $0x1400, $0x38;
	[tilespmem:$0x1FC00] =	vst v63  }
0x2e: {  	_ =	swait.ge [sflag:s28], $0x1400  }
0x2f: {  	[sflag:s28] =	ssyncset.done $0x0  }
0x30: {  	s17 =	rddreg [dreg:$0x4];
	[sflag:s28] =	ssyncadd.s32 $0xFFFFEC00  }
0x31: {  	[spmem:s17] =	stream.linear.scatter [tilespmem:s26], [sflag:$0x5], $0x1400, $0x38;
	[tilespmem:$0x1FC00] =	vst v63  }
0x32: {  	_ =	swait.ge [sflag:s28], $0x1400  }
0x33: {  	[sflag:s28] =	ssyncset.done $0x0  }
0x34: {  	s18 =	rddreg [dreg:$0x5];
	[sflag:s28] =	ssyncadd.s32 $0xFFFFEC00  }
0x35: {  	[spmem:s18] =	stream.linear.scatter [tilespmem:s26], [sflag:$0x5], $0x1400, $0x38;
	[tilespmem:$0x1FC00] =	vst v63  }
0x36: {  	_ =	swait.ge [sflag:s28], $0x1400  }
0x37: {  	[sflag:s28] =	ssyncset.done $0x0  }
0x38: {  	s15 =	rddreg [dreg:$0x6];
	[sflag:s28] =	ssyncadd.s32 $0xFFFFEC00  }
0x39: {  	[spmem:s15] =	stream.linear.scatter [tilespmem:s26], [sflag:$0x5], $0x1400, $0x38;
	[tilespmem:$0x1FC00] =	vst v63  }
0x3a: {  	_ =	swait.ge [sflag:s28], $0x1400  }
0x3b: {  	[sflag:s28] =	ssyncset.done $0x0  }
0x3c: {  	s16 =	rddreg [dreg:$0x7];
	[sflag:s28] =	ssyncadd.s32 $0xFFFFEC00  }
0x3d: {  	[spmem:s16] =	stream.linear.scatter [tilespmem:s26], [sflag:$0x5], $0x1400, $0x38;
	[tilespmem:$0x1FC00] =	vst v63  }
0x3e: {  	_ =	swait.ge [sflag:s28], $0x1400  }
0x3f: {  	[sflag:s28] =	ssyncset.done $0x0  }
0x40: {  	s17 =	rddreg [dreg:$0x8];
	[sflag:s28] =	ssyncadd.s32 $0xFFFFEC00  }
0x41: {  	[spmem:s17] =	stream.linear.scatter [tilespmem:s26], [sflag:$0x5], $0x1400, $0x38;
	[tilespmem:$0x1FC00] =	vst v63  }
0x42: {  	_ =	swait.ge [sflag:s28], $0x1400  }
0x43: {  	[sflag:s28] =	ssyncset.done $0x0  }
0x44: {  	s18 =	rddreg [dreg:$0x9];
	[sflag:s28] =	ssyncadd.s32 $0xFFFFEC00  }
0x45: {  	[spmem:s18] =	stream.linear.scatter [tilespmem:s26], [sflag:$0x5], $0x1400, $0x38;
	[tilespmem:$0x1FC00] =	vst v63  }
0x46: {  	_ =	swait.ge [sflag:s28], $0x1400  }
0x47: {  	[sflag:s28] =	ssyncset.done $0x0  }
0x48: {  	s15 =	rddreg [dreg:$0xa];
	[sflag:s28] =	ssyncadd.s32 $0xFFFFEC00  }
0x49: {  	[spmem:s15] =	stream.linear.scatter [tilespmem:s26], [sflag:$0x5], $0x1400, $0x38;
	[tilespmem:$0x1FC00] =	vst v63  }
0x4a: {  	_ =	swait.ge [sflag:s28], $0x1400  }
0x4b: {  	[sflag:s28] =	ssyncset.done $0x0  }
0x4c: {  	s16 =	rddreg [dreg:$0xb];
	[sflag:s28] =	ssyncadd.s32 $0xFFFFEC00  }
0x4d: {  	[spmem:s16] =	stream.linear.scatter [tilespmem:s26], [sflag:$0x5], $0x1400, $0x38;
	[tilespmem:$0x1FC00] =	vst v63  }
0x4e: {  	_ =	swait.ge [sflag:s28], $0x1400  }
0x4f: {  	[sflag:s28] =	ssyncset.done $0x0  }
0x50: {  	s17 =	rddreg [dreg:$0xc];
	[sflag:s28] =	ssyncadd.s32 $0xFFFFEC00  }
0x51: {  	[spmem:s17] =	stream.linear.scatter [tilespmem:s26], [sflag:$0x5], $0x1400, $0x38;
	[tilespmem:$0x1FC00] =	vst v63  }
0x52: {  	_ =	swait.ge [sflag:s28], $0x1400  }
0x53: {  	[sflag:s28] =	ssyncset.done $0x0  }
0x54: {  	s18 =	rddreg [dreg:$0xd];
	[sflag:s28] =	ssyncadd.s32 $0xFFFFEC00  }
0x55: {  	[spmem:s18] =	stream.linear.scatter [tilespmem:s26], [sflag:$0x5], $0x1400, $0x38;
	[tilespmem:$0x1FC00] =	vst v63  }
0x56: {  	_ =	swait.ge [sflag:s28], $0x1400  }
0x57: {  	[sflag:s28] =	ssyncset.done $0x0  }
0x58: {  	[sflag:s28] =	ssyncadd.s32 $0xFFFFEC00  }
0x59: {  	[spmem:s19] =	stream.linear.scatter [tilespmem:s26], [sflag:$0x5], $0x1400, $0x38;
	[tilespmem:$0x1FC00] =	vst v63  }
0x5a: {  	_ =	swait.ge [sflag:s28], $0x1400  }
0x5b: {  	[sflag:s28] =	ssyncset.done $0x0  }
0x5c: {  	[sflag:s28] =	ssyncadd.s32 $0xFFFFEC00  }
0x5d: {  	[spmem:s20] =	stream.linear.scatter [tilespmem:s26], [sflag:$0x5], $0x1400, $0x38;
	[tilespmem:$0x1FC00] =	vst v63  }
0x5e: {  	_ =	swait.ge [sflag:s28], $0x1400  }
0x5f: {  	[sflag:s28] =	ssyncset.done $0x0  }
0x60: {  	[sflag:s28] =	ssyncadd.s32 $0xFFFFEC00  }
0x61: {  	[spmem:s21] =	stream.linear.scatter [tilespmem:s26], [sflag:$0x5], $0x1400, $0x38;
	[tilespmem:$0x1FC00] =	vst v63  }
0x62: {  	_ =	swait.ge [sflag:s28], $0x1400  }
0x63: {  	[sflag:s28] =	ssyncset.done $0x0  }
0x64: {  	[sflag:s28] =	ssyncadd.s32 $0xFFFFEC00  }
0x65: {  	[spmem:s22] =	stream.linear.scatter [tilespmem:s26], [sflag:$0x5], $0x1400, $0x38;
	[tilespmem:$0x1FC00] =	vst v63  }
0x66: {  	_ =	swait.ge [sflag:s28], $0x1400  }
0x67: {  	[sflag:s28] =	ssyncset.done $0x0  }
0x68: {  	[sflag:s28] =	ssyncadd.s32 $0xFFFFEC00  }
0x69: {  	s14 =	simm.s32 $0x0;
	s15 =	simm.s32 $0x0;
	[bflag:$0x0] =	sbarrier.arrive $0xFFFF  }
.LBB2_4:
0x6a: {  	s16 =	smul.u32 $0x1400, s15;
	_ =	sdelay $0x1  }
0x6b: {  	s16 =	sadd.s32 s23, s16  }
0x6c: {  	s16 =	sshrl.u32 s16, $0x3  }
0x6d: {  	s17 =	sadd.s32 s5, s16  }
0x6e: {  	[tilespmem:s14], [sflag:$0x5] =	stream.linear.gather [hbm4b:s17+s14], $0x1400, $0x38;
	[tilespmem:$0x1FC00] =	vst v63  }
0x6f: {  	_ =	swait.ge [sflag:s28], $0x1400  }
0x70: {  	[sflag:s28] =	ssyncset.done $0x0  }
0x71: {  	s16 =	sadd.s32 s6, s16;
	[sflag:s28] =	ssyncadd.s32 $0xFFFFEC00  }
0x72: {  	[tilespmem:s29], [sflag:$0x5] =	stream.linear.gather [hbm4b:s16+s14], $0x1400, $0x38;
	[tilespmem:$0x1FC00] =	vst v63  }
0x73: {  	_ =	swait.ge [sflag:s28], $0x1400  }
0x74: {  	[sflag:s28] =	ssyncset.done $0x0  }
0x75: {  	[sflag:s28] =	ssyncadd.s32 $0xFFFFEC00  }
0x76: {  	[tilespmem:s31], [sflag:$0x1] =	stream.indirect.gather [hbm4b:s4+s30], $0x80, s14, s30, $0xb8;
	[tilespmem:$0x1FC00] =	vst v63  }
0x77: {  	_ = 	snop  }
0x78: {  	[tilespmem:s0], [sflag:$0x2] =	stream.indirect.gather [hbm4b:s4+s30], $0x80, s30, s30, $0xb8;
	[tilespmem:$0x1FC00] =	vst v63  }
0x79: {  	_ =	swait.ge [sflag:s3], $0x4000  }
0x7a: {  	[sflag:s3] =	ssyncset.done $0x0  }
0x7b: {  	s18 =	simm.s32 $0x1400;
	[sflag:s3] =	ssyncadd.s32 $0xFFFFC000  }
0x7c: {  	[spmem:s1] =	stream.indirect.scatter.add.f32 [tilespmem:s31], [sflag:$0x3], $0x80, s18, s30, $0xb8;
	[tilespmem:$0x1FC00] =	vst v63  }
0x7d: {  	_ =	swait.ge [sflag:s8], $0x4000  }
0x7e: {  	[sflag:s8] =	ssyncset.done $0x0  }
0x7f: {  	s17 =	simm.s32 $0x100;
	[sflag:s8] =	ssyncadd.s32 $0xFFFFC000  }
0x80: {  	[tilespmem:s31], [sflag:$0x1] =	stream.indirect.gather [hbm4b:s4+s30], $0x80, s17, s30, $0xb8;
	[tilespmem:$0x1FC00] =	vst v63  }
0x81: {  	_ =	swait.ge [sflag:s9], $0x4000  }
0x82: {  	[sflag:s9] =	ssyncset.done $0x0  }
0x83: {  	s18 =	simm.s32 $0x1480;
	[sflag:s9] =	ssyncadd.s32 $0xFFFFC000  }
0x84: {  	[spmem:s1] =	stream.indirect.scatter.add.f32 [tilespmem:s0], [sflag:$0x4], $0x80, s18, s30, $0xb8;
	[tilespmem:$0x1FC00] =	vst v63  }
0x85: {  	_ =	swait.ge [sflag:s10], $0x4000  }
0x86: {  	[sflag:s10] =	ssyncset.done $0x0  }
0x87: {  	s16 =	simm.s32 $0x400;
	s17 =	simm.s32 $0x180;
	[sflag:s10] =	ssyncadd.s32 $0xFFFFC000  }
.LBB2_5:
0x88: {  	[tilespmem:s0], [sflag:$0x2] =	stream.indirect.gather [hbm4b:s4+s30], $0x80, s17, s30, $0xb8;
	[tilespmem:$0x1FC00] =	vst v63  }
0x89: {  	s17 =	smov.u32 s16  }
0x8a: {  	p0 =	sne.s32 s16, $0x4800;
	s16 =	sadd.s32 $0x400, s16;
	_ =	swait.ge [sflag:s3], $0x4000  }
0x8b: {  	s17 =	sshra.s32 s17, $0x2;
	[sflag:s3] =	ssyncset.done $0x0  }
0x8c: {  	s18 =	sadd.s32 $0x1400, s17;
	[sflag:s3] =	ssyncadd.s32 $0xFFFFC000  }
0x8d: {  	[spmem:s1] =	stream.indirect.scatter.add.f32 [tilespmem:s31], [sflag:$0x3], $0x80, s18, s30, $0xb8;
	[tilespmem:$0x1FC00] =	vst v63  }
0x8e: {  	_ =	swait.ge [sflag:s8], $0x4000  }
0x8f: {  	[sflag:s8] =	ssyncset.done $0x0  }
0x90: {  	s18 =	sadd.s32 $0x100, s17;
	[sflag:s8] =	ssyncadd.s32 $0xFFFFC000  }
0x91: {  	[tilespmem:s31], [sflag:$0x1] =	stream.indirect.gather [hbm4b:s4+s30], $0x80, s18, s30, $0xb8;
	[tilespmem:$0x1FC00] =	vst v63  }
0x92: {  	_ =	swait.ge [sflag:s9], $0x4000  }
0x93: {  	[sflag:s9] =	ssyncset.done $0x0  }
.Ltmp1:
0x94: {  	s18 =	sadd.s32 $0x1480, s17;
	[sflag:s9] =	ssyncadd.s32 $0xFFFFC000;
	(pc) =	sbr.rel @p0 .LBB2_5-.Ltmp1, $4  }
0x95: {  	[spmem:s1] =	stream.indirect.scatter.add.f32 [tilespmem:s0], [sflag:$0x4], $0x80, s18, s30, $0xb8;
	[tilespmem:$0x1FC00] =	vst v63  }
0x96: {  	_ =	swait.ge [sflag:s10], $0x4000  }
0x97: {  	[sflag:s10] =	ssyncset.done $0x0  }
0x98: {  	s17 =	sadd.s32 $0x180, s17;
	[sflag:s10] =	ssyncadd.s32 $0xFFFFC000  }
0x99: {  	[tilespmem:s0], [sflag:$0x2] =	stream.indirect.gather [hbm4b:s4+s30], $0x80, s17, s30, $0xb8;
	[tilespmem:$0x1FC00] =	vst v63  }
0x9a: {  	_ =	swait.ge [sflag:s3], $0x4000  }
0x9b: {  	[sflag:s3] =	ssyncset.done $0x0  }
0x9c: {  	[sflag:s3] =	ssyncadd.s32 $0xFFFFC000  }
0x9d: {  	[spmem:s1] =	stream.indirect.scatter.add.f32 [tilespmem:s31], [sflag:$0x3], $0x80, s11, s30, $0xb8;
	[tilespmem:$0x1FC00] =	vst v63  }
0x9e: {  	_ =	swait.ge [sflag:s9], $0x4000  }
0x9f: {  	[sflag:s9] =	ssyncset.done $0x0  }
0xa0: {  	s15 =	sadd.s32 $0x1, s15;
	[sflag:s9] =	ssyncadd.s32 $0xFFFFC000  }
0xa1: {  	[spmem:s1] =	stream.indirect.scatter.add.f32 [tilespmem:s0], [sflag:$0x4], $0x80, s12, s30, $0xb8;
	[tilespmem:$0x1FC00] =	vst v63  }
0xa2: {  	p0 =	sne.s32 s15, $0x4;
	_ =	swait.ge [sflag:s8], $0x4000  }
.Ltmp2:
0xa3: {  	[sflag:s8] =	ssyncset.done $0x0;
	(pc) =	sbr.rel @p0 .LBB2_4-.Ltmp2, $4  }
0xa4: {  	[sflag:s8] =	ssyncadd.s32 $0xFFFFC000  }
0xa5: {  	_ =	swait.ge [sflag:s10], $0x4000  }
0xa6: {  	[sflag:s10] =	ssyncset.done $0x0  }
0xa7: {  	[sflag:s10] =	ssyncadd.s32 $0xFFFFC000  }
0xa8: {  	[bflag:$0x0] =	sbarrier.arrive $0xFFFF  }
0xa9: {  	[tilespmem:s26], [sflag:$0x5] =	stream.linear.gather [spmem:s7], $0x1400, $0x38;
	[tilespmem:$0x1FC00] =	vst v63  }
0xaa: {  	_ =	swait.ge [sflag:s28], $0x1400  }
0xab: {  	[sflag:s28] =	ssyncset.done $0x0  }
0xac: {  	s14 =	sadd.s32 $0x0, s25;
	[sflag:s28] =	ssyncadd.s32 $0xFFFFEC00  }
0xad: {  	[hbm4b:s14+s2] =	stream.linear.scatter [tilespmem:s26], [sflag:$0x5], $0x1400, $0x38;
	[tilespmem:$0x1FC00] =	vst v63  }
0xae: {  	_ =	swait.ge [sflag:s28], $0x1400  }
0xaf: {  	s15 =	smov.u32 s7;
	s14 =	simm.s32 $0x280;
	[sflag:s28] =	ssyncset.done $0x0  }
.LBB2_8:
0xb0: {  	p0 =	sne.s32 s14, $0x2580;
	[sflag:s28] =	ssyncadd.s32 $0xFFFFEC00;
	s15 =	sadd.s32 $0x1400, s15  }
0xb1: {  	[tilespmem:s26], [sflag:$0x5] =	stream.linear.gather [spmem:s15], $0x1400, $0x38;
	[tilespmem:$0x1FC00] =	vst v63  }
0xb2: {  	s16 =	smov.u32 s14;
	s14 =	sadd.s32 $0x280, s14;
	_ =	swait.ge [sflag:s28], $0x1400  }
.Ltmp3:
0xb3: {  	[sflag:s28] =	ssyncset.done $0x0;
	(pc) =	sbr.rel @p0 .LBB2_8-.Ltmp3, $4  }
0xb4: {  	s16 =	sadd.s32 s16, s25;
	[sflag:s28] =	ssyncadd.s32 $0xFFFFEC00  }
0xb5: {  	[hbm4b:s16+s2] =	stream.linear.scatter [tilespmem:s26], [sflag:$0x5], $0x1400, $0x38;
	[tilespmem:$0x1FC00] =	vst v63  }
0xb6: {  	_ =	swait.ge [sflag:s28], $0x1400  }
0xb7: {  	[sflag:s28] =	ssyncset.done $0x0  }
0xb8: {  	s13 =	sadd.s32 $0x1, s13  }
0xb9: {  	p0 =	sne.s32 s13, s24  }
.Ltmp4:
0xba: {  	_ = 	snop;
	(pc) =	sbr.rel @p0 .LBB2_1-.Ltmp4, $2  }
0xbb: {  	_ =	sdelay $0x2  }
0xbc: {  	[sflag:s28] =	ssyncadd.s32 $0xFFFFEC00  }
0xbd: {  	_ =	sfence.sel $0x180000  }
0xbe: {  	[bflag:$0x0] =	sbarrier.arrive $0xFFFF  }
0xbf: {  	_ =	strace $0x9000004D  }
0xc0: {  	s0 =	stileid.u32;
	[bflag:$0x2] =	sbarrier.arrive $0xFFFF  }
0xc1: {  	p0 =	sne.s32 s0, $0x0;
	s0 =	rddreg [dreg:$0x2]  }
0xc2: {  	s0 =	sadd.s32 @!p0 $0x100000, s0  }
0xc3: {  	[sflag:s0] =	ssyncadd.tile.s32 @!p0 $0x1;
	_ =	shalt  }
.Lfunc_end2:
_tile_overlayer_lowered:
.L_overlay_start_2:
0xc4: {  	(tag) =	ssettag $0x2  }
0xc5: {  	s0 =	rddreg [dreg:$0x0];
	s2 =	stileid.u32  }
0xc6: {  	s1 =	rddreg [dreg:$0x1];
	p0 =	sne.s32 s2, $0x0  }
0xc7: {  	s3 =	rddreg [dreg:$0x2];
	[bflag:$0x3] =	sbarrier.arrive $0xFFFF;
	s2 =	simm.s32 @!p0 $0x1C05  }
0xc8: {  	[timem:s3], [sflag:s2] =	dma.local @!p0 [hbm:s0], s1  }
0xc9: {  	s0 =	simm.s32 @!p0 $0x5  }
0xca: {  	_ =	swait.ge @!p0 [sflag:s0], s1  }
0xcb: {  	s1 =	ssub.s32 @!p0 $0x0, s1;
	[sflag:s0] =	ssyncset.done @!p0 $0x0  }
0xcc: {  	[sflag:s0] =	ssyncadd.s32 @!p0 s1  }
0xcd: {  	[bflag:$0x3] =	sbarrier.arrive $0xFFFF  }
0xce: {  	_ =	shalt  }

// kernel: _run.19.cloned.1.call-start
scs
__scs_entry_jumppad:
0x0: {  	(pc) =	sbr.rel $0x88, $3  }
0x1: {  	(tag) =	ssettag $0x0;
	lr =	simm.s32 $0x1  }
0x2: {  	[smem:$0x3F98] =	sst lr;
	_ =	strace $0xD0000000  }
0x3: {  	_ = 	snop  }
0x4: {  	_ = 	snop  }
0x5: {  	_ = 	snop  }
0x6: {  	_ = 	snop  }
0x7: {  	_ = 	snop  }
__scs_overlays_trampoline_lowered:
0x8: {  	[smem:$0x3FA7] =	sst s0  }
0x9: {  	[smem:$0x3FA8] =	sst s1  }
0xa: {  	[smem:$0x3FA9] =	sst s2  }
0xb: {  	[smem:$0x3FAA] =	sst s3  }
0xc: {  	[smem:$0x3FAB] =	sst s4  }
0xd: {  	[smem:$0x3FAC] =	sst s5  }
0xe: {  	[smem:$0x3FAD] =	sst s6  }
0xf: {  	[smem:$0x3FAE] =	sst s7  }
0x10: {  	[smem:$0x3FAF] =	sst s8  }
0x11: {  	[smem:$0x3FB0] =	sst s9;
	s0 =	simm.s32 @!p0 $0x0  }
0x12: {  	s1 =	sld [smem:$0x3F96];
	s0 =	simm.s32 @p0 $0x1  }
0x13: {  	[smem:$0x3FB1] =	sst s0;
	s0 =	simm.s32 @!p1 $0x0  }
0x14: {  	s2 =	sld [smem:$0x3F95];
	s0 =	simm.s32 @p1 $0x1  }
0x15: {  	[smem:$0x3FB2] =	sst s0;
	s0 =	simm.s32 @!p2 $0x0  }
0x16: {  	s3 =	sld [smem:$0x3FDB];
	s0 =	simm.s32 @p2 $0x1  }
0x17: {  	s4 =	simm.s32 $0x1BF5;
	[smem:$0x3FB4] =	sst s0  }
0x18: {  	s0 =	sld [smem:$0x3F97];
	_ =	swait.ge [sflag:s4], $0x0  }
0x19: {  	s7 =	sld [smem:$0x3F98]  }
0x1a: {  	s8 =	sadd.s32 $0xFFFFE003, lr  }
0x1b: {  	s9 =	sadd.s32 $0xFFFFFEF7, lr;
	s5 =	simm.s32 $0xFFFFFFFF;
	p2 =	slt.u32 s8, $0xFFFFF086  }
0x1c: {  	p1 =	slt.u32 s9, $0xF7A;
	s5 =	simm.s32 @!p2 $0x0  }
0x1d: {  	s5 =	simm.s32 @p1 $0x1;
	p0 =	seq.s32 s7, s2  }
0x1e: {  	s7 =	smul.u32 @!p0 $0xF7A, s2;
	p2 =	seq.s32 @!p0 s5, $0x0  }
0x1f: {  	s9 =	smul.u32 $0xF7A, s1;
	s8 =	simm.s32 @!p0 $0x1BF5;
	p2 =	por !p2, p0  }
0x20: {  	[sflag:s8] =	ssyncset.s32 @!p0 $0xFFFFF086;
	s6 =	sadd.s32 @!p0 s3, s7;
	s7 =	simm.s32 @!p0 $0x108  }
0x21: {  	s3 =	sadd.s32 s3, s9;
	s6 =	sadd.s32 @!p0 $0x88, s6;
	s7 =	simm.s32 @p2 $0x1082  }
0x22: {  	[simem:s7], [sflag:s8] =	dma.local @!p0 [hbm:s6], $0xF7A  }
0x23: {  	s9 =	sor.u32 $0xD0000000, s2;
	s6 =	simm.s32 $0x108;
	_ =	swait.ge @!p0 [sflag:s8], $0x0  }
0x24: {  	s3 =	sadd.s32 $0x88, s3;
	s6 =	simm.s32 @!p1 $0x1082;
	[sflag:s4] =	ssyncset.s32 $0xFFFFF086  }
0x25: {  	[simem:s6], [sflag:s4] =	dma.local [hbm:s3], $0xF7A  }
0x26: {  	[smem:$0x3F98] =	sst s1;
	(tag) =	ssettag s2;
	_ =	strace s9  }
0x27: {  	s1 =	sld [smem:$0x3FA8]  }
0x28: {  	s2 =	sld [smem:$0x3FA9]  }
0x29: {  	s4 =	sld [smem:$0x3FAB]  }
0x2a: {  	p0 =	seq.s32 s5, $0x0;
	s5 =	sld [smem:$0x3FAC]  }
0x2b: {  	s6 =	sld [smem:$0x3FAD]  }
0x2c: {  	s7 =	sld [smem:$0x3FAE]  }
0x2d: {  	s3 =	simm.s32 $0x108;
	s8 =	sld [smem:$0x3FAF]  }
0x2e: {  	s3 =	simm.s32 @!p0 $0x1082;
	s9 =	sld [smem:$0x3FB0]  }
0x2f: {  	lr =	sadd.s32 s0, s3;
	s0 =	sld [smem:$0x3FA7]  }
0x30: {  	s3 =	sld [smem:$0x3FAA]  }
0x31: {  	[smem:$0x3FB3] =	sst s10  }
0x32: {  	s10 =	sld [smem:$0x3FB1];
	_ =	sdelay $0x3  }
0x33: {  	p0 =	seq.s32 s10, $0x1;
	s10 =	sld [smem:$0x3FB3];
	_ =	sdelay $0x3  }
0x34: {  	[smem:$0x3FB3] =	sst s10  }
0x35: {  	s10 =	sld [smem:$0x3FB2];
	_ =	sdelay $0x3  }
0x36: {  	p1 =	seq.s32 s10, $0x1;
	s10 =	sld [smem:$0x3FB3];
	_ =	sdelay $0x3  }
0x37: {  	[smem:$0x3FB3] =	sst s10  }
0x38: {  	s10 =	sld [smem:$0x3FB4]  }
0x39: {  	_ = 	snop;
	(pc) =	sbr.ind lr, $3  }
0x3a: {  	_ = 	snop  }
0x3b: {  	_ = 	snop  }
0x3c: {  	p2 =	seq.s32 s10, $0x1;
	s10 =	sld [smem:$0x3FB3]  }
0x3d: {  	_ =	shalt  }
0x3e: {  	_ =	shalt  }
0x3f: {  	_ =	shalt  }
0x40: {  	_ =	shalt  }
0x41: {  	_ =	shalt  }
0x42: {  	_ =	shalt  }
0x43: {  	_ =	shalt  }
0x44: {  	_ =	shalt  }
0x45: {  	_ =	shalt  }
0x46: {  	_ =	shalt  }
0x47: {  	_ =	shalt  }
0x48: {  	_ =	shalt  }
0x49: {  	_ =	shalt  }
0x4a: {  	_ =	shalt  }
0x4b: {  	_ =	shalt  }
0x4c: {  	_ =	shalt  }
0x4d: {  	_ =	shalt  }
0x4e: {  	_ =	shalt  }
0x4f: {  	_ =	shalt  }
0x50: {  	_ =	shalt  }
0x51: {  	_ =	shalt  }
0x52: {  	_ =	shalt  }
0x53: {  	_ =	shalt  }
0x54: {  	_ =	shalt  }
0x55: {  	_ =	shalt  }
0x56: {  	_ =	shalt  }
0x57: {  	_ =	shalt  }
0x58: {  	_ =	shalt  }
0x59: {  	_ =	shalt  }
0x5a: {  	_ =	shalt  }
0x5b: {  	_ =	shalt  }
0x5c: {  	_ =	shalt  }
0x5d: {  	_ =	shalt  }
0x5e: {  	_ =	shalt  }
0x5f: {  	_ =	shalt  }
0x60: {  	_ =	shalt  }
0x61: {  	_ =	shalt  }
0x62: {  	_ =	shalt  }
0x63: {  	_ =	shalt  }
0x64: {  	_ =	shalt  }
0x65: {  	_ =	shalt  }
0x66: {  	_ =	shalt  }
0x67: {  	_ =	shalt  }
0x68: {  	_ =	shalt  }
0x69: {  	_ =	shalt  }
0x6a: {  	_ =	shalt  }
0x6b: {  	_ =	shalt  }
0x6c: {  	_ =	shalt  }
0x6d: {  	_ =	shalt  }
0x6e: {  	_ =	shalt  }
0x6f: {  	_ =	shalt  }
0x70: {  	_ =	shalt  }
0x71: {  	_ =	shalt  }
0x72: {  	_ =	shalt  }
0x73: {  	_ =	shalt  }
0x74: {  	_ =	shalt  }
0x75: {  	_ =	shalt  }
0x76: {  	_ =	shalt  }
0x77: {  	_ =	shalt  }
0x78: {  	_ =	shalt  }
0x79: {  	_ =	shalt  }
0x7a: {  	_ =	shalt  }
0x7b: {  	_ =	shalt  }
0x7c: {  	_ =	shalt  }
0x7d: {  	_ =	shalt  }
0x7e: {  	_ =	shalt  }
0x7f: {  	_ =	shalt  }
0x80: {  	_ =	shalt  }
0x81: {  	_ =	shalt  }
0x82: {  	_ =	shalt  }
0x83: {  	_ =	shalt  }
0x84: {  	_ =	shalt  }
0x85: {  	_ =	shalt  }
0x86: {  	_ =	shalt  }
0x87: {  	_ =	shalt  }
.Lfunc_end0:
.L_simem_size_0:
called_computation.3_lowered:
.L_overlay_start_0:
0x88: {  	s2 =	sld [smem:$0x3FD9]  }
0x89: {  	s3 =	sld [smem:$0x3FFE];
	_ =	sdelay $0x1  }
0x8a: {  	s1 =	srdreg.scid  }
0x8b: {  	s0 =	sand.u32 $0x1, s1  }
0x8c: {  	s17 =	sshll.u32 s0, $0xA;
	s2 =	sadd.s32 s3, s2  }
0x8d: {  	s2 =	sadd.s32 s2, s17  }
0x8e: {  	[smem:$0x3FBF] =	sst s2  }
0x8f: {  	_ = 	snop  }
0x90: {  	s2 =	sld [smem:$0x3FD0];
	(tm) =	ssettm $0x1  }
0x91: {  	s18 =	sld [smem:$0x3FFB];
	_ =	sdelay $0x3  }
0x92: {  	_ =	strace s18  }
0x93: {  	s3 =	sld [smem:$0x3FFC];
	_ =	sdelay $0x3  }
0x94: {  	_ =	strace s3  }
0x95: {  	s3 =	sld [smem:$0x3FFD];
	_ =	sdelay $0x3  }
0x96: {  	_ =	strace s3  }
0x97: {  	_ =	strace $0x8FFFFFFF  }
0x98: {  	s19 =	sld [smem:$0x3FDB];
	_ =	sdelay $0x1  }
0x99: {  	s4 =	simm.s32 $_scs_section_size  }
0x9a: {  	s5 =	simm.s32 $_size__tile_overlayer_lowered;
	s6 =	simm.s32 $_tile_overlayer_lowered  }
0x9b: {  	s22 =	simm.s32 $0x1BFF;
	s21 =	sshll.u32 s6, $0x1;
	s3 =	sadd.s32 s4, s19  }
0x9c: {  	s7 =	simm.s32 $0x0;
	s20 =	sshll.u32 s5, $0x1;
	s5 =	sadd.s32 s21, s3  }
0x9d: {  	[timem:s7], [sflag:s22] =	dma.local [hbm:s5], s20  }
0x9e: {  	_ =	swait.ge [sflag:s22], s20  }
0x9f: {  	s4 =	ssub.s32 $0x0, s20;
	[sflag:s22] =	ssyncset.done $0x0  }
0xa0: {  	[sflag:s22] =	ssyncadd.s32 s4;
	_ =	sdelay $0x1  }
0xa1: {  	s23 =	simm.s32 $0x1B8B  }
0xa2: {  	_ =	swait.ge [sflag:s23], $0x1  }
0xa3: {  	[sflag:s23] =	ssyncset.done $0x0  }
0xa4: {  	s25 =	simm.s32 $0x1B8E;
	s24 =	sld [smem:$0x3FFE];
	[sflag:s23] =	ssyncadd.s32 $0xFFFFFFFF  }
0xa5: {  	s26 =	simm.s32 $execute0_lowered;
	[smem:$0x3FD2] =	sst s25  }
0xa6: {  	s5 =	sshll.u32 s26, $0x1;
	_ =	strace $0x8000004F;
	[dreg:$0x1] =	wrdreg $0xFFFFFFFF  }
0xa7: {  	s28 =	simm.s32 $_size_execute0_lowered;
	s3 =	sadd.s32 s3, s5;
	[dreg:$0x0] =	wrdreg $0x0  }
0xa8: {  	s5 =	sshll.u32 s28, $0x1;
	[dreg:$0x2] =	wrdreg s3  }
0xa9: {  	[dreg:$0x3] =	wrdreg s5  }
0xaa: {  	[dreg:$0x4] =	wrdreg $0xC0  }
0xab: {  	_ =	task [dreg:s7], $0x5FFFF  }
0xac: {  	[dreg:$0x1] =	wrdreg $0xFFFFFFFF  }
0xad: {  	[dreg:$0x0] =	wrdreg $0x60  }
0xae: {  	[dreg:$0x2] =	wrdreg s24  }
0xaf: {  	[dreg:$0x3] =	wrdreg s2  }
0xb0: {  	[dreg:$0x4] =	wrdreg $0xBC000  }
0xb1: {  	[dreg:$0x5] =	wrdreg $0x9  }
0xb2: {  	_ =	task.clear_ibuf [dreg:s7], $0x6FFFF;
	_ =	strace $0x9000004F  }
0xb3: {  	s29 =	simm.s32 $0x9;
	_ =	strace $0x80000051  }
0xb4: {  	_ =	swait.ge [sflag:s29], $0x1  }
0xb5: {  	[sflag:s29] =	ssyncadd.s32 $0xFFFFFFFF  }
0xb6: {  	_ =	strace $0x90000051  }
0xb7: {  	_ =	sfence  }
0xb8: {  	s30 =	sld [smem:$0x0];
	_ =	sdelay $0x2  }
0xb9: {  	s31 =	sshll.u32 s1, $0xD;
	s1 =	sshrl.u32 s1, $0x2  }
0xba: {  	s3 =	sand.u32 $0x4000, s31;
	s1 =	sadd.s32 s1, s30  }
0xbb: {  	s0 =	sor.u32 s3, s0;
	s1 =	sshll.u32 s1, $0x11  }
0xbc: {  	s0 =	sor.u32 s1, s0  }
0xbd: {  	s0 =	sadd.s32 $0x8F2B, s0  }
0xbe: {  	[sflag:s0] =	ssyncadd.remote.s32 $0x1  }
0xbf: {  	_ =	sfence.sel $0xFFFF  }
0xc0: {  	[dreg:$0x0] =	wrdreg $0xFFFFFFFF;
	(pc) =	sbr.abs _section_cstart, $3  }
0xc1: {  	[dreg:$0x1] =	wrdreg $0xFFFFFFFF  }
0xc2: {  	_ =	task.clear_ibuf [dreg:s7], $0x2FFFF;
	_ =	strace $0x9FFFFFFF  }
0xc3: {  	(tm) =	ssettm $0x7FFFFFFF  }
tec
execute0_lowered:
.L_overlay_start_1:
0x0: {  	(tag) =	ssettag $0x1  }
0x1: {  	s0 =	rddreg [dreg:$0x0]  }
0x2: {  	s3 =	rddreg [dreg:$0x1]  }
0x3: {  	s1 =	rddreg [dreg:$0x2];
	s2 =	simm.s32 $0x0  }
0x4: {  	s4 =	srdreg.scid;
	s10 =	stileid.u32;
	s28 =	simm.s32 $0xA800  }
0x5: {  	s29 =	simm.s32 $0x5;
	s30 =	simm.s32 $0x1400;
	s31 =	simm.s32 $0x80  }
0x6: {  	s11 =	simm.s32 $0x2780;
	s12 =	simm.s32 $0x0;
	s7 =	smul.u32 $0x50000, s10  }
0x7: {  	[smem:$0x7FF] =	sst s2;
	s5 =	sand.u32 $0x1, s4;
	s4 =	sadd.s32 $0x3800, s0  }
0x8: {  	s8 =	sadd.s32 $0xCB800, s0;
	s26 =	smul.u32 $0x2800, s10;
	s7 =	sshrl.u32 s7, $0x2  }
0x9: {  	s6 =	smul.u32 $0x28000, s5;
	_ =	strace $0x80000050;
	s14 =	sadd.s32 s7, s1  }
0xa: {  	s16 =	ssub.s32 $0x2, s5;
	s5 =	sshll.u32 s5, $0x4;
	s7 =	sadd.s32 $0x1400, s14  }
0xb: {  	s9 =	sshrl.u32 s16, $0x1;
	s17 =	sadd.s32 $0x2800, s14;
	[dreg:$0x4] =	wrdreg s7  }
0xc: {  	s5 =	sor.u32 s10, s5;
	s18 =	sadd.s32 $0x3C00, s14;
	[dreg:$0x5] =	wrdreg s17  }
0xd: {  	s10 =	simm.s32 $0x2700;
	s19 =	sadd.s32 $0x5000, s14;
	[dreg:$0x6] =	wrdreg s18  }
0xe: {  	s0 =	sadd.s32 s6, s0;
	s20 =	sadd.s32 $0x6400, s14;
	[dreg:$0x7] =	wrdreg s19  }
0xf: {  	s6 =	ssub.s32 s16, s9;
	s21 =	sadd.s32 $0x7800, s14;
	[dreg:$0x8] =	wrdreg s20  }
0x10: {  	s5 =	smul.u32 $0x2800, s5;
	s22 =	sadd.s32 $0x8C00, s14;
	[dreg:$0x9] =	wrdreg s21  }
0x11: {  	s9 =	simm.s32 $0x4;
	s23 =	sadd.s32 $0xA000, s14;
	[dreg:$0xa] =	wrdreg s22  }
0x12: {  	s24 =	sadd.s32 $0xB400, s14;
	s25 =	sadd.s32 $0xC800, s14;
	[dreg:$0xb] =	wrdreg s23  }
0x13: {  	s16 =	sadd.s32 $0xDC00, s14;
	s0 =	sadd.s32 s26, s0;
	[dreg:$0xc] =	wrdreg s24  }
0x14: {  	s26 =	sadd.s32 $0x12C00, s14;
	[dreg:$0xd] =	wrdreg s25;
	s5 =	sshrl.u32 s5, $0x3  }
0x15: {  	s17 =	sadd.s32 $0xF000, s14;
	s22 =	sadd.s32 $0x10400, s14;
	s23 =	sadd.s32 $0x11800, s14  }
0x16: {  	s24 =	smax.u32 s6, $0x1;
	s25 =	sadd.s32 $0x53800, s0;
	s0 =	simm.s32 $0x2800  }
0x17: {  	s18 =	sadd.s32 s8, s5;
	s19 =	sadd.s32 s3, s5;
	s5 =	sadd.s32 $0x280, s5  }
0x18: {  	s6 =	simm.s32 $0x1;
	s7 =	simm.s32 $0x3;
	s20 =	sadd.s32 s8, s5  }
0x19: {  	v0 =	vimm.f32 $0.0e+00;
	s21 =	sadd.s32 s3, s5;
	s3 =	simm.s32 $0x6800;
	s8 =	simm.s32 $0x2  }
.LBB2_1:
0x1a: {  	s13 =	simm.s32 $0x0;
	s5 =	simm.s32 $0x200  }
.LBB2_2:
0x1b: {  	p0 =	sne.s32 s5, $0x4E00;
	[tilespmem:s13+$0xA870] =	vst v0  }
0x1c: {  	[tilespmem:s13+$0xA800] =	vst v0  }
0x1d: {  	[tilespmem:s13+$0xA810] =	vst v0  }
.Ltmp0:
0x1e: {  	[tilespmem:s13+$0xA820] =	vst v0;
	(pc) =	sbr.rel @p0 .LBB2_2-.Ltmp0, $4  }
0x1f: {  	[tilespmem:s13+$0xA830] =	vst v0  }
0x20: {  	[tilespmem:s13+$0xA840] =	vst v0  }
0x21: {  	[tilespmem:s13+$0xA850] =	vst v0  }
0x22: {  	[tilespmem:s13+$0xA860] =	vst v0;
	s13 =	sshra.s32 s5, $0x2;
	s5 =	sadd.s32 $0x200, s5  }
0x23: {  	[tilespmem:s13+$0xA870] =	vst v0  }
0x24: {  	[tilespmem:s13+$0xA800] =	vst v0  }
0x25: {  	[tilespmem:s13+$0xA810] =	vst v0  }
0x26: {  	[tilespmem:s13+$0xA820] =	vst v0  }
0x27: {  	[tilespmem:s13+$0xA830] =	vst v0  }
0x28: {  	[tilespmem:s13+$0xA840] =	vst v0  }
0x29: {  	[tilespmem:s13+$0xA850] =	vst v0  }
0x2a: {  	[tilespmem:s13+$0xA860] =	vst v0  }
0x2b: {  	[spmem:s14] =	stream.linear.scatter [tilespmem:s28], [sflag:$0x5], $0x1400, $0x38;
	[tilespmem:$0x1FC00] =	vst v63  }
0x2c: {  	_ =	swait.ge [sflag:s29], $0x1400  }
0x2d: {  	[sflag:s29] =	ssyncset.done $0x0  }
0x2e: {  	s5 =	rddreg [dreg:$0x4];
	[sflag:s29] =	ssyncadd.s32 $0xFFFFEC00  }
0x2f: {  	[spmem:s5] =	stream.linear.scatter [tilespmem:s28], [sflag:$0x5], $0x1400, $0x38;
	[tilespmem:$0x1FC00] =	vst v63  }
0x30: {  	_ =	swait.ge [sflag:s29], $0x1400  }
0x31: {  	[sflag:s29] =	ssyncset.done $0x0  }
0x32: {  	s15 =	rddreg [dreg:$0x5];
	[sflag:s29] =	ssyncadd.s32 $0xFFFFEC00  }
0x33: {  	[spmem:s15] =	stream.linear.scatter [tilespmem:s28], [sflag:$0x5], $0x1400, $0x38;
	[tilespmem:$0x1FC00] =	vst v63  }
0x34: {  	_ =	swait.ge [sflag:s29], $0x1400  }
0x35: {  	[sflag:s29] =	ssyncset.done $0x0  }
0x36: {  	s13 =	rddreg [dreg:$0x6];
	[sflag:s29] =	ssyncadd.s32 $0xFFFFEC00  }
0x37: {  	[spmem:s13] =	stream.linear.scatter [tilespmem:s28], [sflag:$0x5], $0x1400, $0x38;
	[tilespmem:$0x1FC00] =	vst v63  }
0x38: {  	_ =	swait.ge [sflag:s29], $0x1400  }
0x39: {  	[sflag:s29] =	ssyncset.done $0x0  }
0x3a: {  	s15 =	rddreg [dreg:$0x7];
	[sflag:s29] =	ssyncadd.s32 $0xFFFFEC00  }
0x3b: {  	[spmem:s15] =	stream.linear.scatter [tilespmem:s28], [sflag:$0x5], $0x1400, $0x38;
	[tilespmem:$0x1FC00] =	vst v63  }
0x3c: {  	_ =	swait.ge [sflag:s29], $0x1400  }
0x3d: {  	[sflag:s29] =	ssyncset.done $0x0  }
0x3e: {  	s13 =	rddreg [dreg:$0x8];
	[sflag:s29] =	ssyncadd.s32 $0xFFFFEC00  }
0x3f: {  	[spmem:s13] =	stream.linear.scatter [tilespmem:s28], [sflag:$0x5], $0x1400, $0x38;
	[tilespmem:$0x1FC00] =	vst v63  }
0x40: {  	_ =	swait.ge [sflag:s29], $0x1400  }
0x41: {  	[sflag:s29] =	ssyncset.done $0x0  }
0x42: {  	s15 =	rddreg [dreg:$0x9];
	[sflag:s29] =	ssyncadd.s32 $0xFFFFEC00  }
0x43: {  	[spmem:s15] =	stream.linear.scatter [tilespmem:s28], [sflag:$0x5], $0x1400, $0x38;
	[tilespmem:$0x1FC00] =	vst v63  }
0x44: {  	_ =	swait.ge [sflag:s29], $0x1400  }
0x45: {  	[sflag:s29] =	ssyncset.done $0x0  }
0x46: {  	s13 =	rddreg [dreg:$0xa];
	[sflag:s29] =	ssyncadd.s32 $0xFFFFEC00  }
0x47: {  	[spmem:s13] =	stream.linear.scatter [tilespmem:s28], [sflag:$0x5], $0x1400, $0x38;
	[tilespmem:$0x1FC00] =	vst v63  }
0x48: {  	_ =	swait.ge [sflag:s29], $0x1400  }
0x49: {  	[sflag:s29] =	ssyncset.done $0x0  }
0x4a: {  	s15 =	rddreg [dreg:$0xb];
	[sflag:s29] =	ssyncadd.s32 $0xFFFFEC00  }
0x4b: {  	[spmem:s15] =	stream.linear.scatter [tilespmem:s28], [sflag:$0x5], $0x1400, $0x38;
	[tilespmem:$0x1FC00] =	vst v63  }
0x4c: {  	_ =	swait.ge [sflag:s29], $0x1400  }
0x4d: {  	[sflag:s29] =	ssyncset.done $0x0  }
0x4e: {  	s13 =	rddreg [dreg:$0xc];
	[sflag:s29] =	ssyncadd.s32 $0xFFFFEC00  }
0x4f: {  	[spmem:s13] =	stream.linear.scatter [tilespmem:s28], [sflag:$0x5], $0x1400, $0x38;
	[tilespmem:$0x1FC00] =	vst v63  }
0x50: {  	_ =	swait.ge [sflag:s29], $0x1400  }
0x51: {  	[sflag:s29] =	ssyncset.done $0x0  }
0x52: {  	s15 =	rddreg [dreg:$0xd];
	[sflag:s29] =	ssyncadd.s32 $0xFFFFEC00  }
0x53: {  	[spmem:s15] =	stream.linear.scatter [tilespmem:s28], [sflag:$0x5], $0x1400, $0x38;
	[tilespmem:$0x1FC00] =	vst v63  }
0x54: {  	_ =	swait.ge [sflag:s29], $0x1400  }
0x55: {  	[sflag:s29] =	ssyncset.done $0x0  }
0x56: {  	[sflag:s29] =	ssyncadd.s32 $0xFFFFEC00  }
0x57: {  	[spmem:s16] =	stream.linear.scatter [tilespmem:s28], [sflag:$0x5], $0x1400, $0x38;
	[tilespmem:$0x1FC00] =	vst v63  }
0x58: {  	_ =	swait.ge [sflag:s29], $0x1400  }
0x59: {  	[sflag:s29] =	ssyncset.done $0x0  }
0x5a: {  	[sflag:s29] =	ssyncadd.s32 $0xFFFFEC00  }
0x5b: {  	[spmem:s17] =	stream.linear.scatter [tilespmem:s28], [sflag:$0x5], $0x1400, $0x38;
	[tilespmem:$0x1FC00] =	vst v63  }
0x5c: {  	_ =	swait.ge [sflag:s29], $0x1400  }
0x5d: {  	[sflag:s29] =	ssyncset.done $0x0  }
0x5e: {  	[sflag:s29] =	ssyncadd.s32 $0xFFFFEC00  }
0x5f: {  	[spmem:s22] =	stream.linear.scatter [tilespmem:s28], [sflag:$0x5], $0x1400, $0x38;
	[tilespmem:$0x1FC00] =	vst v63  }
0x60: {  	_ =	swait.ge [sflag:s29], $0x1400  }
0x61: {  	[sflag:s29] =	ssyncset.done $0x0  }
0x62: {  	[sflag:s29] =	ssyncadd.s32 $0xFFFFEC00  }
0x63: {  	[spmem:s23] =	stream.linear.scatter [tilespmem:s28], [sflag:$0x5], $0x1400, $0x38;
	[tilespmem:$0x1FC00] =	vst v63  }
0x64: {  	_ =	swait.ge [sflag:s29], $0x1400  }
0x65: {  	[sflag:s29] =	ssyncset.done $0x0  }
0x66: {  	[sflag:s29] =	ssyncadd.s32 $0xFFFFEC00  }
0x67: {  	[spmem:s26] =	stream.linear.scatter [tilespmem:s28], [sflag:$0x5], $0x1400, $0x38;
	[tilespmem:$0x1FC00] =	vst v63  }
0x68: {  	_ =	swait.ge [sflag:s29], $0x1400  }
0x69: {  	[sflag:s29] =	ssyncset.done $0x0  }
0x6a: {  	[sflag:s29] =	ssyncadd.s32 $0xFFFFEC00  }
0x6b: {  	s13 =	simm.s32 $0x0;
	[bflag:$0x0] =	sbarrier.arrive $0xFFFF  }
0x6c: {  	[tilespmem:s13], [sflag:$0x5] =	stream.linear.gather [hbm4b:s18+s13], $0x1400, $0x38;
	[tilespmem:$0x1FC00] =	vst v63  }
0x6d: {  	_ =	swait.ge [sflag:s29], $0x1400  }
0x6e: {  	[sflag:s29] =	ssyncset.done $0x0  }
0x6f: {  	[sflag:s29] =	ssyncadd.s32 $0xFFFFEC00  }
0x70: {  	[tilespmem:s30], [sflag:$0x5] =	stream.linear.gather [hbm4b:s19+s13], $0x1400, $0x38;
	[tilespmem:$0x1FC00] =	vst v63  }
0x71: {  	_ =	swait.ge [sflag:s29], $0x1400  }
0x72: {  	[sflag:s29] =	ssyncset.done $0x0  }
0x73: {  	[sflag:s29] =	ssyncadd.s32 $0xFFFFEC00  }
0x74: {  	[tilespmem:s0], [sflag:$0x1] =	stream.indirect.gather [hbm4b:s4+s31], $0x80, s13, s31, $0xb8;
	[tilespmem:$0x1FC00] =	vst v63  }
0x75: {  	_ = 	snop  }
0x76: {  	[tilespmem:s3], [sflag:$0x2] =	stream.indirect.gather [hbm4b:s4+s31], $0x80, s31, s31, $0xb8;
	[tilespmem:$0x1FC00] =	vst v63  }
0x77: {  	_ =	swait.ge [sflag:s6], $0x4000  }
0x78: {  	[sflag:s6] =	ssyncset.done $0x0  }
0x79: {  	s15 =	simm.s32 $0x1400;
	[sflag:s6] =	ssyncadd.s32 $0xFFFFC000  }
0x7a: {  	[spmem:s1] =	stream.indirect.scatter.add.f32 [tilespmem:s0], [sflag:$0x3], $0x80, s15, s31, $0xb8;
	[tilespmem:$0x1FC00] =	vst v63  }
0x7b: {  	_ =	swait.ge [sflag:s7], $0x4000  }
0x7c: {  	[sflag:s7] =	ssyncset.done $0x0  }
0x7d: {  	s13 =	simm.s32 $0x100;
	[sflag:s7] =	ssyncadd.s32 $0xFFFFC000  }
0x7e: {  	[tilespmem:s0], [sflag:$0x1] =	stream.indirect.gather [hbm4b:s4+s31], $0x80, s13, s31, $0xb8;
	[tilespmem:$0x1FC00] =	vst v63  }
0x7f: {  	_ =	swait.ge [sflag:s8], $0x4000  }
0x80: {  	[sflag:s8] =	ssyncset.done $0x0  }
0x81: {  	s15 =	simm.s32 $0x1480;
	[sflag:s8] =	ssyncadd.s32 $0xFFFFC000  }
0x82: {  	[spmem:s1] =	stream.indirect.scatter.add.f32 [tilespmem:s3], [sflag:$0x4], $0x80, s15, s31, $0xb8;
	[tilespmem:$0x1FC00] =	vst v63  }
0x83: {  	_ =	swait.ge [sflag:s9], $0x4000  }
0x84: {  	[sflag:s9] =	ssyncset.done $0x0  }
0x85: {  	s5 =	simm.s32 $0x180;
	s13 =	simm.s32 $0x400;
	[sflag:s9] =	ssyncadd.s32 $0xFFFFC000  }
.LBB2_4:
0x86: {  	[tilespmem:s3], [sflag:$0x2] =	stream.indirect.gather [hbm4b:s4+s31], $0x80, s5, s31, $0xb8;
	[tilespmem:$0x1FC00] =	vst v63  }
0x87: {  	s5 =	smov.u32 s13  }
0x88: {  	p0 =	sne.s32 s13, $0x4800;
	s13 =	sadd.s32 $0x400, s13;
	_ =	swait.ge [sflag:s6], $0x4000  }
0x89: {  	s5 =	sshra.s32 s5, $0x2;
	[sflag:s6] =	ssyncset.done $0x0  }
0x8a: {  	s15 =	sadd.s32 $0x1400, s5;
	[sflag:s6] =	ssyncadd.s32 $0xFFFFC000  }
0x8b: {  	[spmem:s1] =	stream.indirect.scatter.add.f32 [tilespmem:s0], [sflag:$0x3], $0x80, s15, s31, $0xb8;
	[tilespmem:$0x1FC00] =	vst v63  }
0x8c: {  	_ =	swait.ge [sflag:s7], $0x4000  }
0x8d: {  	[sflag:s7] =	ssyncset.done $0x0  }
0x8e: {  	s15 =	sadd.s32 $0x100, s5;
	[sflag:s7] =	ssyncadd.s32 $0xFFFFC000  }
0x8f: {  	[tilespmem:s0], [sflag:$0x1] =	stream.indirect.gather [hbm4b:s4+s31], $0x80, s15, s31, $0xb8;
	[tilespmem:$0x1FC00] =	vst v63  }
0x90: {  	_ =	swait.ge [sflag:s8], $0x4000  }
0x91: {  	[sflag:s8] =	ssyncset.done $0x0  }
.Ltmp1:
0x92: {  	s15 =	sadd.s32 $0x1480, s5;
	[sflag:s8] =	ssyncadd.s32 $0xFFFFC000;
	(pc) =	sbr.rel @p0 .LBB2_4-.Ltmp1, $4  }
0x93: {  	[spmem:s1] =	stream.indirect.scatter.add.f32 [tilespmem:s3], [sflag:$0x4], $0x80, s15, s31, $0xb8;
	[tilespmem:$0x1FC00] =	vst v63  }
0x94: {  	_ =	swait.ge [sflag:s9], $0x4000  }
0x95: {  	[sflag:s9] =	ssyncset.done $0x0  }
0x96: {  	s5 =	sadd.s32 $0x180, s5;
	[sflag:s9] =	ssyncadd.s32 $0xFFFFC000  }
0x97: {  	[tilespmem:s3], [sflag:$0x2] =	stream.indirect.gather [hbm4b:s4+s31], $0x80, s5, s31, $0xb8;
	[tilespmem:$0x1FC00] =	vst v63  }
0x98: {  	_ =	swait.ge [sflag:s6], $0x4000  }
0x99: {  	[sflag:s6] =	ssyncset.done $0x0  }
0x9a: {  	[sflag:s6] =	ssyncadd.s32 $0xFFFFC000  }
0x9b: {  	[spmem:s1] =	stream.indirect.scatter.add.f32 [tilespmem:s0], [sflag:$0x3], $0x80, s10, s31, $0xb8;
	[tilespmem:$0x1FC00] =	vst v63  }
0x9c: {  	_ =	swait.ge [sflag:s8], $0x4000  }
0x9d: {  	[sflag:s8] =	ssyncset.done $0x0  }
0x9e: {  	[sflag:s8] =	ssyncadd.s32 $0xFFFFC000  }
0x9f: {  	[spmem:s1] =	stream.indirect.scatter.add.f32 [tilespmem:s3], [sflag:$0x4], $0x80, s11, s31, $0xb8;
	[tilespmem:$0x1FC00] =	vst v63  }
0xa0: {  	_ =	swait.ge [sflag:s7], $0x4000  }
0xa1: {  	[sflag:s7] =	ssyncset.done $0x0  }
0xa2: {  	[sflag:s7] =	ssyncadd.s32 $0xFFFFC000  }
0xa3: {  	_ =	swait.ge [sflag:s9], $0x4000  }
0xa4: {  	[sflag:s9] =	ssyncset.done $0x0  }
0xa5: {  	s13 =	simm.s32 $0x0;
	[sflag:s9] =	ssyncadd.s32 $0xFFFFC000  }
0xa6: {  	[tilespmem:s13], [sflag:$0x5] =	stream.linear.gather [hbm4b:s20+s13], $0x1400, $0x38;
	[tilespmem:$0x1FC00] =	vst v63  }
0xa7: {  	_ =	swait.ge [sflag:s29], $0x1400  }
0xa8: {  	[sflag:s29] =	ssyncset.done $0x0  }
0xa9: {  	[sflag:s29] =	ssyncadd.s32 $0xFFFFEC00  }
0xaa: {  	[tilespmem:s30], [sflag:$0x5] =	stream.linear.gather [hbm4b:s21+s13], $0x1400, $0x38;
	[tilespmem:$0x1FC00] =	vst v63  }
0xab: {  	_ =	swait.ge [sflag:s29], $0x1400  }
0xac: {  	[sflag:s29] =	ssyncset.done $0x0  }
0xad: {  	[sflag:s29] =	ssyncadd.s32 $0xFFFFEC00  }
0xae: {  	[tilespmem:s0], [sflag:$0x1] =	stream.indirect.gather [hbm4b:s4+s31], $0x80, s13, s31, $0xb8;
	[tilespmem:$0x1FC00] =	vst v63  }
0xaf: {  	_ = 	snop  }
0xb0: {  	[tilespmem:s3], [sflag:$0x2] =	stream.indirect.gather [hbm4b:s4+s31], $0x80, s31, s31, $0xb8;
	[tilespmem:$0x1FC00] =	vst v63  }
0xb1: {  	_ =	swait.ge [sflag:s6], $0x4000  }
0xb2: {  	[sflag:s6] =	ssyncset.done $0x0  }
0xb3: {  	s15 =	simm.s32 $0x1400;
	[sflag:s6] =	ssyncadd.s32 $0xFFFFC000  }
0xb4: {  	[spmem:s1] =	stream.indirect.scatter.add.f32 [tilespmem:s0], [sflag:$0x3], $0x80, s15, s31, $0xb8;
	[tilespmem:$0x1FC00] =	vst v63  }
0xb5: {  	_ =	swait.ge [sflag:s7], $0x4000  }
0xb6: {  	[sflag:s7] =	ssyncset.done $0x0  }
0xb7: {  	s13 =	simm.s32 $0x100;
	[sflag:s7] =	ssyncadd.s32 $0xFFFFC000  }
0xb8: {  	[tilespmem:s0], [sflag:$0x1] =	stream.indirect.gather [hbm4b:s4+s31], $0x80, s13, s31, $0xb8;
	[tilespmem:$0x1FC00] =	vst v63  }
0xb9: {  	_ =	swait.ge [sflag:s8], $0x4000  }
0xba: {  	[sflag:s8] =	ssyncset.done $0x0  }
0xbb: {  	s15 =	simm.s32 $0x1480;
	[sflag:s8] =	ssyncadd.s32 $0xFFFFC000  }
0xbc: {  	[spmem:s1] =	stream.indirect.scatter.add.f32 [tilespmem:s3], [sflag:$0x4], $0x80, s15, s31, $0xb8;
	[tilespmem:$0x1FC00] =	vst v63  }
0xbd: {  	_ =	swait.ge [sflag:s9], $0x4000  }
0xbe: {  	[sflag:s9] =	ssyncset.done $0x0  }
0xbf: {  	s5 =	simm.s32 $0x180;
	s13 =	simm.s32 $0x400;
	[sflag:s9] =	ssyncadd.s32 $0xFFFFC000  }
.LBB2_6:
0xc0: {  	[tilespmem:s3], [sflag:$0x2] =	stream.indirect.gather [hbm4b:s4+s31], $0x80, s5, s31, $0xb8;
	[tilespmem:$0x1FC00] =	vst v63  }
0xc1: {  	s5 =	smov.u32 s13  }
0xc2: {  	p0 =	sne.s32 s13, $0x4800;
	s13 =	sadd.s32 $0x400, s13;
	_ =	swait.ge [sflag:s6], $0x4000  }
0xc3: {  	s5 =	sshra.s32 s5, $0x2;
	[sflag:s6] =	ssyncset.done $0x0  }
0xc4: {  	s15 =	sadd.s32 $0x1400, s5;
	[sflag:s6] =	ssyncadd.s32 $0xFFFFC000  }
0xc5: {  	[spmem:s1] =	stream.indirect.scatter.add.f32 [tilespmem:s0], [sflag:$0x3], $0x80, s15, s31, $0xb8;
	[tilespmem:$0x1FC00] =	vst v63  }
0xc6: {  	_ =	swait.ge [sflag:s7], $0x4000  }
0xc7: {  	[sflag:s7] =	ssyncset.done $0x0  }
0xc8: {  	s15 =	sadd.s32 $0x100, s5;
	[sflag:s7] =	ssyncadd.s32 $0xFFFFC000  }
0xc9: {  	[tilespmem:s0], [sflag:$0x1] =	stream.indirect.gather [hbm4b:s4+s31], $0x80, s15, s31, $0xb8;
	[tilespmem:$0x1FC00] =	vst v63  }
0xca: {  	_ =	swait.ge [sflag:s8], $0x4000  }
0xcb: {  	[sflag:s8] =	ssyncset.done $0x0  }
.Ltmp2:
0xcc: {  	s15 =	sadd.s32 $0x1480, s5;
	[sflag:s8] =	ssyncadd.s32 $0xFFFFC000;
	(pc) =	sbr.rel @p0 .LBB2_6-.Ltmp2, $4  }
0xcd: {  	[spmem:s1] =	stream.indirect.scatter.add.f32 [tilespmem:s3], [sflag:$0x4], $0x80, s15, s31, $0xb8;
	[tilespmem:$0x1FC00] =	vst v63  }
0xce: {  	_ =	swait.ge [sflag:s9], $0x4000  }
0xcf: {  	[sflag:s9] =	ssyncset.done $0x0  }
0xd0: {  	s5 =	sadd.s32 $0x180, s5;
	[sflag:s9] =	ssyncadd.s32 $0xFFFFC000  }
0xd1: {  	[tilespmem:s3], [sflag:$0x2] =	stream.indirect.gather [hbm4b:s4+s31], $0x80, s5, s31, $0xb8;
	[tilespmem:$0x1FC00] =	vst v63  }
0xd2: {  	_ =	swait.ge [sflag:s6], $0x4000  }
0xd3: {  	[sflag:s6] =	ssyncset.done $0x0  }
0xd4: {  	[sflag:s6] =	ssyncadd.s32 $0xFFFFC000  }
0xd5: {  	[spmem:s1] =	stream.indirect.scatter.add.f32 [tilespmem:s0], [sflag:$0x3], $0x80, s10, s31, $0xb8;
	[tilespmem:$0x1FC00] =	vst v63  }
0xd6: {  	_ =	swait.ge [sflag:s8], $0x4000  }
0xd7: {  	[sflag:s8] =	ssyncset.done $0x0  }
0xd8: {  	[sflag:s8] =	ssyncadd.s32 $0xFFFFC000  }
0xd9: {  	[spmem:s1] =	stream.indirect.scatter.add.f32 [tilespmem:s3], [sflag:$0x4], $0x80, s11, s31, $0xb8;
	[tilespmem:$0x1FC00] =	vst v63  }
0xda: {  	_ =	swait.ge [sflag:s7], $0x4000  }
0xdb: {  	[sflag:s7] =	ssyncset.done $0x0  }
0xdc: {  	[sflag:s7] =	ssyncadd.s32 $0xFFFFC000  }
0xdd: {  	_ =	swait.ge [sflag:s9], $0x4000  }
0xde: {  	[sflag:s9] =	ssyncset.done $0x0  }
0xdf: {  	[sflag:s9] =	ssyncadd.s32 $0xFFFFC000  }
0xe0: {  	[bflag:$0x0] =	sbarrier.arrive $0xFFFF  }
0xe1: {  	[tilespmem:s28], [sflag:$0x5] =	stream.linear.gather [spmem:s14], $0x1400, $0x38;
	[tilespmem:$0x1FC00] =	vst v63  }
0xe2: {  	_ =	swait.ge [sflag:s29], $0x1400  }
0xe3: {  	[sflag:s29] =	ssyncset.done $0x0  }
0xe4: {  	s15 =	sadd.s32 $0x0, s25;
	[sflag:s29] =	ssyncadd.s32 $0xFFFFEC00  }
0xe5: {  	[hbm4b:s15+s2] =	stream.linear.scatter [tilespmem:s28], [sflag:$0x5], $0x1400, $0x38;
	[tilespmem:$0x1FC00] =	vst v63  }
0xe6: {  	_ =	swait.ge [sflag:s29], $0x1400  }
0xe7: {  	s13 =	simm.s32 $0x280;
	s5 =	smov.u32 s14;
	[sflag:s29] =	ssyncset.done $0x0  }
.LBB2_8:
0xe8: {  	p0 =	sne.s32 s13, $0x2580;
	[sflag:s29] =	ssyncadd.s32 $0xFFFFEC00;
	s5 =	sadd.s32 $0x1400, s5  }
0xe9: {  	[tilespmem:s28], [sflag:$0x5] =	stream.linear.gather [spmem:s5], $0x1400, $0x38;
	[tilespmem:$0x1FC00] =	vst v63  }
0xea: {  	s15 =	smov.u32 s13;
	s13 =	sadd.s32 $0x280, s13;
	_ =	swait.ge [sflag:s29], $0x1400  }
.Ltmp3:
0xeb: {  	[sflag:s29] =	ssyncset.done $0x0;
	(pc) =	sbr.rel @p0 .LBB2_8-.Ltmp3, $4  }
0xec: {  	s15 =	sadd.s32 s15, s25;
	[sflag:s29] =	ssyncadd.s32 $0xFFFFEC00  }
0xed: {  	[hbm4b:s15+s2] =	stream.linear.scatter [tilespmem:s28], [sflag:$0x5], $0x1400, $0x38;
	[tilespmem:$0x1FC00] =	vst v63  }
0xee: {  	_ =	swait.ge [sflag:s29], $0x1400  }
0xef: {  	[sflag:s29] =	ssyncset.done $0x0  }
0xf0: {  	s12 =	sadd.s32 $0x1, s12  }
0xf1: {  	p0 =	sne.s32 s12, s24  }
.Ltmp4:
0xf2: {  	_ = 	snop;
	(pc) =	sbr.rel @p0 .LBB2_1-.Ltmp4, $2  }
0xf3: {  	_ =	sdelay $0x2  }
0xf4: {  	[sflag:s29] =	ssyncadd.s32 $0xFFFFEC00  }
0xf5: {  	_ =	sfence.sel $0x180000  }
0xf6: {  	[bflag:$0x0] =	sbarrier.arrive $0xFFFF  }
0xf7: {  	_ =	strace $0x90000050  }
0xf8: {  	s0 =	stileid.u32;
	[bflag:$0x2] =	sbarrier.arrive $0xFFFF  }
0xf9: {  	p0 =	sne.s32 s0, $0x0;
	s0 =	rddreg [dreg:$0x3]  }
0xfa: {  	s0 =	sadd.s32 @!p0 $0x100000, s0  }
0xfb: {  	[sflag:s0] =	ssyncadd.tile.s32 @!p0 $0x1;
	_ =	shalt  }
.Lfunc_end2:
_tile_overlayer_lowered:
.L_overlay_start_2:
0xfc: {  	(tag) =	ssettag $0x2  }
0xfd: {  	s0 =	rddreg [dreg:$0x0];
	s2 =	stileid.u32  }
0xfe: {  	s1 =	rddreg [dreg:$0x1];
	p0 =	sne.s32 s2, $0x0  }
0xff: {  	s3 =	rddreg [dreg:$0x2];
	[bflag:$0x3] =	sbarrier.arrive $0xFFFF;
	s2 =	simm.s32 @!p0 $0x1C05  }
0x100: {  	[timem:s3], [sflag:s2] =	dma.local @!p0 [hbm:s0], s1  }
0x101: {  	s0 =	simm.s32 @!p0 $0x5  }
0x102: {  	_ =	swait.ge @!p0 [sflag:s0], s1  }
0x103: {  	s1 =	ssub.s32 @!p0 $0x0, s1;
	[sflag:s0] =	ssyncset.done @!p0 $0x0  }
0x104: {  	[sflag:s0] =	ssyncadd.s32 @!p0 s1  }
0x105: {  	[bflag:$0x3] =	sbarrier.arrive $0xFFFF  }
0x106: {  	_ =	shalt  }

</sc_bundles>
